<compile_context>
chip_gen: v7x
topology: tpu7x:2x2x1
jax: 0.10.2.dev20260603
libtpu: 0.0.44.dev20260713+nightly
codegen_flags: <defaults>
</compile_context>

<pallas_src>
import functools

import jax
import jax.numpy as jnp
from jax import lax
from jax.experimental import pallas as pl
from jax.experimental.pallas import tpu as pltpu
from jax.experimental.pallas import tpu_sc as plsc

NUM_CORES = 2
NUM_SUBCORES = 16

W = 512
K = W // 128
NH = 200
NHH = NH // 8
NGB = 4
NTB = 2


@jax.jit
def _sc_gather(weight, idx4):
    mesh = plsc.VectorSubcoreMesh(
        core_axis_name="c", subcore_axis_name="s",
        num_cores=NUM_CORES, num_subcores=NUM_SUBCORES,
    )

    @functools.partial(
        pl.kernel,
        out_type=jax.ShapeDtypeStruct((NH, 4, 128, 8, 128), jnp.float32),
        mesh=mesh,
        scratch_types=[
            pltpu.VMEM((2, K, 8, 128), jnp.int32),
            pltpu.VMEM((NGB, W, 32), jnp.float32),
            pltpu.VMEM((W, 33), jnp.float32),
            pltpu.VMEM((NTB, 4, K, 8, 128), jnp.float32),
            pltpu.SemaphoreType.DMA((NGB,)),
            pltpu.SemaphoreType.DMA((NTB,)),
            pltpu.SemaphoreType.DMA,
        ],
        compiler_params=pltpu.CompilerParams(
            use_tc_tiling_on_sc=False, needs_layout_passes=False),
    )
    def k(table_hbm, idx_hbm, out_hbm, idxg_v, rows_v, pad_v, trans_v,
          gsems, osems, isem):
        wid = lax.axis_index("s") * NUM_CORES + lax.axis_index("c")
        bh0 = wid * K
        iota = lax.iota(jnp.int32, 16)

        def idx_group_copy(hh, g):
            return pltpu.make_async_copy(
                idx_hbm.at[hh, pl.ds(bh0, K)], idxg_v.at[g], isem)

        def gathers(hl, g, s):
            return [pltpu.make_async_copy(
                        table_hbm.at[idxg_v.at[g, j, hl]],
                        rows_v.at[s, pl.ds(j * 128, 128)],
                        gsems.at[s])
                    for j in range(K)]

        def stores(h, u):
            return [pltpu.make_async_copy(
                        trans_v.at[u, dh],
                        out_hbm.at[h, dh, pl.ds(bh0, K)], osems.at[u])
                    for dh in range(4)]

        idx_group_copy(0, 0).start()
        idx_group_copy(0, 0).wait()
        for t0 in range(NGB):
            for d in gathers(t0, 0, t0):
                d.start()

        @pl.loop(0, NH)
        def _unit(t):
            hh = t // 8
            hl = lax.rem(t, 8)
            g = lax.rem(hh, 2)
            s = lax.rem(t, NGB)
            u = lax.rem(t, NTB)

            @pl.when((hl == 0) & (hh < NHH - 1))
            def _prefetch():
                idx_group_copy(hh + 1, 1 - g).start()

            for d in gathers(hl, g, s):
                d.wait()

            @plsc.parallel_loop(0, W)
            def _rp(r):
                for c in range(2):
                    v = rows_v[s, r, pl.ds(c * 16, 16)]
                    pad_v[r, pl.ds(c * 16, 16)] = v

            @pl.when(t >= NTB)
            def _drain():
                for d in stores(t - NTB, u):
                    d.wait()

            @plsc.parallel_loop(0, 4 * K)
            def _tp(j):
                dh = j // K
                kk = lax.rem(j, K)
                for dl in range(8):
                    col = jnp.full((16,), dh * 8 + dl, jnp.int32)
                    for b16 in range(8):
                        row = iota + (kk * 128 + b16 * 16)
                        v = plsc.load_gather(pad_v, [row, col])
                        trans_v[u, dh, kk, dl, pl.ds(b16 * 16, 16)] = v

            for d in stores(t, u):
                d.start()

            @pl.when((hl == 8 - NGB) & (hh < NHH - 1))
            def _iwait():
                idx_group_copy(hh + 1, 1 - g).wait()

            @pl.when(t + NGB < NH)
            def _refill():
                t2 = t + NGB
                for d in gathers(lax.rem(t2, 8), lax.rem(t2 // 8, 2), s):
                    d.start()

        for t0 in range(NH - NTB, NH):
            for d in stores(t0, t0 % NTB):
                d.wait()

    return k(weight, idx4)


def kernel(indices, weight):
    idx4 = indices.astype(jnp.int32).reshape(128, 128, NHH, 8)
    idx4 = idx4.transpose(2, 0, 3, 1)
    out5 = _sc_gather(weight, idx4)
    out = out5.transpose(2, 4, 0, 1, 3).reshape(16384, NH, 32)
    return out

# --- scband reference (transcript-rebuilt; emitter-appended) ---
"""Pipeline reference for scband-embedding-42614665511236 (READ-ONLY COPY).

The authoritative reference and input builder live on the scoring server;
editing this copy changes nothing except your own understanding.
"""

import jax, jax.numpy as jnp
import numpy as np

NUM_EMBEDDINGS = 1000000
EMBEDDING_DIM = 32
BATCH = 16384
HIST_LEN = 200


def setup_inputs(seed: int = 0) -> dict:
    key = jax.random.key(seed)
    k_idx, k_w = jax.random.split(key)
    indices = jax.random.randint(k_idx, (BATCH, HIST_LEN), 0, NUM_EMBEDDINGS, dtype=jnp.int64 if jax.config.jax_enable_x64 else jnp.int32)
    # Learned embedding table, initialized normal(mean=0.0, std=1.0) per init_weights
    weight = jax.random.normal(k_w, (NUM_EMBEDDINGS, EMBEDDING_DIM), dtype=jnp.float32) * 1.0 + 0.0
    return {"indices": indices, "weight": weight}


def reference(indices, weight):
    # Faithful translation of nn.Embedding.forward: pure row gather from the table.
    out = jnp.take(weight, indices, axis=0)  # [BATCH, HIST_LEN, EMBEDDING_DIM]
    return out

if __name__ == "__main__":
    import jax
    _d = setup_inputs()
    print(jax.jit(kernel)(*tuple(_d.values())))

</pallas_src>

<mosaic_0001>
#map = affine_map<(d0, d1) -> (0, 0)>
#map1 = affine_map<(d0, d1) -> (0, 0, 0, 0)>
#map2 = affine_map<(d0, d1) -> (0, 0, 0, 0, 0)>
module attributes {stable_mosaic.version = 14 : i64} {
  func.func @k(%arg0: i32, %arg1: i32, %arg2: memref<1000000x32xf32, #tpu.memory_space<hbm>>, %arg3: memref<25x128x8x128xi32, #tpu.memory_space<hbm>>, %arg4: memref<200x4x128x8x128xf32, #tpu.memory_space<hbm>>, %arg5: memref<2x4x8x128xi32, #tpu.memory_space<vmem>>, %arg6: memref<4x512x32xf32, #tpu.memory_space<vmem>>, %arg7: memref<512x33xf32, #tpu.memory_space<vmem>>, %arg8: memref<2x4x4x8x128xf32, #tpu.memory_space<vmem>>, %arg9: memref<4x!tpu.dma_semaphore, #tpu.memory_space<semaphore_mem>>, %arg10: memref<2x!tpu.dma_semaphore, #tpu.memory_space<semaphore_mem>>, %arg11: memref<!tpu.dma_semaphore, #tpu.memory_space<semaphore_mem>>) attributes {dimension_semantics = [#tpu.dimension_semantics<core_parallel>, #tpu.dimension_semantics<subcore_parallel>], iteration_bounds = array<i64: 2, 16>, scalar_prefetch = 0 : i64, scratch_operands = 7 : i64, tpu.core_type = #tpu.core_type<sc_vector_subcore>, window_params = [{transform_indices = #map}, {transform_indices = #map1}, {transform_indices = #map2}]} {
    %mul3A = arith.constant 2 : i32
    %mul3A_0 = arith.muli %arg1, %mul3A : i32
    %add3A = arith.addi %mul3A_0, %arg0 : i32
    %mul3A_1 = arith.constant 4 : i32
    %mul3A_2 = arith.muli %add3A, %mul3A_1 : i32
    %iota3A = tpu.iota {dimensions = array<i32: 0>} : vector<16xi32>
    %dma_start3A = arith.constant 0 : i32
    %dma_start3A_3 = arith.constant 0 : i32
    %dma_start3A_4 = arith.constant 0 : i32
    %dma_start3A_5 = arith.constant 0 : i32
    %dma_start3A_6 = arith.constant 0 : i32
    %dma_start3A_7 = tpu.memref_slice %arg5[%dma_start3A_3, %dma_start3A_4, %dma_start3A_5, %dma_start3A_6] : memref<2x4x8x128xi32, #tpu.memory_space<vmem>> -> memref<1x4x8x128xi32, #tpu.memory_space<vmem>>
    %dma_start3A_8 = tpu.memref_squeeze %dma_start3A_7 : memref<1x4x8x128xi32, #tpu.memory_space<vmem>> -> memref<4x8x128xi32, #tpu.memory_space<vmem>>
    %dma_start3A_9 = arith.constant 0 : i32
    %dma_start3A_10 = arith.constant 0 : i32
    %dma_start3A_11 = tpu.memref_slice %arg3[%dma_start3A, %mul3A_2, %dma_start3A_9, %dma_start3A_10] : memref<25x128x8x128xi32, #tpu.memory_space<hbm>> -> memref<1x4x8x128xi32, #tpu.memory_space<hbm>>
    %dma_start3A_12 = tpu.memref_squeeze %dma_start3A_11 : memref<1x4x8x128xi32, #tpu.memory_space<hbm>> -> memref<4x8x128xi32, #tpu.memory_space<hbm>>
    %dma_start3A_13 = arith.constant 0 : i32
    %dma_start3A_14 = arith.constant 0 : i32
    %dma_start3A_15 = arith.constant 0 : i32
    %dma_start3A_16 = tpu.memref_slice %arg5[%dma_start3A_3, %dma_start3A_13, %dma_start3A_14, %dma_start3A_15] : memref<2x4x8x128xi32, #tpu.memory_space<vmem>> -> memref<1x4x8x128xi32, #tpu.memory_space<vmem>>
    %dma_start3A_17 = tpu.memref_squeeze %dma_start3A_16 : memref<1x4x8x128xi32, #tpu.memory_space<vmem>> -> memref<4x8x128xi32, #tpu.memory_space<vmem>>
    %dma_start3A_18 = arith.constant 0 : i32
    %dma_start3A_19 = arith.constant 0 : i32
    %dma_start3A_20 = tpu.memref_slice %arg3[%dma_start3A, %mul3A_2, %dma_start3A_18, %dma_start3A_19] : memref<25x128x8x128xi32, #tpu.memory_space<hbm>> -> memref<1x4x8x128xi32, #tpu.memory_space<hbm>>
    %dma_start3A_21 = tpu.memref_squeeze %dma_start3A_20 : memref<1x4x8x128xi32, #tpu.memory_space<hbm>> -> memref<4x8x128xi32, #tpu.memory_space<hbm>>
    tpu.enqueue_dma source(%dma_start3A_21 : memref<4x8x128xi32, #tpu.memory_space<hbm>>) target(%dma_start3A_17 : memref<4x8x128xi32, #tpu.memory_space<vmem>>) target_semaphore(%arg11 : memref<!tpu.dma_semaphore, #tpu.memory_space<semaphore_mem>>)
    %dma_wait3A = arith.constant 0 : i32
    %dma_wait3A_22 = arith.constant 0 : i32
    %dma_wait3A_23 = arith.constant 0 : i32
    %dma_wait3A_24 = arith.constant 0 : i32
    %dma_wait3A_25 = arith.constant 0 : i32
    %dma_wait3A_26 = tpu.memref_slice %arg5[%dma_wait3A_22, %dma_wait3A_23, %dma_wait3A_24, %dma_wait3A_25] : memref<2x4x8x128xi32, #tpu.memory_space<vmem>> -> memref<1x4x8x128xi32, #tpu.memory_space<vmem>>
    %dma_wait3A_27 = tpu.memref_squeeze %dma_wait3A_26 : memref<1x4x8x128xi32, #tpu.memory_space<vmem>> -> memref<4x8x128xi32, #tpu.memory_space<vmem>>
    %dma_wait3A_28 = arith.constant 0 : i32
    %dma_wait3A_29 = arith.constant 0 : i32
    %dma_wait3A_30 = tpu.memref_slice %arg3[%dma_wait3A, %mul3A_2, %dma_wait3A_28, %dma_wait3A_29] : memref<25x128x8x128xi32, #tpu.memory_space<hbm>> -> memref<1x4x8x128xi32, #tpu.memory_space<hbm>>
    %dma_wait3A_31 = tpu.memref_squeeze %dma_wait3A_30 : memref<1x4x8x128xi32, #tpu.memory_space<hbm>> -> memref<4x8x128xi32, #tpu.memory_space<hbm>>
    %dma_wait3A_32 = arith.constant 0 : i32
    %dma_wait3A_33 = arith.constant 0 : i32
    %dma_wait3A_34 = arith.constant 0 : i32
    %dma_wait3A_35 = tpu.memref_slice %arg5[%dma_wait3A_22, %dma_wait3A_32, %dma_wait3A_33, %dma_wait3A_34] : memref<2x4x8x128xi32, #tpu.memory_space<vmem>> -> memref<1x4x8x128xi32, #tpu.memory_space<vmem>>
    %dma_wait3A_36 = tpu.memref_squeeze %dma_wait3A_35 : memref<1x4x8x128xi32, #tpu.memory_space<vmem>> -> memref<4x8x128xi32, #tpu.memory_space<vmem>>
    %dma_wait3A_37 = arith.constant 0 : i32
    %dma_wait3A_38 = arith.constant 0 : i32
    %dma_wait3A_39 = tpu.memref_slice %arg3[%dma_wait3A, %mul3A_2, %dma_wait3A_37, %dma_wait3A_38] : memref<25x128x8x128xi32, #tpu.memory_space<hbm>> -> memref<1x4x8x128xi32, #tpu.memory_space<hbm>>
    %dma_wait3A_40 = tpu.memref_squeeze %dma_wait3A_39 : memref<1x4x8x128xi32, #tpu.memory_space<hbm>> -> memref<4x8x128xi32, #tpu.memory_space<hbm>>
    tpu.wait_dma2 semaphore(%arg11 : memref<!tpu.dma_semaphore, #tpu.memory_space<semaphore_mem>>) src(%dma_wait3A_40 : memref<4x8x128xi32, #tpu.memory_space<hbm>>) dst(%dma_wait3A_36 : memref<4x8x128xi32, #tpu.memory_space<vmem>>)
    %dma_start3A_41 = arith.constant 0 : i32
    %dma_start3A_42 = arith.constant 0 : i32
    %dma_start3A_43 = arith.constant 0 : i32
    %dma_start3A_44 = arith.constant 0 : i32
    %dma_start3A_45 = arith.constant 0 : i32
    %dma_start3A_46 = arith.constant 0 : i32
    %dma_start3A_47 = arith.constant 0 : i32
    %dma_start3A_48 = tpu.memref_slice %arg6[%dma_start3A_44, %dma_start3A_46, %dma_start3A_47] : memref<4x512x32xf32, #tpu.memory_space<vmem>> -> memref<1x128x32xf32, #tpu.memory_space<vmem>>
    %dma_start3A_49 = tpu.memref_squeeze %dma_start3A_48 : memref<1x128x32xf32, #tpu.memory_space<vmem>> -> memref<128x32xf32, #tpu.memory_space<vmem>>
    %dma_start3A_50 = arith.constant 0 : i32
    %dma_start3A_51 = tpu.memref_slice %arg5[%dma_start3A_41, %dma_start3A_42, %dma_start3A_43, %dma_start3A_50] : memref<2x4x8x128xi32, #tpu.memory_space<vmem>> -> memref<1x1x1x128xi32, #tpu.memory_space<vmem>>
    %dma_start3A_52 = tpu.memref_squeeze %dma_start3A_51 : memref<1x1x1x128xi32, #tpu.memory_space<vmem>> -> memref<128xi32, #tpu.memory_space<vmem>>
    %dma_start3A_53 = arith.constant 0 : i32
    %dma_start3A_54 = arith.constant 0 : i32
    %dma_start3A_55 = tpu.memref_slice %arg2[%dma_start3A_53, %dma_start3A_54] : memref<1000000x32xf32, #tpu.memory_space<hbm>> -> memref<1000000x32xf32, #tpu.memory_space<hbm>>
    %dma_start3A_56 = tpu.memref_slice %arg9[%dma_start3A_45] : memref<4x!tpu.dma_semaphore, #tpu.memory_space<semaphore_mem>> -> memref<1x!tpu.dma_semaphore, #tpu.memory_space<semaphore_mem>>
    %dma_start3A_57 = tpu.memref_squeeze %dma_start3A_56 : memref<1x!tpu.dma_semaphore, #tpu.memory_space<semaphore_mem>> -> memref<!tpu.dma_semaphore, #tpu.memory_space<semaphore_mem>>
    tpu.enqueue_indirect_dma source(%dma_start3A_55 : memref<1000000x32xf32, #tpu.memory_space<hbm>>) target(%dma_start3A_49 : memref<128x32xf32, #tpu.memory_space<vmem>>) offsets(%dma_start3A_52 : memref<128xi32, #tpu.memory_space<vmem>>) semaphore(%dma_start3A_57 : memref<!tpu.dma_semaphore, #tpu.memory_space<semaphore_mem>>)
    %dma_start3A_58 = arith.constant 0 : i32
    %dma_start3A_59 = arith.constant 1 : i32
    %dma_start3A_60 = arith.constant 0 : i32
    %dma_start3A_61 = arith.constant 0 : i32
    %dma_start3A_62 = arith.constant 0 : i32
    %dma_start3A_63 = arith.constant 128 : i32
    %dma_start3A_64 = arith.constant 0 : i32
    %dma_start3A_65 = tpu.memref_slice %arg6[%dma_start3A_61, %dma_start3A_63, %dma_start3A_64] : memref<4x512x32xf32, #tpu.memory_space<vmem>> -> memref<1x128x32xf32, #tpu.memory_space<vmem>>
    %dma_start3A_66 = tpu.memref_squeeze %dma_start3A_65 : memref<1x128x32xf32, #tpu.memory_space<vmem>> -> memref<128x32xf32, #tpu.memory_space<vmem>>
    %dma_start3A_67 = arith.constant 0 : i32
    %dma_start3A_68 = tpu.memref_slice %arg5[%dma_start3A_58, %dma_start3A_59, %dma_start3A_60, %dma_start3A_67] : memref<2x4x8x128xi32, #tpu.memory_space<vmem>> -> memref<1x1x1x128xi32, #tpu.memory_space<vmem>>
    %dma_start3A_69 = tpu.memref_squeeze %dma_start3A_68 : memref<1x1x1x128xi32, #tpu.memory_space<vmem>> -> memref<128xi32, #tpu.memory_space<vmem>>
    %dma_start3A_70 = arith.constant 0 : i32
    %dma_start3A_71 = arith.constant 0 : i32
    %dma_start3A_72 = tpu.memref_slice %arg2[%dma_start3A_70, %dma_start3A_71] : memref<1000000x32xf32, #tpu.memory_space<hbm>> -> memref<1000000x32xf32, #tpu.memory_space<hbm>>
    %dma_start3A_73 = tpu.memref_slice %arg9[%dma_start3A_62] : memref<4x!tpu.dma_semaphore, #tpu.memory_space<semaphore_mem>> -> memref<1x!tpu.dma_semaphore, #tpu.memory_space<semaphore_mem>>
    %dma_start3A_74 = tpu.memref_squeeze %dma_start3A_73 : memref<1x!tpu.dma_semaphore, #tpu.memory_space<semaphore_mem>> -> memref<!tpu.dma_semaphore, #tpu.memory_space<semaphore_mem>>
    tpu.enqueue_indirect_dma source(%dma_start3A_72 : memref<1000000x32xf32, #tpu.memory_space<hbm>>) target(%dma_start3A_66 : memref<128x32xf32, #tpu.memory_space<vmem>>) offsets(%dma_start3A_69 : memref<128xi32, #tpu.memory_space<vmem>>) semaphore(%dma_start3A_74 : memref<!tpu.dma_semaphore, #tpu.memory_space<semaphore_mem>>)
    %dma_start3A_75 = arith.constant 0 : i32
    %dma_start3A_76 = arith.constant 2 : i32
    %dma_start3A_77 = arith.constant 0 : i32
    %dma_start3A_78 = arith.constant 0 : i32
    %dma_start3A_79 = arith.constant 0 : i32
    %dma_start3A_80 = arith.constant 256 : i32
    %dma_start3A_81 = arith.constant 0 : i32
    %dma_start3A_82 = tpu.memref_slice %arg6[%dma_start3A_78, %dma_start3A_80, %dma_start3A_81] : memref<4x512x32xf32, #tpu.memory_space<vmem>> -> memref<1x128x32xf32, #tpu.memory_space<vmem>>
    %dma_start3A_83 = tpu.memref_squeeze %dma_start3A_82 : memref<1x128x32xf32, #tpu.memory_space<vmem>> -> memref<128x32xf32, #tpu.memory_space<vmem>>
    %dma_start3A_84 = arith.constant 0 : i32
    %dma_start3A_85 = tpu.memref_slice %arg5[%dma_start3A_75, %dma_start3A_76, %dma_start3A_77, %dma_start3A_84] : memref<2x4x8x128xi32, #tpu.memory_space<vmem>> -> memref<1x1x1x128xi32, #tpu.memory_space<vmem>>
    %dma_start3A_86 = tpu.memref_squeeze %dma_start3A_85 : memref<1x1x1x128xi32, #tpu.memory_space<vmem>> -> memref<128xi32, #tpu.memory_space<vmem>>
    %dma_start3A_87 = arith.constant 0 : i32
    %dma_start3A_88 = arith.constant 0 : i32
    %dma_start3A_89 = tpu.memref_slice %arg2[%dma_start3A_87, %dma_start3A_88] : memref<1000000x32xf32, #tpu.memory_space<hbm>> -> memref<1000000x32xf32, #tpu.memory_space<hbm>>
    %dma_start3A_90 = tpu.memref_slice %arg9[%dma_start3A_79] : memref<4x!tpu.dma_semaphore, #tpu.memory_space<semaphore_mem>> -> memref<1x!tpu.dma_semaphore, #tpu.memory_space<semaphore_mem>>
    %dma_start3A_91 = tpu.memref_squeeze %dma_start3A_90 : memref<1x!tpu.dma_semaphore, #tpu.memory_space<semaphore_mem>> -> memref<!tpu.dma_semaphore, #tpu.memory_space<semaphore_mem>>
    tpu.enqueue_indirect_dma source(%dma_start3A_89 : memref<1000000x32xf32, #tpu.memory_space<hbm>>) target(%dma_start3A_83 : memref<128x32xf32, #tpu.memory_space<vmem>>) offsets(%dma_start3A_86 : memref<128xi32, #tpu.memory_space<vmem>>) semaphore(%dma_start3A_91 : memref<!tpu.dma_semaphore, #tpu.memory_space<semaphore_mem>>)
    %dma_start3A_92 = arith.constant 0 : i32
    %dma_start3A_93 = arith.constant 3 : i32
    %dma_start3A_94 = arith.constant 0 : i32
    %dma_start3A_95 = arith.constant 0 : i32
    %dma_start3A_96 = arith.constant 0 : i32
    %dma_start3A_97 = arith.constant 384 : i32
    %dma_start3A_98 = arith.constant 0 : i32
    %dma_start3A_99 = tpu.memref_slice %arg6[%dma_start3A_95, %dma_start3A_97, %dma_start3A_98] : memref<4x512x32xf32, #tpu.memory_space<vmem>> -> memref<1x128x32xf32, #tpu.memory_space<vmem>>
    %dma_start3A_100 = tpu.memref_squeeze %dma_start3A_99 : memref<1x128x32xf32, #tpu.memory_space<vmem>> -> memref<128x32xf32, #tpu.memory_space<vmem>>
    %dma_start3A_101 = arith.constant 0 : i32
    %dma_start3A_102 = tpu.memref_slice %arg5[%dma_start3A_92, %dma_start3A_93, %dma_start3A_94, %dma_start3A_101] : memref<2x4x8x128xi32, #tpu.memory_space<vmem>> -> memref<1x1x1x128xi32, #tpu.memory_space<vmem>>
    %dma_start3A_103 = tpu.memref_squeeze %dma_start3A_102 : memref<1x1x1x128xi32, #tpu.memory_space<vmem>> -> memref<128xi32, #tpu.memory_space<vmem>>
    %dma_start3A_104 = arith.constant 0 : i32
    %dma_start3A_105 = arith.constant 0 : i32
    %dma_start3A_106 = tpu.memref_slice %arg2[%dma_start3A_104, %dma_start3A_105] : memref<1000000x32xf32, #tpu.memory_space<hbm>> -> memref<1000000x32xf32, #tpu.memory_space<hbm>>
    %dma_start3A_107 = tpu.memref_slice %arg9[%dma_start3A_96] : memref<4x!tpu.dma_semaphore, #tpu.memory_space<semaphore_mem>> -> memref<1x!tpu.dma_semaphore, #tpu.memory_space<semaphore_mem>>
    %dma_start3A_108 = tpu.memref_squeeze %dma_start3A_107 : memref<1x!tpu.dma_semaphore, #tpu.memory_space<semaphore_mem>> -> memref<!tpu.dma_semaphore, #tpu.memory_space<semaphore_mem>>
    tpu.enqueue_indirect_dma source(%dma_start3A_106 : memref<1000000x32xf32, #tpu.memory_space<hbm>>) target(%dma_start3A_100 : memref<128x32xf32, #tpu.memory_space<vmem>>) offsets(%dma_start3A_103 : memref<128xi32, #tpu.memory_space<vmem>>) semaphore(%dma_start3A_108 : memref<!tpu.dma_semaphore, #tpu.memory_space<semaphore_mem>>)
    %dma_start3A_109 = arith.constant 0 : i32
    %dma_start3A_110 = arith.constant 0 : i32
    %dma_start3A_111 = arith.constant 1 : i32
    %dma_start3A_112 = arith.constant 1 : i32
    %dma_start3A_113 = arith.constant 1 : i32
    %dma_start3A_114 = arith.constant 0 : i32
    %dma_start3A_115 = arith.constant 0 : i32
    %dma_start3A_116 = tpu.memref_slice %arg6[%dma_start3A_112, %dma_start3A_114, %dma_start3A_115] : memref<4x512x32xf32, #tpu.memory_space<vmem>> -> memref<1x128x32xf32, #tpu.memory_space<vmem>>
    %dma_start3A_117 = tpu.memref_squeeze %dma_start3A_116 : memref<1x128x32xf32, #tpu.memory_space<vmem>> -> memref<128x32xf32, #tpu.memory_space<vmem>>
    %dma_start3A_118 = arith.constant 0 : i32
    %dma_start3A_119 = tpu.memref_slice %arg5[%dma_start3A_109, %dma_start3A_110, %dma_start3A_111, %dma_start3A_118] : memref<2x4x8x128xi32, #tpu.memory_space<vmem>> -> memref<1x1x1x128xi32, #tpu.memory_space<vmem>>
    %dma_start3A_120 = tpu.memref_squeeze %dma_start3A_119 : memref<1x1x1x128xi32, #tpu.memory_space<vmem>> -> memref<128xi32, #tpu.memory_space<vmem>>
    %dma_start3A_121 = arith.constant 0 : i32
    %dma_start3A_122 = arith.constant 0 : i32
    %dma_start3A_123 = tpu.memref_slice %arg2[%dma_start3A_121, %dma_start3A_122] : memref<1000000x32xf32, #tpu.memory_space<hbm>> -> memref<1000000x32xf32, #tpu.memory_space<hbm>>
    %dma_start3A_124 = tpu.memref_slice %arg9[%dma_start3A_113] : memref<4x!tpu.dma_semaphore, #tpu.memory_space<semaphore_mem>> -> memref<1x!tpu.dma_semaphore, #tpu.memory_space<semaphore_mem>>
    %dma_start3A_125 = tpu.memref_squeeze %dma_start3A_124 : memref<1x!tpu.dma_semaphore, #tpu.memory_space<semaphore_mem>> -> memref<!tpu.dma_semaphore, #tpu.memory_space<semaphore_mem>>
    tpu.enqueue_indirect_dma source(%dma_start3A_123 : memref<1000000x32xf32, #tpu.memory_space<hbm>>) target(%dma_start3A_117 : memref<128x32xf32, #tpu.memory_space<vmem>>) offsets(%dma_start3A_120 : memref<128xi32, #tpu.memory_space<vmem>>) semaphore(%dma_start3A_125 : memref<!tpu.dma_semaphore, #tpu.memory_space<semaphore_mem>>)
    %dma_start3A_126 = arith.constant 0 : i32
    %dma_start3A_127 = arith.constant 1 : i32
    %dma_start3A_128 = arith.constant 1 : i32
    %dma_start3A_129 = arith.constant 1 : i32
    %dma_start3A_130 = arith.constant 1 : i32
    %dma_start3A_131 = arith.constant 128 : i32
    %dma_start3A_132 = arith.constant 0 : i32
    %dma_start3A_133 = tpu.memref_slice %arg6[%dma_start3A_129, %dma_start3A_131, %dma_start3A_132] : memref<4x512x32xf32, #tpu.memory_space<vmem>> -> memref<1x128x32xf32, #tpu.memory_space<vmem>>
    %dma_start3A_134 = tpu.memref_squeeze %dma_start3A_133 : memref<1x128x32xf32, #tpu.memory_space<vmem>> -> memref<128x32xf32, #tpu.memory_space<vmem>>
    %dma_start3A_135 = arith.constant 0 : i32
    %dma_start3A_136 = tpu.memref_slice %arg5[%dma_start3A_126, %dma_start3A_127, %dma_start3A_128, %dma_start3A_135] : memref<2x4x8x128xi32, #tpu.memory_space<vmem>> -> memref<1x1x1x128xi32, #tpu.memory_space<vmem>>
    %dma_start3A_137 = tpu.memref_squeeze %dma_start3A_136 : memref<1x1x1x128xi32, #tpu.memory_space<vmem>> -> memref<128xi32, #tpu.memory_space<vmem>>
    %dma_start3A_138 = arith.constant 0 : i32
    %dma_start3A_139 = arith.constant 0 : i32
    %dma_start3A_140 = tpu.memref_slice %arg2[%dma_start3A_138, %dma_start3A_139] : memref<1000000x32xf32, #tpu.memory_space<hbm>> -> memref<1000000x32xf32, #tpu.memory_space<hbm>>
    %dma_start3A_141 = tpu.memref_slice %arg9[%dma_start3A_130] : memref<4x!tpu.dma_semaphore, #tpu.memory_space<semaphore_mem>> -> memref<1x!tpu.dma_semaphore, #tpu.memory_space<semaphore_mem>>
    %dma_start3A_142 = tpu.memref_squeeze %dma_start3A_141 : memref<1x!tpu.dma_semaphore, #tpu.memory_space<semaphore_mem>> -> memref<!tpu.dma_semaphore, #tpu.memory_space<semaphore_mem>>
    tpu.enqueue_indirect_dma source(%dma_start3A_140 : memref<1000000x32xf32, #tpu.memory_space<hbm>>) target(%dma_start3A_134 : memref<128x32xf32, #tpu.memory_space<vmem>>) offsets(%dma_start3A_137 : memref<128xi32, #tpu.memory_space<vmem>>) semaphore(%dma_start3A_142 : memref<!tpu.dma_semaphore, #tpu.memory_space<semaphore_mem>>)
    %dma_start3A_143 = arith.constant 0 : i32
    %dma_start3A_144 = arith.constant 2 : i32
    %dma_start3A_145 = arith.constant 1 : i32
    %dma_start3A_146 = arith.constant 1 : i32
    %dma_start3A_147 = arith.constant 1 : i32
    %dma_start3A_148 = arith.constant 256 : i32
    %dma_start3A_149 = arith.constant 0 : i32
    %dma_start3A_150 = tpu.memref_slice %arg6[%dma_start3A_146, %dma_start3A_148, %dma_start3A_149] : memref<4x512x32xf32, #tpu.memory_space<vmem>> -> memref<1x128x32xf32, #tpu.memory_space<vmem>>
    %dma_start3A_151 = tpu.memref_squeeze %dma_start3A_150 : memref<1x128x32xf32, #tpu.memory_space<vmem>> -> memref<128x32xf32, #tpu.memory_space<vmem>>
    %dma_start3A_152 = arith.constant 0 : i32
    %dma_start3A_153 = tpu.memref_slice %arg5[%dma_start3A_143, %dma_start3A_144, %dma_start3A_145, %dma_start3A_152] : memref<2x4x8x128xi32, #tpu.memory_space<vmem>> -> memref<1x1x1x128xi32, #tpu.memory_space<vmem>>
    %dma_start3A_154 = tpu.memref_squeeze %dma_start3A_153 : memref<1x1x1x128xi32, #tpu.memory_space<vmem>> -> memref<128xi32, #tpu.memory_space<vmem>>
    %dma_start3A_155 = arith.constant 0 : i32
    %dma_start3A_156 = arith.constant 0 : i32
    %dma_start3A_157 = tpu.memref_slice %arg2[%dma_start3A_155, %dma_start3A_156] : memref<1000000x32xf32, #tpu.memory_space<hbm>> -> memref<1000000x32xf32, #tpu.memory_space<hbm>>
    %dma_start3A_158 = tpu.memref_slice %arg9[%dma_start3A_147] : memref<4x!tpu.dma_semaphore, #tpu.memory_space<semaphore_mem>> -> memref<1x!tpu.dma_semaphore, #tpu.memory_space<semaphore_mem>>
    %dma_start3A_159 = tpu.memref_squeeze %dma_start3A_158 : memref<1x!tpu.dma_semaphore, #tpu.memory_space<semaphore_mem>> -> memref<!tpu.dma_semaphore, #tpu.memory_space<semaphore_mem>>
    tpu.enqueue_indirect_dma source(%dma_start3A_157 : memref<1000000x32xf32, #tpu.memory_space<hbm>>) target(%dma_start3A_151 : memref<128x32xf32, #tpu.memory_space<vmem>>) offsets(%dma_start3A_154 : memref<128xi32, #tpu.memory_space<vmem>>) semaphore(%dma_start3A_159 : memref<!tpu.dma_semaphore, #tpu.memory_space<semaphore_mem>>)
    %dma_start3A_160 = arith.constant 0 : i32
    %dma_start3A_161 = arith.constant 3 : i32
    %dma_start3A_162 = arith.constant 1 : i32
    %dma_start3A_163 = arith.constant 1 : i32
    %dma_start3A_164 = arith.constant 1 : i32
    %dma_start3A_165 = arith.constant 384 : i32
    %dma_start3A_166 = arith.constant 0 : i32
    %dma_start3A_167 = tpu.memref_slice %arg6[%dma_start3A_163, %dma_start3A_165, %dma_start3A_166] : memref<4x512x32xf32, #tpu.memory_space<vmem>> -> memref<1x128x32xf32, #tpu.memory_space<vmem>>
    %dma_start3A_168 = tpu.memref_squeeze %dma_start3A_167 : memref<1x128x32xf32, #tpu.memory_space<vmem>> -> memref<128x32xf32, #tpu.memory_space<vmem>>
    %dma_start3A_169 = arith.constant 0 : i32
    %dma_start3A_170 = tpu.memref_slice %arg5[%dma_start3A_160, %dma_start3A_161, %dma_start3A_162, %dma_start3A_169] : memref<2x4x8x128xi32, #tpu.memory_space<vmem>> -> memref<1x1x1x128xi32, #tpu.memory_space<vmem>>
    %dma_start3A_171 = tpu.memref_squeeze %dma_start3A_170 : memref<1x1x1x128xi32, #tpu.memory_space<vmem>> -> memref<128xi32, #tpu.memory_space<vmem>>
    %dma_start3A_172 = arith.constant 0 : i32
    %dma_start3A_173 = arith.constant 0 : i32
    %dma_start3A_174 = tpu.memref_slice %arg2[%dma_start3A_172, %dma_start3A_173] : memref<1000000x32xf32, #tpu.memory_space<hbm>> -> memref<1000000x32xf32, #tpu.memory_space<hbm>>
    %dma_start3A_175 = tpu.memref_slice %arg9[%dma_start3A_164] : memref<4x!tpu.dma_semaphore, #tpu.memory_space<semaphore_mem>> -> memref<1x!tpu.dma_semaphore, #tpu.memory_space<semaphore_mem>>
    %dma_start3A_176 = tpu.memref_squeeze %dma_start3A_175 : memref<1x!tpu.dma_semaphore, #tpu.memory_space<semaphore_mem>> -> memref<!tpu.dma_semaphore, #tpu.memory_space<semaphore_mem>>
    tpu.enqueue_indirect_dma source(%dma_start3A_174 : memref<1000000x32xf32, #tpu.memory_space<hbm>>) target(%dma_start3A_168 : memref<128x32xf32, #tpu.memory_space<vmem>>) offsets(%dma_start3A_171 : memref<128xi32, #tpu.memory_space<vmem>>) semaphore(%dma_start3A_176 : memref<!tpu.dma_semaphore, #tpu.memory_space<semaphore_mem>>)
    %dma_start3A_177 = arith.constant 0 : i32
    %dma_start3A_178 = arith.constant 0 : i32
    %dma_start3A_179 = arith.constant 2 : i32
    %dma_start3A_180 = arith.constant 2 : i32
    %dma_start3A_181 = arith.constant 2 : i32
    %dma_start3A_182 = arith.constant 0 : i32
    %dma_start3A_183 = arith.constant 0 : i32
    %dma_start3A_184 = tpu.memref_slice %arg6[%dma_start3A_180, %dma_start3A_182, %dma_start3A_183] : memref<4x512x32xf32, #tpu.memory_space<vmem>> -> memref<1x128x32xf32, #tpu.memory_space<vmem>>
    %dma_start3A_185 = tpu.memref_squeeze %dma_start3A_184 : memref<1x128x32xf32, #tpu.memory_space<vmem>> -> memref<128x32xf32, #tpu.memory_space<vmem>>
    %dma_start3A_186 = arith.constant 0 : i32
    %dma_start3A_187 = tpu.memref_slice %arg5[%dma_start3A_177, %dma_start3A_178, %dma_start3A_179, %dma_start3A_186] : memref<2x4x8x128xi32, #tpu.memory_space<vmem>> -> memref<1x1x1x128xi32, #tpu.memory_space<vmem>>
    %dma_start3A_188 = tpu.memref_squeeze %dma_start3A_187 : memref<1x1x1x128xi32, #tpu.memory_space<vmem>> -> memref<128xi32, #tpu.memory_space<vmem>>
    %dma_start3A_189 = arith.constant 0 : i32
    %dma_start3A_190 = arith.constant 0 : i32
    %dma_start3A_191 = tpu.memref_slice %arg2[%dma_start3A_189, %dma_start3A_190] : memref<1000000x32xf32, #tpu.memory_space<hbm>> -> memref<1000000x32xf32, #tpu.memory_space<hbm>>
    %dma_start3A_192 = tpu.memref_slice %arg9[%dma_start3A_181] : memref<4x!tpu.dma_semaphore, #tpu.memory_space<semaphore_mem>> -> memref<1x!tpu.dma_semaphore, #tpu.memory_space<semaphore_mem>>
    %dma_start3A_193 = tpu.memref_squeeze %dma_start3A_192 : memref<1x!tpu.dma_semaphore, #tpu.memory_space<semaphore_mem>> -> memref<!tpu.dma_semaphore, #tpu.memory_space<semaphore_mem>>
    tpu.enqueue_indirect_dma source(%dma_start3A_191 : memref<1000000x32xf32, #tpu.memory_space<hbm>>) target(%dma_start3A_185 : memref<128x32xf32, #tpu.memory_space<vmem>>) offsets(%dma_start3A_188 : memref<128xi32, #tpu.memory_space<vmem>>) semaphore(%dma_start3A_193 : memref<!tpu.dma_semaphore, #tpu.memory_space<semaphore_mem>>)
    %dma_start3A_194 = arith.constant 0 : i32
    %dma_start3A_195 = arith.constant 1 : i32
    %dma_start3A_196 = arith.constant 2 : i32
    %dma_start3A_197 = arith.constant 2 : i32
    %dma_start3A_198 = arith.constant 2 : i32
    %dma_start3A_199 = arith.constant 128 : i32
    %dma_start3A_200 = arith.constant 0 : i32
    %dma_start3A_201 = tpu.memref_slice %arg6[%dma_start3A_197, %dma_start3A_199, %dma_start3A_200] : memref<4x512x32xf32, #tpu.memory_space<vmem>> -> memref<1x128x32xf32, #tpu.memory_space<vmem>>
    %dma_start3A_202 = tpu.memref_squeeze %dma_start3A_201 : memref<1x128x32xf32, #tpu.memory_space<vmem>> -> memref<128x32xf32, #tpu.memory_space<vmem>>
    %dma_start3A_203 = arith.constant 0 : i32
    %dma_start3A_204 = tpu.memref_slice %arg5[%dma_start3A_194, %dma_start3A_195, %dma_start3A_196, %dma_start3A_203] : memref<2x4x8x128xi32, #tpu.memory_space<vmem>> -> memref<1x1x1x128xi32, #tpu.memory_space<vmem>>
    %dma_start3A_205 = tpu.memref_squeeze %dma_start3A_204 : memref<1x1x1x128xi32, #tpu.memory_space<vmem>> -> memref<128xi32, #tpu.memory_space<vmem>>
    %dma_start3A_206 = arith.constant 0 : i32
    %dma_start3A_207 = arith.constant 0 : i32
    %dma_start3A_208 = tpu.memref_slice %arg2[%dma_start3A_206, %dma_start3A_207] : memref<1000000x32xf32, #tpu.memory_space<hbm>> -> memref<1000000x32xf32, #tpu.memory_space<hbm>>
    %dma_start3A_209 = tpu.memref_slice %arg9[%dma_start3A_198] : memref<4x!tpu.dma_semaphore, #tpu.memory_space<semaphore_mem>> -> memref<1x!tpu.dma_semaphore, #tpu.memory_space<semaphore_mem>>
    %dma_start3A_210 = tpu.memref_squeeze %dma_start3A_209 : memref<1x!tpu.dma_semaphore, #tpu.memory_space<semaphore_mem>> -> memref<!tpu.dma_semaphore, #tpu.memory_space<semaphore_mem>>
    tpu.enqueue_indirect_dma source(%dma_start3A_208 : memref<1000000x32xf32, #tpu.memory_space<hbm>>) target(%dma_start3A_202 : memref<128x32xf32, #tpu.memory_space<vmem>>) offsets(%dma_start3A_205 : memref<128xi32, #tpu.memory_space<vmem>>) semaphore(%dma_start3A_210 : memref<!tpu.dma_semaphore, #tpu.memory_space<semaphore_mem>>)
    %dma_start3A_211 = arith.constant 0 : i32
    %dma_start3A_212 = arith.constant 2 : i32
    %dma_start3A_213 = arith.constant 2 : i32
    %dma_start3A_214 = arith.constant 2 : i32
    %dma_start3A_215 = arith.constant 2 : i32
    %dma_start3A_216 = arith.constant 256 : i32
    %dma_start3A_217 = arith.constant 0 : i32
    %dma_start3A_218 = tpu.memref_slice %arg6[%dma_start3A_214, %dma_start3A_216, %dma_start3A_217] : memref<4x512x32xf32, #tpu.memory_space<vmem>> -> memref<1x128x32xf32, #tpu.memory_space<vmem>>
    %dma_start3A_219 = tpu.memref_squeeze %dma_start3A_218 : memref<1x128x32xf32, #tpu.memory_space<vmem>> -> memref<128x32xf32, #tpu.memory_space<vmem>>
    %dma_start3A_220 = arith.constant 0 : i32
    %dma_start3A_221 = tpu.memref_slice %arg5[%dma_start3A_211, %dma_start3A_212, %dma_start3A_213, %dma_start3A_220] : memref<2x4x8x128xi32, #tpu.memory_space<vmem>> -> memref<1x1x1x128xi32, #tpu.memory_space<vmem>>
    %dma_start3A_222 = tpu.memref_squeeze %dma_start3A_221 : memref<1x1x1x128xi32, #tpu.memory_space<vmem>> -> memref<128xi32, #tpu.memory_space<vmem>>
    %dma_start3A_223 = arith.constant 0 : i32
    %dma_start3A_224 = arith.constant 0 : i32
    %dma_start3A_225 = tpu.memref_slice %arg2[%dma_start3A_223, %dma_start3A_224] : memref<1000000x32xf32, #tpu.memory_space<hbm>> -> memref<1000000x32xf32, #tpu.memory_space<hbm>>
    %dma_start3A_226 = tpu.memref_slice %arg9[%dma_start3A_215] : memref<4x!tpu.dma_semaphore, #tpu.memory_space<semaphore_mem>> -> memref<1x!tpu.dma_semaphore, #tpu.memory_space<semaphore_mem>>
    %dma_start3A_227 = tpu.memref_squeeze %dma_start3A_226 : memref<1x!tpu.dma_semaphore, #tpu.memory_space<semaphore_mem>> -> memref<!tpu.dma_semaphore, #tpu.memory_space<semaphore_mem>>
    tpu.enqueue_indirect_dma source(%dma_start3A_225 : memref<1000000x32xf32, #tpu.memory_space<hbm>>) target(%dma_start3A_219 : memref<128x32xf32, #tpu.memory_space<vmem>>) offsets(%dma_start3A_222 : memref<128xi32, #tpu.memory_space<vmem>>) semaphore(%dma_start3A_227 : memref<!tpu.dma_semaphore, #tpu.memory_space<semaphore_mem>>)
    %dma_start3A_228 = arith.constant 0 : i32
    %dma_start3A_229 = arith.constant 3 : i32
    %dma_start3A_230 = arith.constant 2 : i32
    %dma_start3A_231 = arith.constant 2 : i32
    %dma_start3A_232 = arith.constant 2 : i32
    %dma_start3A_233 = arith.constant 384 : i32
    %dma_start3A_234 = arith.constant 0 : i32
    %dma_start3A_235 = tpu.memref_slice %arg6[%dma_start3A_231, %dma_start3A_233, %dma_start3A_234] : memref<4x512x32xf32, #tpu.memory_space<vmem>> -> memref<1x128x32xf32, #tpu.memory_space<vmem>>
    %dma_start3A_236 = tpu.memref_squeeze %dma_start3A_235 : memref<1x128x32xf32, #tpu.memory_space<vmem>> -> memref<128x32xf32, #tpu.memory_space<vmem>>
    %dma_start3A_237 = arith.constant 0 : i32
    %dma_start3A_238 = tpu.memref_slice %arg5[%dma_start3A_228, %dma_start3A_229, %dma_start3A_230, %dma_start3A_237] : memref<2x4x8x128xi32, #tpu.memory_space<vmem>> -> memref<1x1x1x128xi32, #tpu.memory_space<vmem>>
    %dma_start3A_239 = tpu.memref_squeeze %dma_start3A_238 : memref<1x1x1x128xi32, #tpu.memory_space<vmem>> -> memref<128xi32, #tpu.memory_space<vmem>>
    %dma_start3A_240 = arith.constant 0 : i32
    %dma_start3A_241 = arith.constant 0 : i32
    %dma_start3A_242 = tpu.memref_slice %arg2[%dma_start3A_240, %dma_start3A_241] : memref<1000000x32xf32, #tpu.memory_space<hbm>> -> memref<1000000x32xf32, #tpu.memory_space<hbm>>
    %dma_start3A_243 = tpu.memref_slice %arg9[%dma_start3A_232] : memref<4x!tpu.dma_semaphore, #tpu.memory_space<semaphore_mem>> -> memref<1x!tpu.dma_semaphore, #tpu.memory_space<semaphore_mem>>
    %dma_start3A_244 = tpu.memref_squeeze %dma_start3A_243 : memref<1x!tpu.dma_semaphore, #tpu.memory_space<semaphore_mem>> -> memref<!tpu.dma_semaphore, #tpu.memory_space<semaphore_mem>>
    tpu.enqueue_indirect_dma source(%dma_start3A_242 : memref<1000000x32xf32, #tpu.memory_space<hbm>>) target(%dma_start3A_236 : memref<128x32xf32, #tpu.memory_space<vmem>>) offsets(%dma_start3A_239 : memref<128xi32, #tpu.memory_space<vmem>>) semaphore(%dma_start3A_244 : memref<!tpu.dma_semaphore, #tpu.memory_space<semaphore_mem>>)
    %dma_start3A_245 = arith.constant 0 : i32
    %dma_start3A_246 = arith.constant 0 : i32
    %dma_start3A_247 = arith.constant 3 : i32
    %dma_start3A_248 = arith.constant 3 : i32
    %dma_start3A_249 = arith.constant 3 : i32
    %dma_start3A_250 = arith.constant 0 : i32
    %dma_start3A_251 = arith.constant 0 : i32
    %dma_start3A_252 = tpu.memref_slice %arg6[%dma_start3A_248, %dma_start3A_250, %dma_start3A_251] : memref<4x512x32xf32, #tpu.memory_space<vmem>> -> memref<1x128x32xf32, #tpu.memory_space<vmem>>
    %dma_start3A_253 = tpu.memref_squeeze %dma_start3A_252 : memref<1x128x32xf32, #tpu.memory_space<vmem>> -> memref<128x32xf32, #tpu.memory_space<vmem>>
    %dma_start3A_254 = arith.constant 0 : i32
    %dma_start3A_255 = tpu.memref_slice %arg5[%dma_start3A_245, %dma_start3A_246, %dma_start3A_247, %dma_start3A_254] : memref<2x4x8x128xi32, #tpu.memory_space<vmem>> -> memref<1x1x1x128xi32, #tpu.memory_space<vmem>>
    %dma_start3A_256 = tpu.memref_squeeze %dma_start3A_255 : memref<1x1x1x128xi32, #tpu.memory_space<vmem>> -> memref<128xi32, #tpu.memory_space<vmem>>
    %dma_start3A_257 = arith.constant 0 : i32
    %dma_start3A_258 = arith.constant 0 : i32
    %dma_start3A_259 = tpu.memref_slice %arg2[%dma_start3A_257, %dma_start3A_258] : memref<1000000x32xf32, #tpu.memory_space<hbm>> -> memref<1000000x32xf32, #tpu.memory_space<hbm>>
    %dma_start3A_260 = tpu.memref_slice %arg9[%dma_start3A_249] : memref<4x!tpu.dma_semaphore, #tpu.memory_space<semaphore_mem>> -> memref<1x!tpu.dma_semaphore, #tpu.memory_space<semaphore_mem>>
    %dma_start3A_261 = tpu.memref_squeeze %dma_start3A_260 : memref<1x!tpu.dma_semaphore, #tpu.memory_space<semaphore_mem>> -> memref<!tpu.dma_semaphore, #tpu.memory_space<semaphore_mem>>
    tpu.enqueue_indirect_dma source(%dma_start3A_259 : memref<1000000x32xf32, #tpu.memory_space<hbm>>) target(%dma_start3A_253 : memref<128x32xf32, #tpu.memory_space<vmem>>) offsets(%dma_start3A_256 : memref<128xi32, #tpu.memory_space<vmem>>) semaphore(%dma_start3A_261 : memref<!tpu.dma_semaphore, #tpu.memory_space<semaphore_mem>>)
    %dma_start3A_262 = arith.constant 0 : i32
    %dma_start3A_263 = arith.constant 1 : i32
    %dma_start3A_264 = arith.constant 3 : i32
    %dma_start3A_265 = arith.constant 3 : i32
    %dma_start3A_266 = arith.constant 3 : i32
    %dma_start3A_267 = arith.constant 128 : i32
    %dma_start3A_268 = arith.constant 0 : i32
    %dma_start3A_269 = tpu.memref_slice %arg6[%dma_start3A_265, %dma_start3A_267, %dma_start3A_268] : memref<4x512x32xf32, #tpu.memory_space<vmem>> -> memref<1x128x32xf32, #tpu.memory_space<vmem>>
    %dma_start3A_270 = tpu.memref_squeeze %dma_start3A_269 : memref<1x128x32xf32, #tpu.memory_space<vmem>> -> memref<128x32xf32, #tpu.memory_space<vmem>>
    %dma_start3A_271 = arith.constant 0 : i32
    %dma_start3A_272 = tpu.memref_slice %arg5[%dma_start3A_262, %dma_start3A_263, %dma_start3A_264, %dma_start3A_271] : memref<2x4x8x128xi32, #tpu.memory_space<vmem>> -> memref<1x1x1x128xi32, #tpu.memory_space<vmem>>
    %dma_start3A_273 = tpu.memref_squeeze %dma_start3A_272 : memref<1x1x1x128xi32, #tpu.memory_space<vmem>> -> memref<128xi32, #tpu.memory_space<vmem>>
    %dma_start3A_274 = arith.constant 0 : i32
    %dma_start3A_275 = arith.constant 0 : i32
    %dma_start3A_276 = tpu.memref_slice %arg2[%dma_start3A_274, %dma_start3A_275] : memref<1000000x32xf32, #tpu.memory_space<hbm>> -> memref<1000000x32xf32, #tpu.memory_space<hbm>>
    %dma_start3A_277 = tpu.memref_slice %arg9[%dma_start3A_266] : memref<4x!tpu.dma_semaphore, #tpu.memory_space<semaphore_mem>> -> memref<1x!tpu.dma_semaphore, #tpu.memory_space<semaphore_mem>>
    %dma_start3A_278 = tpu.memref_squeeze %dma_start3A_277 : memref<1x!tpu.dma_semaphore, #tpu.memory_space<semaphore_mem>> -> memref<!tpu.dma_semaphore, #tpu.memory_space<semaphore_mem>>
    tpu.enqueue_indirect_dma source(%dma_start3A_276 : memref<1000000x32xf32, #tpu.memory_space<hbm>>) target(%dma_start3A_270 : memref<128x32xf32, #tpu.memory_space<vmem>>) offsets(%dma_start3A_273 : memref<128xi32, #tpu.memory_space<vmem>>) semaphore(%dma_start3A_278 : memref<!tpu.dma_semaphore, #tpu.memory_space<semaphore_mem>>)
    %dma_start3A_279 = arith.constant 0 : i32
    %dma_start3A_280 = arith.constant 2 : i32
    %dma_start3A_281 = arith.constant 3 : i32
    %dma_start3A_282 = arith.constant 3 : i32
    %dma_start3A_283 = arith.constant 3 : i32
    %dma_start3A_284 = arith.constant 256 : i32
    %dma_start3A_285 = arith.constant 0 : i32
    %dma_start3A_286 = tpu.memref_slice %arg6[%dma_start3A_282, %dma_start3A_284, %dma_start3A_285] : memref<4x512x32xf32, #tpu.memory_space<vmem>> -> memref<1x128x32xf32, #tpu.memory_space<vmem>>
    %dma_start3A_287 = tpu.memref_squeeze %dma_start3A_286 : memref<1x128x32xf32, #tpu.memory_space<vmem>> -> memref<128x32xf32, #tpu.memory_space<vmem>>
    %dma_start3A_288 = arith.constant 0 : i32
    %dma_start3A_289 = tpu.memref_slice %arg5[%dma_start3A_279, %dma_start3A_280, %dma_start3A_281, %dma_start3A_288] : memref<2x4x8x128xi32, #tpu.memory_space<vmem>> -> memref<1x1x1x128xi32, #tpu.memory_space<vmem>>
    %dma_start3A_290 = tpu.memref_squeeze %dma_start3A_289 : memref<1x1x1x128xi32, #tpu.memory_space<vmem>> -> memref<128xi32, #tpu.memory_space<vmem>>
    %dma_start3A_291 = arith.constant 0 : i32
    %dma_start3A_292 = arith.constant 0 : i32
    %dma_start3A_293 = tpu.memref_slice %arg2[%dma_start3A_291, %dma_start3A_292] : memref<1000000x32xf32, #tpu.memory_space<hbm>> -> memref<1000000x32xf32, #tpu.memory_space<hbm>>
    %dma_start3A_294 = tpu.memref_slice %arg9[%dma_start3A_283] : memref<4x!tpu.dma_semaphore, #tpu.memory_space<semaphore_mem>> -> memref<1x!tpu.dma_semaphore, #tpu.memory_space<semaphore_mem>>
    %dma_start3A_295 = tpu.memref_squeeze %dma_start3A_294 : memref<1x!tpu.dma_semaphore, #tpu.memory_space<semaphore_mem>> -> memref<!tpu.dma_semaphore, #tpu.memory_space<semaphore_mem>>
    tpu.enqueue_indirect_dma source(%dma_start3A_293 : memref<1000000x32xf32, #tpu.memory_space<hbm>>) target(%dma_start3A_287 : memref<128x32xf32, #tpu.memory_space<vmem>>) offsets(%dma_start3A_290 : memref<128xi32, #tpu.memory_space<vmem>>) semaphore(%dma_start3A_295 : memref<!tpu.dma_semaphore, #tpu.memory_space<semaphore_mem>>)
    %dma_start3A_296 = arith.constant 0 : i32
    %dma_start3A_297 = arith.constant 3 : i32
    %dma_start3A_298 = arith.constant 3 : i32
    %dma_start3A_299 = arith.constant 3 : i32
    %dma_start3A_300 = arith.constant 3 : i32
    %dma_start3A_301 = arith.constant 384 : i32
    %dma_start3A_302 = arith.constant 0 : i32
    %dma_start3A_303 = tpu.memref_slice %arg6[%dma_start3A_299, %dma_start3A_301, %dma_start3A_302] : memref<4x512x32xf32, #tpu.memory_space<vmem>> -> memref<1x128x32xf32, #tpu.memory_space<vmem>>
    %dma_start3A_304 = tpu.memref_squeeze %dma_start3A_303 : memref<1x128x32xf32, #tpu.memory_space<vmem>> -> memref<128x32xf32, #tpu.memory_space<vmem>>
    %dma_start3A_305 = arith.constant 0 : i32
    %dma_start3A_306 = tpu.memref_slice %arg5[%dma_start3A_296, %dma_start3A_297, %dma_start3A_298, %dma_start3A_305] : memref<2x4x8x128xi32, #tpu.memory_space<vmem>> -> memref<1x1x1x128xi32, #tpu.memory_space<vmem>>
    %dma_start3A_307 = tpu.memref_squeeze %dma_start3A_306 : memref<1x1x1x128xi32, #tpu.memory_space<vmem>> -> memref<128xi32, #tpu.memory_space<vmem>>
    %dma_start3A_308 = arith.constant 0 : i32
    %dma_start3A_309 = arith.constant 0 : i32
    %dma_start3A_310 = tpu.memref_slice %arg2[%dma_start3A_308, %dma_start3A_309] : memref<1000000x32xf32, #tpu.memory_space<hbm>> -> memref<1000000x32xf32, #tpu.memory_space<hbm>>
    %dma_start3A_311 = tpu.memref_slice %arg9[%dma_start3A_300] : memref<4x!tpu.dma_semaphore, #tpu.memory_space<semaphore_mem>> -> memref<1x!tpu.dma_semaphore, #tpu.memory_space<semaphore_mem>>
    %dma_start3A_312 = tpu.memref_squeeze %dma_start3A_311 : memref<1x!tpu.dma_semaphore, #tpu.memory_space<semaphore_mem>> -> memref<!tpu.dma_semaphore, #tpu.memory_space<semaphore_mem>>
    tpu.enqueue_indirect_dma source(%dma_start3A_310 : memref<1000000x32xf32, #tpu.memory_space<hbm>>) target(%dma_start3A_304 : memref<128x32xf32, #tpu.memory_space<vmem>>) offsets(%dma_start3A_307 : memref<128xi32, #tpu.memory_space<vmem>>) semaphore(%dma_start3A_312 : memref<!tpu.dma_semaphore, #tpu.memory_space<semaphore_mem>>)
    %scan3A = arith.constant 0 : i32
    %scan3A_313 = arith.constant 200 : i32
    %scan3A_314 = arith.addi %scan3A, %scan3A_313 : i32
    %scan3A_315 = arith.constant 1 : i32
    scf.for %scan3A_517 = %scan3A to %scan3A_314 step %scan3A_315  : i32 {
      %mul3A_518 = arith.constant 1 : i32
      %mul3A_519 = arith.muli %scan3A_517, %mul3A_518 : i32
      %add3A_520 = arith.constant 0 : i32
      %add3A_521 = arith.addi %add3A_520, %mul3A_519 : i32
      %jit3A = arith.constant 8 : i32
      %div3A = arith.divsi %add3A_521, %jit3A : i32
      %sign3A = arith.constant 0 : i32
      %sign3A_522 = arith.cmpi sgt, %add3A_521, %sign3A : i32
      %sign3A_523 = arith.extui %sign3A_522 : i1 to i32
      %sign3A_524 = arith.constant 0 : i32
      %sign3A_525 = arith.cmpi slt, %add3A_521, %sign3A_524 : i32
      %sign3A_526 = arith.extui %sign3A_525 : i1 to i32
      %sign3A_527 = arith.subi %sign3A_523, %sign3A_526 : i32
      %sign3A_528 = arith.constant 0 : i32
      %sign3A_529 = arith.cmpi sgt, %jit3A, %sign3A_528 : i32
      %sign3A_530 = arith.extui %sign3A_529 : i1 to i32
      %sign3A_531 = arith.constant 0 : i32
      %sign3A_532 = arith.cmpi slt, %jit3A, %sign3A_531 : i32
      %sign3A_533 = arith.extui %sign3A_532 : i1 to i32
      %sign3A_534 = arith.subi %sign3A_530, %sign3A_533 : i32
      %ne3A = arith.cmpi ne, %sign3A_527, %sign3A_534 : i32
      %rem3A = arith.remsi %add3A_521, %jit3A : i32
      %ne3A_535 = arith.constant 0 : i32
      %ne3A_536 = arith.cmpi ne, %rem3A, %ne3A_535 : i32
      %and3A = arith.andi %ne3A, %ne3A_536 : i1
      %sub3A = arith.constant 1 : i32
      %sub3A_537 = arith.subi %div3A, %sub3A : i32
      %select_n3A = arith.select %and3A, %sub3A_537, %div3A : i32
      %rem3A_538 = arith.constant 8 : i32
      %rem3A_539 = arith.remsi %add3A_521, %rem3A_538 : i32
      %rem3A_540 = arith.constant 2 : i32
      %rem3A_541 = arith.remsi %select_n3A, %rem3A_540 : i32
      %rem3A_542 = arith.constant 4 : i32
      %rem3A_543 = arith.remsi %add3A_521, %rem3A_542 : i32
      %rem3A_544 = arith.constant 2 : i32
      %rem3A_545 = arith.remsi %add3A_521, %rem3A_544 : i32
      %eq3A = arith.constant 0 : i32
      %eq3A_546 = arith.cmpi eq, %rem3A_539, %eq3A : i32
      %lt3A = arith.constant 24 : i32
      %lt3A_547 = arith.cmpi slt, %select_n3A, %lt3A : i32
      %and3A_548 = arith.andi %eq3A_546, %lt3A_547 : i1
      %convert_element_type3A = arith.extui %and3A_548 : i1 to i32
      %cond3A = arith.constant 0 : i32
      %cond3A_549 = arith.cmpi ne, %convert_element_type3A, %cond3A : i32
      scf.if %cond3A_549 {
        %add3A_714 = arith.constant 1 : i32
        %add3A_715 = arith.addi %select_n3A, %add3A_714 : i32
        %sub3A_716 = arith.constant 1 : i32
        %sub3A_717 = arith.subi %sub3A_716, %rem3A_541 : i32
        %dma_start3A_718 = arith.constant 0 : i32
        %dma_start3A_719 = arith.constant 0 : i32
        %dma_start3A_720 = arith.constant 0 : i32
        %dma_start3A_721 = tpu.memref_slice %arg5[%sub3A_717, %dma_start3A_718, %dma_start3A_719, %dma_start3A_720] : memref<2x4x8x128xi32, #tpu.memory_space<vmem>> -> memref<1x4x8x128xi32, #tpu.memory_space<vmem>>
        %dma_start3A_722 = tpu.memref_squeeze %dma_start3A_721 : memref<1x4x8x128xi32, #tpu.memory_space<vmem>> -> memref<4x8x128xi32, #tpu.memory_space<vmem>>
        %dma_start3A_723 = arith.constant 0 : i32
        %dma_start3A_724 = arith.constant 0 : i32
        %dma_start3A_725 = tpu.memref_slice %arg3[%add3A_715, %mul3A_2, %dma_start3A_723, %dma_start3A_724] : memref<25x128x8x128xi32, #tpu.memory_space<hbm>> -> memref<1x4x8x128xi32, #tpu.memory_space<hbm>>
        %dma_start3A_726 = tpu.memref_squeeze %dma_start3A_725 : memref<1x4x8x128xi32, #tpu.memory_space<hbm>> -> memref<4x8x128xi32, #tpu.memory_space<hbm>>
        %dma_start3A_727 = arith.constant 0 : i32
        %dma_start3A_728 = arith.constant 0 : i32
        %dma_start3A_729 = arith.constant 0 : i32
        %dma_start3A_730 = tpu.memref_slice %arg5[%sub3A_717, %dma_start3A_727, %dma_start3A_728, %dma_start3A_729] : memref<2x4x8x128xi32, #tpu.memory_space<vmem>> -> memref<1x4x8x128xi32, #tpu.memory_space<vmem>>
        %dma_start3A_731 = tpu.memref_squeeze %dma_start3A_730 : memref<1x4x8x128xi32, #tpu.memory_space<vmem>> -> memref<4x8x128xi32, #tpu.memory_space<vmem>>
        %dma_start3A_732 = arith.constant 0 : i32
        %dma_start3A_733 = arith.constant 0 : i32
        %dma_start3A_734 = tpu.memref_slice %arg3[%add3A_715, %mul3A_2, %dma_start3A_732, %dma_start3A_733] : memref<25x128x8x128xi32, #tpu.memory_space<hbm>> -> memref<1x4x8x128xi32, #tpu.memory_space<hbm>>
        %dma_start3A_735 = tpu.memref_squeeze %dma_start3A_734 : memref<1x4x8x128xi32, #tpu.memory_space<hbm>> -> memref<4x8x128xi32, #tpu.memory_space<hbm>>
        tpu.enqueue_dma source(%dma_start3A_735 : memref<4x8x128xi32, #tpu.memory_space<hbm>>) target(%dma_start3A_731 : memref<4x8x128xi32, #tpu.memory_space<vmem>>) target_semaphore(%arg11 : memref<!tpu.dma_semaphore, #tpu.memory_space<semaphore_mem>>)
      } else {
      }
      %dma_wait3A_550 = arith.constant 0 : i32
      %dma_wait3A_551 = arith.constant 0 : i32
      %dma_wait3A_552 = arith.constant 0 : i32
      %dma_wait3A_553 = tpu.memref_slice %arg6[%rem3A_543, %dma_wait3A_551, %dma_wait3A_552] : memref<4x512x32xf32, #tpu.memory_space<vmem>> -> memref<1x128x32xf32, #tpu.memory_space<vmem>>
      %dma_wait3A_554 = tpu.memref_squeeze %dma_wait3A_553 : memref<1x128x32xf32, #tpu.memory_space<vmem>> -> memref<128x32xf32, #tpu.memory_space<vmem>>
      %dma_wait3A_555 = arith.constant 0 : i32
      %dma_wait3A_556 = tpu.memref_slice %arg5[%rem3A_541, %dma_wait3A_550, %rem3A_539, %dma_wait3A_555] : memref<2x4x8x128xi32, #tpu.memory_space<vmem>> -> memref<1x1x1x128xi32, #tpu.memory_space<vmem>>
      %dma_wait3A_557 = tpu.memref_squeeze %dma_wait3A_556 : memref<1x1x1x128xi32, #tpu.memory_space<vmem>> -> memref<128xi32, #tpu.memory_space<vmem>>
      %dma_wait3A_558 = arith.constant 0 : i32
      %dma_wait3A_559 = arith.constant 0 : i32
      %dma_wait3A_560 = tpu.memref_slice %arg2[%dma_wait3A_558, %dma_wait3A_559] : memref<1000000x32xf32, #tpu.memory_space<hbm>> -> memref<1000000x32xf32, #tpu.memory_space<hbm>>
      %dma_wait3A_561 = tpu.memref_slice %arg9[%rem3A_543] : memref<4x!tpu.dma_semaphore, #tpu.memory_space<semaphore_mem>> -> memref<1x!tpu.dma_semaphore, #tpu.memory_space<semaphore_mem>>
      %dma_wait3A_562 = tpu.memref_squeeze %dma_wait3A_561 : memref<1x!tpu.dma_semaphore, #tpu.memory_space<semaphore_mem>> -> memref<!tpu.dma_semaphore, #tpu.memory_space<semaphore_mem>>
      tpu.wait_indirect_dma semaphore(%dma_wait3A_562 : memref<!tpu.dma_semaphore, #tpu.memory_space<semaphore_mem>>) src(%dma_wait3A_560 : memref<1000000x32xf32, #tpu.memory_space<hbm>>) dst(%dma_wait3A_554 : memref<128x32xf32, #tpu.memory_space<vmem>>)
      %dma_wait3A_563 = arith.constant 1 : i32
      %dma_wait3A_564 = arith.constant 128 : i32
      %dma_wait3A_565 = arith.constant 0 : i32
      %dma_wait3A_566 = tpu.memref_slice %arg6[%rem3A_543, %dma_wait3A_564, %dma_wait3A_565] : memref<4x512x32xf32, #tpu.memory_space<vmem>> -> memref<1x128x32xf32, #tpu.memory_space<vmem>>
      %dma_wait3A_567 = tpu.memref_squeeze %dma_wait3A_566 : memref<1x128x32xf32, #tpu.memory_space<vmem>> -> memref<128x32xf32, #tpu.memory_space<vmem>>
      %dma_wait3A_568 = arith.constant 0 : i32
      %dma_wait3A_569 = tpu.memref_slice %arg5[%rem3A_541, %dma_wait3A_563, %rem3A_539, %dma_wait3A_568] : memref<2x4x8x128xi32, #tpu.memory_space<vmem>> -> memref<1x1x1x128xi32, #tpu.memory_space<vmem>>
      %dma_wait3A_570 = tpu.memref_squeeze %dma_wait3A_569 : memref<1x1x1x128xi32, #tpu.memory_space<vmem>> -> memref<128xi32, #tpu.memory_space<vmem>>
      %dma_wait3A_571 = arith.constant 0 : i32
      %dma_wait3A_572 = arith.constant 0 : i32
      %dma_wait3A_573 = tpu.memref_slice %arg2[%dma_wait3A_571, %dma_wait3A_572] : memref<1000000x32xf32, #tpu.memory_space<hbm>> -> memref<1000000x32xf32, #tpu.memory_space<hbm>>
      %dma_wait3A_574 = tpu.memref_slice %arg9[%rem3A_543] : memref<4x!tpu.dma_semaphore, #tpu.memory_space<semaphore_mem>> -> memref<1x!tpu.dma_semaphore, #tpu.memory_space<semaphore_mem>>
      %dma_wait3A_575 = tpu.memref_squeeze %dma_wait3A_574 : memref<1x!tpu.dma_semaphore, #tpu.memory_space<semaphore_mem>> -> memref<!tpu.dma_semaphore, #tpu.memory_space<semaphore_mem>>
      tpu.wait_indirect_dma semaphore(%dma_wait3A_575 : memref<!tpu.dma_semaphore, #tpu.memory_space<semaphore_mem>>) src(%dma_wait3A_573 : memref<1000000x32xf32, #tpu.memory_space<hbm>>) dst(%dma_wait3A_567 : memref<128x32xf32, #tpu.memory_space<vmem>>)
      %dma_wait3A_576 = arith.constant 2 : i32
      %dma_wait3A_577 = arith.constant 256 : i32
      %dma_wait3A_578 = arith.constant 0 : i32
      %dma_wait3A_579 = tpu.memref_slice %arg6[%rem3A_543, %dma_wait3A_577, %dma_wait3A_578] : memref<4x512x32xf32, #tpu.memory_space<vmem>> -> memref<1x128x32xf32, #tpu.memory_space<vmem>>
      %dma_wait3A_580 = tpu.memref_squeeze %dma_wait3A_579 : memref<1x128x32xf32, #tpu.memory_space<vmem>> -> memref<128x32xf32, #tpu.memory_space<vmem>>
      %dma_wait3A_581 = arith.constant 0 : i32
      %dma_wait3A_582 = tpu.memref_slice %arg5[%rem3A_541, %dma_wait3A_576, %rem3A_539, %dma_wait3A_581] : memref<2x4x8x128xi32, #tpu.memory_space<vmem>> -> memref<1x1x1x128xi32, #tpu.memory_space<vmem>>
      %dma_wait3A_583 = tpu.memref_squeeze %dma_wait3A_582 : memref<1x1x1x128xi32, #tpu.memory_space<vmem>> -> memref<128xi32, #tpu.memory_space<vmem>>
      %dma_wait3A_584 = arith.constant 0 : i32
      %dma_wait3A_585 = arith.constant 0 : i32
      %dma_wait3A_586 = tpu.memref_slice %arg2[%dma_wait3A_584, %dma_wait3A_585] : memref<1000000x32xf32, #tpu.memory_space<hbm>> -> memref<1000000x32xf32, #tpu.memory_space<hbm>>
      %dma_wait3A_587 = tpu.memref_slice %arg9[%rem3A_543] : memref<4x!tpu.dma_semaphore, #tpu.memory_space<semaphore_mem>> -> memref<1x!tpu.dma_semaphore, #tpu.memory_space<semaphore_mem>>
      %dma_wait3A_588 = tpu.memref_squeeze %dma_wait3A_587 : memref<1x!tpu.dma_semaphore, #tpu.memory_space<semaphore_mem>> -> memref<!tpu.dma_semaphore, #tpu.memory_space<semaphore_mem>>
      tpu.wait_indirect_dma semaphore(%dma_wait3A_588 : memref<!tpu.dma_semaphore, #tpu.memory_space<semaphore_mem>>) src(%dma_wait3A_586 : memref<1000000x32xf32, #tpu.memory_space<hbm>>) dst(%dma_wait3A_580 : memref<128x32xf32, #tpu.memory_space<vmem>>)
      %dma_wait3A_589 = arith.constant 3 : i32
      %dma_wait3A_590 = arith.constant 384 : i32
      %dma_wait3A_591 = arith.constant 0 : i32
      %dma_wait3A_592 = tpu.memref_slice %arg6[%rem3A_543, %dma_wait3A_590, %dma_wait3A_591] : memref<4x512x32xf32, #tpu.memory_space<vmem>> -> memref<1x128x32xf32, #tpu.memory_space<vmem>>
      %dma_wait3A_593 = tpu.memref_squeeze %dma_wait3A_592 : memref<1x128x32xf32, #tpu.memory_space<vmem>> -> memref<128x32xf32, #tpu.memory_space<vmem>>
      %dma_wait3A_594 = arith.constant 0 : i32
      %dma_wait3A_595 = tpu.memref_slice %arg5[%rem3A_541, %dma_wait3A_589, %rem3A_539, %dma_wait3A_594] : memref<2x4x8x128xi32, #tpu.memory_space<vmem>> -> memref<1x1x1x128xi32, #tpu.memory_space<vmem>>
      %dma_wait3A_596 = tpu.memref_squeeze %dma_wait3A_595 : memref<1x1x1x128xi32, #tpu.memory_space<vmem>> -> memref<128xi32, #tpu.memory_space<vmem>>
      %dma_wait3A_597 = arith.constant 0 : i32
      %dma_wait3A_598 = arith.constant 0 : i32
      %dma_wait3A_599 = tpu.memref_slice %arg2[%dma_wait3A_597, %dma_wait3A_598] : memref<1000000x32xf32, #tpu.memory_space<hbm>> -> memref<1000000x32xf32, #tpu.memory_space<hbm>>
      %dma_wait3A_600 = tpu.memref_slice %arg9[%rem3A_543] : memref<4x!tpu.dma_semaphore, #tpu.memory_space<semaphore_mem>> -> memref<1x!tpu.dma_semaphore, #tpu.memory_space<semaphore_mem>>
      %dma_wait3A_601 = tpu.memref_squeeze %dma_wait3A_600 : memref<1x!tpu.dma_semaphore, #tpu.memory_space<semaphore_mem>> -> memref<!tpu.dma_semaphore, #tpu.memory_space<semaphore_mem>>
      tpu.wait_indirect_dma semaphore(%dma_wait3A_601 : memref<!tpu.dma_semaphore, #tpu.memory_space<semaphore_mem>>) src(%dma_wait3A_599 : memref<1000000x32xf32, #tpu.memory_space<hbm>>) dst(%dma_wait3A_593 : memref<128x32xf32, #tpu.memory_space<vmem>>)
      %parallel_loop3A = arith.constant 0 : i32
      %parallel_loop3A_602 = arith.constant 512 : i32
      %parallel_loop3A_603 = arith.constant 1 : i32
      scf.for %parallel_loop3A_714 = %parallel_loop3A to %parallel_loop3A_602 step %parallel_loop3A_603  : i32 {
        %parallel_loop3A_715 = arith.index_cast %rem3A_543 : i32 to index
        %parallel_loop3A_716 = arith.index_cast %parallel_loop3A_714 : i32 to index
        %parallel_loop3A_717 = arith.constant 0 : index
        %parallel_loop3A_718 = tpu.vector_load %arg6[%parallel_loop3A_715, %parallel_loop3A_716, %parallel_loop3A_717] {strides = array<i32>} : memref<4x512x32xf32, #tpu.memory_space<vmem>>, vector<16xf32>,
        %parallel_loop3A_719 = arith.index_cast %parallel_loop3A_714 : i32 to index
        %parallel_loop3A_720 = arith.constant 0 : index
        %parallel_loop3A_721 = tpu.vector_load %arg7[%parallel_loop3A_719, %parallel_loop3A_720] {strides = array<i32>} : memref<512x33xf32, #tpu.memory_space<vmem>>, vector<16xf32>,
        tpu.vector_store %arg7[%parallel_loop3A_719, %parallel_loop3A_720], %parallel_loop3A_718 {strides = array<i32>} : memref<512x33xf32, #tpu.memory_space<vmem>>, vector<16xf32>,
        %parallel_loop3A_722 = arith.index_cast %rem3A_543 : i32 to index
        %parallel_loop3A_723 = arith.index_cast %parallel_loop3A_714 : i32 to index
        %parallel_loop3A_724 = arith.constant 16 : index
        %parallel_loop3A_725 = tpu.vector_load %arg6[%parallel_loop3A_722, %parallel_loop3A_723, %parallel_loop3A_724] {strides = array<i32>} : memref<4x512x32xf32, #tpu.memory_space<vmem>>, vector<16xf32>,
        %parallel_loop3A_726 = arith.index_cast %parallel_loop3A_714 : i32 to index
        %parallel_loop3A_727 = arith.constant 16 : index
        %parallel_loop3A_728 = tpu.vector_load %arg7[%parallel_loop3A_726, %parallel_loop3A_727] {strides = array<i32>} : memref<512x33xf32, #tpu.memory_space<vmem>>, vector<16xf32>,
        tpu.vector_store %arg7[%parallel_loop3A_726, %parallel_loop3A_727], %parallel_loop3A_725 {strides = array<i32>} : memref<512x33xf32, #tpu.memory_space<vmem>>, vector<16xf32>,
      } {sc.loop_unroll_factor = 1 : i64, sc.parallel_access}
      %ge3A = arith.constant 2 : i32
      %ge3A_604 = arith.cmpi sge, %add3A_521, %ge3A : i32
      %convert_element_type3A_605 = arith.extui %ge3A_604 : i1 to i32
      %cond3A_606 = arith.constant 0 : i32
      %cond3A_607 = arith.cmpi ne, %convert_element_type3A_605, %cond3A_606 : i32
      scf.if %cond3A_607 {
        %sub3A_714 = arith.constant 2 : i32
        %sub3A_715 = arith.subi %add3A_521, %sub3A_714 : i32
        %dma_wait3A_716 = arith.constant 0 : i32
        %dma_wait3A_717 = arith.constant 0 : i32
        %dma_wait3A_718 = arith.constant 0 : i32
        %dma_wait3A_719 = arith.constant 0 : i32
        %dma_wait3A_720 = arith.constant 0 : i32
        %dma_wait3A_721 = tpu.memref_slice %arg8[%rem3A_545, %dma_wait3A_716, %dma_wait3A_718, %dma_wait3A_719, %dma_wait3A_720] : memref<2x4x4x8x128xf32, #tpu.memory_space<vmem>> -> memref<1x1x4x8x128xf32, #tpu.memory_space<vmem>>
        %dma_wait3A_722 = tpu.memref_squeeze %dma_wait3A_721 : memref<1x1x4x8x128xf32, #tpu.memory_space<vmem>> -> memref<4x8x128xf32, #tpu.memory_space<vmem>>
        %dma_wait3A_723 = arith.constant 0 : i32
        %dma_wait3A_724 = arith.constant 0 : i32
        %dma_wait3A_725 = tpu.memref_slice %arg4[%sub3A_715, %dma_wait3A_717, %mul3A_2, %dma_wait3A_723, %dma_wait3A_724] : memref<200x4x128x8x128xf32, #tpu.memory_space<hbm>> -> memref<1x1x4x8x128xf32, #tpu.memory_space<hbm>>
        %dma_wait3A_726 = tpu.memref_squeeze %dma_wait3A_725 : memref<1x1x4x8x128xf32, #tpu.memory_space<hbm>> -> memref<4x8x128xf32, #tpu.memory_space<hbm>>
        %dma_wait3A_727 = tpu.memref_slice %arg10[%rem3A_545] : memref<2x!tpu.dma_semaphore, #tpu.memory_space<semaphore_mem>> -> memref<1x!tpu.dma_semaphore, #tpu.memory_space<semaphore_mem>>
        %dma_wait3A_728 = tpu.memref_squeeze %dma_wait3A_727 : memref<1x!tpu.dma_semaphore, #tpu.memory_space<semaphore_mem>> -> memref<!tpu.dma_semaphore, #tpu.memory_space<semaphore_mem>>
        %dma_wait3A_729 = arith.constant 0 : i32
        %dma_wait3A_730 = arith.constant 0 : i32
        %dma_wait3A_731 = tpu.memref_slice %arg4[%sub3A_715, %dma_wait3A_717, %mul3A_2, %dma_wait3A_729, %dma_wait3A_730] : memref<200x4x128x8x128xf32, #tpu.memory_space<hbm>> -> memref<1x1x4x8x128xf32, #tpu.memory_space<hbm>>
        %dma_wait3A_732 = tpu.memref_squeeze %dma_wait3A_731 : memref<1x1x4x8x128xf32, #tpu.memory_space<hbm>> -> memref<4x8x128xf32, #tpu.memory_space<hbm>>
        %dma_wait3A_733 = arith.constant 0 : i32
        %dma_wait3A_734 = arith.constant 0 : i32
        %dma_wait3A_735 = arith.constant 0 : i32
        %dma_wait3A_736 = tpu.memref_slice %arg8[%rem3A_545, %dma_wait3A_716, %dma_wait3A_733, %dma_wait3A_734, %dma_wait3A_735] : memref<2x4x4x8x128xf32, #tpu.memory_space<vmem>> -> memref<1x1x4x8x128xf32, #tpu.memory_space<vmem>>
        %dma_wait3A_737 = tpu.memref_squeeze %dma_wait3A_736 : memref<1x1x4x8x128xf32, #tpu.memory_space<vmem>> -> memref<4x8x128xf32, #tpu.memory_space<vmem>>
        tpu.wait_dma2 semaphore(%dma_wait3A_728 : memref<!tpu.dma_semaphore, #tpu.memory_space<semaphore_mem>>) src(%dma_wait3A_737 : memref<4x8x128xf32, #tpu.memory_space<vmem>>) dst(%dma_wait3A_732 : memref<4x8x128xf32, #tpu.memory_space<hbm>>)
        %dma_wait3A_738 = arith.constant 1 : i32
        %dma_wait3A_739 = arith.constant 1 : i32
        %dma_wait3A_740 = arith.constant 0 : i32
        %dma_wait3A_741 = arith.constant 0 : i32
        %dma_wait3A_742 = arith.constant 0 : i32
        %dma_wait3A_743 = tpu.memref_slice %arg8[%rem3A_545, %dma_wait3A_738, %dma_wait3A_740, %dma_wait3A_741, %dma_wait3A_742] : memref<2x4x4x8x128xf32, #tpu.memory_space<vmem>> -> memref<1x1x4x8x128xf32, #tpu.memory_space<vmem>>
        %dma_wait3A_744 = tpu.memref_squeeze %dma_wait3A_743 : memref<1x1x4x8x128xf32, #tpu.memory_space<vmem>> -> memref<4x8x128xf32, #tpu.memory_space<vmem>>
        %dma_wait3A_745 = arith.constant 0 : i32
        %dma_wait3A_746 = arith.constant 0 : i32
        %dma_wait3A_747 = tpu.memref_slice %arg4[%sub3A_715, %dma_wait3A_739, %mul3A_2, %dma_wait3A_745, %dma_wait3A_746] : memref<200x4x128x8x128xf32, #tpu.memory_space<hbm>> -> memref<1x1x4x8x128xf32, #tpu.memory_space<hbm>>
        %dma_wait3A_748 = tpu.memref_squeeze %dma_wait3A_747 : memref<1x1x4x8x128xf32, #tpu.memory_space<hbm>> -> memref<4x8x128xf32, #tpu.memory_space<hbm>>
        %dma_wait3A_749 = tpu.memref_slice %arg10[%rem3A_545] : memref<2x!tpu.dma_semaphore, #tpu.memory_space<semaphore_mem>> -> memref<1x!tpu.dma_semaphore, #tpu.memory_space<semaphore_mem>>
        %dma_wait3A_750 = tpu.memref_squeeze %dma_wait3A_749 : memref<1x!tpu.dma_semaphore, #tpu.memory_space<semaphore_mem>> -> memref<!tpu.dma_semaphore, #tpu.memory_space<semaphore_mem>>
        %dma_wait3A_751 = arith.constant 0 : i32
        %dma_wait3A_752 = arith.constant 0 : i32
        %dma_wait3A_753 = tpu.memref_slice %arg4[%sub3A_715, %dma_wait3A_739, %mul3A_2, %dma_wait3A_751, %dma_wait3A_752] : memref<200x4x128x8x128xf32, #tpu.memory_space<hbm>> -> memref<1x1x4x8x128xf32, #tpu.memory_space<hbm>>
        %dma_wait3A_754 = tpu.memref_squeeze %dma_wait3A_753 : memref<1x1x4x8x128xf32, #tpu.memory_space<hbm>> -> memref<4x8x128xf32, #tpu.memory_space<hbm>>
        %dma_wait3A_755 = arith.constant 0 : i32
        %dma_wait3A_756 = arith.constant 0 : i32
        %dma_wait3A_757 = arith.constant 0 : i32
        %dma_wait3A_758 = tpu.memref_slice %arg8[%rem3A_545, %dma_wait3A_738, %dma_wait3A_755, %dma_wait3A_756, %dma_wait3A_757] : memref<2x4x4x8x128xf32, #tpu.memory_space<vmem>> -> memref<1x1x4x8x128xf32, #tpu.memory_space<vmem>>
        %dma_wait3A_759 = tpu.memref_squeeze %dma_wait3A_758 : memref<1x1x4x8x128xf32, #tpu.memory_space<vmem>> -> memref<4x8x128xf32, #tpu.memory_space<vmem>>
        tpu.wait_dma2 semaphore(%dma_wait3A_750 : memref<!tpu.dma_semaphore, #tpu.memory_space<semaphore_mem>>) src(%dma_wait3A_759 : memref<4x8x128xf32, #tpu.memory_space<vmem>>) dst(%dma_wait3A_754 : memref<4x8x128xf32, #tpu.memory_space<hbm>>)
        %dma_wait3A_760 = arith.constant 2 : i32
        %dma_wait3A_761 = arith.constant 2 : i32
        %dma_wait3A_762 = arith.constant 0 : i32
        %dma_wait3A_763 = arith.constant 0 : i32
        %dma_wait3A_764 = arith.constant 0 : i32
        %dma_wait3A_765 = tpu.memref_slice %arg8[%rem3A_545, %dma_wait3A_760, %dma_wait3A_762, %dma_wait3A_763, %dma_wait3A_764] : memref<2x4x4x8x128xf32, #tpu.memory_space<vmem>> -> memref<1x1x4x8x128xf32, #tpu.memory_space<vmem>>
        %dma_wait3A_766 = tpu.memref_squeeze %dma_wait3A_765 : memref<1x1x4x8x128xf32, #tpu.memory_space<vmem>> -> memref<4x8x128xf32, #tpu.memory_space<vmem>>
        %dma_wait3A_767 = arith.constant 0 : i32
        %dma_wait3A_768 = arith.constant 0 : i32
        %dma_wait3A_769 = tpu.memref_slice %arg4[%sub3A_715, %dma_wait3A_761, %mul3A_2, %dma_wait3A_767, %dma_wait3A_768] : memref<200x4x128x8x128xf32, #tpu.memory_space<hbm>> -> memref<1x1x4x8x128xf32, #tpu.memory_space<hbm>>
        %dma_wait3A_770 = tpu.memref_squeeze %dma_wait3A_769 : memref<1x1x4x8x128xf32, #tpu.memory_space<hbm>> -> memref<4x8x128xf32, #tpu.memory_space<hbm>>
        %dma_wait3A_771 = tpu.memref_slice %arg10[%rem3A_545] : memref<2x!tpu.dma_semaphore, #tpu.memory_space<semaphore_mem>> -> memref<1x!tpu.dma_semaphore, #tpu.memory_space<semaphore_mem>>
        %dma_wait3A_772 = tpu.memref_squeeze %dma_wait3A_771 : memref<1x!tpu.dma_semaphore, #tpu.memory_space<semaphore_mem>> -> memref<!tpu.dma_semaphore, #tpu.memory_space<semaphore_mem>>
        %dma_wait3A_773 = arith.constant 0 : i32
        %dma_wait3A_774 = arith.constant 0 : i32
        %dma_wait3A_775 = tpu.memref_slice %arg4[%sub3A_715, %dma_wait3A_761, %mul3A_2, %dma_wait3A_773, %dma_wait3A_774] : memref<200x4x128x8x128xf32, #tpu.memory_space<hbm>> -> memref<1x1x4x8x128xf32, #tpu.memory_space<hbm>>
        %dma_wait3A_776 = tpu.memref_squeeze %dma_wait3A_775 : memref<1x1x4x8x128xf32, #tpu.memory_space<hbm>> -> memref<4x8x128xf32, #tpu.memory_space<hbm>>
        %dma_wait3A_777 = arith.constant 0 : i32
        %dma_wait3A_778 = arith.constant 0 : i32
        %dma_wait3A_779 = arith.constant 0 : i32
        %dma_wait3A_780 = tpu.memref_slice %arg8[%rem3A_545, %dma_wait3A_760, %dma_wait3A_777, %dma_wait3A_778, %dma_wait3A_779] : memref<2x4x4x8x128xf32, #tpu.memory_space<vmem>> -> memref<1x1x4x8x128xf32, #tpu.memory_space<vmem>>
        %dma_wait3A_781 = tpu.memref_squeeze %dma_wait3A_780 : memref<1x1x4x8x128xf32, #tpu.memory_space<vmem>> -> memref<4x8x128xf32, #tpu.memory_space<vmem>>
        tpu.wait_dma2 semaphore(%dma_wait3A_772 : memref<!tpu.dma_semaphore, #tpu.memory_space<semaphore_mem>>) src(%dma_wait3A_781 : memref<4x8x128xf32, #tpu.memory_space<vmem>>) dst(%dma_wait3A_776 : memref<4x8x128xf32, #tpu.memory_space<hbm>>)
        %dma_wait3A_782 = arith.constant 3 : i32
        %dma_wait3A_783 = arith.constant 3 : i32
        %dma_wait3A_784 = arith.constant 0 : i32
        %dma_wait3A_785 = arith.constant 0 : i32
        %dma_wait3A_786 = arith.constant 0 : i32
        %dma_wait3A_787 = tpu.memref_slice %arg8[%rem3A_545, %dma_wait3A_782, %dma_wait3A_784, %dma_wait3A_785, %dma_wait3A_786] : memref<2x4x4x8x128xf32, #tpu.memory_space<vmem>> -> memref<1x1x4x8x128xf32, #tpu.memory_space<vmem>>
        %dma_wait3A_788 = tpu.memref_squeeze %dma_wait3A_787 : memref<1x1x4x8x128xf32, #tpu.memory_space<vmem>> -> memref<4x8x128xf32, #tpu.memory_space<vmem>>
        %dma_wait3A_789 = arith.constant 0 : i32
        %dma_wait3A_790 = arith.constant 0 : i32
        %dma_wait3A_791 = tpu.memref_slice %arg4[%sub3A_715, %dma_wait3A_783, %mul3A_2, %dma_wait3A_789, %dma_wait3A_790] : memref<200x4x128x8x128xf32, #tpu.memory_space<hbm>> -> memref<1x1x4x8x128xf32, #tpu.memory_space<hbm>>
        %dma_wait3A_792 = tpu.memref_squeeze %dma_wait3A_791 : memref<1x1x4x8x128xf32, #tpu.memory_space<hbm>> -> memref<4x8x128xf32, #tpu.memory_space<hbm>>
        %dma_wait3A_793 = tpu.memref_slice %arg10[%rem3A_545] : memref<2x!tpu.dma_semaphore, #tpu.memory_space<semaphore_mem>> -> memref<1x!tpu.dma_semaphore, #tpu.memory_space<semaphore_mem>>
        %dma_wait3A_794 = tpu.memref_squeeze %dma_wait3A_793 : memref<1x!tpu.dma_semaphore, #tpu.memory_space<semaphore_mem>> -> memref<!tpu.dma_semaphore, #tpu.memory_space<semaphore_mem>>
        %dma_wait3A_795 = arith.constant 0 : i32
        %dma_wait3A_796 = arith.constant 0 : i32
        %dma_wait3A_797 = tpu.memref_slice %arg4[%sub3A_715, %dma_wait3A_783, %mul3A_2, %dma_wait3A_795, %dma_wait3A_796] : memref<200x4x128x8x128xf32, #tpu.memory_space<hbm>> -> memref<1x1x4x8x128xf32, #tpu.memory_space<hbm>>
        %dma_wait3A_798 = tpu.memref_squeeze %dma_wait3A_797 : memref<1x1x4x8x128xf32, #tpu.memory_space<hbm>> -> memref<4x8x128xf32, #tpu.memory_space<hbm>>
        %dma_wait3A_799 = arith.constant 0 : i32
        %dma_wait3A_800 = arith.constant 0 : i32
        %dma_wait3A_801 = arith.constant 0 : i32
        %dma_wait3A_802 = tpu.memref_slice %arg8[%rem3A_545, %dma_wait3A_782, %dma_wait3A_799, %dma_wait3A_800, %dma_wait3A_801] : memref<2x4x4x8x128xf32, #tpu.memory_space<vmem>> -> memref<1x1x4x8x128xf32, #tpu.memory_space<vmem>>
        %dma_wait3A_803 = tpu.memref_squeeze %dma_wait3A_802 : memref<1x1x4x8x128xf32, #tpu.memory_space<vmem>> -> memref<4x8x128xf32, #tpu.memory_space<vmem>>
        tpu.wait_dma2 semaphore(%dma_wait3A_794 : memref<!tpu.dma_semaphore, #tpu.memory_space<semaphore_mem>>) src(%dma_wait3A_803 : memref<4x8x128xf32, #tpu.memory_space<vmem>>) dst(%dma_wait3A_798 : memref<4x8x128xf32, #tpu.memory_space<hbm>>)
      } else {
      }
      %parallel_loop3A_608 = arith.constant 0 : i32
      %parallel_loop3A_609 = arith.constant 16 : i32
      %parallel_loop3A_610 = arith.constant 1 : i32
      scf.for %parallel_loop3A_714 = %parallel_loop3A_608 to %parallel_loop3A_609 step %parallel_loop3A_610  : i32 {
        %parallel_loop3A_715 = arith.constant 4 : i32
        %parallel_loop3A_716 = arith.divsi %parallel_loop3A_714, %parallel_loop3A_715 : i32
        %parallel_loop3A_717 = arith.constant 0 : i32
        %parallel_loop3A_718 = arith.cmpi sgt, %parallel_loop3A_714, %parallel_loop3A_717 : i32
        %parallel_loop3A_719 = arith.extui %parallel_loop3A_718 : i1 to i32
        %parallel_loop3A_720 = arith.constant 0 : i32
        %parallel_loop3A_721 = arith.cmpi slt, %parallel_loop3A_714, %parallel_loop3A_720 : i32
        %parallel_loop3A_722 = arith.extui %parallel_loop3A_721 : i1 to i32
        %parallel_loop3A_723 = arith.subi %parallel_loop3A_719, %parallel_loop3A_722 : i32
        %parallel_loop3A_724 = arith.constant 0 : i32
        %parallel_loop3A_725 = arith.cmpi sgt, %parallel_loop3A_715, %parallel_loop3A_724 : i32
        %parallel_loop3A_726 = arith.extui %parallel_loop3A_725 : i1 to i32
        %parallel_loop3A_727 = arith.constant 0 : i32
        %parallel_loop3A_728 = arith.cmpi slt, %parallel_loop3A_715, %parallel_loop3A_727 : i32
        %parallel_loop3A_729 = arith.extui %parallel_loop3A_728 : i1 to i32
        %parallel_loop3A_730 = arith.subi %parallel_loop3A_726, %parallel_loop3A_729 : i32
        %parallel_loop3A_731 = arith.cmpi ne, %parallel_loop3A_723, %parallel_loop3A_730 : i32
        %parallel_loop3A_732 = arith.remsi %parallel_loop3A_714, %parallel_loop3A_715 : i32
        %parallel_loop3A_733 = arith.constant 0 : i32
        %parallel_loop3A_734 = arith.cmpi ne, %parallel_loop3A_732, %parallel_loop3A_733 : i32
        %parallel_loop3A_735 = arith.andi %parallel_loop3A_731, %parallel_loop3A_734 : i1
        %parallel_loop3A_736 = arith.constant 1 : i32
        %parallel_loop3A_737 = arith.subi %parallel_loop3A_716, %parallel_loop3A_736 : i32
        %parallel_loop3A_738 = arith.select %parallel_loop3A_735, %parallel_loop3A_737, %parallel_loop3A_716 : i32
        %parallel_loop3A_739 = arith.constant 4 : i32
        %parallel_loop3A_740 = arith.remsi %parallel_loop3A_714, %parallel_loop3A_739 : i32
        %parallel_loop3A_741 = arith.constant 8 : i32
        %parallel_loop3A_742 = arith.muli %parallel_loop3A_738, %parallel_loop3A_741 : i32
        %parallel_loop3A_743 = arith.constant 0 : i32
        %parallel_loop3A_744 = arith.addi %parallel_loop3A_742, %parallel_loop3A_743 : i32
        %parallel_loop3A_745 = vector.broadcast %parallel_loop3A_744 : i32 to vector<16xi32>
        %parallel_loop3A_746 = arith.constant 128 : i32
        %parallel_loop3A_747 = arith.muli %parallel_loop3A_740, %parallel_loop3A_746 : i32
        %parallel_loop3A_748 = arith.constant 0 : i32
        %parallel_loop3A_749 = arith.addi %parallel_loop3A_747, %parallel_loop3A_748 : i32
        %parallel_loop3A_750 = vector.broadcast %parallel_loop3A_749 : i32 to vector<16xi32>
        %parallel_loop3A_751 = arith.addi %iota3A, %parallel_loop3A_750 : vector<16xi32>
        %parallel_loop3A_752 = tpu.vector_load_idx %arg7[%parallel_loop3A_751, %parallel_loop3A_745] : memref<512x33xf32, #tpu.memory_space<vmem>>[vector<16xi32>, vector<16xi32>], vector<16xf32>,
        %parallel_loop3A_753 = arith.constant 0 : i32
        %parallel_loop3A_754 = arith.index_cast %rem3A_545 : i32 to index
        %parallel_loop3A_755 = arith.index_cast %parallel_loop3A_738 : i32 to index
        %parallel_loop3A_756 = arith.index_cast %parallel_loop3A_740 : i32 to index
        %parallel_loop3A_757 = arith.index_cast %parallel_loop3A_753 : i32 to index
        %parallel_loop3A_758 = arith.constant 0 : index
        %parallel_loop3A_759 = tpu.vector_load %arg8[%parallel_loop3A_754, %parallel_loop3A_755, %parallel_loop3A_756, %parallel_loop3A_757, %parallel_loop3A_758] {strides = array<i32>} : memref<2x4x4x8x128xf32, #tpu.memory_space<vmem>>, vector<16xf32>,
        tpu.vector_store %arg8[%parallel_loop3A_754, %parallel_loop3A_755, %parallel_loop3A_756, %parallel_loop3A_757, %parallel_loop3A_758], %parallel_loop3A_752 {strides = array<i32>} : memref<2x4x4x8x128xf32, #tpu.memory_space<vmem>>, vector<16xf32>,
        %parallel_loop3A_760 = arith.constant 128 : i32
        %parallel_loop3A_761 = arith.muli %parallel_loop3A_740, %parallel_loop3A_760 : i32
        %parallel_loop3A_762 = arith.constant 16 : i32
        %parallel_loop3A_763 = arith.addi %parallel_loop3A_761, %parallel_loop3A_762 : i32
        %parallel_loop3A_764 = vector.broadcast %parallel_loop3A_763 : i32 to vector<16xi32>
        %parallel_loop3A_765 = arith.addi %iota3A, %parallel_loop3A_764 : vector<16xi32>
        %parallel_loop3A_766 = tpu.vector_load_idx %arg7[%parallel_loop3A_765, %parallel_loop3A_745] : memref<512x33xf32, #tpu.memory_space<vmem>>[vector<16xi32>, vector<16xi32>], vector<16xf32>,
        %parallel_loop3A_767 = arith.constant 0 : i32
        %parallel_loop3A_768 = arith.index_cast %rem3A_545 : i32 to index
        %parallel_loop3A_769 = arith.index_cast %parallel_loop3A_738 : i32 to index
        %parallel_loop3A_770 = arith.index_cast %parallel_loop3A_740 : i32 to index
        %parallel_loop3A_771 = arith.index_cast %parallel_loop3A_767 : i32 to index
        %parallel_loop3A_772 = arith.constant 16 : index
        %parallel_loop3A_773 = tpu.vector_load %arg8[%parallel_loop3A_768, %parallel_loop3A_769, %parallel_loop3A_770, %parallel_loop3A_771, %parallel_loop3A_772] {strides = array<i32>} : memref<2x4x4x8x128xf32, #tpu.memory_space<vmem>>, vector<16xf32>,
        tpu.vector_store %arg8[%parallel_loop3A_768, %parallel_loop3A_769, %parallel_loop3A_770, %parallel_loop3A_771, %parallel_loop3A_772], %parallel_loop3A_766 {strides = array<i32>} : memref<2x4x4x8x128xf32, #tpu.memory_space<vmem>>, vector<16xf32>,
        %parallel_loop3A_774 = arith.constant 128 : i32
        %parallel_loop3A_775 = arith.muli %parallel_loop3A_740, %parallel_loop3A_774 : i32
        %parallel_loop3A_776 = arith.constant 32 : i32
        %parallel_loop3A_777 = arith.addi %parallel_loop3A_775, %parallel_loop3A_776 : i32
        %parallel_loop3A_778 = vector.broadcast %parallel_loop3A_777 : i32 to vector<16xi32>
        %parallel_loop3A_779 = arith.addi %iota3A, %parallel_loop3A_778 : vector<16xi32>
        %parallel_loop3A_780 = tpu.vector_load_idx %arg7[%parallel_loop3A_779, %parallel_loop3A_745] : memref<512x33xf32, #tpu.memory_space<vmem>>[vector<16xi32>, vector<16xi32>], vector<16xf32>,
        %parallel_loop3A_781 = arith.constant 0 : i32
        %parallel_loop3A_782 = arith.index_cast %rem3A_545 : i32 to index
        %parallel_loop3A_783 = arith.index_cast %parallel_loop3A_738 : i32 to index
        %parallel_loop3A_784 = arith.index_cast %parallel_loop3A_740 : i32 to index
        %parallel_loop3A_785 = arith.index_cast %parallel_loop3A_781 : i32 to index
        %parallel_loop3A_786 = arith.constant 32 : index
        %parallel_loop3A_787 = tpu.vector_load %arg8[%parallel_loop3A_782, %parallel_loop3A_783, %parallel_loop3A_784, %parallel_loop3A_785, %parallel_loop3A_786] {strides = array<i32>} : memref<2x4x4x8x128xf32, #tpu.memory_space<vmem>>, vector<16xf32>,
        tpu.vector_store %arg8[%parallel_loop3A_782, %parallel_loop3A_783, %parallel_loop3A_784, %parallel_loop3A_785, %parallel_loop3A_786], %parallel_loop3A_780 {strides = array<i32>} : memref<2x4x4x8x128xf32, #tpu.memory_space<vmem>>, vector<16xf32>,
        %parallel_loop3A_788 = arith.constant 128 : i32
        %parallel_loop3A_789 = arith.muli %parallel_loop3A_740, %parallel_loop3A_788 : i32
        %parallel_loop3A_790 = arith.constant 48 : i32
        %parallel_loop3A_791 = arith.addi %parallel_loop3A_789, %parallel_loop3A_790 : i32
        %parallel_loop3A_792 = vector.broadcast %parallel_loop3A_791 : i32 to vector<16xi32>
        %parallel_loop3A_793 = arith.addi %iota3A, %parallel_loop3A_792 : vector<16xi32>
        %parallel_loop3A_794 = tpu.vector_load_idx %arg7[%parallel_loop3A_793, %parallel_loop3A_745] : memref<512x33xf32, #tpu.memory_space<vmem>>[vector<16xi32>, vector<16xi32>], vector<16xf32>,
        %parallel_loop3A_795 = arith.constant 0 : i32
        %parallel_loop3A_796 = arith.index_cast %rem3A_545 : i32 to index
        %parallel_loop3A_797 = arith.index_cast %parallel_loop3A_738 : i32 to index
        %parallel_loop3A_798 = arith.index_cast %parallel_loop3A_740 : i32 to index
        %parallel_loop3A_799 = arith.index_cast %parallel_loop3A_795 : i32 to index
        %parallel_loop3A_800 = arith.constant 48 : index
        %parallel_loop3A_801 = tpu.vector_load %arg8[%parallel_loop3A_796, %parallel_loop3A_797, %parallel_loop3A_798, %parallel_loop3A_799, %parallel_loop3A_800] {strides = array<i32>} : memref<2x4x4x8x128xf32, #tpu.memory_space<vmem>>, vector<16xf32>,
        tpu.vector_store %arg8[%parallel_loop3A_796, %parallel_loop3A_797, %parallel_loop3A_798, %parallel_loop3A_799, %parallel_loop3A_800], %parallel_loop3A_794 {strides = array<i32>} : memref<2x4x4x8x128xf32, #tpu.memory_space<vmem>>, vector<16xf32>,
        %parallel_loop3A_802 = arith.constant 128 : i32
        %parallel_loop3A_803 = arith.muli %parallel_loop3A_740, %parallel_loop3A_802 : i32
        %parallel_loop3A_804 = arith.constant 64 : i32
        %parallel_loop3A_805 = arith.addi %parallel_loop3A_803, %parallel_loop3A_804 : i32
        %parallel_loop3A_806 = vector.broadcast %parallel_loop3A_805 : i32 to vector<16xi32>
        %parallel_loop3A_807 = arith.addi %iota3A, %parallel_loop3A_806 : vector<16xi32>
        %parallel_loop3A_808 = tpu.vector_load_idx %arg7[%parallel_loop3A_807, %parallel_loop3A_745] : memref<512x33xf32, #tpu.memory_space<vmem>>[vector<16xi32>, vector<16xi32>], vector<16xf32>,
        %parallel_loop3A_809 = arith.constant 0 : i32
        %parallel_loop3A_810 = arith.index_cast %rem3A_545 : i32 to index
        %parallel_loop3A_811 = arith.index_cast %parallel_loop3A_738 : i32 to index
        %parallel_loop3A_812 = arith.index_cast %parallel_loop3A_740 : i32 to index
        %parallel_loop3A_813 = arith.index_cast %parallel_loop3A_809 : i32 to index
        %parallel_loop3A_814 = arith.constant 64 : index
        %parallel_loop3A_815 = tpu.vector_load %arg8[%parallel_loop3A_810, %parallel_loop3A_811, %parallel_loop3A_812, %parallel_loop3A_813, %parallel_loop3A_814] {strides = array<i32>} : memref<2x4x4x8x128xf32, #tpu.memory_space<vmem>>, vector<16xf32>,
        tpu.vector_store %arg8[%parallel_loop3A_810, %parallel_loop3A_811, %parallel_loop3A_812, %parallel_loop3A_813, %parallel_loop3A_814], %parallel_loop3A_808 {strides = array<i32>} : memref<2x4x4x8x128xf32, #tpu.memory_space<vmem>>, vector<16xf32>,
        %parallel_loop3A_816 = arith.constant 128 : i32
        %parallel_loop3A_817 = arith.muli %parallel_loop3A_740, %parallel_loop3A_816 : i32
        %parallel_loop3A_818 = arith.constant 80 : i32
        %parallel_loop3A_819 = arith.addi %parallel_loop3A_817, %parallel_loop3A_818 : i32
        %parallel_loop3A_820 = vector.broadcast %parallel_loop3A_819 : i32 to vector<16xi32>
        %parallel_loop3A_821 = arith.addi %iota3A, %parallel_loop3A_820 : vector<16xi32>
        %parallel_loop3A_822 = tpu.vector_load_idx %arg7[%parallel_loop3A_821, %parallel_loop3A_745] : memref<512x33xf32, #tpu.memory_space<vmem>>[vector<16xi32>, vector<16xi32>], vector<16xf32>,
        %parallel_loop3A_823 = arith.constant 0 : i32
        %parallel_loop3A_824 = arith.index_cast %rem3A_545 : i32 to index
        %parallel_loop3A_825 = arith.index_cast %parallel_loop3A_738 : i32 to index
        %parallel_loop3A_826 = arith.index_cast %parallel_loop3A_740 : i32 to index
        %parallel_loop3A_827 = arith.index_cast %parallel_loop3A_823 : i32 to index
        %parallel_loop3A_828 = arith.constant 80 : index
        %parallel_loop3A_829 = tpu.vector_load %arg8[%parallel_loop3A_824, %parallel_loop3A_825, %parallel_loop3A_826, %parallel_loop3A_827, %parallel_loop3A_828] {strides = array<i32>} : memref<2x4x4x8x128xf32, #tpu.memory_space<vmem>>, vector<16xf32>,
        tpu.vector_store %arg8[%parallel_loop3A_824, %parallel_loop3A_825, %parallel_loop3A_826, %parallel_loop3A_827, %parallel_loop3A_828], %parallel_loop3A_822 {strides = array<i32>} : memref<2x4x4x8x128xf32, #tpu.memory_space<vmem>>, vector<16xf32>,
        %parallel_loop3A_830 = arith.constant 128 : i32
        %parallel_loop3A_831 = arith.muli %parallel_loop3A_740, %parallel_loop3A_830 : i32
        %parallel_loop3A_832 = arith.constant 96 : i32
        %parallel_loop3A_833 = arith.addi %parallel_loop3A_831, %parallel_loop3A_832 : i32
        %parallel_loop3A_834 = vector.broadcast %parallel_loop3A_833 : i32 to vector<16xi32>
        %parallel_loop3A_835 = arith.addi %iota3A, %parallel_loop3A_834 : vector<16xi32>
        %parallel_loop3A_836 = tpu.vector_load_idx %arg7[%parallel_loop3A_835, %parallel_loop3A_745] : memref<512x33xf32, #tpu.memory_space<vmem>>[vector<16xi32>, vector<16xi32>], vector<16xf32>,
        %parallel_loop3A_837 = arith.constant 0 : i32
        %parallel_loop3A_838 = arith.index_cast %rem3A_545 : i32 to index
        %parallel_loop3A_839 = arith.index_cast %parallel_loop3A_738 : i32 to index
        %parallel_loop3A_840 = arith.index_cast %parallel_loop3A_740 : i32 to index
        %parallel_loop3A_841 = arith.index_cast %parallel_loop3A_837 : i32 to index
        %parallel_loop3A_842 = arith.constant 96 : index
        %parallel_loop3A_843 = tpu.vector_load %arg8[%parallel_loop3A_838, %parallel_loop3A_839, %parallel_loop3A_840, %parallel_loop3A_841, %parallel_loop3A_842] {strides = array<i32>} : memref<2x4x4x8x128xf32, #tpu.memory_space<vmem>>, vector<16xf32>,
        tpu.vector_store %arg8[%parallel_loop3A_838, %parallel_loop3A_839, %parallel_loop3A_840, %parallel_loop3A_841, %parallel_loop3A_842], %parallel_loop3A_836 {strides = array<i32>} : memref<2x4x4x8x128xf32, #tpu.memory_space<vmem>>, vector<16xf32>,
        %parallel_loop3A_844 = arith.constant 128 : i32
        %parallel_loop3A_845 = arith.muli %parallel_loop3A_740, %parallel_loop3A_844 : i32
        %parallel_loop3A_846 = arith.constant 112 : i32
        %parallel_loop3A_847 = arith.addi %parallel_loop3A_845, %parallel_loop3A_846 : i32
        %parallel_loop3A_848 = vector.broadcast %parallel_loop3A_847 : i32 to vector<16xi32>
        %parallel_loop3A_849 = arith.addi %iota3A, %parallel_loop3A_848 : vector<16xi32>
        %parallel_loop3A_850 = tpu.vector_load_idx %arg7[%parallel_loop3A_849, %parallel_loop3A_745] : memref<512x33xf32, #tpu.memory_space<vmem>>[vector<16xi32>, vector<16xi32>], vector<16xf32>,
        %parallel_loop3A_851 = arith.constant 0 : i32
        %parallel_loop3A_852 = arith.index_cast %rem3A_545 : i32 to index
        %parallel_loop3A_853 = arith.index_cast %parallel_loop3A_738 : i32 to index
        %parallel_loop3A_854 = arith.index_cast %parallel_loop3A_740 : i32 to index
        %parallel_loop3A_855 = arith.index_cast %parallel_loop3A_851 : i32 to index
        %parallel_loop3A_856 = arith.constant 112 : index
        %parallel_loop3A_857 = tpu.vector_load %arg8[%parallel_loop3A_852, %parallel_loop3A_853, %parallel_loop3A_854, %parallel_loop3A_855, %parallel_loop3A_856] {strides = array<i32>} : memref<2x4x4x8x128xf32, #tpu.memory_space<vmem>>, vector<16xf32>,
        tpu.vector_store %arg8[%parallel_loop3A_852, %parallel_loop3A_853, %parallel_loop3A_854, %parallel_loop3A_855, %parallel_loop3A_856], %parallel_loop3A_850 {strides = array<i32>} : memref<2x4x4x8x128xf32, #tpu.memory_space<vmem>>, vector<16xf32>,
        %parallel_loop3A_858 = arith.constant 8 : i32
        %parallel_loop3A_859 = arith.muli %parallel_loop3A_738, %parallel_loop3A_858 : i32
        %parallel_loop3A_860 = arith.constant 1 : i32
        %parallel_loop3A_861 = arith.addi %parallel_loop3A_859, %parallel_loop3A_860 : i32
        %parallel_loop3A_862 = vector.broadcast %parallel_loop3A_861 : i32 to vector<16xi32>
        %parallel_loop3A_863 = arith.constant 128 : i32
        %parallel_loop3A_864 = arith.muli %parallel_loop3A_740, %parallel_loop3A_863 : i32
        %parallel_loop3A_865 = arith.constant 0 : i32
        %parallel_loop3A_866 = arith.addi %parallel_loop3A_864, %parallel_loop3A_865 : i32
        %parallel_loop3A_867 = vector.broadcast %parallel_loop3A_866 : i32 to vector<16xi32>
        %parallel_loop3A_868 = arith.addi %iota3A, %parallel_loop3A_867 : vector<16xi32>
        %parallel_loop3A_869 = tpu.vector_load_idx %arg7[%parallel_loop3A_868, %parallel_loop3A_862] : memref<512x33xf32, #tpu.memory_space<vmem>>[vector<16xi32>, vector<16xi32>], vector<16xf32>,
        %parallel_loop3A_870 = arith.constant 1 : i32
        %parallel_loop3A_871 = arith.index_cast %rem3A_545 : i32 to index
        %parallel_loop3A_872 = arith.index_cast %parallel_loop3A_738 : i32 to index
        %parallel_loop3A_873 = arith.index_cast %parallel_loop3A_740 : i32 to index
        %parallel_loop3A_874 = arith.index_cast %parallel_loop3A_870 : i32 to index
        %parallel_loop3A_875 = arith.constant 0 : index
        %parallel_loop3A_876 = tpu.vector_load %arg8[%parallel_loop3A_871, %parallel_loop3A_872, %parallel_loop3A_873, %parallel_loop3A_874, %parallel_loop3A_875] {strides = array<i32>} : memref<2x4x4x8x128xf32, #tpu.memory_space<vmem>>, vector<16xf32>,
        tpu.vector_store %arg8[%parallel_loop3A_871, %parallel_loop3A_872, %parallel_loop3A_873, %parallel_loop3A_874, %parallel_loop3A_875], %parallel_loop3A_869 {strides = array<i32>} : memref<2x4x4x8x128xf32, #tpu.memory_space<vmem>>, vector<16xf32>,
        %parallel_loop3A_877 = arith.constant 128 : i32
        %parallel_loop3A_878 = arith.muli %parallel_loop3A_740, %parallel_loop3A_877 : i32
        %parallel_loop3A_879 = arith.constant 16 : i32
        %parallel_loop3A_880 = arith.addi %parallel_loop3A_878, %parallel_loop3A_879 : i32
        %parallel_loop3A_881 = vector.broadcast %parallel_loop3A_880 : i32 to vector<16xi32>
        %parallel_loop3A_882 = arith.addi %iota3A, %parallel_loop3A_881 : vector<16xi32>
        %parallel_loop3A_883 = tpu.vector_load_idx %arg7[%parallel_loop3A_882, %parallel_loop3A_862] : memref<512x33xf32, #tpu.memory_space<vmem>>[vector<16xi32>, vector<16xi32>], vector<16xf32>,
        %parallel_loop3A_884 = arith.constant 1 : i32
        %parallel_loop3A_885 = arith.index_cast %rem3A_545 : i32 to index
        %parallel_loop3A_886 = arith.index_cast %parallel_loop3A_738 : i32 to index
        %parallel_loop3A_887 = arith.index_cast %parallel_loop3A_740 : i32 to index
        %parallel_loop3A_888 = arith.index_cast %parallel_loop3A_884 : i32 to index
        %parallel_loop3A_889 = arith.constant 16 : index
        %parallel_loop3A_890 = tpu.vector_load %arg8[%parallel_loop3A_885, %parallel_loop3A_886, %parallel_loop3A_887, %parallel_loop3A_888, %parallel_loop3A_889] {strides = array<i32>} : memref<2x4x4x8x128xf32, #tpu.memory_space<vmem>>, vector<16xf32>,
        tpu.vector_store %arg8[%parallel_loop3A_885, %parallel_loop3A_886, %parallel_loop3A_887, %parallel_loop3A_888, %parallel_loop3A_889], %parallel_loop3A_883 {strides = array<i32>} : memref<2x4x4x8x128xf32, #tpu.memory_space<vmem>>, vector<16xf32>,
        %parallel_loop3A_891 = arith.constant 128 : i32
        %parallel_loop3A_892 = arith.muli %parallel_loop3A_740, %parallel_loop3A_891 : i32
        %parallel_loop3A_893 = arith.constant 32 : i32
        %parallel_loop3A_894 = arith.addi %parallel_loop3A_892, %parallel_loop3A_893 : i32
        %parallel_loop3A_895 = vector.broadcast %parallel_loop3A_894 : i32 to vector<16xi32>
        %parallel_loop3A_896 = arith.addi %iota3A, %parallel_loop3A_895 : vector<16xi32>
        %parallel_loop3A_897 = tpu.vector_load_idx %arg7[%parallel_loop3A_896, %parallel_loop3A_862] : memref<512x33xf32, #tpu.memory_space<vmem>>[vector<16xi32>, vector<16xi32>], vector<16xf32>,
        %parallel_loop3A_898 = arith.constant 1 : i32
        %parallel_loop3A_899 = arith.index_cast %rem3A_545 : i32 to index
        %parallel_loop3A_900 = arith.index_cast %parallel_loop3A_738 : i32 to index
        %parallel_loop3A_901 = arith.index_cast %parallel_loop3A_740 : i32 to index
        %parallel_loop3A_902 = arith.index_cast %parallel_loop3A_898 : i32 to index
        %parallel_loop3A_903 = arith.constant 32 : index
        %parallel_loop3A_904 = tpu.vector_load %arg8[%parallel_loop3A_899, %parallel_loop3A_900, %parallel_loop3A_901, %parallel_loop3A_902, %parallel_loop3A_903] {strides = array<i32>} : memref<2x4x4x8x128xf32, #tpu.memory_space<vmem>>, vector<16xf32>,
        tpu.vector_store %arg8[%parallel_loop3A_899, %parallel_loop3A_900, %parallel_loop3A_901, %parallel_loop3A_902, %parallel_loop3A_903], %parallel_loop3A_897 {strides = array<i32>} : memref<2x4x4x8x128xf32, #tpu.memory_space<vmem>>, vector<16xf32>,
        %parallel_loop3A_905 = arith.constant 128 : i32
        %parallel_loop3A_906 = arith.muli %parallel_loop3A_740, %parallel_loop3A_905 : i32
        %parallel_loop3A_907 = arith.constant 48 : i32
        %parallel_loop3A_908 = arith.addi %parallel_loop3A_906, %parallel_loop3A_907 : i32
        %parallel_loop3A_909 = vector.broadcast %parallel_loop3A_908 : i32 to vector<16xi32>
        %parallel_loop3A_910 = arith.addi %iota3A, %parallel_loop3A_909 : vector<16xi32>
        %parallel_loop3A_911 = tpu.vector_load_idx %arg7[%parallel_loop3A_910, %parallel_loop3A_862] : memref<512x33xf32, #tpu.memory_space<vmem>>[vector<16xi32>, vector<16xi32>], vector<16xf32>,
        %parallel_loop3A_912 = arith.constant 1 : i32
        %parallel_loop3A_913 = arith.index_cast %rem3A_545 : i32 to index
        %parallel_loop3A_914 = arith.index_cast %parallel_loop3A_738 : i32 to index
        %parallel_loop3A_915 = arith.index_cast %parallel_loop3A_740 : i32 to index
        %parallel_loop3A_916 = arith.index_cast %parallel_loop3A_912 : i32 to index
        %parallel_loop3A_917 = arith.constant 48 : index
        %parallel_loop3A_918 = tpu.vector_load %arg8[%parallel_loop3A_913, %parallel_loop3A_914, %parallel_loop3A_915, %parallel_loop3A_916, %parallel_loop3A_917] {strides = array<i32>} : memref<2x4x4x8x128xf32, #tpu.memory_space<vmem>>, vector<16xf32>,
        tpu.vector_store %arg8[%parallel_loop3A_913, %parallel_loop3A_914, %parallel_loop3A_915, %parallel_loop3A_916, %parallel_loop3A_917], %parallel_loop3A_911 {strides = array<i32>} : memref<2x4x4x8x128xf32, #tpu.memory_space<vmem>>, vector<16xf32>,
        %parallel_loop3A_919 = arith.constant 128 : i32
        %parallel_loop3A_920 = arith.muli %parallel_loop3A_740, %parallel_loop3A_919 : i32
        %parallel_loop3A_921 = arith.constant 64 : i32
        %parallel_loop3A_922 = arith.addi %parallel_loop3A_920, %parallel_loop3A_921 : i32
        %parallel_loop3A_923 = vector.broadcast %parallel_loop3A_922 : i32 to vector<16xi32>
        %parallel_loop3A_924 = arith.addi %iota3A, %parallel_loop3A_923 : vector<16xi32>
        %parallel_loop3A_925 = tpu.vector_load_idx %arg7[%parallel_loop3A_924, %parallel_loop3A_862] : memref<512x33xf32, #tpu.memory_space<vmem>>[vector<16xi32>, vector<16xi32>], vector<16xf32>,
        %parallel_loop3A_926 = arith.constant 1 : i32
        %parallel_loop3A_927 = arith.index_cast %rem3A_545 : i32 to index
        %parallel_loop3A_928 = arith.index_cast %parallel_loop3A_738 : i32 to index
        %parallel_loop3A_929 = arith.index_cast %parallel_loop3A_740 : i32 to index
        %parallel_loop3A_930 = arith.index_cast %parallel_loop3A_926 : i32 to index
        %parallel_loop3A_931 = arith.constant 64 : index
        %parallel_loop3A_932 = tpu.vector_load %arg8[%parallel_loop3A_927, %parallel_loop3A_928, %parallel_loop3A_929, %parallel_loop3A_930, %parallel_loop3A_931] {strides = array<i32>} : memref<2x4x4x8x128xf32, #tpu.memory_space<vmem>>, vector<16xf32>,
        tpu.vector_store %arg8[%parallel_loop3A_927, %parallel_loop3A_928, %parallel_loop3A_929, %parallel_loop3A_930, %parallel_loop3A_931], %parallel_loop3A_925 {strides = array<i32>} : memref<2x4x4x8x128xf32, #tpu.memory_space<vmem>>, vector<16xf32>,
        %parallel_loop3A_933 = arith.constant 128 : i32
        %parallel_loop3A_934 = arith.muli %parallel_loop3A_740, %parallel_loop3A_933 : i32
        %parallel_loop3A_935 = arith.constant 80 : i32
        %parallel_loop3A_936 = arith.addi %parallel_loop3A_934, %parallel_loop3A_935 : i32
        %parallel_loop3A_937 = vector.broadcast %parallel_loop3A_936 : i32 to vector<16xi32>
        %parallel_loop3A_938 = arith.addi %iota3A, %parallel_loop3A_937 : vector<16xi32>
        %parallel_loop3A_939 = tpu.vector_load_idx %arg7[%parallel_loop3A_938, %parallel_loop3A_862] : memref<512x33xf32, #tpu.memory_space<vmem>>[vector<16xi32>, vector<16xi32>], vector<16xf32>,
        %parallel_loop3A_940 = arith.constant 1 : i32
        %parallel_loop3A_941 = arith.index_cast %rem3A_545 : i32 to index
        %parallel_loop3A_942 = arith.index_cast %parallel_loop3A_738 : i32 to index
        %parallel_loop3A_943 = arith.index_cast %parallel_loop3A_740 : i32 to index
        %parallel_loop3A_944 = arith.index_cast %parallel_loop3A_940 : i32 to index
        %parallel_loop3A_945 = arith.constant 80 : index
        %parallel_loop3A_946 = tpu.vector_load %arg8[%parallel_loop3A_941, %parallel_loop3A_942, %parallel_loop3A_943, %parallel_loop3A_944, %parallel_loop3A_945] {strides = array<i32>} : memref<2x4x4x8x128xf32, #tpu.memory_space<vmem>>, vector<16xf32>,
        tpu.vector_store %arg8[%parallel_loop3A_941, %parallel_loop3A_942, %parallel_loop3A_943, %parallel_loop3A_944, %parallel_loop3A_945], %parallel_loop3A_939 {strides = array<i32>} : memref<2x4x4x8x128xf32, #tpu.memory_space<vmem>>, vector<16xf32>,
        %parallel_loop3A_947 = arith.constant 128 : i32
        %parallel_loop3A_948 = arith.muli %parallel_loop3A_740, %parallel_loop3A_947 : i32
        %parallel_loop3A_949 = arith.constant 96 : i32
        %parallel_loop3A_950 = arith.addi %parallel_loop3A_948, %parallel_loop3A_949 : i32
        %parallel_loop3A_951 = vector.broadcast %parallel_loop3A_950 : i32 to vector<16xi32>
        %parallel_loop3A_952 = arith.addi %iota3A, %parallel_loop3A_951 : vector<16xi32>
        %parallel_loop3A_953 = tpu.vector_load_idx %arg7[%parallel_loop3A_952, %parallel_loop3A_862] : memref<512x33xf32, #tpu.memory_space<vmem>>[vector<16xi32>, vector<16xi32>], vector<16xf32>,
        %parallel_loop3A_954 = arith.constant 1 : i32
        %parallel_loop3A_955 = arith.index_cast %rem3A_545 : i32 to index
        %parallel_loop3A_956 = arith.index_cast %parallel_loop3A_738 : i32 to index
        %parallel_loop3A_957 = arith.index_cast %parallel_loop3A_740 : i32 to index
        %parallel_loop3A_958 = arith.index_cast %parallel_loop3A_954 : i32 to index
        %parallel_loop3A_959 = arith.constant 96 : index
        %parallel_loop3A_960 = tpu.vector_load %arg8[%parallel_loop3A_955, %parallel_loop3A_956, %parallel_loop3A_957, %parallel_loop3A_958, %parallel_loop3A_959] {strides = array<i32>} : memref<2x4x4x8x128xf32, #tpu.memory_space<vmem>>, vector<16xf32>,
        tpu.vector_store %arg8[%parallel_loop3A_955, %parallel_loop3A_956, %parallel_loop3A_957, %parallel_loop3A_958, %parallel_loop3A_959], %parallel_loop3A_953 {strides = array<i32>} : memref<2x4x4x8x128xf32, #tpu.memory_space<vmem>>, vector<16xf32>,
        %parallel_loop3A_961 = arith.constant 128 : i32
        %parallel_loop3A_962 = arith.muli %parallel_loop3A_740, %parallel_loop3A_961 : i32
        %parallel_loop3A_963 = arith.constant 112 : i32
        %parallel_loop3A_964 = arith.addi %parallel_loop3A_962, %parallel_loop3A_963 : i32
        %parallel_loop3A_965 = vector.broadcast %parallel_loop3A_964 : i32 to vector<16xi32>
        %parallel_loop3A_966 = arith.addi %iota3A, %parallel_loop3A_965 : vector<16xi32>
        %parallel_loop3A_967 = tpu.vector_load_idx %arg7[%parallel_loop3A_966, %parallel_loop3A_862] : memref<512x33xf32, #tpu.memory_space<vmem>>[vector<16xi32>, vector<16xi32>], vector<16xf32>,
        %parallel_loop3A_968 = arith.constant 1 : i32
        %parallel_loop3A_969 = arith.index_cast %rem3A_545 : i32 to index
        %parallel_loop3A_970 = arith.index_cast %parallel_loop3A_738 : i32 to index
        %parallel_loop3A_971 = arith.index_cast %parallel_loop3A_740 : i32 to index
        %parallel_loop3A_972 = arith.index_cast %parallel_loop3A_968 : i32 to index
        %parallel_loop3A_973 = arith.constant 112 : index
        %parallel_loop3A_974 = tpu.vector_load %arg8[%parallel_loop3A_969, %parallel_loop3A_970, %parallel_loop3A_971, %parallel_loop3A_972, %parallel_loop3A_973] {strides = array<i32>} : memref<2x4x4x8x128xf32, #tpu.memory_space<vmem>>, vector<16xf32>,
        tpu.vector_store %arg8[%parallel_loop3A_969, %parallel_loop3A_970, %parallel_loop3A_971, %parallel_loop3A_972, %parallel_loop3A_973], %parallel_loop3A_967 {strides = array<i32>} : memref<2x4x4x8x128xf32, #tpu.memory_space<vmem>>, vector<16xf32>,
        %parallel_loop3A_975 = arith.constant 8 : i32
        %parallel_loop3A_976 = arith.muli %parallel_loop3A_738, %parallel_loop3A_975 : i32
        %parallel_loop3A_977 = arith.constant 2 : i32
        %parallel_loop3A_978 = arith.addi %parallel_loop3A_976, %parallel_loop3A_977 : i32
        %parallel_loop3A_979 = vector.broadcast %parallel_loop3A_978 : i32 to vector<16xi32>
        %parallel_loop3A_980 = arith.constant 128 : i32
        %parallel_loop3A_981 = arith.muli %parallel_loop3A_740, %parallel_loop3A_980 : i32
        %parallel_loop3A_982 = arith.constant 0 : i32
        %parallel_loop3A_983 = arith.addi %parallel_loop3A_981, %parallel_loop3A_982 : i32
        %parallel_loop3A_984 = vector.broadcast %parallel_loop3A_983 : i32 to vector<16xi32>
        %parallel_loop3A_985 = arith.addi %iota3A, %parallel_loop3A_984 : vector<16xi32>
        %parallel_loop3A_986 = tpu.vector_load_idx %arg7[%parallel_loop3A_985, %parallel_loop3A_979] : memref<512x33xf32, #tpu.memory_space<vmem>>[vector<16xi32>, vector<16xi32>], vector<16xf32>,
        %parallel_loop3A_987 = arith.constant 2 : i32
        %parallel_loop3A_988 = arith.index_cast %rem3A_545 : i32 to index
        %parallel_loop3A_989 = arith.index_cast %parallel_loop3A_738 : i32 to index
        %parallel_loop3A_990 = arith.index_cast %parallel_loop3A_740 : i32 to index
        %parallel_loop3A_991 = arith.index_cast %parallel_loop3A_987 : i32 to index
        %parallel_loop3A_992 = arith.constant 0 : index
        %parallel_loop3A_993 = tpu.vector_load %arg8[%parallel_loop3A_988, %parallel_loop3A_989, %parallel_loop3A_990, %parallel_loop3A_991, %parallel_loop3A_992] {strides = array<i32>} : memref<2x4x4x8x128xf32, #tpu.memory_space<vmem>>, vector<16xf32>,
        tpu.vector_store %arg8[%parallel_loop3A_988, %parallel_loop3A_989, %parallel_loop3A_990, %parallel_loop3A_991, %parallel_loop3A_992], %parallel_loop3A_986 {strides = array<i32>} : memref<2x4x4x8x128xf32, #tpu.memory_space<vmem>>, vector<16xf32>,
        %parallel_loop3A_994 = arith.constant 128 : i32
        %parallel_loop3A_995 = arith.muli %parallel_loop3A_740, %parallel_loop3A_994 : i32
        %parallel_loop3A_996 = arith.constant 16 : i32
        %parallel_loop3A_997 = arith.addi %parallel_loop3A_995, %parallel_loop3A_996 : i32
        %parallel_loop3A_998 = vector.broadcast %parallel_loop3A_997 : i32 to vector<16xi32>
        %parallel_loop3A_999 = arith.addi %iota3A, %parallel_loop3A_998 : vector<16xi32>
        %parallel_loop3A_1000 = tpu.vector_load_idx %arg7[%parallel_loop3A_999, %parallel_loop3A_979] : memref<512x33xf32, #tpu.memory_space<vmem>>[vector<16xi32>, vector<16xi32>], vector<16xf32>,
        %parallel_loop3A_1001 = arith.constant 2 : i32
        %parallel_loop3A_1002 = arith.index_cast %rem3A_545 : i32 to index
        %parallel_loop3A_1003 = arith.index_cast %parallel_loop3A_738 : i32 to index
        %parallel_loop3A_1004 = arith.index_cast %parallel_loop3A_740 : i32 to index
        %parallel_loop3A_1005 = arith.index_cast %parallel_loop3A_1001 : i32 to index
        %parallel_loop3A_1006 = arith.constant 16 : index
        %parallel_loop3A_1007 = tpu.vector_load %arg8[%parallel_loop3A_1002, %parallel_loop3A_1003, %parallel_loop3A_1004, %parallel_loop3A_1005, %parallel_loop3A_1006] {strides = array<i32>} : memref<2x4x4x8x128xf32, #tpu.memory_space<vmem>>, vector<16xf32>,
        tpu.vector_store %arg8[%parallel_loop3A_1002, %parallel_loop3A_1003, %parallel_loop3A_1004, %parallel_loop3A_1005, %parallel_loop3A_1006], %parallel_loop3A_1000 {strides = array<i32>} : memref<2x4x4x8x128xf32, #tpu.memory_space<vmem>>, vector<16xf32>,
        %parallel_loop3A_1008 = arith.constant 128 : i32
        %parallel_loop3A_1009 = arith.muli %parallel_loop3A_740, %parallel_loop3A_1008 : i32
        %parallel_loop3A_1010 = arith.constant 32 : i32
        %parallel_loop3A_1011 = arith.addi %parallel_loop3A_1009, %parallel_loop3A_1010 : i32
        %parallel_loop3A_1012 = vector.broadcast %parallel_loop3A_1011 : i32 to vector<16xi32>
        %parallel_loop3A_1013 = arith.addi %iota3A, %parallel_loop3A_1012 : vector<16xi32>
        %parallel_loop3A_1014 = tpu.vector_load_idx %arg7[%parallel_loop3A_1013, %parallel_loop3A_979] : memref<512x33xf32, #tpu.memory_space<vmem>>[vector<16xi32>, vector<16xi32>], vector<16xf32>,
        %parallel_loop3A_1015 = arith.constant 2 : i32
        %parallel_loop3A_1016 = arith.index_cast %rem3A_545 : i32 to index
        %parallel_loop3A_1017 = arith.index_cast %parallel_loop3A_738 : i32 to index
        %parallel_loop3A_1018 = arith.index_cast %parallel_loop3A_740 : i32 to index
        %parallel_loop3A_1019 = arith.index_cast %parallel_loop3A_1015 : i32 to index
        %parallel_loop3A_1020 = arith.constant 32 : index
        %parallel_loop3A_1021 = tpu.vector_load %arg8[%parallel_loop3A_1016, %parallel_loop3A_1017, %parallel_loop3A_1018, %parallel_loop3A_1019, %parallel_loop3A_1020] {strides = array<i32>} : memref<2x4x4x8x128xf32, #tpu.memory_space<vmem>>, vector<16xf32>,
        tpu.vector_store %arg8[%parallel_loop3A_1016, %parallel_loop3A_1017, %parallel_loop3A_1018, %parallel_loop3A_1019, %parallel_loop3A_1020], %parallel_loop3A_1014 {strides = array<i32>} : memref<2x4x4x8x128xf32, #tpu.memory_space<vmem>>, vector<16xf32>,
        %parallel_loop3A_1022 = arith.constant 128 : i32
        %parallel_loop3A_1023 = arith.muli %parallel_loop3A_740, %parallel_loop3A_1022 : i32
        %parallel_loop3A_1024 = arith.constant 48 : i32
        %parallel_loop3A_1025 = arith.addi %parallel_loop3A_1023, %parallel_loop3A_1024 : i32
        %parallel_loop3A_1026 = vector.broadcast %parallel_loop3A_1025 : i32 to vector<16xi32>
        %parallel_loop3A_1027 = arith.addi %iota3A, %parallel_loop3A_1026 : vector<16xi32>
        %parallel_loop3A_1028 = tpu.vector_load_idx %arg7[%parallel_loop3A_1027, %parallel_loop3A_979] : memref<512x33xf32, #tpu.memory_space<vmem>>[vector<16xi32>, vector<16xi32>], vector<16xf32>,
        %parallel_loop3A_1029 = arith.constant 2 : i32
        %parallel_loop3A_1030 = arith.index_cast %rem3A_545 : i32 to index
        %parallel_loop3A_1031 = arith.index_cast %parallel_loop3A_738 : i32 to index
        %parallel_loop3A_1032 = arith.index_cast %parallel_loop3A_740 : i32 to index
        %parallel_loop3A_1033 = arith.index_cast %parallel_loop3A_1029 : i32 to index
        %parallel_loop3A_1034 = arith.constant 48 : index
        %parallel_loop3A_1035 = tpu.vector_load %arg8[%parallel_loop3A_1030, %parallel_loop3A_1031, %parallel_loop3A_1032, %parallel_loop3A_1033, %parallel_loop3A_1034] {strides = array<i32>} : memref<2x4x4x8x128xf32, #tpu.memory_space<vmem>>, vector<16xf32>,
        tpu.vector_store %arg8[%parallel_loop3A_1030, %parallel_loop3A_1031, %parallel_loop3A_1032, %parallel_loop3A_1033, %parallel_loop3A_1034], %parallel_loop3A_1028 {strides = array<i32>} : memref<2x4x4x8x128xf32, #tpu.memory_space<vmem>>, vector<16xf32>,
        %parallel_loop3A_1036 = arith.constant 128 : i32
        %parallel_loop3A_1037 = arith.muli %parallel_loop3A_740, %parallel_loop3A_1036 : i32
        %parallel_loop3A_1038 = arith.constant 64 : i32
        %parallel_loop3A_1039 = arith.addi %parallel_loop3A_1037, %parallel_loop3A_1038 : i32
        %parallel_loop3A_1040 = vector.broadcast %parallel_loop3A_1039 : i32 to vector<16xi32>
        %parallel_loop3A_1041 = arith.addi %iota3A, %parallel_loop3A_1040 : vector<16xi32>
        %parallel_loop3A_1042 = tpu.vector_load_idx %arg7[%parallel_loop3A_1041, %parallel_loop3A_979] : memref<512x33xf32, #tpu.memory_space<vmem>>[vector<16xi32>, vector<16xi32>], vector<16xf32>,
        %parallel_loop3A_1043 = arith.constant 2 : i32
        %parallel_loop3A_1044 = arith.index_cast %rem3A_545 : i32 to index
        %parallel_loop3A_1045 = arith.index_cast %parallel_loop3A_738 : i32 to index
        %parallel_loop3A_1046 = arith.index_cast %parallel_loop3A_740 : i32 to index
        %parallel_loop3A_1047 = arith.index_cast %parallel_loop3A_1043 : i32 to index
        %parallel_loop3A_1048 = arith.constant 64 : index
        %parallel_loop3A_1049 = tpu.vector_load %arg8[%parallel_loop3A_1044, %parallel_loop3A_1045, %parallel_loop3A_1046, %parallel_loop3A_1047, %parallel_loop3A_1048] {strides = array<i32>} : memref<2x4x4x8x128xf32, #tpu.memory_space<vmem>>, vector<16xf32>,
        tpu.vector_store %arg8[%parallel_loop3A_1044, %parallel_loop3A_1045, %parallel_loop3A_1046, %parallel_loop3A_1047, %parallel_loop3A_1048], %parallel_loop3A_1042 {strides = array<i32>} : memref<2x4x4x8x128xf32, #tpu.memory_space<vmem>>, vector<16xf32>,
        %parallel_loop3A_1050 = arith.constant 128 : i32
        %parallel_loop3A_1051 = arith.muli %parallel_loop3A_740, %parallel_loop3A_1050 : i32
        %parallel_loop3A_1052 = arith.constant 80 : i32
        %parallel_loop3A_1053 = arith.addi %parallel_loop3A_1051, %parallel_loop3A_1052 : i32
        %parallel_loop3A_1054 = vector.broadcast %parallel_loop3A_1053 : i32 to vector<16xi32>
        %parallel_loop3A_1055 = arith.addi %iota3A, %parallel_loop3A_1054 : vector<16xi32>
        %parallel_loop3A_1056 = tpu.vector_load_idx %arg7[%parallel_loop3A_1055, %parallel_loop3A_979] : memref<512x33xf32, #tpu.memory_space<vmem>>[vector<16xi32>, vector<16xi32>], vector<16xf32>,
        %parallel_loop3A_1057 = arith.constant 2 : i32
        %parallel_loop3A_1058 = arith.index_cast %rem3A_545 : i32 to index
        %parallel_loop3A_1059 = arith.index_cast %parallel_loop3A_738 : i32 to index
        %parallel_loop3A_1060 = arith.index_cast %parallel_loop3A_740 : i32 to index
        %parallel_loop3A_1061 = arith.index_cast %parallel_loop3A_1057 : i32 to index
        %parallel_loop3A_1062 = arith.constant 80 : index
        %parallel_loop3A_1063 = tpu.vector_load %arg8[%parallel_loop3A_1058, %parallel_loop3A_1059, %parallel_loop3A_1060, %parallel_loop3A_1061, %parallel_loop3A_1062] {strides = array<i32>} : memref<2x4x4x8x128xf32, #tpu.memory_space<vmem>>, vector<16xf32>,
        tpu.vector_store %arg8[%parallel_loop3A_1058, %parallel_loop3A_1059, %parallel_loop3A_1060, %parallel_loop3A_1061, %parallel_loop3A_1062], %parallel_loop3A_1056 {strides = array<i32>} : memref<2x4x4x8x128xf32, #tpu.memory_space<vmem>>, vector<16xf32>,
        %parallel_loop3A_1064 = arith.constant 128 : i32
        %parallel_loop3A_1065 = arith.muli %parallel_loop3A_740, %parallel_loop3A_1064 : i32
        %parallel_loop3A_1066 = arith.constant 96 : i32
        %parallel_loop3A_1067 = arith.addi %parallel_loop3A_1065, %parallel_loop3A_1066 : i32
        %parallel_loop3A_1068 = vector.broadcast %parallel_loop3A_1067 : i32 to vector<16xi32>
        %parallel_loop3A_1069 = arith.addi %iota3A, %parallel_loop3A_1068 : vector<16xi32>
        %parallel_loop3A_1070 = tpu.vector_load_idx %arg7[%parallel_loop3A_1069, %parallel_loop3A_979] : memref<512x33xf32, #tpu.memory_space<vmem>>[vector<16xi32>, vector<16xi32>], vector<16xf32>,
        %parallel_loop3A_1071 = arith.constant 2 : i32
        %parallel_loop3A_1072 = arith.index_cast %rem3A_545 : i32 to index
        %parallel_loop3A_1073 = arith.index_cast %parallel_loop3A_738 : i32 to index
        %parallel_loop3A_1074 = arith.index_cast %parallel_loop3A_740 : i32 to index
        %parallel_loop3A_1075 = arith.index_cast %parallel_loop3A_1071 : i32 to index
        %parallel_loop3A_1076 = arith.constant 96 : index
        %parallel_loop3A_1077 = tpu.vector_load %arg8[%parallel_loop3A_1072, %parallel_loop3A_1073, %parallel_loop3A_1074, %parallel_loop3A_1075, %parallel_loop3A_1076] {strides = array<i32>} : memref<2x4x4x8x128xf32, #tpu.memory_space<vmem>>, vector<16xf32>,
        tpu.vector_store %arg8[%parallel_loop3A_1072, %parallel_loop3A_1073, %parallel_loop3A_1074, %parallel_loop3A_1075, %parallel_loop3A_1076], %parallel_loop3A_1070 {strides = array<i32>} : memref<2x4x4x8x128xf32, #tpu.memory_space<vmem>>, vector<16xf32>,
        %parallel_loop3A_1078 = arith.constant 128 : i32
        %parallel_loop3A_1079 = arith.muli %parallel_loop3A_740, %parallel_loop3A_1078 : i32
        %parallel_loop3A_1080 = arith.constant 112 : i32
        %parallel_loop3A_1081 = arith.addi %parallel_loop3A_1079, %parallel_loop3A_1080 : i32
        %parallel_loop3A_1082 = vector.broadcast %parallel_loop3A_1081 : i32 to vector<16xi32>
        %parallel_loop3A_1083 = arith.addi %iota3A, %parallel_loop3A_1082 : vector<16xi32>
        %parallel_loop3A_1084 = tpu.vector_load_idx %arg7[%parallel_loop3A_1083, %parallel_loop3A_979] : memref<512x33xf32, #tpu.memory_space<vmem>>[vector<16xi32>, vector<16xi32>], vector<16xf32>,
        %parallel_loop3A_1085 = arith.constant 2 : i32
        %parallel_loop3A_1086 = arith.index_cast %rem3A_545 : i32 to index
        %parallel_loop3A_1087 = arith.index_cast %parallel_loop3A_738 : i32 to index
        %parallel_loop3A_1088 = arith.index_cast %parallel_loop3A_740 : i32 to index
        %parallel_loop3A_1089 = arith.index_cast %parallel_loop3A_1085 : i32 to index
        %parallel_loop3A_1090 = arith.constant 112 : index
        %parallel_loop3A_1091 = tpu.vector_load %arg8[%parallel_loop3A_1086, %parallel_loop3A_1087, %parallel_loop3A_1088, %parallel_loop3A_1089, %parallel_loop3A_1090] {strides = array<i32>} : memref<2x4x4x8x128xf32, #tpu.memory_space<vmem>>, vector<16xf32>,
        tpu.vector_store %arg8[%parallel_loop3A_1086, %parallel_loop3A_1087, %parallel_loop3A_1088, %parallel_loop3A_1089, %parallel_loop3A_1090], %parallel_loop3A_1084 {strides = array<i32>} : memref<2x4x4x8x128xf32, #tpu.memory_space<vmem>>, vector<16xf32>,
        %parallel_loop3A_1092 = arith.constant 8 : i32
        %parallel_loop3A_1093 = arith.muli %parallel_loop3A_738, %parallel_loop3A_1092 : i32
        %parallel_loop3A_1094 = arith.constant 3 : i32
        %parallel_loop3A_1095 = arith.addi %parallel_loop3A_1093, %parallel_loop3A_1094 : i32
        %parallel_loop3A_1096 = vector.broadcast %parallel_loop3A_1095 : i32 to vector<16xi32>
        %parallel_loop3A_1097 = arith.constant 128 : i32
        %parallel_loop3A_1098 = arith.muli %parallel_loop3A_740, %parallel_loop3A_1097 : i32
        %parallel_loop3A_1099 = arith.constant 0 : i32
        %parallel_loop3A_1100 = arith.addi %parallel_loop3A_1098, %parallel_loop3A_1099 : i32
        %parallel_loop3A_1101 = vector.broadcast %parallel_loop3A_1100 : i32 to vector<16xi32>
        %parallel_loop3A_1102 = arith.addi %iota3A, %parallel_loop3A_1101 : vector<16xi32>
        %parallel_loop3A_1103 = tpu.vector_load_idx %arg7[%parallel_loop3A_1102, %parallel_loop3A_1096] : memref<512x33xf32, #tpu.memory_space<vmem>>[vector<16xi32>, vector<16xi32>], vector<16xf32>,
        %parallel_loop3A_1104 = arith.constant 3 : i32
        %parallel_loop3A_1105 = arith.index_cast %rem3A_545 : i32 to index
        %parallel_loop3A_1106 = arith.index_cast %parallel_loop3A_738 : i32 to index
        %parallel_loop3A_1107 = arith.index_cast %parallel_loop3A_740 : i32 to index
        %parallel_loop3A_1108 = arith.index_cast %parallel_loop3A_1104 : i32 to index
        %parallel_loop3A_1109 = arith.constant 0 : index
        %parallel_loop3A_1110 = tpu.vector_load %arg8[%parallel_loop3A_1105, %parallel_loop3A_1106, %parallel_loop3A_1107, %parallel_loop3A_1108, %parallel_loop3A_1109] {strides = array<i32>} : memref<2x4x4x8x128xf32, #tpu.memory_space<vmem>>, vector<16xf32>,
        tpu.vector_store %arg8[%parallel_loop3A_1105, %parallel_loop3A_1106, %parallel_loop3A_1107, %parallel_loop3A_1108, %parallel_loop3A_1109], %parallel_loop3A_1103 {strides = array<i32>} : memref<2x4x4x8x128xf32, #tpu.memory_space<vmem>>, vector<16xf32>,
        %parallel_loop3A_1111 = arith.constant 128 : i32
        %parallel_loop3A_1112 = arith.muli %parallel_loop3A_740, %parallel_loop3A_1111 : i32
        %parallel_loop3A_1113 = arith.constant 16 : i32
        %parallel_loop3A_1114 = arith.addi %parallel_loop3A_1112, %parallel_loop3A_1113 : i32
        %parallel_loop3A_1115 = vector.broadcast %parallel_loop3A_1114 : i32 to vector<16xi32>
        %parallel_loop3A_1116 = arith.addi %iota3A, %parallel_loop3A_1115 : vector<16xi32>
        %parallel_loop3A_1117 = tpu.vector_load_idx %arg7[%parallel_loop3A_1116, %parallel_loop3A_1096] : memref<512x33xf32, #tpu.memory_space<vmem>>[vector<16xi32>, vector<16xi32>], vector<16xf32>,
        %parallel_loop3A_1118 = arith.constant 3 : i32
        %parallel_loop3A_1119 = arith.index_cast %rem3A_545 : i32 to index
        %parallel_loop3A_1120 = arith.index_cast %parallel_loop3A_738 : i32 to index
        %parallel_loop3A_1121 = arith.index_cast %parallel_loop3A_740 : i32 to index
        %parallel_loop3A_1122 = arith.index_cast %parallel_loop3A_1118 : i32 to index
        %parallel_loop3A_1123 = arith.constant 16 : index
        %parallel_loop3A_1124 = tpu.vector_load %arg8[%parallel_loop3A_1119, %parallel_loop3A_1120, %parallel_loop3A_1121, %parallel_loop3A_1122, %parallel_loop3A_1123] {strides = array<i32>} : memref<2x4x4x8x128xf32, #tpu.memory_space<vmem>>, vector<16xf32>,
        tpu.vector_store %arg8[%parallel_loop3A_1119, %parallel_loop3A_1120, %parallel_loop3A_1121, %parallel_loop3A_1122, %parallel_loop3A_1123], %parallel_loop3A_1117 {strides = array<i32>} : memref<2x4x4x8x128xf32, #tpu.memory_space<vmem>>, vector<16xf32>,
        %parallel_loop3A_1125 = arith.constant 128 : i32
        %parallel_loop3A_1126 = arith.muli %parallel_loop3A_740, %parallel_loop3A_1125 : i32
        %parallel_loop3A_1127 = arith.constant 32 : i32
        %parallel_loop3A_1128 = arith.addi %parallel_loop3A_1126, %parallel_loop3A_1127 : i32
        %parallel_loop3A_1129 = vector.broadcast %parallel_loop3A_1128 : i32 to vector<16xi32>
        %parallel_loop3A_1130 = arith.addi %iota3A, %parallel_loop3A_1129 : vector<16xi32>
        %parallel_loop3A_1131 = tpu.vector_load_idx %arg7[%parallel_loop3A_1130, %parallel_loop3A_1096] : memref<512x33xf32, #tpu.memory_space<vmem>>[vector<16xi32>, vector<16xi32>], vector<16xf32>,
        %parallel_loop3A_1132 = arith.constant 3 : i32
        %parallel_loop3A_1133 = arith.index_cast %rem3A_545 : i32 to index
        %parallel_loop3A_1134 = arith.index_cast %parallel_loop3A_738 : i32 to index
        %parallel_loop3A_1135 = arith.index_cast %parallel_loop3A_740 : i32 to index
        %parallel_loop3A_1136 = arith.index_cast %parallel_loop3A_1132 : i32 to index
        %parallel_loop3A_1137 = arith.constant 32 : index
        %parallel_loop3A_1138 = tpu.vector_load %arg8[%parallel_loop3A_1133, %parallel_loop3A_1134, %parallel_loop3A_1135, %parallel_loop3A_1136, %parallel_loop3A_1137] {strides = array<i32>} : memref<2x4x4x8x128xf32, #tpu.memory_space<vmem>>, vector<16xf32>,
        tpu.vector_store %arg8[%parallel_loop3A_1133, %parallel_loop3A_1134, %parallel_loop3A_1135, %parallel_loop3A_1136, %parallel_loop3A_1137], %parallel_loop3A_1131 {strides = array<i32>} : memref<2x4x4x8x128xf32, #tpu.memory_space<vmem>>, vector<16xf32>,
        %parallel_loop3A_1139 = arith.constant 128 : i32
        %parallel_loop3A_1140 = arith.muli %parallel_loop3A_740, %parallel_loop3A_1139 : i32
        %parallel_loop3A_1141 = arith.constant 48 : i32
        %parallel_loop3A_1142 = arith.addi %parallel_loop3A_1140, %parallel_loop3A_1141 : i32
        %parallel_loop3A_1143 = vector.broadcast %parallel_loop3A_1142 : i32 to vector<16xi32>
        %parallel_loop3A_1144 = arith.addi %iota3A, %parallel_loop3A_1143 : vector<16xi32>
        %parallel_loop3A_1145 = tpu.vector_load_idx %arg7[%parallel_loop3A_1144, %parallel_loop3A_1096] : memref<512x33xf32, #tpu.memory_space<vmem>>[vector<16xi32>, vector<16xi32>], vector<16xf32>,
        %parallel_loop3A_1146 = arith.constant 3 : i32
        %parallel_loop3A_1147 = arith.index_cast %rem3A_545 : i32 to index
        %parallel_loop3A_1148 = arith.index_cast %parallel_loop3A_738 : i32 to index
        %parallel_loop3A_1149 = arith.index_cast %parallel_loop3A_740 : i32 to index
        %parallel_loop3A_1150 = arith.index_cast %parallel_loop3A_1146 : i32 to index
        %parallel_loop3A_1151 = arith.constant 48 : index
        %parallel_loop3A_1152 = tpu.vector_load %arg8[%parallel_loop3A_1147, %parallel_loop3A_1148, %parallel_loop3A_1149, %parallel_loop3A_1150, %parallel_loop3A_1151] {strides = array<i32>} : memref<2x4x4x8x128xf32, #tpu.memory_space<vmem>>, vector<16xf32>,
        tpu.vector_store %arg8[%parallel_loop3A_1147, %parallel_loop3A_1148, %parallel_loop3A_1149, %parallel_loop3A_1150, %parallel_loop3A_1151], %parallel_loop3A_1145 {strides = array<i32>} : memref<2x4x4x8x128xf32, #tpu.memory_space<vmem>>, vector<16xf32>,
        %parallel_loop3A_1153 = arith.constant 128 : i32
        %parallel_loop3A_1154 = arith.muli %parallel_loop3A_740, %parallel_loop3A_1153 : i32
        %parallel_loop3A_1155 = arith.constant 64 : i32
        %parallel_loop3A_1156 = arith.addi %parallel_loop3A_1154, %parallel_loop3A_1155 : i32
        %parallel_loop3A_1157 = vector.broadcast %parallel_loop3A_1156 : i32 to vector<16xi32>
        %parallel_loop3A_1158 = arith.addi %iota3A, %parallel_loop3A_1157 : vector<16xi32>
        %parallel_loop3A_1159 = tpu.vector_load_idx %arg7[%parallel_loop3A_1158, %parallel_loop3A_1096] : memref<512x33xf32, #tpu.memory_space<vmem>>[vector<16xi32>, vector<16xi32>], vector<16xf32>,
        %parallel_loop3A_1160 = arith.constant 3 : i32
        %parallel_loop3A_1161 = arith.index_cast %rem3A_545 : i32 to index
        %parallel_loop3A_1162 = arith.index_cast %parallel_loop3A_738 : i32 to index
        %parallel_loop3A_1163 = arith.index_cast %parallel_loop3A_740 : i32 to index
        %parallel_loop3A_1164 = arith.index_cast %parallel_loop3A_1160 : i32 to index
        %parallel_loop3A_1165 = arith.constant 64 : index
        %parallel_loop3A_1166 = tpu.vector_load %arg8[%parallel_loop3A_1161, %parallel_loop3A_1162, %parallel_loop3A_1163, %parallel_loop3A_1164, %parallel_loop3A_1165] {strides = array<i32>} : memref<2x4x4x8x128xf32, #tpu.memory_space<vmem>>, vector<16xf32>,
        tpu.vector_store %arg8[%parallel_loop3A_1161, %parallel_loop3A_1162, %parallel_loop3A_1163, %parallel_loop3A_1164, %parallel_loop3A_1165], %parallel_loop3A_1159 {strides = array<i32>} : memref<2x4x4x8x128xf32, #tpu.memory_space<vmem>>, vector<16xf32>,
        %parallel_loop3A_1167 = arith.constant 128 : i32
        %parallel_loop3A_1168 = arith.muli %parallel_loop3A_740, %parallel_loop3A_1167 : i32
        %parallel_loop3A_1169 = arith.constant 80 : i32
        %parallel_loop3A_1170 = arith.addi %parallel_loop3A_1168, %parallel_loop3A_1169 : i32
        %parallel_loop3A_1171 = vector.broadcast %parallel_loop3A_1170 : i32 to vector<16xi32>
        %parallel_loop3A_1172 = arith.addi %iota3A, %parallel_loop3A_1171 : vector<16xi32>
        %parallel_loop3A_1173 = tpu.vector_load_idx %arg7[%parallel_loop3A_1172, %parallel_loop3A_1096] : memref<512x33xf32, #tpu.memory_space<vmem>>[vector<16xi32>, vector<16xi32>], vector<16xf32>,
        %parallel_loop3A_1174 = arith.constant 3 : i32
        %parallel_loop3A_1175 = arith.index_cast %rem3A_545 : i32 to index
        %parallel_loop3A_1176 = arith.index_cast %parallel_loop3A_738 : i32 to index
        %parallel_loop3A_1177 = arith.index_cast %parallel_loop3A_740 : i32 to index
        %parallel_loop3A_1178 = arith.index_cast %parallel_loop3A_1174 : i32 to index
        %parallel_loop3A_1179 = arith.constant 80 : index
        %parallel_loop3A_1180 = tpu.vector_load %arg8[%parallel_loop3A_1175, %parallel_loop3A_1176, %parallel_loop3A_1177, %parallel_loop3A_1178, %parallel_loop3A_1179] {strides = array<i32>} : memref<2x4x4x8x128xf32, #tpu.memory_space<vmem>>, vector<16xf32>,
        tpu.vector_store %arg8[%parallel_loop3A_1175, %parallel_loop3A_1176, %parallel_loop3A_1177, %parallel_loop3A_1178, %parallel_loop3A_1179], %parallel_loop3A_1173 {strides = array<i32>} : memref<2x4x4x8x128xf32, #tpu.memory_space<vmem>>, vector<16xf32>,
        %parallel_loop3A_1181 = arith.constant 128 : i32
        %parallel_loop3A_1182 = arith.muli %parallel_loop3A_740, %parallel_loop3A_1181 : i32
        %parallel_loop3A_1183 = arith.constant 96 : i32
        %parallel_loop3A_1184 = arith.addi %parallel_loop3A_1182, %parallel_loop3A_1183 : i32
        %parallel_loop3A_1185 = vector.broadcast %parallel_loop3A_1184 : i32 to vector<16xi32>
        %parallel_loop3A_1186 = arith.addi %iota3A, %parallel_loop3A_1185 : vector<16xi32>
        %parallel_loop3A_1187 = tpu.vector_load_idx %arg7[%parallel_loop3A_1186, %parallel_loop3A_1096] : memref<512x33xf32, #tpu.memory_space<vmem>>[vector<16xi32>, vector<16xi32>], vector<16xf32>,
        %parallel_loop3A_1188 = arith.constant 3 : i32
        %parallel_loop3A_1189 = arith.index_cast %rem3A_545 : i32 to index
        %parallel_loop3A_1190 = arith.index_cast %parallel_loop3A_738 : i32 to index
        %parallel_loop3A_1191 = arith.index_cast %parallel_loop3A_740 : i32 to index
        %parallel_loop3A_1192 = arith.index_cast %parallel_loop3A_1188 : i32 to index
        %parallel_loop3A_1193 = arith.constant 96 : index
        %parallel_loop3A_1194 = tpu.vector_load %arg8[%parallel_loop3A_1189, %parallel_loop3A_1190, %parallel_loop3A_1191, %parallel_loop3A_1192, %parallel_loop3A_1193] {strides = array<i32>} : memref<2x4x4x8x128xf32, #tpu.memory_space<vmem>>, vector<16xf32>,
        tpu.vector_store %arg8[%parallel_loop3A_1189, %parallel_loop3A_1190, %parallel_loop3A_1191, %parallel_loop3A_1192, %parallel_loop3A_1193], %parallel_loop3A_1187 {strides = array<i32>} : memref<2x4x4x8x128xf32, #tpu.memory_space<vmem>>, vector<16xf32>,
        %parallel_loop3A_1195 = arith.constant 128 : i32
        %parallel_loop3A_1196 = arith.muli %parallel_loop3A_740, %parallel_loop3A_1195 : i32
        %parallel_loop3A_1197 = arith.constant 112 : i32
        %parallel_loop3A_1198 = arith.addi %parallel_loop3A_1196, %parallel_loop3A_1197 : i32
        %parallel_loop3A_1199 = vector.broadcast %parallel_loop3A_1198 : i32 to vector<16xi32>
        %parallel_loop3A_1200 = arith.addi %iota3A, %parallel_loop3A_1199 : vector<16xi32>
        %parallel_loop3A_1201 = tpu.vector_load_idx %arg7[%parallel_loop3A_1200, %parallel_loop3A_1096] : memref<512x33xf32, #tpu.memory_space<vmem>>[vector<16xi32>, vector<16xi32>], vector<16xf32>,
        %parallel_loop3A_1202 = arith.constant 3 : i32
        %parallel_loop3A_1203 = arith.index_cast %rem3A_545 : i32 to index
        %parallel_loop3A_1204 = arith.index_cast %parallel_loop3A_738 : i32 to index
        %parallel_loop3A_1205 = arith.index_cast %parallel_loop3A_740 : i32 to index
        %parallel_loop3A_1206 = arith.index_cast %parallel_loop3A_1202 : i32 to index
        %parallel_loop3A_1207 = arith.constant 112 : index
        %parallel_loop3A_1208 = tpu.vector_load %arg8[%parallel_loop3A_1203, %parallel_loop3A_1204, %parallel_loop3A_1205, %parallel_loop3A_1206, %parallel_loop3A_1207] {strides = array<i32>} : memref<2x4x4x8x128xf32, #tpu.memory_space<vmem>>, vector<16xf32>,
        tpu.vector_store %arg8[%parallel_loop3A_1203, %parallel_loop3A_1204, %parallel_loop3A_1205, %parallel_loop3A_1206, %parallel_loop3A_1207], %parallel_loop3A_1201 {strides = array<i32>} : memref<2x4x4x8x128xf32, #tpu.memory_space<vmem>>, vector<16xf32>,
        %parallel_loop3A_1209 = arith.constant 8 : i32
        %parallel_loop3A_1210 = arith.muli %parallel_loop3A_738, %parallel_loop3A_1209 : i32
        %parallel_loop3A_1211 = arith.constant 4 : i32
        %parallel_loop3A_1212 = arith.addi %parallel_loop3A_1210, %parallel_loop3A_1211 : i32
        %parallel_loop3A_1213 = vector.broadcast %parallel_loop3A_1212 : i32 to vector<16xi32>
        %parallel_loop3A_1214 = arith.constant 128 : i32
        %parallel_loop3A_1215 = arith.muli %parallel_loop3A_740, %parallel_loop3A_1214 : i32
        %parallel_loop3A_1216 = arith.constant 0 : i32
        %parallel_loop3A_1217 = arith.addi %parallel_loop3A_1215, %parallel_loop3A_1216 : i32
        %parallel_loop3A_1218 = vector.broadcast %parallel_loop3A_1217 : i32 to vector<16xi32>
        %parallel_loop3A_1219 = arith.addi %iota3A, %parallel_loop3A_1218 : vector<16xi32>
        %parallel_loop3A_1220 = tpu.vector_load_idx %arg7[%parallel_loop3A_1219, %parallel_loop3A_1213] : memref<512x33xf32, #tpu.memory_space<vmem>>[vector<16xi32>, vector<16xi32>], vector<16xf32>,
        %parallel_loop3A_1221 = arith.constant 4 : i32
        %parallel_loop3A_1222 = arith.index_cast %rem3A_545 : i32 to index
        %parallel_loop3A_1223 = arith.index_cast %parallel_loop3A_738 : i32 to index
        %parallel_loop3A_1224 = arith.index_cast %parallel_loop3A_740 : i32 to index
        %parallel_loop3A_1225 = arith.index_cast %parallel_loop3A_1221 : i32 to index
        %parallel_loop3A_1226 = arith.constant 0 : index
        %parallel_loop3A_1227 = tpu.vector_load %arg8[%parallel_loop3A_1222, %parallel_loop3A_1223, %parallel_loop3A_1224, %parallel_loop3A_1225, %parallel_loop3A_1226] {strides = array<i32>} : memref<2x4x4x8x128xf32, #tpu.memory_space<vmem>>, vector<16xf32>,
        tpu.vector_store %arg8[%parallel_loop3A_1222, %parallel_loop3A_1223, %parallel_loop3A_1224, %parallel_loop3A_1225, %parallel_loop3A_1226], %parallel_loop3A_1220 {strides = array<i32>} : memref<2x4x4x8x128xf32, #tpu.memory_space<vmem>>, vector<16xf32>,
        %parallel_loop3A_1228 = arith.constant 128 : i32
        %parallel_loop3A_1229 = arith.muli %parallel_loop3A_740, %parallel_loop3A_1228 : i32
        %parallel_loop3A_1230 = arith.constant 16 : i32
        %parallel_loop3A_1231 = arith.addi %parallel_loop3A_1229, %parallel_loop3A_1230 : i32
        %parallel_loop3A_1232 = vector.broadcast %parallel_loop3A_1231 : i32 to vector<16xi32>
        %parallel_loop3A_1233 = arith.addi %iota3A, %parallel_loop3A_1232 : vector<16xi32>
        %parallel_loop3A_1234 = tpu.vector_load_idx %arg7[%parallel_loop3A_1233, %parallel_loop3A_1213] : memref<512x33xf32, #tpu.memory_space<vmem>>[vector<16xi32>, vector<16xi32>], vector<16xf32>,
        %parallel_loop3A_1235 = arith.constant 4 : i32
        %parallel_loop3A_1236 = arith.index_cast %rem3A_545 : i32 to index
        %parallel_loop3A_1237 = arith.index_cast %parallel_loop3A_738 : i32 to index
        %parallel_loop3A_1238 = arith.index_cast %parallel_loop3A_740 : i32 to index
        %parallel_loop3A_1239 = arith.index_cast %parallel_loop3A_1235 : i32 to index
        %parallel_loop3A_1240 = arith.constant 16 : index
        %parallel_loop3A_1241 = tpu.vector_load %arg8[%parallel_loop3A_1236, %parallel_loop3A_1237, %parallel_loop3A_1238, %parallel_loop3A_1239, %parallel_loop3A_1240] {strides = array<i32>} : memref<2x4x4x8x128xf32, #tpu.memory_space<vmem>>, vector<16xf32>,
        tpu.vector_store %arg8[%parallel_loop3A_1236, %parallel_loop3A_1237, %parallel_loop3A_1238, %parallel_loop3A_1239, %parallel_loop3A_1240], %parallel_loop3A_1234 {strides = array<i32>} : memref<2x4x4x8x128xf32, #tpu.memory_space<vmem>>, vector<16xf32>,
        %parallel_loop3A_1242 = arith.constant 128 : i32
        %parallel_loop3A_1243 = arith.muli %parallel_loop3A_740, %parallel_loop3A_1242 : i32
        %parallel_loop3A_1244 = arith.constant 32 : i32
        %parallel_loop3A_1245 = arith.addi %parallel_loop3A_1243, %parallel_loop3A_1244 : i32
        %parallel_loop3A_1246 = vector.broadcast %parallel_loop3A_1245 : i32 to vector<16xi32>
        %parallel_loop3A_1247 = arith.addi %iota3A, %parallel_loop3A_1246 : vector<16xi32>
        %parallel_loop3A_1248 = tpu.vector_load_idx %arg7[%parallel_loop3A_1247, %parallel_loop3A_1213] : memref<512x33xf32, #tpu.memory_space<vmem>>[vector<16xi32>, vector<16xi32>], vector<16xf32>,
        %parallel_loop3A_1249 = arith.constant 4 : i32
        %parallel_loop3A_1250 = arith.index_cast %rem3A_545 : i32 to index
        %parallel_loop3A_1251 = arith.index_cast %parallel_loop3A_738 : i32 to index
        %parallel_loop3A_1252 = arith.index_cast %parallel_loop3A_740 : i32 to index
        %parallel_loop3A_1253 = arith.index_cast %parallel_loop3A_1249 : i32 to index
        %parallel_loop3A_1254 = arith.constant 32 : index
        %parallel_loop3A_1255 = tpu.vector_load %arg8[%parallel_loop3A_1250, %parallel_loop3A_1251, %parallel_loop3A_1252, %parallel_loop3A_1253, %parallel_loop3A_1254] {strides = array<i32>} : memref<2x4x4x8x128xf32, #tpu.memory_space<vmem>>, vector<16xf32>,
        tpu.vector_store %arg8[%parallel_loop3A_1250, %parallel_loop3A_1251, %parallel_loop3A_1252, %parallel_loop3A_1253, %parallel_loop3A_1254], %parallel_loop3A_1248 {strides = array<i32>} : memref<2x4x4x8x128xf32, #tpu.memory_space<vmem>>, vector<16xf32>,
        %parallel_loop3A_1256 = arith.constant 128 : i32
        %parallel_loop3A_1257 = arith.muli %parallel_loop3A_740, %parallel_loop3A_1256 : i32
        %parallel_loop3A_1258 = arith.constant 48 : i32
        %parallel_loop3A_1259 = arith.addi %parallel_loop3A_1257, %parallel_loop3A_1258 : i32
        %parallel_loop3A_1260 = vector.broadcast %parallel_loop3A_1259 : i32 to vector<16xi32>
        %parallel_loop3A_1261 = arith.addi %iota3A, %parallel_loop3A_1260 : vector<16xi32>
        %parallel_loop3A_1262 = tpu.vector_load_idx %arg7[%parallel_loop3A_1261, %parallel_loop3A_1213] : memref<512x33xf32, #tpu.memory_space<vmem>>[vector<16xi32>, vector<16xi32>], vector<16xf32>,
        %parallel_loop3A_1263 = arith.constant 4 : i32
        %parallel_loop3A_1264 = arith.index_cast %rem3A_545 : i32 to index
        %parallel_loop3A_1265 = arith.index_cast %parallel_loop3A_738 : i32 to index
        %parallel_loop3A_1266 = arith.index_cast %parallel_loop3A_740 : i32 to index
        %parallel_loop3A_1267 = arith.index_cast %parallel_loop3A_1263 : i32 to index
        %parallel_loop3A_1268 = arith.constant 48 : index
        %parallel_loop3A_1269 = tpu.vector_load %arg8[%parallel_loop3A_1264, %parallel_loop3A_1265, %parallel_loop3A_1266, %parallel_loop3A_1267, %parallel_loop3A_1268] {strides = array<i32>} : memref<2x4x4x8x128xf32, #tpu.memory_space<vmem>>, vector<16xf32>,
        tpu.vector_store %arg8[%parallel_loop3A_1264, %parallel_loop3A_1265, %parallel_loop3A_1266, %parallel_loop3A_1267, %parallel_loop3A_1268], %parallel_loop3A_1262 {strides = array<i32>} : memref<2x4x4x8x128xf32, #tpu.memory_space<vmem>>, vector<16xf32>,
        %parallel_loop3A_1270 = arith.constant 128 : i32
        %parallel_loop3A_1271 = arith.muli %parallel_loop3A_740, %parallel_loop3A_1270 : i32
        %parallel_loop3A_1272 = arith.constant 64 : i32
        %parallel_loop3A_1273 = arith.addi %parallel_loop3A_1271, %parallel_loop3A_1272 : i32
        %parallel_loop3A_1274 = vector.broadcast %parallel_loop3A_1273 : i32 to vector<16xi32>
        %parallel_loop3A_1275 = arith.addi %iota3A, %parallel_loop3A_1274 : vector<16xi32>
        %parallel_loop3A_1276 = tpu.vector_load_idx %arg7[%parallel_loop3A_1275, %parallel_loop3A_1213] : memref<512x33xf32, #tpu.memory_space<vmem>>[vector<16xi32>, vector<16xi32>], vector<16xf32>,
        %parallel_loop3A_1277 = arith.constant 4 : i32
        %parallel_loop3A_1278 = arith.index_cast %rem3A_545 : i32 to index
        %parallel_loop3A_1279 = arith.index_cast %parallel_loop3A_738 : i32 to index
        %parallel_loop3A_1280 = arith.index_cast %parallel_loop3A_740 : i32 to index
        %parallel_loop3A_1281 = arith.index_cast %parallel_loop3A_1277 : i32 to index
        %parallel_loop3A_1282 = arith.constant 64 : index
        %parallel_loop3A_1283 = tpu.vector_load %arg8[%parallel_loop3A_1278, %parallel_loop3A_1279, %parallel_loop3A_1280, %parallel_loop3A_1281, %parallel_loop3A_1282] {strides = array<i32>} : memref<2x4x4x8x128xf32, #tpu.memory_space<vmem>>, vector<16xf32>,
        tpu.vector_store %arg8[%parallel_loop3A_1278, %parallel_loop3A_1279, %parallel_loop3A_1280, %parallel_loop3A_1281, %parallel_loop3A_1282], %parallel_loop3A_1276 {strides = array<i32>} : memref<2x4x4x8x128xf32, #tpu.memory_space<vmem>>, vector<16xf32>,
        %parallel_loop3A_1284 = arith.constant 128 : i32
        %parallel_loop3A_1285 = arith.muli %parallel_loop3A_740, %parallel_loop3A_1284 : i32
        %parallel_loop3A_1286 = arith.constant 80 : i32
        %parallel_loop3A_1287 = arith.addi %parallel_loop3A_1285, %parallel_loop3A_1286 : i32
        %parallel_loop3A_1288 = vector.broadcast %parallel_loop3A_1287 : i32 to vector<16xi32>
        %parallel_loop3A_1289 = arith.addi %iota3A, %parallel_loop3A_1288 : vector<16xi32>
        %parallel_loop3A_1290 = tpu.vector_load_idx %arg7[%parallel_loop3A_1289, %parallel_loop3A_1213] : memref<512x33xf32, #tpu.memory_space<vmem>>[vector<16xi32>, vector<16xi32>], vector<16xf32>,
        %parallel_loop3A_1291 = arith.constant 4 : i32
        %parallel_loop3A_1292 = arith.index_cast %rem3A_545 : i32 to index
        %parallel_loop3A_1293 = arith.index_cast %parallel_loop3A_738 : i32 to index
        %parallel_loop3A_1294 = arith.index_cast %parallel_loop3A_740 : i32 to index
        %parallel_loop3A_1295 = arith.index_cast %parallel_loop3A_1291 : i32 to index
        %parallel_loop3A_1296 = arith.constant 80 : index
        %parallel_loop3A_1297 = tpu.vector_load %arg8[%parallel_loop3A_1292, %parallel_loop3A_1293, %parallel_loop3A_1294, %parallel_loop3A_1295, %parallel_loop3A_1296] {strides = array<i32>} : memref<2x4x4x8x128xf32, #tpu.memory_space<vmem>>, vector<16xf32>,
        tpu.vector_store %arg8[%parallel_loop3A_1292, %parallel_loop3A_1293, %parallel_loop3A_1294, %parallel_loop3A_1295, %parallel_loop3A_1296], %parallel_loop3A_1290 {strides = array<i32>} : memref<2x4x4x8x128xf32, #tpu.memory_space<vmem>>, vector<16xf32>,
        %parallel_loop3A_1298 = arith.constant 128 : i32
        %parallel_loop3A_1299 = arith.muli %parallel_loop3A_740, %parallel_loop3A_1298 : i32
        %parallel_loop3A_1300 = arith.constant 96 : i32
        %parallel_loop3A_1301 = arith.addi %parallel_loop3A_1299, %parallel_loop3A_1300 : i32
        %parallel_loop3A_1302 = vector.broadcast %parallel_loop3A_1301 : i32 to vector<16xi32>
        %parallel_loop3A_1303 = arith.addi %iota3A, %parallel_loop3A_1302 : vector<16xi32>
        %parallel_loop3A_1304 = tpu.vector_load_idx %arg7[%parallel_loop3A_1303, %parallel_loop3A_1213] : memref<512x33xf32, #tpu.memory_space<vmem>>[vector<16xi32>, vector<16xi32>], vector<16xf32>,
        %parallel_loop3A_1305 = arith.constant 4 : i32
        %parallel_loop3A_1306 = arith.index_cast %rem3A_545 : i32 to index
        %parallel_loop3A_1307 = arith.index_cast %parallel_loop3A_738 : i32 to index
        %parallel_loop3A_1308 = arith.index_cast %parallel_loop3A_740 : i32 to index
        %parallel_loop3A_1309 = arith.index_cast %parallel_loop3A_1305 : i32 to index
        %parallel_loop3A_1310 = arith.constant 96 : index
        %parallel_loop3A_1311 = tpu.vector_load %arg8[%parallel_loop3A_1306, %parallel_loop3A_1307, %parallel_loop3A_1308, %parallel_loop3A_1309, %parallel_loop3A_1310] {strides = array<i32>} : memref<2x4x4x8x128xf32, #tpu.memory_space<vmem>>, vector<16xf32>,
        tpu.vector_store %arg8[%parallel_loop3A_1306, %parallel_loop3A_1307, %parallel_loop3A_1308, %parallel_loop3A_1309, %parallel_loop3A_1310], %parallel_loop3A_1304 {strides = array<i32>} : memref<2x4x4x8x128xf32, #tpu.memory_space<vmem>>, vector<16xf32>,
        %parallel_loop3A_1312 = arith.constant 128 : i32
        %parallel_loop3A_1313 = arith.muli %parallel_loop3A_740, %parallel_loop3A_1312 : i32
        %parallel_loop3A_1314 = arith.constant 112 : i32
        %parallel_loop3A_1315 = arith.addi %parallel_loop3A_1313, %parallel_loop3A_1314 : i32
        %parallel_loop3A_1316 = vector.broadcast %parallel_loop3A_1315 : i32 to vector<16xi32>
        %parallel_loop3A_1317 = arith.addi %iota3A, %parallel_loop3A_1316 : vector<16xi32>
        %parallel_loop3A_1318 = tpu.vector_load_idx %arg7[%parallel_loop3A_1317, %parallel_loop3A_1213] : memref<512x33xf32, #tpu.memory_space<vmem>>[vector<16xi32>, vector<16xi32>], vector<16xf32>,
        %parallel_loop3A_1319 = arith.constant 4 : i32
        %parallel_loop3A_1320 = arith.index_cast %rem3A_545 : i32 to index
        %parallel_loop3A_1321 = arith.index_cast %parallel_loop3A_738 : i32 to index
        %parallel_loop3A_1322 = arith.index_cast %parallel_loop3A_740 : i32 to index
        %parallel_loop3A_1323 = arith.index_cast %parallel_loop3A_1319 : i32 to index
        %parallel_loop3A_1324 = arith.constant 112 : index
        %parallel_loop3A_1325 = tpu.vector_load %arg8[%parallel_loop3A_1320, %parallel_loop3A_1321, %parallel_loop3A_1322, %parallel_loop3A_1323, %parallel_loop3A_1324] {strides = array<i32>} : memref<2x4x4x8x128xf32, #tpu.memory_space<vmem>>, vector<16xf32>,
        tpu.vector_store %arg8[%parallel_loop3A_1320, %parallel_loop3A_1321, %parallel_loop3A_1322, %parallel_loop3A_1323, %parallel_loop3A_1324], %parallel_loop3A_1318 {strides = array<i32>} : memref<2x4x4x8x128xf32, #tpu.memory_space<vmem>>, vector<16xf32>,
        %parallel_loop3A_1326 = arith.constant 8 : i32
        %parallel_loop3A_1327 = arith.muli %parallel_loop3A_738, %parallel_loop3A_1326 : i32
        %parallel_loop3A_1328 = arith.constant 5 : i32
        %parallel_loop3A_1329 = arith.addi %parallel_loop3A_1327, %parallel_loop3A_1328 : i32
        %parallel_loop3A_1330 = vector.broadcast %parallel_loop3A_1329 : i32 to vector<16xi32>
        %parallel_loop3A_1331 = arith.constant 128 : i32
        %parallel_loop3A_1332 = arith.muli %parallel_loop3A_740, %parallel_loop3A_1331 : i32
        %parallel_loop3A_1333 = arith.constant 0 : i32
        %parallel_loop3A_1334 = arith.addi %parallel_loop3A_1332, %parallel_loop3A_1333 : i32
        %parallel_loop3A_1335 = vector.broadcast %parallel_loop3A_1334 : i32 to vector<16xi32>
        %parallel_loop3A_1336 = arith.addi %iota3A, %parallel_loop3A_1335 : vector<16xi32>
        %parallel_loop3A_1337 = tpu.vector_load_idx %arg7[%parallel_loop3A_1336, %parallel_loop3A_1330] : memref<512x33xf32, #tpu.memory_space<vmem>>[vector<16xi32>, vector<16xi32>], vector<16xf32>,
        %parallel_loop3A_1338 = arith.constant 5 : i32
        %parallel_loop3A_1339 = arith.index_cast %rem3A_545 : i32 to index
        %parallel_loop3A_1340 = arith.index_cast %parallel_loop3A_738 : i32 to index
        %parallel_loop3A_1341 = arith.index_cast %parallel_loop3A_740 : i32 to index
        %parallel_loop3A_1342 = arith.index_cast %parallel_loop3A_1338 : i32 to index
        %parallel_loop3A_1343 = arith.constant 0 : index
        %parallel_loop3A_1344 = tpu.vector_load %arg8[%parallel_loop3A_1339, %parallel_loop3A_1340, %parallel_loop3A_1341, %parallel_loop3A_1342, %parallel_loop3A_1343] {strides = array<i32>} : memref<2x4x4x8x128xf32, #tpu.memory_space<vmem>>, vector<16xf32>,
        tpu.vector_store %arg8[%parallel_loop3A_1339, %parallel_loop3A_1340, %parallel_loop3A_1341, %parallel_loop3A_1342, %parallel_loop3A_1343], %parallel_loop3A_1337 {strides = array<i32>} : memref<2x4x4x8x128xf32, #tpu.memory_space<vmem>>, vector<16xf32>,
        %parallel_loop3A_1345 = arith.constant 128 : i32
        %parallel_loop3A_1346 = arith.muli %parallel_loop3A_740, %parallel_loop3A_1345 : i32
        %parallel_loop3A_1347 = arith.constant 16 : i32
        %parallel_loop3A_1348 = arith.addi %parallel_loop3A_1346, %parallel_loop3A_1347 : i32
        %parallel_loop3A_1349 = vector.broadcast %parallel_loop3A_1348 : i32 to vector<16xi32>
        %parallel_loop3A_1350 = arith.addi %iota3A, %parallel_loop3A_1349 : vector<16xi32>
        %parallel_loop3A_1351 = tpu.vector_load_idx %arg7[%parallel_loop3A_1350, %parallel_loop3A_1330] : memref<512x33xf32, #tpu.memory_space<vmem>>[vector<16xi32>, vector<16xi32>], vector<16xf32>,
        %parallel_loop3A_1352 = arith.constant 5 : i32
        %parallel_loop3A_1353 = arith.index_cast %rem3A_545 : i32 to index
        %parallel_loop3A_1354 = arith.index_cast %parallel_loop3A_738 : i32 to index
        %parallel_loop3A_1355 = arith.index_cast %parallel_loop3A_740 : i32 to index
        %parallel_loop3A_1356 = arith.index_cast %parallel_loop3A_1352 : i32 to index
        %parallel_loop3A_1357 = arith.constant 16 : index
        %parallel_loop3A_1358 = tpu.vector_load %arg8[%parallel_loop3A_1353, %parallel_loop3A_1354, %parallel_loop3A_1355, %parallel_loop3A_1356, %parallel_loop3A_1357] {strides = array<i32>} : memref<2x4x4x8x128xf32, #tpu.memory_space<vmem>>, vector<16xf32>,
        tpu.vector_store %arg8[%parallel_loop3A_1353, %parallel_loop3A_1354, %parallel_loop3A_1355, %parallel_loop3A_1356, %parallel_loop3A_1357], %parallel_loop3A_1351 {strides = array<i32>} : memref<2x4x4x8x128xf32, #tpu.memory_space<vmem>>, vector<16xf32>,
        %parallel_loop3A_1359 = arith.constant 128 : i32
        %parallel_loop3A_1360 = arith.muli %parallel_loop3A_740, %parallel_loop3A_1359 : i32
        %parallel_loop3A_1361 = arith.constant 32 : i32
        %parallel_loop3A_1362 = arith.addi %parallel_loop3A_1360, %parallel_loop3A_1361 : i32
        %parallel_loop3A_1363 = vector.broadcast %parallel_loop3A_1362 : i32 to vector<16xi32>
        %parallel_loop3A_1364 = arith.addi %iota3A, %parallel_loop3A_1363 : vector<16xi32>
        %parallel_loop3A_1365 = tpu.vector_load_idx %arg7[%parallel_loop3A_1364, %parallel_loop3A_1330] : memref<512x33xf32, #tpu.memory_space<vmem>>[vector<16xi32>, vector<16xi32>], vector<16xf32>,
        %parallel_loop3A_1366 = arith.constant 5 : i32
        %parallel_loop3A_1367 = arith.index_cast %rem3A_545 : i32 to index
        %parallel_loop3A_1368 = arith.index_cast %parallel_loop3A_738 : i32 to index
        %parallel_loop3A_1369 = arith.index_cast %parallel_loop3A_740 : i32 to index
        %parallel_loop3A_1370 = arith.index_cast %parallel_loop3A_1366 : i32 to index
        %parallel_loop3A_1371 = arith.constant 32 : index
        %parallel_loop3A_1372 = tpu.vector_load %arg8[%parallel_loop3A_1367, %parallel_loop3A_1368, %parallel_loop3A_1369, %parallel_loop3A_1370, %parallel_loop3A_1371] {strides = array<i32>} : memref<2x4x4x8x128xf32, #tpu.memory_space<vmem>>, vector<16xf32>,
        tpu.vector_store %arg8[%parallel_loop3A_1367, %parallel_loop3A_1368, %parallel_loop3A_1369, %parallel_loop3A_1370, %parallel_loop3A_1371], %parallel_loop3A_1365 {strides = array<i32>} : memref<2x4x4x8x128xf32, #tpu.memory_space<vmem>>, vector<16xf32>,
        %parallel_loop3A_1373 = arith.constant 128 : i32
        %parallel_loop3A_1374 = arith.muli %parallel_loop3A_740, %parallel_loop3A_1373 : i32
        %parallel_loop3A_1375 = arith.constant 48 : i32
        %parallel_loop3A_1376 = arith.addi %parallel_loop3A_1374, %parallel_loop3A_1375 : i32
        %parallel_loop3A_1377 = vector.broadcast %parallel_loop3A_1376 : i32 to vector<16xi32>
        %parallel_loop3A_1378 = arith.addi %iota3A, %parallel_loop3A_1377 : vector<16xi32>
        %parallel_loop3A_1379 = tpu.vector_load_idx %arg7[%parallel_loop3A_1378, %parallel_loop3A_1330] : memref<512x33xf32, #tpu.memory_space<vmem>>[vector<16xi32>, vector<16xi32>], vector<16xf32>,
        %parallel_loop3A_1380 = arith.constant 5 : i32
        %parallel_loop3A_1381 = arith.index_cast %rem3A_545 : i32 to index
        %parallel_loop3A_1382 = arith.index_cast %parallel_loop3A_738 : i32 to index
        %parallel_loop3A_1383 = arith.index_cast %parallel_loop3A_740 : i32 to index
        %parallel_loop3A_1384 = arith.index_cast %parallel_loop3A_1380 : i32 to index
        %parallel_loop3A_1385 = arith.constant 48 : index
        %parallel_loop3A_1386 = tpu.vector_load %arg8[%parallel_loop3A_1381, %parallel_loop3A_1382, %parallel_loop3A_1383, %parallel_loop3A_1384, %parallel_loop3A_1385] {strides = array<i32>} : memref<2x4x4x8x128xf32, #tpu.memory_space<vmem>>, vector<16xf32>,
        tpu.vector_store %arg8[%parallel_loop3A_1381, %parallel_loop3A_1382, %parallel_loop3A_1383, %parallel_loop3A_1384, %parallel_loop3A_1385], %parallel_loop3A_1379 {strides = array<i32>} : memref<2x4x4x8x128xf32, #tpu.memory_space<vmem>>, vector<16xf32>,
        %parallel_loop3A_1387 = arith.constant 128 : i32
        %parallel_loop3A_1388 = arith.muli %parallel_loop3A_740, %parallel_loop3A_1387 : i32
        %parallel_loop3A_1389 = arith.constant 64 : i32
        %parallel_loop3A_1390 = arith.addi %parallel_loop3A_1388, %parallel_loop3A_1389 : i32
        %parallel_loop3A_1391 = vector.broadcast %parallel_loop3A_1390 : i32 to vector<16xi32>
        %parallel_loop3A_1392 = arith.addi %iota3A, %parallel_loop3A_1391 : vector<16xi32>
        %parallel_loop3A_1393 = tpu.vector_load_idx %arg7[%parallel_loop3A_1392, %parallel_loop3A_1330] : memref<512x33xf32, #tpu.memory_space<vmem>>[vector<16xi32>, vector<16xi32>], vector<16xf32>,
        %parallel_loop3A_1394 = arith.constant 5 : i32
        %parallel_loop3A_1395 = arith.index_cast %rem3A_545 : i32 to index
        %parallel_loop3A_1396 = arith.index_cast %parallel_loop3A_738 : i32 to index
        %parallel_loop3A_1397 = arith.index_cast %parallel_loop3A_740 : i32 to index
        %parallel_loop3A_1398 = arith.index_cast %parallel_loop3A_1394 : i32 to index
        %parallel_loop3A_1399 = arith.constant 64 : index
        %parallel_loop3A_1400 = tpu.vector_load %arg8[%parallel_loop3A_1395, %parallel_loop3A_1396, %parallel_loop3A_1397, %parallel_loop3A_1398, %parallel_loop3A_1399] {strides = array<i32>} : memref<2x4x4x8x128xf32, #tpu.memory_space<vmem>>, vector<16xf32>,
        tpu.vector_store %arg8[%parallel_loop3A_1395, %parallel_loop3A_1396, %parallel_loop3A_1397, %parallel_loop3A_1398, %parallel_loop3A_1399], %parallel_loop3A_1393 {strides = array<i32>} : memref<2x4x4x8x128xf32, #tpu.memory_space<vmem>>, vector<16xf32>,
        %parallel_loop3A_1401 = arith.constant 128 : i32
        %parallel_loop3A_1402 = arith.muli %parallel_loop3A_740, %parallel_loop3A_1401 : i32
        %parallel_loop3A_1403 = arith.constant 80 : i32
        %parallel_loop3A_1404 = arith.addi %parallel_loop3A_1402, %parallel_loop3A_1403 : i32
        %parallel_loop3A_1405 = vector.broadcast %parallel_loop3A_1404 : i32 to vector<16xi32>
        %parallel_loop3A_1406 = arith.addi %iota3A, %parallel_loop3A_1405 : vector<16xi32>
        %parallel_loop3A_1407 = tpu.vector_load_idx %arg7[%parallel_loop3A_1406, %parallel_loop3A_1330] : memref<512x33xf32, #tpu.memory_space<vmem>>[vector<16xi32>, vector<16xi32>], vector<16xf32>,
        %parallel_loop3A_1408 = arith.constant 5 : i32
        %parallel_loop3A_1409 = arith.index_cast %rem3A_545 : i32 to index
        %parallel_loop3A_1410 = arith.index_cast %parallel_loop3A_738 : i32 to index
        %parallel_loop3A_1411 = arith.index_cast %parallel_loop3A_740 : i32 to index
        %parallel_loop3A_1412 = arith.index_cast %parallel_loop3A_1408 : i32 to index
        %parallel_loop3A_1413 = arith.constant 80 : index
        %parallel_loop3A_1414 = tpu.vector_load %arg8[%parallel_loop3A_1409, %parallel_loop3A_1410, %parallel_loop3A_1411, %parallel_loop3A_1412, %parallel_loop3A_1413] {strides = array<i32>} : memref<2x4x4x8x128xf32, #tpu.memory_space<vmem>>, vector<16xf32>,
        tpu.vector_store %arg8[%parallel_loop3A_1409, %parallel_loop3A_1410, %parallel_loop3A_1411, %parallel_loop3A_1412, %parallel_loop3A_1413], %parallel_loop3A_1407 {strides = array<i32>} : memref<2x4x4x8x128xf32, #tpu.memory_space<vmem>>, vector<16xf32>,
        %parallel_loop3A_1415 = arith.constant 128 : i32
        %parallel_loop3A_1416 = arith.muli %parallel_loop3A_740, %parallel_loop3A_1415 : i32
        %parallel_loop3A_1417 = arith.constant 96 : i32
        %parallel_loop3A_1418 = arith.addi %parallel_loop3A_1416, %parallel_loop3A_1417 : i32
        %parallel_loop3A_1419 = vector.broadcast %parallel_loop3A_1418 : i32 to vector<16xi32>
        %parallel_loop3A_1420 = arith.addi %iota3A, %parallel_loop3A_1419 : vector<16xi32>
        %parallel_loop3A_1421 = tpu.vector_load_idx %arg7[%parallel_loop3A_1420, %parallel_loop3A_1330] : memref<512x33xf32, #tpu.memory_space<vmem>>[vector<16xi32>, vector<16xi32>], vector<16xf32>,
        %parallel_loop3A_1422 = arith.constant 5 : i32
        %parallel_loop3A_1423 = arith.index_cast %rem3A_545 : i32 to index
        %parallel_loop3A_1424 = arith.index_cast %parallel_loop3A_738 : i32 to index
        %parallel_loop3A_1425 = arith.index_cast %parallel_loop3A_740 : i32 to index
        %parallel_loop3A_1426 = arith.index_cast %parallel_loop3A_1422 : i32 to index
        %parallel_loop3A_1427 = arith.constant 96 : index
        %parallel_loop3A_1428 = tpu.vector_load %arg8[%parallel_loop3A_1423, %parallel_loop3A_1424, %parallel_loop3A_1425, %parallel_loop3A_1426, %parallel_loop3A_1427] {strides = array<i32>} : memref<2x4x4x8x128xf32, #tpu.memory_space<vmem>>, vector<16xf32>,
        tpu.vector_store %arg8[%parallel_loop3A_1423, %parallel_loop3A_1424, %parallel_loop3A_1425, %parallel_loop3A_1426, %parallel_loop3A_1427], %parallel_loop3A_1421 {strides = array<i32>} : memref<2x4x4x8x128xf32, #tpu.memory_space<vmem>>, vector<16xf32>,
        %parallel_loop3A_1429 = arith.constant 128 : i32
        %parallel_loop3A_1430 = arith.muli %parallel_loop3A_740, %parallel_loop3A_1429 : i32
        %parallel_loop3A_1431 = arith.constant 112 : i32
        %parallel_loop3A_1432 = arith.addi %parallel_loop3A_1430, %parallel_loop3A_1431 : i32
        %parallel_loop3A_1433 = vector.broadcast %parallel_loop3A_1432 : i32 to vector<16xi32>
        %parallel_loop3A_1434 = arith.addi %iota3A, %parallel_loop3A_1433 : vector<16xi32>
        %parallel_loop3A_1435 = tpu.vector_load_idx %arg7[%parallel_loop3A_1434, %parallel_loop3A_1330] : memref<512x33xf32, #tpu.memory_space<vmem>>[vector<16xi32>, vector<16xi32>], vector<16xf32>,
        %parallel_loop3A_1436 = arith.constant 5 : i32
        %parallel_loop3A_1437 = arith.index_cast %rem3A_545 : i32 to index
        %parallel_loop3A_1438 = arith.index_cast %parallel_loop3A_738 : i32 to index
        %parallel_loop3A_1439 = arith.index_cast %parallel_loop3A_740 : i32 to index
        %parallel_loop3A_1440 = arith.index_cast %parallel_loop3A_1436 : i32 to index
        %parallel_loop3A_1441 = arith.constant 112 : index
        %parallel_loop3A_1442 = tpu.vector_load %arg8[%parallel_loop3A_1437, %parallel_loop3A_1438, %parallel_loop3A_1439, %parallel_loop3A_1440, %parallel_loop3A_1441] {strides = array<i32>} : memref<2x4x4x8x128xf32, #tpu.memory_space<vmem>>, vector<16xf32>,
        tpu.vector_store %arg8[%parallel_loop3A_1437, %parallel_loop3A_1438, %parallel_loop3A_1439, %parallel_loop3A_1440, %parallel_loop3A_1441], %parallel_loop3A_1435 {strides = array<i32>} : memref<2x4x4x8x128xf32, #tpu.memory_space<vmem>>, vector<16xf32>,
        %parallel_loop3A_1443 = arith.constant 8 : i32
        %parallel_loop3A_1444 = arith.muli %parallel_loop3A_738, %parallel_loop3A_1443 : i32
        %parallel_loop3A_1445 = arith.constant 6 : i32
        %parallel_loop3A_1446 = arith.addi %parallel_loop3A_1444, %parallel_loop3A_1445 : i32
        %parallel_loop3A_1447 = vector.broadcast %parallel_loop3A_1446 : i32 to vector<16xi32>
        %parallel_loop3A_1448 = arith.constant 128 : i32
        %parallel_loop3A_1449 = arith.muli %parallel_loop3A_740, %parallel_loop3A_1448 : i32
        %parallel_loop3A_1450 = arith.constant 0 : i32
        %parallel_loop3A_1451 = arith.addi %parallel_loop3A_1449, %parallel_loop3A_1450 : i32
        %parallel_loop3A_1452 = vector.broadcast %parallel_loop3A_1451 : i32 to vector<16xi32>
        %parallel_loop3A_1453 = arith.addi %iota3A, %parallel_loop3A_1452 : vector<16xi32>
        %parallel_loop3A_1454 = tpu.vector_load_idx %arg7[%parallel_loop3A_1453, %parallel_loop3A_1447] : memref<512x33xf32, #tpu.memory_space<vmem>>[vector<16xi32>, vector<16xi32>], vector<16xf32>,
        %parallel_loop3A_1455 = arith.constant 6 : i32
        %parallel_loop3A_1456 = arith.index_cast %rem3A_545 : i32 to index
        %parallel_loop3A_1457 = arith.index_cast %parallel_loop3A_738 : i32 to index
        %parallel_loop3A_1458 = arith.index_cast %parallel_loop3A_740 : i32 to index
        %parallel_loop3A_1459 = arith.index_cast %parallel_loop3A_1455 : i32 to index
        %parallel_loop3A_1460 = arith.constant 0 : index
        %parallel_loop3A_1461 = tpu.vector_load %arg8[%parallel_loop3A_1456, %parallel_loop3A_1457, %parallel_loop3A_1458, %parallel_loop3A_1459, %parallel_loop3A_1460] {strides = array<i32>} : memref<2x4x4x8x128xf32, #tpu.memory_space<vmem>>, vector<16xf32>,
        tpu.vector_store %arg8[%parallel_loop3A_1456, %parallel_loop3A_1457, %parallel_loop3A_1458, %parallel_loop3A_1459, %parallel_loop3A_1460], %parallel_loop3A_1454 {strides = array<i32>} : memref<2x4x4x8x128xf32, #tpu.memory_space<vmem>>, vector<16xf32>,
        %parallel_loop3A_1462 = arith.constant 128 : i32
        %parallel_loop3A_1463 = arith.muli %parallel_loop3A_740, %parallel_loop3A_1462 : i32
        %parallel_loop3A_1464 = arith.constant 16 : i32
        %parallel_loop3A_1465 = arith.addi %parallel_loop3A_1463, %parallel_loop3A_1464 : i32
        %parallel_loop3A_1466 = vector.broadcast %parallel_loop3A_1465 : i32 to vector<16xi32>
        %parallel_loop3A_1467 = arith.addi %iota3A, %parallel_loop3A_1466 : vector<16xi32>
        %parallel_loop3A_1468 = tpu.vector_load_idx %arg7[%parallel_loop3A_1467, %parallel_loop3A_1447] : memref<512x33xf32, #tpu.memory_space<vmem>>[vector<16xi32>, vector<16xi32>], vector<16xf32>,
        %parallel_loop3A_1469 = arith.constant 6 : i32
        %parallel_loop3A_1470 = arith.index_cast %rem3A_545 : i32 to index
        %parallel_loop3A_1471 = arith.index_cast %parallel_loop3A_738 : i32 to index
        %parallel_loop3A_1472 = arith.index_cast %parallel_loop3A_740 : i32 to index
        %parallel_loop3A_1473 = arith.index_cast %parallel_loop3A_1469 : i32 to index
        %parallel_loop3A_1474 = arith.constant 16 : index
        %parallel_loop3A_1475 = tpu.vector_load %arg8[%parallel_loop3A_1470, %parallel_loop3A_1471, %parallel_loop3A_1472, %parallel_loop3A_1473, %parallel_loop3A_1474] {strides = array<i32>} : memref<2x4x4x8x128xf32, #tpu.memory_space<vmem>>, vector<16xf32>,
        tpu.vector_store %arg8[%parallel_loop3A_1470, %parallel_loop3A_1471, %parallel_loop3A_1472, %parallel_loop3A_1473, %parallel_loop3A_1474], %parallel_loop3A_1468 {strides = array<i32>} : memref<2x4x4x8x128xf32, #tpu.memory_space<vmem>>, vector<16xf32>,
        %parallel_loop3A_1476 = arith.constant 128 : i32
        %parallel_loop3A_1477 = arith.muli %parallel_loop3A_740, %parallel_loop3A_1476 : i32
        %parallel_loop3A_1478 = arith.constant 32 : i32
        %parallel_loop3A_1479 = arith.addi %parallel_loop3A_1477, %parallel_loop3A_1478 : i32
        %parallel_loop3A_1480 = vector.broadcast %parallel_loop3A_1479 : i32 to vector<16xi32>
        %parallel_loop3A_1481 = arith.addi %iota3A, %parallel_loop3A_1480 : vector<16xi32>
        %parallel_loop3A_1482 = tpu.vector_load_idx %arg7[%parallel_loop3A_1481, %parallel_loop3A_1447] : memref<512x33xf32, #tpu.memory_space<vmem>>[vector<16xi32>, vector<16xi32>], vector<16xf32>,
        %parallel_loop3A_1483 = arith.constant 6 : i32
        %parallel_loop3A_1484 = arith.index_cast %rem3A_545 : i32 to index
        %parallel_loop3A_1485 = arith.index_cast %parallel_loop3A_738 : i32 to index
        %parallel_loop3A_1486 = arith.index_cast %parallel_loop3A_740 : i32 to index
        %parallel_loop3A_1487 = arith.index_cast %parallel_loop3A_1483 : i32 to index
        %parallel_loop3A_1488 = arith.constant 32 : index
        %parallel_loop3A_1489 = tpu.vector_load %arg8[%parallel_loop3A_1484, %parallel_loop3A_1485, %parallel_loop3A_1486, %parallel_loop3A_1487, %parallel_loop3A_1488] {strides = array<i32>} : memref<2x4x4x8x128xf32, #tpu.memory_space<vmem>>, vector<16xf32>,
        tpu.vector_store %arg8[%parallel_loop3A_1484, %parallel_loop3A_1485, %parallel_loop3A_1486, %parallel_loop3A_1487, %parallel_loop3A_1488], %parallel_loop3A_1482 {strides = array<i32>} : memref<2x4x4x8x128xf32, #tpu.memory_space<vmem>>, vector<16xf32>,
        %parallel_loop3A_1490 = arith.constant 128 : i32
        %parallel_loop3A_1491 = arith.muli %parallel_loop3A_740, %parallel_loop3A_1490 : i32
        %parallel_loop3A_1492 = arith.constant 48 : i32
        %parallel_loop3A_1493 = arith.addi %parallel_loop3A_1491, %parallel_loop3A_1492 : i32
        %parallel_loop3A_1494 = vector.broadcast %parallel_loop3A_1493 : i32 to vector<16xi32>
        %parallel_loop3A_1495 = arith.addi %iota3A, %parallel_loop3A_1494 : vector<16xi32>
        %parallel_loop3A_1496 = tpu.vector_load_idx %arg7[%parallel_loop3A_1495, %parallel_loop3A_1447] : memref<512x33xf32, #tpu.memory_space<vmem>>[vector<16xi32>, vector<16xi32>], vector<16xf32>,
        %parallel_loop3A_1497 = arith.constant 6 : i32
        %parallel_loop3A_1498 = arith.index_cast %rem3A_545 : i32 to index
        %parallel_loop3A_1499 = arith.index_cast %parallel_loop3A_738 : i32 to index
        %parallel_loop3A_1500 = arith.index_cast %parallel_loop3A_740 : i32 to index
        %parallel_loop3A_1501 = arith.index_cast %parallel_loop3A_1497 : i32 to index
        %parallel_loop3A_1502 = arith.constant 48 : index
        %parallel_loop3A_1503 = tpu.vector_load %arg8[%parallel_loop3A_1498, %parallel_loop3A_1499, %parallel_loop3A_1500, %parallel_loop3A_1501, %parallel_loop3A_1502] {strides = array<i32>} : memref<2x4x4x8x128xf32, #tpu.memory_space<vmem>>, vector<16xf32>,
        tpu.vector_store %arg8[%parallel_loop3A_1498, %parallel_loop3A_1499, %parallel_loop3A_1500, %parallel_loop3A_1501, %parallel_loop3A_1502], %parallel_loop3A_1496 {strides = array<i32>} : memref<2x4x4x8x128xf32, #tpu.memory_space<vmem>>, vector<16xf32>,
        %parallel_loop3A_1504 = arith.constant 128 : i32
        %parallel_loop3A_1505 = arith.muli %parallel_loop3A_740, %parallel_loop3A_1504 : i32
        %parallel_loop3A_1506 = arith.constant 64 : i32
        %parallel_loop3A_1507 = arith.addi %parallel_loop3A_1505, %parallel_loop3A_1506 : i32
        %parallel_loop3A_1508 = vector.broadcast %parallel_loop3A_1507 : i32 to vector<16xi32>
        %parallel_loop3A_1509 = arith.addi %iota3A, %parallel_loop3A_1508 : vector<16xi32>
        %parallel_loop3A_1510 = tpu.vector_load_idx %arg7[%parallel_loop3A_1509, %parallel_loop3A_1447] : memref<512x33xf32, #tpu.memory_space<vmem>>[vector<16xi32>, vector<16xi32>], vector<16xf32>,
        %parallel_loop3A_1511 = arith.constant 6 : i32
        %parallel_loop3A_1512 = arith.index_cast %rem3A_545 : i32 to index
        %parallel_loop3A_1513 = arith.index_cast %parallel_loop3A_738 : i32 to index
        %parallel_loop3A_1514 = arith.index_cast %parallel_loop3A_740 : i32 to index
        %parallel_loop3A_1515 = arith.index_cast %parallel_loop3A_1511 : i32 to index
        %parallel_loop3A_1516 = arith.constant 64 : index
        %parallel_loop3A_1517 = tpu.vector_load %arg8[%parallel_loop3A_1512, %parallel_loop3A_1513, %parallel_loop3A_1514, %parallel_loop3A_1515, %parallel_loop3A_1516] {strides = array<i32>} : memref<2x4x4x8x128xf32, #tpu.memory_space<vmem>>, vector<16xf32>,
        tpu.vector_store %arg8[%parallel_loop3A_1512, %parallel_loop3A_1513, %parallel_loop3A_1514, %parallel_loop3A_1515, %parallel_loop3A_1516], %parallel_loop3A_1510 {strides = array<i32>} : memref<2x4x4x8x128xf32, #tpu.memory_space<vmem>>, vector<16xf32>,
        %parallel_loop3A_1518 = arith.constant 128 : i32
        %parallel_loop3A_1519 = arith.muli %parallel_loop3A_740, %parallel_loop3A_1518 : i32
        %parallel_loop3A_1520 = arith.constant 80 : i32
        %parallel_loop3A_1521 = arith.addi %parallel_loop3A_1519, %parallel_loop3A_1520 : i32
        %parallel_loop3A_1522 = vector.broadcast %parallel_loop3A_1521 : i32 to vector<16xi32>
        %parallel_loop3A_1523 = arith.addi %iota3A, %parallel_loop3A_1522 : vector<16xi32>
        %parallel_loop3A_1524 = tpu.vector_load_idx %arg7[%parallel_loop3A_1523, %parallel_loop3A_1447] : memref<512x33xf32, #tpu.memory_space<vmem>>[vector<16xi32>, vector<16xi32>], vector<16xf32>,
        %parallel_loop3A_1525 = arith.constant 6 : i32
        %parallel_loop3A_1526 = arith.index_cast %rem3A_545 : i32 to index
        %parallel_loop3A_1527 = arith.index_cast %parallel_loop3A_738 : i32 to index
        %parallel_loop3A_1528 = arith.index_cast %parallel_loop3A_740 : i32 to index
        %parallel_loop3A_1529 = arith.index_cast %parallel_loop3A_1525 : i32 to index
        %parallel_loop3A_1530 = arith.constant 80 : index
        %parallel_loop3A_1531 = tpu.vector_load %arg8[%parallel_loop3A_1526, %parallel_loop3A_1527, %parallel_loop3A_1528, %parallel_loop3A_1529, %parallel_loop3A_1530] {strides = array<i32>} : memref<2x4x4x8x128xf32, #tpu.memory_space<vmem>>, vector<16xf32>,
        tpu.vector_store %arg8[%parallel_loop3A_1526, %parallel_loop3A_1527, %parallel_loop3A_1528, %parallel_loop3A_1529, %parallel_loop3A_1530], %parallel_loop3A_1524 {strides = array<i32>} : memref<2x4x4x8x128xf32, #tpu.memory_space<vmem>>, vector<16xf32>,
        %parallel_loop3A_1532 = arith.constant 128 : i32
        %parallel_loop3A_1533 = arith.muli %parallel_loop3A_740, %parallel_loop3A_1532 : i32
        %parallel_loop3A_1534 = arith.constant 96 : i32
        %parallel_loop3A_1535 = arith.addi %parallel_loop3A_1533, %parallel_loop3A_1534 : i32
        %parallel_loop3A_1536 = vector.broadcast %parallel_loop3A_1535 : i32 to vector<16xi32>
        %parallel_loop3A_1537 = arith.addi %iota3A, %parallel_loop3A_1536 : vector<16xi32>
        %parallel_loop3A_1538 = tpu.vector_load_idx %arg7[%parallel_loop3A_1537, %parallel_loop3A_1447] : memref<512x33xf32, #tpu.memory_space<vmem>>[vector<16xi32>, vector<16xi32>], vector<16xf32>,
        %parallel_loop3A_1539 = arith.constant 6 : i32
        %parallel_loop3A_1540 = arith.index_cast %rem3A_545 : i32 to index
        %parallel_loop3A_1541 = arith.index_cast %parallel_loop3A_738 : i32 to index
        %parallel_loop3A_1542 = arith.index_cast %parallel_loop3A_740 : i32 to index
        %parallel_loop3A_1543 = arith.index_cast %parallel_loop3A_1539 : i32 to index
        %parallel_loop3A_1544 = arith.constant 96 : index
        %parallel_loop3A_1545 = tpu.vector_load %arg8[%parallel_loop3A_1540, %parallel_loop3A_1541, %parallel_loop3A_1542, %parallel_loop3A_1543, %parallel_loop3A_1544] {strides = array<i32>} : memref<2x4x4x8x128xf32, #tpu.memory_space<vmem>>, vector<16xf32>,
        tpu.vector_store %arg8[%parallel_loop3A_1540, %parallel_loop3A_1541, %parallel_loop3A_1542, %parallel_loop3A_1543, %parallel_loop3A_1544], %parallel_loop3A_1538 {strides = array<i32>} : memref<2x4x4x8x128xf32, #tpu.memory_space<vmem>>, vector<16xf32>,
        %parallel_loop3A_1546 = arith.constant 128 : i32
        %parallel_loop3A_1547 = arith.muli %parallel_loop3A_740, %parallel_loop3A_1546 : i32
        %parallel_loop3A_1548 = arith.constant 112 : i32
        %parallel_loop3A_1549 = arith.addi %parallel_loop3A_1547, %parallel_loop3A_1548 : i32
        %parallel_loop3A_1550 = vector.broadcast %parallel_loop3A_1549 : i32 to vector<16xi32>
        %parallel_loop3A_1551 = arith.addi %iota3A, %parallel_loop3A_1550 : vector<16xi32>
        %parallel_loop3A_1552 = tpu.vector_load_idx %arg7[%parallel_loop3A_1551, %parallel_loop3A_1447] : memref<512x33xf32, #tpu.memory_space<vmem>>[vector<16xi32>, vector<16xi32>], vector<16xf32>,
        %parallel_loop3A_1553 = arith.constant 6 : i32
        %parallel_loop3A_1554 = arith.index_cast %rem3A_545 : i32 to index
        %parallel_loop3A_1555 = arith.index_cast %parallel_loop3A_738 : i32 to index
        %parallel_loop3A_1556 = arith.index_cast %parallel_loop3A_740 : i32 to index
        %parallel_loop3A_1557 = arith.index_cast %parallel_loop3A_1553 : i32 to index
        %parallel_loop3A_1558 = arith.constant 112 : index
        %parallel_loop3A_1559 = tpu.vector_load %arg8[%parallel_loop3A_1554, %parallel_loop3A_1555, %parallel_loop3A_1556, %parallel_loop3A_1557, %parallel_loop3A_1558] {strides = array<i32>} : memref<2x4x4x8x128xf32, #tpu.memory_space<vmem>>, vector<16xf32>,
        tpu.vector_store %arg8[%parallel_loop3A_1554, %parallel_loop3A_1555, %parallel_loop3A_1556, %parallel_loop3A_1557, %parallel_loop3A_1558], %parallel_loop3A_1552 {strides = array<i32>} : memref<2x4x4x8x128xf32, #tpu.memory_space<vmem>>, vector<16xf32>,
        %parallel_loop3A_1560 = arith.constant 8 : i32
        %parallel_loop3A_1561 = arith.muli %parallel_loop3A_738, %parallel_loop3A_1560 : i32
        %parallel_loop3A_1562 = arith.constant 7 : i32
        %parallel_loop3A_1563 = arith.addi %parallel_loop3A_1561, %parallel_loop3A_1562 : i32
        %parallel_loop3A_1564 = vector.broadcast %parallel_loop3A_1563 : i32 to vector<16xi32>
        %parallel_loop3A_1565 = arith.constant 128 : i32
        %parallel_loop3A_1566 = arith.muli %parallel_loop3A_740, %parallel_loop3A_1565 : i32
        %parallel_loop3A_1567 = arith.constant 0 : i32
        %parallel_loop3A_1568 = arith.addi %parallel_loop3A_1566, %parallel_loop3A_1567 : i32
        %parallel_loop3A_1569 = vector.broadcast %parallel_loop3A_1568 : i32 to vector<16xi32>
        %parallel_loop3A_1570 = arith.addi %iota3A, %parallel_loop3A_1569 : vector<16xi32>
        %parallel_loop3A_1571 = tpu.vector_load_idx %arg7[%parallel_loop3A_1570, %parallel_loop3A_1564] : memref<512x33xf32, #tpu.memory_space<vmem>>[vector<16xi32>, vector<16xi32>], vector<16xf32>,
        %parallel_loop3A_1572 = arith.constant 7 : i32
        %parallel_loop3A_1573 = arith.index_cast %rem3A_545 : i32 to index
        %parallel_loop3A_1574 = arith.index_cast %parallel_loop3A_738 : i32 to index
        %parallel_loop3A_1575 = arith.index_cast %parallel_loop3A_740 : i32 to index
        %parallel_loop3A_1576 = arith.index_cast %parallel_loop3A_1572 : i32 to index
        %parallel_loop3A_1577 = arith.constant 0 : index
        %parallel_loop3A_1578 = tpu.vector_load %arg8[%parallel_loop3A_1573, %parallel_loop3A_1574, %parallel_loop3A_1575, %parallel_loop3A_1576, %parallel_loop3A_1577] {strides = array<i32>} : memref<2x4x4x8x128xf32, #tpu.memory_space<vmem>>, vector<16xf32>,
        tpu.vector_store %arg8[%parallel_loop3A_1573, %parallel_loop3A_1574, %parallel_loop3A_1575, %parallel_loop3A_1576, %parallel_loop3A_1577], %parallel_loop3A_1571 {strides = array<i32>} : memref<2x4x4x8x128xf32, #tpu.memory_space<vmem>>, vector<16xf32>,
        %parallel_loop3A_1579 = arith.constant 128 : i32
        %parallel_loop3A_1580 = arith.muli %parallel_loop3A_740, %parallel_loop3A_1579 : i32
        %parallel_loop3A_1581 = arith.constant 16 : i32
        %parallel_loop3A_1582 = arith.addi %parallel_loop3A_1580, %parallel_loop3A_1581 : i32
        %parallel_loop3A_1583 = vector.broadcast %parallel_loop3A_1582 : i32 to vector<16xi32>
        %parallel_loop3A_1584 = arith.addi %iota3A, %parallel_loop3A_1583 : vector<16xi32>
        %parallel_loop3A_1585 = tpu.vector_load_idx %arg7[%parallel_loop3A_1584, %parallel_loop3A_1564] : memref<512x33xf32, #tpu.memory_space<vmem>>[vector<16xi32>, vector<16xi32>], vector<16xf32>,
        %parallel_loop3A_1586 = arith.constant 7 : i32
        %parallel_loop3A_1587 = arith.index_cast %rem3A_545 : i32 to index
        %parallel_loop3A_1588 = arith.index_cast %parallel_loop3A_738 : i32 to index
        %parallel_loop3A_1589 = arith.index_cast %parallel_loop3A_740 : i32 to index
        %parallel_loop3A_1590 = arith.index_cast %parallel_loop3A_1586 : i32 to index
        %parallel_loop3A_1591 = arith.constant 16 : index
        %parallel_loop3A_1592 = tpu.vector_load %arg8[%parallel_loop3A_1587, %parallel_loop3A_1588, %parallel_loop3A_1589, %parallel_loop3A_1590, %parallel_loop3A_1591] {strides = array<i32>} : memref<2x4x4x8x128xf32, #tpu.memory_space<vmem>>, vector<16xf32>,
        tpu.vector_store %arg8[%parallel_loop3A_1587, %parallel_loop3A_1588, %parallel_loop3A_1589, %parallel_loop3A_1590, %parallel_loop3A_1591], %parallel_loop3A_1585 {strides = array<i32>} : memref<2x4x4x8x128xf32, #tpu.memory_space<vmem>>, vector<16xf32>,
        %parallel_loop3A_1593 = arith.constant 128 : i32
        %parallel_loop3A_1594 = arith.muli %parallel_loop3A_740, %parallel_loop3A_1593 : i32
        %parallel_loop3A_1595 = arith.constant 32 : i32
        %parallel_loop3A_1596 = arith.addi %parallel_loop3A_1594, %parallel_loop3A_1595 : i32
        %parallel_loop3A_1597 = vector.broadcast %parallel_loop3A_1596 : i32 to vector<16xi32>
        %parallel_loop3A_1598 = arith.addi %iota3A, %parallel_loop3A_1597 : vector<16xi32>
        %parallel_loop3A_1599 = tpu.vector_load_idx %arg7[%parallel_loop3A_1598, %parallel_loop3A_1564] : memref<512x33xf32, #tpu.memory_space<vmem>>[vector<16xi32>, vector<16xi32>], vector<16xf32>,
        %parallel_loop3A_1600 = arith.constant 7 : i32
        %parallel_loop3A_1601 = arith.index_cast %rem3A_545 : i32 to index
        %parallel_loop3A_1602 = arith.index_cast %parallel_loop3A_738 : i32 to index
        %parallel_loop3A_1603 = arith.index_cast %parallel_loop3A_740 : i32 to index
        %parallel_loop3A_1604 = arith.index_cast %parallel_loop3A_1600 : i32 to index
        %parallel_loop3A_1605 = arith.constant 32 : index
        %parallel_loop3A_1606 = tpu.vector_load %arg8[%parallel_loop3A_1601, %parallel_loop3A_1602, %parallel_loop3A_1603, %parallel_loop3A_1604, %parallel_loop3A_1605] {strides = array<i32>} : memref<2x4x4x8x128xf32, #tpu.memory_space<vmem>>, vector<16xf32>,
        tpu.vector_store %arg8[%parallel_loop3A_1601, %parallel_loop3A_1602, %parallel_loop3A_1603, %parallel_loop3A_1604, %parallel_loop3A_1605], %parallel_loop3A_1599 {strides = array<i32>} : memref<2x4x4x8x128xf32, #tpu.memory_space<vmem>>, vector<16xf32>,
        %parallel_loop3A_1607 = arith.constant 128 : i32
        %parallel_loop3A_1608 = arith.muli %parallel_loop3A_740, %parallel_loop3A_1607 : i32
        %parallel_loop3A_1609 = arith.constant 48 : i32
        %parallel_loop3A_1610 = arith.addi %parallel_loop3A_1608, %parallel_loop3A_1609 : i32
        %parallel_loop3A_1611 = vector.broadcast %parallel_loop3A_1610 : i32 to vector<16xi32>
        %parallel_loop3A_1612 = arith.addi %iota3A, %parallel_loop3A_1611 : vector<16xi32>
        %parallel_loop3A_1613 = tpu.vector_load_idx %arg7[%parallel_loop3A_1612, %parallel_loop3A_1564] : memref<512x33xf32, #tpu.memory_space<vmem>>[vector<16xi32>, vector<16xi32>], vector<16xf32>,
        %parallel_loop3A_1614 = arith.constant 7 : i32
        %parallel_loop3A_1615 = arith.index_cast %rem3A_545 : i32 to index
        %parallel_loop3A_1616 = arith.index_cast %parallel_loop3A_738 : i32 to index
        %parallel_loop3A_1617 = arith.index_cast %parallel_loop3A_740 : i32 to index
        %parallel_loop3A_1618 = arith.index_cast %parallel_loop3A_1614 : i32 to index
        %parallel_loop3A_1619 = arith.constant 48 : index
        %parallel_loop3A_1620 = tpu.vector_load %arg8[%parallel_loop3A_1615, %parallel_loop3A_1616, %parallel_loop3A_1617, %parallel_loop3A_1618, %parallel_loop3A_1619] {strides = array<i32>} : memref<2x4x4x8x128xf32, #tpu.memory_space<vmem>>, vector<16xf32>,
        tpu.vector_store %arg8[%parallel_loop3A_1615, %parallel_loop3A_1616, %parallel_loop3A_1617, %parallel_loop3A_1618, %parallel_loop3A_1619], %parallel_loop3A_1613 {strides = array<i32>} : memref<2x4x4x8x128xf32, #tpu.memory_space<vmem>>, vector<16xf32>,
        %parallel_loop3A_1621 = arith.constant 128 : i32
        %parallel_loop3A_1622 = arith.muli %parallel_loop3A_740, %parallel_loop3A_1621 : i32
        %parallel_loop3A_1623 = arith.constant 64 : i32
        %parallel_loop3A_1624 = arith.addi %parallel_loop3A_1622, %parallel_loop3A_1623 : i32
        %parallel_loop3A_1625 = vector.broadcast %parallel_loop3A_1624 : i32 to vector<16xi32>
        %parallel_loop3A_1626 = arith.addi %iota3A, %parallel_loop3A_1625 : vector<16xi32>
        %parallel_loop3A_1627 = tpu.vector_load_idx %arg7[%parallel_loop3A_1626, %parallel_loop3A_1564] : memref<512x33xf32, #tpu.memory_space<vmem>>[vector<16xi32>, vector<16xi32>], vector<16xf32>,
        %parallel_loop3A_1628 = arith.constant 7 : i32
        %parallel_loop3A_1629 = arith.index_cast %rem3A_545 : i32 to index
        %parallel_loop3A_1630 = arith.index_cast %parallel_loop3A_738 : i32 to index
        %parallel_loop3A_1631 = arith.index_cast %parallel_loop3A_740 : i32 to index
        %parallel_loop3A_1632 = arith.index_cast %parallel_loop3A_1628 : i32 to index
        %parallel_loop3A_1633 = arith.constant 64 : index
        %parallel_loop3A_1634 = tpu.vector_load %arg8[%parallel_loop3A_1629, %parallel_loop3A_1630, %parallel_loop3A_1631, %parallel_loop3A_1632, %parallel_loop3A_1633] {strides = array<i32>} : memref<2x4x4x8x128xf32, #tpu.memory_space<vmem>>, vector<16xf32>,
        tpu.vector_store %arg8[%parallel_loop3A_1629, %parallel_loop3A_1630, %parallel_loop3A_1631, %parallel_loop3A_1632, %parallel_loop3A_1633], %parallel_loop3A_1627 {strides = array<i32>} : memref<2x4x4x8x128xf32, #tpu.memory_space<vmem>>, vector<16xf32>,
        %parallel_loop3A_1635 = arith.constant 128 : i32
        %parallel_loop3A_1636 = arith.muli %parallel_loop3A_740, %parallel_loop3A_1635 : i32
        %parallel_loop3A_1637 = arith.constant 80 : i32
        %parallel_loop3A_1638 = arith.addi %parallel_loop3A_1636, %parallel_loop3A_1637 : i32
        %parallel_loop3A_1639 = vector.broadcast %parallel_loop3A_1638 : i32 to vector<16xi32>
        %parallel_loop3A_1640 = arith.addi %iota3A, %parallel_loop3A_1639 : vector<16xi32>
        %parallel_loop3A_1641 = tpu.vector_load_idx %arg7[%parallel_loop3A_1640, %parallel_loop3A_1564] : memref<512x33xf32, #tpu.memory_space<vmem>>[vector<16xi32>, vector<16xi32>], vector<16xf32>,
        %parallel_loop3A_1642 = arith.constant 7 : i32
        %parallel_loop3A_1643 = arith.index_cast %rem3A_545 : i32 to index
        %parallel_loop3A_1644 = arith.index_cast %parallel_loop3A_738 : i32 to index
        %parallel_loop3A_1645 = arith.index_cast %parallel_loop3A_740 : i32 to index
        %parallel_loop3A_1646 = arith.index_cast %parallel_loop3A_1642 : i32 to index
        %parallel_loop3A_1647 = arith.constant 80 : index
        %parallel_loop3A_1648 = tpu.vector_load %arg8[%parallel_loop3A_1643, %parallel_loop3A_1644, %parallel_loop3A_1645, %parallel_loop3A_1646, %parallel_loop3A_1647] {strides = array<i32>} : memref<2x4x4x8x128xf32, #tpu.memory_space<vmem>>, vector<16xf32>,
        tpu.vector_store %arg8[%parallel_loop3A_1643, %parallel_loop3A_1644, %parallel_loop3A_1645, %parallel_loop3A_1646, %parallel_loop3A_1647], %parallel_loop3A_1641 {strides = array<i32>} : memref<2x4x4x8x128xf32, #tpu.memory_space<vmem>>, vector<16xf32>,
        %parallel_loop3A_1649 = arith.constant 128 : i32
        %parallel_loop3A_1650 = arith.muli %parallel_loop3A_740, %parallel_loop3A_1649 : i32
        %parallel_loop3A_1651 = arith.constant 96 : i32
        %parallel_loop3A_1652 = arith.addi %parallel_loop3A_1650, %parallel_loop3A_1651 : i32
        %parallel_loop3A_1653 = vector.broadcast %parallel_loop3A_1652 : i32 to vector<16xi32>
        %parallel_loop3A_1654 = arith.addi %iota3A, %parallel_loop3A_1653 : vector<16xi32>
        %parallel_loop3A_1655 = tpu.vector_load_idx %arg7[%parallel_loop3A_1654, %parallel_loop3A_1564] : memref<512x33xf32, #tpu.memory_space<vmem>>[vector<16xi32>, vector<16xi32>], vector<16xf32>,
        %parallel_loop3A_1656 = arith.constant 7 : i32
        %parallel_loop3A_1657 = arith.index_cast %rem3A_545 : i32 to index
        %parallel_loop3A_1658 = arith.index_cast %parallel_loop3A_738 : i32 to index
        %parallel_loop3A_1659 = arith.index_cast %parallel_loop3A_740 : i32 to index
        %parallel_loop3A_1660 = arith.index_cast %parallel_loop3A_1656 : i32 to index
        %parallel_loop3A_1661 = arith.constant 96 : index
        %parallel_loop3A_1662 = tpu.vector_load %arg8[%parallel_loop3A_1657, %parallel_loop3A_1658, %parallel_loop3A_1659, %parallel_loop3A_1660, %parallel_loop3A_1661] {strides = array<i32>} : memref<2x4x4x8x128xf32, #tpu.memory_space<vmem>>, vector<16xf32>,
        tpu.vector_store %arg8[%parallel_loop3A_1657, %parallel_loop3A_1658, %parallel_loop3A_1659, %parallel_loop3A_1660, %parallel_loop3A_1661], %parallel_loop3A_1655 {strides = array<i32>} : memref<2x4x4x8x128xf32, #tpu.memory_space<vmem>>, vector<16xf32>,
        %parallel_loop3A_1663 = arith.constant 128 : i32
        %parallel_loop3A_1664 = arith.muli %parallel_loop3A_740, %parallel_loop3A_1663 : i32
        %parallel_loop3A_1665 = arith.constant 112 : i32
        %parallel_loop3A_1666 = arith.addi %parallel_loop3A_1664, %parallel_loop3A_1665 : i32
        %parallel_loop3A_1667 = vector.broadcast %parallel_loop3A_1666 : i32 to vector<16xi32>
        %parallel_loop3A_1668 = arith.addi %iota3A, %parallel_loop3A_1667 : vector<16xi32>
        %parallel_loop3A_1669 = tpu.vector_load_idx %arg7[%parallel_loop3A_1668, %parallel_loop3A_1564] : memref<512x33xf32, #tpu.memory_space<vmem>>[vector<16xi32>, vector<16xi32>], vector<16xf32>,
        %parallel_loop3A_1670 = arith.constant 7 : i32
        %parallel_loop3A_1671 = arith.index_cast %rem3A_545 : i32 to index
        %parallel_loop3A_1672 = arith.index_cast %parallel_loop3A_738 : i32 to index
        %parallel_loop3A_1673 = arith.index_cast %parallel_loop3A_740 : i32 to index
        %parallel_loop3A_1674 = arith.index_cast %parallel_loop3A_1670 : i32 to index
        %parallel_loop3A_1675 = arith.constant 112 : index
        %parallel_loop3A_1676 = tpu.vector_load %arg8[%parallel_loop3A_1671, %parallel_loop3A_1672, %parallel_loop3A_1673, %parallel_loop3A_1674, %parallel_loop3A_1675] {strides = array<i32>} : memref<2x4x4x8x128xf32, #tpu.memory_space<vmem>>, vector<16xf32>,
        tpu.vector_store %arg8[%parallel_loop3A_1671, %parallel_loop3A_1672, %parallel_loop3A_1673, %parallel_loop3A_1674, %parallel_loop3A_1675], %parallel_loop3A_1669 {strides = array<i32>} : memref<2x4x4x8x128xf32, #tpu.memory_space<vmem>>, vector<16xf32>,
      } {sc.loop_unroll_factor = 1 : i64, sc.parallel_access}
      %dma_start3A_611 = arith.constant 0 : i32
      %dma_start3A_612 = arith.constant 0 : i32
      %dma_start3A_613 = arith.constant 0 : i32
      %dma_start3A_614 = arith.constant 0 : i32
      %dma_start3A_615 = arith.constant 0 : i32
      %dma_start3A_616 = tpu.memref_slice %arg8[%rem3A_545, %dma_start3A_611, %dma_start3A_613, %dma_start3A_614, %dma_start3A_615] : memref<2x4x4x8x128xf32, #tpu.memory_space<vmem>> -> memref<1x1x4x8x128xf32, #tpu.memory_space<vmem>>
      %dma_start3A_617 = tpu.memref_squeeze %dma_start3A_616 : memref<1x1x4x8x128xf32, #tpu.memory_space<vmem>> -> memref<4x8x128xf32, #tpu.memory_space<vmem>>
      %dma_start3A_618 = arith.constant 0 : i32
      %dma_start3A_619 = arith.constant 0 : i32
      %dma_start3A_620 = tpu.memref_slice %arg4[%add3A_521, %dma_start3A_612, %mul3A_2, %dma_start3A_618, %dma_start3A_619] : memref<200x4x128x8x128xf32, #tpu.memory_space<hbm>> -> memref<1x1x4x8x128xf32, #tpu.memory_space<hbm>>
      %dma_start3A_621 = tpu.memref_squeeze %dma_start3A_620 : memref<1x1x4x8x128xf32, #tpu.memory_space<hbm>> -> memref<4x8x128xf32, #tpu.memory_space<hbm>>
      %dma_start3A_622 = tpu.memref_slice %arg10[%rem3A_545] : memref<2x!tpu.dma_semaphore, #tpu.memory_space<semaphore_mem>> -> memref<1x!tpu.dma_semaphore, #tpu.memory_space<semaphore_mem>>
      %dma_start3A_623 = tpu.memref_squeeze %dma_start3A_622 : memref<1x!tpu.dma_semaphore, #tpu.memory_space<semaphore_mem>> -> memref<!tpu.dma_semaphore, #tpu.memory_space<semaphore_mem>>
      %dma_start3A_624 = arith.constant 0 : i32
      %dma_start3A_625 = arith.constant 0 : i32
      %dma_start3A_626 = tpu.memref_slice %arg4[%add3A_521, %dma_start3A_612, %mul3A_2, %dma_start3A_624, %dma_start3A_625] : memref<200x4x128x8x128xf32, #tpu.memory_space<hbm>> -> memref<1x1x4x8x128xf32, #tpu.memory_space<hbm>>
      %dma_start3A_627 = tpu.memref_squeeze %dma_start3A_626 : memref<1x1x4x8x128xf32, #tpu.memory_space<hbm>> -> memref<4x8x128xf32, #tpu.memory_space<hbm>>
      %dma_start3A_628 = arith.constant 0 : i32
      %dma_start3A_629 = arith.constant 0 : i32
      %dma_start3A_630 = arith.constant 0 : i32
      %dma_start3A_631 = tpu.memref_slice %arg8[%rem3A_545, %dma_start3A_611, %dma_start3A_628, %dma_start3A_629, %dma_start3A_630] : memref<2x4x4x8x128xf32, #tpu.memory_space<vmem>> -> memref<1x1x4x8x128xf32, #tpu.memory_space<vmem>>
      %dma_start3A_632 = tpu.memref_squeeze %dma_start3A_631 : memref<1x1x4x8x128xf32, #tpu.memory_space<vmem>> -> memref<4x8x128xf32, #tpu.memory_space<vmem>>
      tpu.enqueue_dma source(%dma_start3A_632 : memref<4x8x128xf32, #tpu.memory_space<vmem>>) target(%dma_start3A_627 : memref<4x8x128xf32, #tpu.memory_space<hbm>>) target_semaphore(%dma_start3A_623 : memref<!tpu.dma_semaphore, #tpu.memory_space<semaphore_mem>>)
      %dma_start3A_633 = arith.constant 1 : i32
      %dma_start3A_634 = arith.constant 1 : i32
      %dma_start3A_635 = arith.constant 0 : i32
      %dma_start3A_636 = arith.constant 0 : i32
      %dma_start3A_637 = arith.constant 0 : i32
      %dma_start3A_638 = tpu.memref_slice %arg8[%rem3A_545, %dma_start3A_633, %dma_start3A_635, %dma_start3A_636, %dma_start3A_637] : memref<2x4x4x8x128xf32, #tpu.memory_space<vmem>> -> memref<1x1x4x8x128xf32, #tpu.memory_space<vmem>>
      %dma_start3A_639 = tpu.memref_squeeze %dma_start3A_638 : memref<1x1x4x8x128xf32, #tpu.memory_space<vmem>> -> memref<4x8x128xf32, #tpu.memory_space<vmem>>
      %dma_start3A_640 = arith.constant 0 : i32
      %dma_start3A_641 = arith.constant 0 : i32
      %dma_start3A_642 = tpu.memref_slice %arg4[%add3A_521, %dma_start3A_634, %mul3A_2, %dma_start3A_640, %dma_start3A_641] : memref<200x4x128x8x128xf32, #tpu.memory_space<hbm>> -> memref<1x1x4x8x128xf32, #tpu.memory_space<hbm>>
      %dma_start3A_643 = tpu.memref_squeeze %dma_start3A_642 : memref<1x1x4x8x128xf32, #tpu.memory_space<hbm>> -> memref<4x8x128xf32, #tpu.memory_space<hbm>>
      %dma_start3A_644 = tpu.memref_slice %arg10[%rem3A_545] : memref<2x!tpu.dma_semaphore, #tpu.memory_space<semaphore_mem>> -> memref<1x!tpu.dma_semaphore, #tpu.memory_space<semaphore_mem>>
      %dma_start3A_645 = tpu.memref_squeeze %dma_start3A_644 : memref<1x!tpu.dma_semaphore, #tpu.memory_space<semaphore_mem>> -> memref<!tpu.dma_semaphore, #tpu.memory_space<semaphore_mem>>
      %dma_start3A_646 = arith.constant 0 : i32
      %dma_start3A_647 = arith.constant 0 : i32
      %dma_start3A_648 = tpu.memref_slice %arg4[%add3A_521, %dma_start3A_634, %mul3A_2, %dma_start3A_646, %dma_start3A_647] : memref<200x4x128x8x128xf32, #tpu.memory_space<hbm>> -> memref<1x1x4x8x128xf32, #tpu.memory_space<hbm>>
      %dma_start3A_649 = tpu.memref_squeeze %dma_start3A_648 : memref<1x1x4x8x128xf32, #tpu.memory_space<hbm>> -> memref<4x8x128xf32, #tpu.memory_space<hbm>>
      %dma_start3A_650 = arith.constant 0 : i32
      %dma_start3A_651 = arith.constant 0 : i32
      %dma_start3A_652 = arith.constant 0 : i32
      %dma_start3A_653 = tpu.memref_slice %arg8[%rem3A_545, %dma_start3A_633, %dma_start3A_650, %dma_start3A_651, %dma_start3A_652] : memref<2x4x4x8x128xf32, #tpu.memory_space<vmem>> -> memref<1x1x4x8x128xf32, #tpu.memory_space<vmem>>
      %dma_start3A_654 = tpu.memref_squeeze %dma_start3A_653 : memref<1x1x4x8x128xf32, #tpu.memory_space<vmem>> -> memref<4x8x128xf32, #tpu.memory_space<vmem>>
      tpu.enqueue_dma source(%dma_start3A_654 : memref<4x8x128xf32, #tpu.memory_space<vmem>>) target(%dma_start3A_649 : memref<4x8x128xf32, #tpu.memory_space<hbm>>) target_semaphore(%dma_start3A_645 : memref<!tpu.dma_semaphore, #tpu.memory_space<semaphore_mem>>)
      %dma_start3A_655 = arith.constant 2 : i32
      %dma_start3A_656 = arith.constant 2 : i32
      %dma_start3A_657 = arith.constant 0 : i32
      %dma_start3A_658 = arith.constant 0 : i32
      %dma_start3A_659 = arith.constant 0 : i32
      %dma_start3A_660 = tpu.memref_slice %arg8[%rem3A_545, %dma_start3A_655, %dma_start3A_657, %dma_start3A_658, %dma_start3A_659] : memref<2x4x4x8x128xf32, #tpu.memory_space<vmem>> -> memref<1x1x4x8x128xf32, #tpu.memory_space<vmem>>
      %dma_start3A_661 = tpu.memref_squeeze %dma_start3A_660 : memref<1x1x4x8x128xf32, #tpu.memory_space<vmem>> -> memref<4x8x128xf32, #tpu.memory_space<vmem>>
      %dma_start3A_662 = arith.constant 0 : i32
      %dma_start3A_663 = arith.constant 0 : i32
      %dma_start3A_664 = tpu.memref_slice %arg4[%add3A_521, %dma_start3A_656, %mul3A_2, %dma_start3A_662, %dma_start3A_663] : memref<200x4x128x8x128xf32, #tpu.memory_space<hbm>> -> memref<1x1x4x8x128xf32, #tpu.memory_space<hbm>>
      %dma_start3A_665 = tpu.memref_squeeze %dma_start3A_664 : memref<1x1x4x8x128xf32, #tpu.memory_space<hbm>> -> memref<4x8x128xf32, #tpu.memory_space<hbm>>
      %dma_start3A_666 = tpu.memref_slice %arg10[%rem3A_545] : memref<2x!tpu.dma_semaphore, #tpu.memory_space<semaphore_mem>> -> memref<1x!tpu.dma_semaphore, #tpu.memory_space<semaphore_mem>>
      %dma_start3A_667 = tpu.memref_squeeze %dma_start3A_666 : memref<1x!tpu.dma_semaphore, #tpu.memory_space<semaphore_mem>> -> memref<!tpu.dma_semaphore, #tpu.memory_space<semaphore_mem>>
      %dma_start3A_668 = arith.constant 0 : i32
      %dma_start3A_669 = arith.constant 0 : i32
      %dma_start3A_670 = tpu.memref_slice %arg4[%add3A_521, %dma_start3A_656, %mul3A_2, %dma_start3A_668, %dma_start3A_669] : memref<200x4x128x8x128xf32, #tpu.memory_space<hbm>> -> memref<1x1x4x8x128xf32, #tpu.memory_space<hbm>>
      %dma_start3A_671 = tpu.memref_squeeze %dma_start3A_670 : memref<1x1x4x8x128xf32, #tpu.memory_space<hbm>> -> memref<4x8x128xf32, #tpu.memory_space<hbm>>
      %dma_start3A_672 = arith.constant 0 : i32
      %dma_start3A_673 = arith.constant 0 : i32
      %dma_start3A_674 = arith.constant 0 : i32
      %dma_start3A_675 = tpu.memref_slice %arg8[%rem3A_545, %dma_start3A_655, %dma_start3A_672, %dma_start3A_673, %dma_start3A_674] : memref<2x4x4x8x128xf32, #tpu.memory_space<vmem>> -> memref<1x1x4x8x128xf32, #tpu.memory_space<vmem>>
      %dma_start3A_676 = tpu.memref_squeeze %dma_start3A_675 : memref<1x1x4x8x128xf32, #tpu.memory_space<vmem>> -> memref<4x8x128xf32, #tpu.memory_space<vmem>>
      tpu.enqueue_dma source(%dma_start3A_676 : memref<4x8x128xf32, #tpu.memory_space<vmem>>) target(%dma_start3A_671 : memref<4x8x128xf32, #tpu.memory_space<hbm>>) target_semaphore(%dma_start3A_667 : memref<!tpu.dma_semaphore, #tpu.memory_space<semaphore_mem>>)
      %dma_start3A_677 = arith.constant 3 : i32
      %dma_start3A_678 = arith.constant 3 : i32
      %dma_start3A_679 = arith.constant 0 : i32
      %dma_start3A_680 = arith.constant 0 : i32
      %dma_start3A_681 = arith.constant 0 : i32
      %dma_start3A_682 = tpu.memref_slice %arg8[%rem3A_545, %dma_start3A_677, %dma_start3A_679, %dma_start3A_680, %dma_start3A_681] : memref<2x4x4x8x128xf32, #tpu.memory_space<vmem>> -> memref<1x1x4x8x128xf32, #tpu.memory_space<vmem>>
      %dma_start3A_683 = tpu.memref_squeeze %dma_start3A_682 : memref<1x1x4x8x128xf32, #tpu.memory_space<vmem>> -> memref<4x8x128xf32, #tpu.memory_space<vmem>>
      %dma_start3A_684 = arith.constant 0 : i32
      %dma_start3A_685 = arith.constant 0 : i32
      %dma_start3A_686 = tpu.memref_slice %arg4[%add3A_521, %dma_start3A_678, %mul3A_2, %dma_start3A_684, %dma_start3A_685] : memref<200x4x128x8x128xf32, #tpu.memory_space<hbm>> -> memref<1x1x4x8x128xf32, #tpu.memory_space<hbm>>
      %dma_start3A_687 = tpu.memref_squeeze %dma_start3A_686 : memref<1x1x4x8x128xf32, #tpu.memory_space<hbm>> -> memref<4x8x128xf32, #tpu.memory_space<hbm>>
      %dma_start3A_688 = tpu.memref_slice %arg10[%rem3A_545] : memref<2x!tpu.dma_semaphore, #tpu.memory_space<semaphore_mem>> -> memref<1x!tpu.dma_semaphore, #tpu.memory_space<semaphore_mem>>
      %dma_start3A_689 = tpu.memref_squeeze %dma_start3A_688 : memref<1x!tpu.dma_semaphore, #tpu.memory_space<semaphore_mem>> -> memref<!tpu.dma_semaphore, #tpu.memory_space<semaphore_mem>>
      %dma_start3A_690 = arith.constant 0 : i32
      %dma_start3A_691 = arith.constant 0 : i32
      %dma_start3A_692 = tpu.memref_slice %arg4[%add3A_521, %dma_start3A_678, %mul3A_2, %dma_start3A_690, %dma_start3A_691] : memref<200x4x128x8x128xf32, #tpu.memory_space<hbm>> -> memref<1x1x4x8x128xf32, #tpu.memory_space<hbm>>
      %dma_start3A_693 = tpu.memref_squeeze %dma_start3A_692 : memref<1x1x4x8x128xf32, #tpu.memory_space<hbm>> -> memref<4x8x128xf32, #tpu.memory_space<hbm>>
      %dma_start3A_694 = arith.constant 0 : i32
      %dma_start3A_695 = arith.constant 0 : i32
      %dma_start3A_696 = arith.constant 0 : i32
      %dma_start3A_697 = tpu.memref_slice %arg8[%rem3A_545, %dma_start3A_677, %dma_start3A_694, %dma_start3A_695, %dma_start3A_696] : memref<2x4x4x8x128xf32, #tpu.memory_space<vmem>> -> memref<1x1x4x8x128xf32, #tpu.memory_space<vmem>>
      %dma_start3A_698 = tpu.memref_squeeze %dma_start3A_697 : memref<1x1x4x8x128xf32, #tpu.memory_space<vmem>> -> memref<4x8x128xf32, #tpu.memory_space<vmem>>
      tpu.enqueue_dma source(%dma_start3A_698 : memref<4x8x128xf32, #tpu.memory_space<vmem>>) target(%dma_start3A_693 : memref<4x8x128xf32, #tpu.memory_space<hbm>>) target_semaphore(%dma_start3A_689 : memref<!tpu.dma_semaphore, #tpu.memory_space<semaphore_mem>>)
      %eq3A_699 = arith.constant 4 : i32
      %eq3A_700 = arith.cmpi eq, %rem3A_539, %eq3A_699 : i32
      %lt3A_701 = arith.constant 24 : i32
      %lt3A_702 = arith.cmpi slt, %select_n3A, %lt3A_701 : i32
      %and3A_703 = arith.andi %eq3A_700, %lt3A_702 : i1
      %convert_element_type3A_704 = arith.extui %and3A_703 : i1 to i32
      %cond3A_705 = arith.constant 0 : i32
      %cond3A_706 = arith.cmpi ne, %convert_element_type3A_704, %cond3A_705 : i32
      scf.if %cond3A_706 {
        %add3A_714 = arith.constant 1 : i32
        %add3A_715 = arith.addi %select_n3A, %add3A_714 : i32
        %sub3A_716 = arith.constant 1 : i32
        %sub3A_717 = arith.subi %sub3A_716, %rem3A_541 : i32
        %dma_wait3A_718 = arith.constant 0 : i32
        %dma_wait3A_719 = arith.constant 0 : i32
        %dma_wait3A_720 = arith.constant 0 : i32
        %dma_wait3A_721 = tpu.memref_slice %arg5[%sub3A_717, %dma_wait3A_718, %dma_wait3A_719, %dma_wait3A_720] : memref<2x4x8x128xi32, #tpu.memory_space<vmem>> -> memref<1x4x8x128xi32, #tpu.memory_space<vmem>>
        %dma_wait3A_722 = tpu.memref_squeeze %dma_wait3A_721 : memref<1x4x8x128xi32, #tpu.memory_space<vmem>> -> memref<4x8x128xi32, #tpu.memory_space<vmem>>
        %dma_wait3A_723 = arith.constant 0 : i32
        %dma_wait3A_724 = arith.constant 0 : i32
        %dma_wait3A_725 = tpu.memref_slice %arg3[%add3A_715, %mul3A_2, %dma_wait3A_723, %dma_wait3A_724] : memref<25x128x8x128xi32, #tpu.memory_space<hbm>> -> memref<1x4x8x128xi32, #tpu.memory_space<hbm>>
        %dma_wait3A_726 = tpu.memref_squeeze %dma_wait3A_725 : memref<1x4x8x128xi32, #tpu.memory_space<hbm>> -> memref<4x8x128xi32, #tpu.memory_space<hbm>>
        %dma_wait3A_727 = arith.constant 0 : i32
        %dma_wait3A_728 = arith.constant 0 : i32
        %dma_wait3A_729 = arith.constant 0 : i32
        %dma_wait3A_730 = tpu.memref_slice %arg5[%sub3A_717, %dma_wait3A_727, %dma_wait3A_728, %dma_wait3A_729] : memref<2x4x8x128xi32, #tpu.memory_space<vmem>> -> memref<1x4x8x128xi32, #tpu.memory_space<vmem>>
        %dma_wait3A_731 = tpu.memref_squeeze %dma_wait3A_730 : memref<1x4x8x128xi32, #tpu.memory_space<vmem>> -> memref<4x8x128xi32, #tpu.memory_space<vmem>>
        %dma_wait3A_732 = arith.constant 0 : i32
        %dma_wait3A_733 = arith.constant 0 : i32
        %dma_wait3A_734 = tpu.memref_slice %arg3[%add3A_715, %mul3A_2, %dma_wait3A_732, %dma_wait3A_733] : memref<25x128x8x128xi32, #tpu.memory_space<hbm>> -> memref<1x4x8x128xi32, #tpu.memory_space<hbm>>
        %dma_wait3A_735 = tpu.memref_squeeze %dma_wait3A_734 : memref<1x4x8x128xi32, #tpu.memory_space<hbm>> -> memref<4x8x128xi32, #tpu.memory_space<hbm>>
        tpu.wait_dma2 semaphore(%arg11 : memref<!tpu.dma_semaphore, #tpu.memory_space<semaphore_mem>>) src(%dma_wait3A_735 : memref<4x8x128xi32, #tpu.memory_space<hbm>>) dst(%dma_wait3A_731 : memref<4x8x128xi32, #tpu.memory_space<vmem>>)
      } else {
      }
      %add3A_707 = arith.constant 4 : i32
      %add3A_708 = arith.addi %add3A_521, %add3A_707 : i32
      %lt3A_709 = arith.constant 200 : i32
      %lt3A_710 = arith.cmpi slt, %add3A_708, %lt3A_709 : i32
      %convert_element_type3A_711 = arith.extui %lt3A_710 : i1 to i32
      %cond3A_712 = arith.constant 0 : i32
      %cond3A_713 = arith.cmpi ne, %convert_element_type3A_711, %cond3A_712 : i32
      scf.if %cond3A_713 {
        %add3A_714 = arith.constant 4 : i32
        %add3A_715 = arith.addi %add3A_521, %add3A_714 : i32
        %rem3A_716 = arith.constant 8 : i32
        %rem3A_717 = arith.remsi %add3A_715, %rem3A_716 : i32
        %jit3A_718 = arith.constant 8 : i32
        %div3A_719 = arith.divsi %add3A_715, %jit3A_718 : i32
        %sign3A_720 = arith.constant 0 : i32
        %sign3A_721 = arith.cmpi sgt, %add3A_715, %sign3A_720 : i32
        %sign3A_722 = arith.extui %sign3A_721 : i1 to i32
        %sign3A_723 = arith.constant 0 : i32
        %sign3A_724 = arith.cmpi slt, %add3A_715, %sign3A_723 : i32
        %sign3A_725 = arith.extui %sign3A_724 : i1 to i32
        %sign3A_726 = arith.subi %sign3A_722, %sign3A_725 : i32
        %sign3A_727 = arith.constant 0 : i32
        %sign3A_728 = arith.cmpi sgt, %jit3A_718, %sign3A_727 : i32
        %sign3A_729 = arith.extui %sign3A_728 : i1 to i32
        %sign3A_730 = arith.constant 0 : i32
        %sign3A_731 = arith.cmpi slt, %jit3A_718, %sign3A_730 : i32
        %sign3A_732 = arith.extui %sign3A_731 : i1 to i32
        %sign3A_733 = arith.subi %sign3A_729, %sign3A_732 : i32
        %ne3A_734 = arith.cmpi ne, %sign3A_726, %sign3A_733 : i32
        %rem3A_735 = arith.remsi %add3A_715, %jit3A_718 : i32
        %ne3A_736 = arith.constant 0 : i32
        %ne3A_737 = arith.cmpi ne, %rem3A_735, %ne3A_736 : i32
        %and3A_738 = arith.andi %ne3A_734, %ne3A_737 : i1
        %sub3A_739 = arith.constant 1 : i32
        %sub3A_740 = arith.subi %div3A_719, %sub3A_739 : i32
        %select_n3A_741 = arith.select %and3A_738, %sub3A_740, %div3A_719 : i32
        %rem3A_742 = arith.constant 2 : i32
        %rem3A_743 = arith.remsi %select_n3A_741, %rem3A_742 : i32
        %dma_start3A_744 = arith.constant 0 : i32
        %dma_start3A_745 = arith.constant 0 : i32
        %dma_start3A_746 = arith.constant 0 : i32
        %dma_start3A_747 = tpu.memref_slice %arg6[%rem3A_543, %dma_start3A_745, %dma_start3A_746] : memref<4x512x32xf32, #tpu.memory_space<vmem>> -> memref<1x128x32xf32, #tpu.memory_space<vmem>>
        %dma_start3A_748 = tpu.memref_squeeze %dma_start3A_747 : memref<1x128x32xf32, #tpu.memory_space<vmem>> -> memref<128x32xf32, #tpu.memory_space<vmem>>
        %dma_start3A_749 = arith.constant 0 : i32
        %dma_start3A_750 = tpu.memref_slice %arg5[%rem3A_743, %dma_start3A_744, %rem3A_717, %dma_start3A_749] : memref<2x4x8x128xi32, #tpu.memory_space<vmem>> -> memref<1x1x1x128xi32, #tpu.memory_space<vmem>>
        %dma_start3A_751 = tpu.memref_squeeze %dma_start3A_750 : memref<1x1x1x128xi32, #tpu.memory_space<vmem>> -> memref<128xi32, #tpu.memory_space<vmem>>
        %dma_start3A_752 = arith.constant 0 : i32
        %dma_start3A_753 = arith.constant 0 : i32
        %dma_start3A_754 = tpu.memref_slice %arg2[%dma_start3A_752, %dma_start3A_753] : memref<1000000x32xf32, #tpu.memory_space<hbm>> -> memref<1000000x32xf32, #tpu.memory_space<hbm>>
        %dma_start3A_755 = tpu.memref_slice %arg9[%rem3A_543] : memref<4x!tpu.dma_semaphore, #tpu.memory_space<semaphore_mem>> -> memref<1x!tpu.dma_semaphore, #tpu.memory_space<semaphore_mem>>
        %dma_start3A_756 = tpu.memref_squeeze %dma_start3A_755 : memref<1x!tpu.dma_semaphore, #tpu.memory_space<semaphore_mem>> -> memref<!tpu.dma_semaphore, #tpu.memory_space<semaphore_mem>>
        tpu.enqueue_indirect_dma source(%dma_start3A_754 : memref<1000000x32xf32, #tpu.memory_space<hbm>>) target(%dma_start3A_748 : memref<128x32xf32, #tpu.memory_space<vmem>>) offsets(%dma_start3A_751 : memref<128xi32, #tpu.memory_space<vmem>>) semaphore(%dma_start3A_756 : memref<!tpu.dma_semaphore, #tpu.memory_space<semaphore_mem>>)
        %dma_start3A_757 = arith.constant 1 : i32
        %dma_start3A_758 = arith.constant 128 : i32
        %dma_start3A_759 = arith.constant 0 : i32
        %dma_start3A_760 = tpu.memref_slice %arg6[%rem3A_543, %dma_start3A_758, %dma_start3A_759] : memref<4x512x32xf32, #tpu.memory_space<vmem>> -> memref<1x128x32xf32, #tpu.memory_space<vmem>>
        %dma_start3A_761 = tpu.memref_squeeze %dma_start3A_760 : memref<1x128x32xf32, #tpu.memory_space<vmem>> -> memref<128x32xf32, #tpu.memory_space<vmem>>
        %dma_start3A_762 = arith.constant 0 : i32
        %dma_start3A_763 = tpu.memref_slice %arg5[%rem3A_743, %dma_start3A_757, %rem3A_717, %dma_start3A_762] : memref<2x4x8x128xi32, #tpu.memory_space<vmem>> -> memref<1x1x1x128xi32, #tpu.memory_space<vmem>>
        %dma_start3A_764 = tpu.memref_squeeze %dma_start3A_763 : memref<1x1x1x128xi32, #tpu.memory_space<vmem>> -> memref<128xi32, #tpu.memory_space<vmem>>
        %dma_start3A_765 = arith.constant 0 : i32
        %dma_start3A_766 = arith.constant 0 : i32
        %dma_start3A_767 = tpu.memref_slice %arg2[%dma_start3A_765, %dma_start3A_766] : memref<1000000x32xf32, #tpu.memory_space<hbm>> -> memref<1000000x32xf32, #tpu.memory_space<hbm>>
        %dma_start3A_768 = tpu.memref_slice %arg9[%rem3A_543] : memref<4x!tpu.dma_semaphore, #tpu.memory_space<semaphore_mem>> -> memref<1x!tpu.dma_semaphore, #tpu.memory_space<semaphore_mem>>
        %dma_start3A_769 = tpu.memref_squeeze %dma_start3A_768 : memref<1x!tpu.dma_semaphore, #tpu.memory_space<semaphore_mem>> -> memref<!tpu.dma_semaphore, #tpu.memory_space<semaphore_mem>>
        tpu.enqueue_indirect_dma source(%dma_start3A_767 : memref<1000000x32xf32, #tpu.memory_space<hbm>>) target(%dma_start3A_761 : memref<128x32xf32, #tpu.memory_space<vmem>>) offsets(%dma_start3A_764 : memref<128xi32, #tpu.memory_space<vmem>>) semaphore(%dma_start3A_769 : memref<!tpu.dma_semaphore, #tpu.memory_space<semaphore_mem>>)
        %dma_start3A_770 = arith.constant 2 : i32
        %dma_start3A_771 = arith.constant 256 : i32
        %dma_start3A_772 = arith.constant 0 : i32
        %dma_start3A_773 = tpu.memref_slice %arg6[%rem3A_543, %dma_start3A_771, %dma_start3A_772] : memref<4x512x32xf32, #tpu.memory_space<vmem>> -> memref<1x128x32xf32, #tpu.memory_space<vmem>>
        %dma_start3A_774 = tpu.memref_squeeze %dma_start3A_773 : memref<1x128x32xf32, #tpu.memory_space<vmem>> -> memref<128x32xf32, #tpu.memory_space<vmem>>
        %dma_start3A_775 = arith.constant 0 : i32
        %dma_start3A_776 = tpu.memref_slice %arg5[%rem3A_743, %dma_start3A_770, %rem3A_717, %dma_start3A_775] : memref<2x4x8x128xi32, #tpu.memory_space<vmem>> -> memref<1x1x1x128xi32, #tpu.memory_space<vmem>>
        %dma_start3A_777 = tpu.memref_squeeze %dma_start3A_776 : memref<1x1x1x128xi32, #tpu.memory_space<vmem>> -> memref<128xi32, #tpu.memory_space<vmem>>
        %dma_start3A_778 = arith.constant 0 : i32
        %dma_start3A_779 = arith.constant 0 : i32
        %dma_start3A_780 = tpu.memref_slice %arg2[%dma_start3A_778, %dma_start3A_779] : memref<1000000x32xf32, #tpu.memory_space<hbm>> -> memref<1000000x32xf32, #tpu.memory_space<hbm>>
        %dma_start3A_781 = tpu.memref_slice %arg9[%rem3A_543] : memref<4x!tpu.dma_semaphore, #tpu.memory_space<semaphore_mem>> -> memref<1x!tpu.dma_semaphore, #tpu.memory_space<semaphore_mem>>
        %dma_start3A_782 = tpu.memref_squeeze %dma_start3A_781 : memref<1x!tpu.dma_semaphore, #tpu.memory_space<semaphore_mem>> -> memref<!tpu.dma_semaphore, #tpu.memory_space<semaphore_mem>>
        tpu.enqueue_indirect_dma source(%dma_start3A_780 : memref<1000000x32xf32, #tpu.memory_space<hbm>>) target(%dma_start3A_774 : memref<128x32xf32, #tpu.memory_space<vmem>>) offsets(%dma_start3A_777 : memref<128xi32, #tpu.memory_space<vmem>>) semaphore(%dma_start3A_782 : memref<!tpu.dma_semaphore, #tpu.memory_space<semaphore_mem>>)
        %dma_start3A_783 = arith.constant 3 : i32
        %dma_start3A_784 = arith.constant 384 : i32
        %dma_start3A_785 = arith.constant 0 : i32
        %dma_start3A_786 = tpu.memref_slice %arg6[%rem3A_543, %dma_start3A_784, %dma_start3A_785] : memref<4x512x32xf32, #tpu.memory_space<vmem>> -> memref<1x128x32xf32, #tpu.memory_space<vmem>>
        %dma_start3A_787 = tpu.memref_squeeze %dma_start3A_786 : memref<1x128x32xf32, #tpu.memory_space<vmem>> -> memref<128x32xf32, #tpu.memory_space<vmem>>
        %dma_start3A_788 = arith.constant 0 : i32
        %dma_start3A_789 = tpu.memref_slice %arg5[%rem3A_743, %dma_start3A_783, %rem3A_717, %dma_start3A_788] : memref<2x4x8x128xi32, #tpu.memory_space<vmem>> -> memref<1x1x1x128xi32, #tpu.memory_space<vmem>>
        %dma_start3A_790 = tpu.memref_squeeze %dma_start3A_789 : memref<1x1x1x128xi32, #tpu.memory_space<vmem>> -> memref<128xi32, #tpu.memory_space<vmem>>
        %dma_start3A_791 = arith.constant 0 : i32
        %dma_start3A_792 = arith.constant 0 : i32
        %dma_start3A_793 = tpu.memref_slice %arg2[%dma_start3A_791, %dma_start3A_792] : memref<1000000x32xf32, #tpu.memory_space<hbm>> -> memref<1000000x32xf32, #tpu.memory_space<hbm>>
        %dma_start3A_794 = tpu.memref_slice %arg9[%rem3A_543] : memref<4x!tpu.dma_semaphore, #tpu.memory_space<semaphore_mem>> -> memref<1x!tpu.dma_semaphore, #tpu.memory_space<semaphore_mem>>
        %dma_start3A_795 = tpu.memref_squeeze %dma_start3A_794 : memref<1x!tpu.dma_semaphore, #tpu.memory_space<semaphore_mem>> -> memref<!tpu.dma_semaphore, #tpu.memory_space<semaphore_mem>>
        tpu.enqueue_indirect_dma source(%dma_start3A_793 : memref<1000000x32xf32, #tpu.memory_space<hbm>>) target(%dma_start3A_787 : memref<128x32xf32, #tpu.memory_space<vmem>>) offsets(%dma_start3A_790 : memref<128xi32, #tpu.memory_space<vmem>>) semaphore(%dma_start3A_795 : memref<!tpu.dma_semaphore, #tpu.memory_space<semaphore_mem>>)
      } else {
      }
    }
    %scan3A_316 = arith.constant 200 : i32
    %dma_wait3A_317 = arith.constant 0 : i32
    %dma_wait3A_318 = arith.constant 0 : i32
    %dma_wait3A_319 = arith.constant 198 : i32
    %dma_wait3A_320 = arith.constant 0 : i32
    %dma_wait3A_321 = arith.constant 0 : i32
    %dma_wait3A_322 = arith.constant 0 : i32
    %dma_wait3A_323 = arith.constant 0 : i32
    %dma_wait3A_324 = arith.constant 0 : i32
    %dma_wait3A_325 = tpu.memref_slice %arg8[%dma_wait3A_317, %dma_wait3A_318, %dma_wait3A_322, %dma_wait3A_323, %dma_wait3A_324] : memref<2x4x4x8x128xf32, #tpu.memory_space<vmem>> -> memref<1x1x4x8x128xf32, #tpu.memory_space<vmem>>
    %dma_wait3A_326 = tpu.memref_squeeze %dma_wait3A_325 : memref<1x1x4x8x128xf32, #tpu.memory_space<vmem>> -> memref<4x8x128xf32, #tpu.memory_space<vmem>>
    %dma_wait3A_327 = arith.constant 0 : i32
    %dma_wait3A_328 = arith.constant 0 : i32
    %dma_wait3A_329 = tpu.memref_slice %arg4[%dma_wait3A_319, %dma_wait3A_320, %mul3A_2, %dma_wait3A_327, %dma_wait3A_328] : memref<200x4x128x8x128xf32, #tpu.memory_space<hbm>> -> memref<1x1x4x8x128xf32, #tpu.memory_space<hbm>>
    %dma_wait3A_330 = tpu.memref_squeeze %dma_wait3A_329 : memref<1x1x4x8x128xf32, #tpu.memory_space<hbm>> -> memref<4x8x128xf32, #tpu.memory_space<hbm>>
    %dma_wait3A_331 = tpu.memref_slice %arg10[%dma_wait3A_321] : memref<2x!tpu.dma_semaphore, #tpu.memory_space<semaphore_mem>> -> memref<1x!tpu.dma_semaphore, #tpu.memory_space<semaphore_mem>>
    %dma_wait3A_332 = tpu.memref_squeeze %dma_wait3A_331 : memref<1x!tpu.dma_semaphore, #tpu.memory_space<semaphore_mem>> -> memref<!tpu.dma_semaphore, #tpu.memory_space<semaphore_mem>>
    %dma_wait3A_333 = arith.constant 0 : i32
    %dma_wait3A_334 = arith.constant 0 : i32
    %dma_wait3A_335 = tpu.memref_slice %arg4[%dma_wait3A_319, %dma_wait3A_320, %mul3A_2, %dma_wait3A_333, %dma_wait3A_334] : memref<200x4x128x8x128xf32, #tpu.memory_space<hbm>> -> memref<1x1x4x8x128xf32, #tpu.memory_space<hbm>>
    %dma_wait3A_336 = tpu.memref_squeeze %dma_wait3A_335 : memref<1x1x4x8x128xf32, #tpu.memory_space<hbm>> -> memref<4x8x128xf32, #tpu.memory_space<hbm>>
    %dma_wait3A_337 = arith.constant 0 : i32
    %dma_wait3A_338 = arith.constant 0 : i32
    %dma_wait3A_339 = arith.constant 0 : i32
    %dma_wait3A_340 = tpu.memref_slice %arg8[%dma_wait3A_317, %dma_wait3A_318, %dma_wait3A_337, %dma_wait3A_338, %dma_wait3A_339] : memref<2x4x4x8x128xf32, #tpu.memory_space<vmem>> -> memref<1x1x4x8x128xf32, #tpu.memory_space<vmem>>
    %dma_wait3A_341 = tpu.memref_squeeze %dma_wait3A_340 : memref<1x1x4x8x128xf32, #tpu.memory_space<vmem>> -> memref<4x8x128xf32, #tpu.memory_space<vmem>>
    tpu.wait_dma2 semaphore(%dma_wait3A_332 : memref<!tpu.dma_semaphore, #tpu.memory_space<semaphore_mem>>) src(%dma_wait3A_341 : memref<4x8x128xf32, #tpu.memory_space<vmem>>) dst(%dma_wait3A_336 : memref<4x8x128xf32, #tpu.memory_space<hbm>>)
    %dma_wait3A_342 = arith.constant 0 : i32
    %dma_wait3A_343 = arith.constant 1 : i32
    %dma_wait3A_344 = arith.constant 198 : i32
    %dma_wait3A_345 = arith.constant 1 : i32
    %dma_wait3A_346 = arith.constant 0 : i32
    %dma_wait3A_347 = arith.constant 0 : i32
    %dma_wait3A_348 = arith.constant 0 : i32
    %dma_wait3A_349 = arith.constant 0 : i32
    %dma_wait3A_350 = tpu.memref_slice %arg8[%dma_wait3A_342, %dma_wait3A_343, %dma_wait3A_347, %dma_wait3A_348, %dma_wait3A_349] : memref<2x4x4x8x128xf32, #tpu.memory_space<vmem>> -> memref<1x1x4x8x128xf32, #tpu.memory_space<vmem>>
    %dma_wait3A_351 = tpu.memref_squeeze %dma_wait3A_350 : memref<1x1x4x8x128xf32, #tpu.memory_space<vmem>> -> memref<4x8x128xf32, #tpu.memory_space<vmem>>
    %dma_wait3A_352 = arith.constant 0 : i32
    %dma_wait3A_353 = arith.constant 0 : i32
    %dma_wait3A_354 = tpu.memref_slice %arg4[%dma_wait3A_344, %dma_wait3A_345, %mul3A_2, %dma_wait3A_352, %dma_wait3A_353] : memref<200x4x128x8x128xf32, #tpu.memory_space<hbm>> -> memref<1x1x4x8x128xf32, #tpu.memory_space<hbm>>
    %dma_wait3A_355 = tpu.memref_squeeze %dma_wait3A_354 : memref<1x1x4x8x128xf32, #tpu.memory_space<hbm>> -> memref<4x8x128xf32, #tpu.memory_space<hbm>>
    %dma_wait3A_356 = tpu.memref_slice %arg10[%dma_wait3A_346] : memref<2x!tpu.dma_semaphore, #tpu.memory_space<semaphore_mem>> -> memref<1x!tpu.dma_semaphore, #tpu.memory_space<semaphore_mem>>
    %dma_wait3A_357 = tpu.memref_squeeze %dma_wait3A_356 : memref<1x!tpu.dma_semaphore, #tpu.memory_space<semaphore_mem>> -> memref<!tpu.dma_semaphore, #tpu.memory_space<semaphore_mem>>
    %dma_wait3A_358 = arith.constant 0 : i32
    %dma_wait3A_359 = arith.constant 0 : i32
    %dma_wait3A_360 = tpu.memref_slice %arg4[%dma_wait3A_344, %dma_wait3A_345, %mul3A_2, %dma_wait3A_358, %dma_wait3A_359] : memref<200x4x128x8x128xf32, #tpu.memory_space<hbm>> -> memref<1x1x4x8x128xf32, #tpu.memory_space<hbm>>
    %dma_wait3A_361 = tpu.memref_squeeze %dma_wait3A_360 : memref<1x1x4x8x128xf32, #tpu.memory_space<hbm>> -> memref<4x8x128xf32, #tpu.memory_space<hbm>>
    %dma_wait3A_362 = arith.constant 0 : i32
    %dma_wait3A_363 = arith.constant 0 : i32
    %dma_wait3A_364 = arith.constant 0 : i32
    %dma_wait3A_365 = tpu.memref_slice %arg8[%dma_wait3A_342, %dma_wait3A_343, %dma_wait3A_362, %dma_wait3A_363, %dma_wait3A_364] : memref<2x4x4x8x128xf32, #tpu.memory_space<vmem>> -> memref<1x1x4x8x128xf32, #tpu.memory_space<vmem>>
    %dma_wait3A_366 = tpu.memref_squeeze %dma_wait3A_365 : memref<1x1x4x8x128xf32, #tpu.memory_space<vmem>> -> memref<4x8x128xf32, #tpu.memory_space<vmem>>
    tpu.wait_dma2 semaphore(%dma_wait3A_357 : memref<!tpu.dma_semaphore, #tpu.memory_space<semaphore_mem>>) src(%dma_wait3A_366 : memref<4x8x128xf32, #tpu.memory_space<vmem>>) dst(%dma_wait3A_361 : memref<4x8x128xf32, #tpu.memory_space<hbm>>)
    %dma_wait3A_367 = arith.constant 0 : i32
    %dma_wait3A_368 = arith.constant 2 : i32
    %dma_wait3A_369 = arith.constant 198 : i32
    %dma_wait3A_370 = arith.constant 2 : i32
    %dma_wait3A_371 = arith.constant 0 : i32
    %dma_wait3A_372 = arith.constant 0 : i32
    %dma_wait3A_373 = arith.constant 0 : i32
    %dma_wait3A_374 = arith.constant 0 : i32
    %dma_wait3A_375 = tpu.memref_slice %arg8[%dma_wait3A_367, %dma_wait3A_368, %dma_wait3A_372, %dma_wait3A_373, %dma_wait3A_374] : memref<2x4x4x8x128xf32, #tpu.memory_space<vmem>> -> memref<1x1x4x8x128xf32, #tpu.memory_space<vmem>>
    %dma_wait3A_376 = tpu.memref_squeeze %dma_wait3A_375 : memref<1x1x4x8x128xf32, #tpu.memory_space<vmem>> -> memref<4x8x128xf32, #tpu.memory_space<vmem>>
    %dma_wait3A_377 = arith.constant 0 : i32
    %dma_wait3A_378 = arith.constant 0 : i32
    %dma_wait3A_379 = tpu.memref_slice %arg4[%dma_wait3A_369, %dma_wait3A_370, %mul3A_2, %dma_wait3A_377, %dma_wait3A_378] : memref<200x4x128x8x128xf32, #tpu.memory_space<hbm>> -> memref<1x1x4x8x128xf32, #tpu.memory_space<hbm>>
    %dma_wait3A_380 = tpu.memref_squeeze %dma_wait3A_379 : memref<1x1x4x8x128xf32, #tpu.memory_space<hbm>> -> memref<4x8x128xf32, #tpu.memory_space<hbm>>
    %dma_wait3A_381 = tpu.memref_slice %arg10[%dma_wait3A_371] : memref<2x!tpu.dma_semaphore, #tpu.memory_space<semaphore_mem>> -> memref<1x!tpu.dma_semaphore, #tpu.memory_space<semaphore_mem>>
    %dma_wait3A_382 = tpu.memref_squeeze %dma_wait3A_381 : memref<1x!tpu.dma_semaphore, #tpu.memory_space<semaphore_mem>> -> memref<!tpu.dma_semaphore, #tpu.memory_space<semaphore_mem>>
    %dma_wait3A_383 = arith.constant 0 : i32
    %dma_wait3A_384 = arith.constant 0 : i32
    %dma_wait3A_385 = tpu.memref_slice %arg4[%dma_wait3A_369, %dma_wait3A_370, %mul3A_2, %dma_wait3A_383, %dma_wait3A_384] : memref<200x4x128x8x128xf32, #tpu.memory_space<hbm>> -> memref<1x1x4x8x128xf32, #tpu.memory_space<hbm>>
    %dma_wait3A_386 = tpu.memref_squeeze %dma_wait3A_385 : memref<1x1x4x8x128xf32, #tpu.memory_space<hbm>> -> memref<4x8x128xf32, #tpu.memory_space<hbm>>
    %dma_wait3A_387 = arith.constant 0 : i32
    %dma_wait3A_388 = arith.constant 0 : i32
    %dma_wait3A_389 = arith.constant 0 : i32
    %dma_wait3A_390 = tpu.memref_slice %arg8[%dma_wait3A_367, %dma_wait3A_368, %dma_wait3A_387, %dma_wait3A_388, %dma_wait3A_389] : memref<2x4x4x8x128xf32, #tpu.memory_space<vmem>> -> memref<1x1x4x8x128xf32, #tpu.memory_space<vmem>>
    %dma_wait3A_391 = tpu.memref_squeeze %dma_wait3A_390 : memref<1x1x4x8x128xf32, #tpu.memory_space<vmem>> -> memref<4x8x128xf32, #tpu.memory_space<vmem>>
    tpu.wait_dma2 semaphore(%dma_wait3A_382 : memref<!tpu.dma_semaphore, #tpu.memory_space<semaphore_mem>>) src(%dma_wait3A_391 : memref<4x8x128xf32, #tpu.memory_space<vmem>>) dst(%dma_wait3A_386 : memref<4x8x128xf32, #tpu.memory_space<hbm>>)
    %dma_wait3A_392 = arith.constant 0 : i32
    %dma_wait3A_393 = arith.constant 3 : i32
    %dma_wait3A_394 = arith.constant 198 : i32
    %dma_wait3A_395 = arith.constant 3 : i32
    %dma_wait3A_396 = arith.constant 0 : i32
    %dma_wait3A_397 = arith.constant 0 : i32
    %dma_wait3A_398 = arith.constant 0 : i32
    %dma_wait3A_399 = arith.constant 0 : i32
    %dma_wait3A_400 = tpu.memref_slice %arg8[%dma_wait3A_392, %dma_wait3A_393, %dma_wait3A_397, %dma_wait3A_398, %dma_wait3A_399] : memref<2x4x4x8x128xf32, #tpu.memory_space<vmem>> -> memref<1x1x4x8x128xf32, #tpu.memory_space<vmem>>
    %dma_wait3A_401 = tpu.memref_squeeze %dma_wait3A_400 : memref<1x1x4x8x128xf32, #tpu.memory_space<vmem>> -> memref<4x8x128xf32, #tpu.memory_space<vmem>>
    %dma_wait3A_402 = arith.constant 0 : i32
    %dma_wait3A_403 = arith.constant 0 : i32
    %dma_wait3A_404 = tpu.memref_slice %arg4[%dma_wait3A_394, %dma_wait3A_395, %mul3A_2, %dma_wait3A_402, %dma_wait3A_403] : memref<200x4x128x8x128xf32, #tpu.memory_space<hbm>> -> memref<1x1x4x8x128xf32, #tpu.memory_space<hbm>>
    %dma_wait3A_405 = tpu.memref_squeeze %dma_wait3A_404 : memref<1x1x4x8x128xf32, #tpu.memory_space<hbm>> -> memref<4x8x128xf32, #tpu.memory_space<hbm>>
    %dma_wait3A_406 = tpu.memref_slice %arg10[%dma_wait3A_396] : memref<2x!tpu.dma_semaphore, #tpu.memory_space<semaphore_mem>> -> memref<1x!tpu.dma_semaphore, #tpu.memory_space<semaphore_mem>>
    %dma_wait3A_407 = tpu.memref_squeeze %dma_wait3A_406 : memref<1x!tpu.dma_semaphore, #tpu.memory_space<semaphore_mem>> -> memref<!tpu.dma_semaphore, #tpu.memory_space<semaphore_mem>>
    %dma_wait3A_408 = arith.constant 0 : i32
    %dma_wait3A_409 = arith.constant 0 : i32
    %dma_wait3A_410 = tpu.memref_slice %arg4[%dma_wait3A_394, %dma_wait3A_395, %mul3A_2, %dma_wait3A_408, %dma_wait3A_409] : memref<200x4x128x8x128xf32, #tpu.memory_space<hbm>> -> memref<1x1x4x8x128xf32, #tpu.memory_space<hbm>>
    %dma_wait3A_411 = tpu.memref_squeeze %dma_wait3A_410 : memref<1x1x4x8x128xf32, #tpu.memory_space<hbm>> -> memref<4x8x128xf32, #tpu.memory_space<hbm>>
    %dma_wait3A_412 = arith.constant 0 : i32
    %dma_wait3A_413 = arith.constant 0 : i32
    %dma_wait3A_414 = arith.constant 0 : i32
    %dma_wait3A_415 = tpu.memref_slice %arg8[%dma_wait3A_392, %dma_wait3A_393, %dma_wait3A_412, %dma_wait3A_413, %dma_wait3A_414] : memref<2x4x4x8x128xf32, #tpu.memory_space<vmem>> -> memref<1x1x4x8x128xf32, #tpu.memory_space<vmem>>
    %dma_wait3A_416 = tpu.memref_squeeze %dma_wait3A_415 : memref<1x1x4x8x128xf32, #tpu.memory_space<vmem>> -> memref<4x8x128xf32, #tpu.memory_space<vmem>>
    tpu.wait_dma2 semaphore(%dma_wait3A_407 : memref<!tpu.dma_semaphore, #tpu.memory_space<semaphore_mem>>) src(%dma_wait3A_416 : memref<4x8x128xf32, #tpu.memory_space<vmem>>) dst(%dma_wait3A_411 : memref<4x8x128xf32, #tpu.memory_space<hbm>>)
    %dma_wait3A_417 = arith.constant 1 : i32
    %dma_wait3A_418 = arith.constant 0 : i32
    %dma_wait3A_419 = arith.constant 199 : i32
    %dma_wait3A_420 = arith.constant 0 : i32
    %dma_wait3A_421 = arith.constant 1 : i32
    %dma_wait3A_422 = arith.constant 0 : i32
    %dma_wait3A_423 = arith.constant 0 : i32
    %dma_wait3A_424 = arith.constant 0 : i32
    %dma_wait3A_425 = tpu.memref_slice %arg8[%dma_wait3A_417, %dma_wait3A_418, %dma_wait3A_422, %dma_wait3A_423, %dma_wait3A_424] : memref<2x4x4x8x128xf32, #tpu.memory_space<vmem>> -> memref<1x1x4x8x128xf32, #tpu.memory_space<vmem>>
    %dma_wait3A_426 = tpu.memref_squeeze %dma_wait3A_425 : memref<1x1x4x8x128xf32, #tpu.memory_space<vmem>> -> memref<4x8x128xf32, #tpu.memory_space<vmem>>
    %dma_wait3A_427 = arith.constant 0 : i32
    %dma_wait3A_428 = arith.constant 0 : i32
    %dma_wait3A_429 = tpu.memref_slice %arg4[%dma_wait3A_419, %dma_wait3A_420, %mul3A_2, %dma_wait3A_427, %dma_wait3A_428] : memref<200x4x128x8x128xf32, #tpu.memory_space<hbm>> -> memref<1x1x4x8x128xf32, #tpu.memory_space<hbm>>
    %dma_wait3A_430 = tpu.memref_squeeze %dma_wait3A_429 : memref<1x1x4x8x128xf32, #tpu.memory_space<hbm>> -> memref<4x8x128xf32, #tpu.memory_space<hbm>>
    %dma_wait3A_431 = tpu.memref_slice %arg10[%dma_wait3A_421] : memref<2x!tpu.dma_semaphore, #tpu.memory_space<semaphore_mem>> -> memref<1x!tpu.dma_semaphore, #tpu.memory_space<semaphore_mem>>
    %dma_wait3A_432 = tpu.memref_squeeze %dma_wait3A_431 : memref<1x!tpu.dma_semaphore, #tpu.memory_space<semaphore_mem>> -> memref<!tpu.dma_semaphore, #tpu.memory_space<semaphore_mem>>
    %dma_wait3A_433 = arith.constant 0 : i32
    %dma_wait3A_434 = arith.constant 0 : i32
    %dma_wait3A_435 = tpu.memref_slice %arg4[%dma_wait3A_419, %dma_wait3A_420, %mul3A_2, %dma_wait3A_433, %dma_wait3A_434] : memref<200x4x128x8x128xf32, #tpu.memory_space<hbm>> -> memref<1x1x4x8x128xf32, #tpu.memory_space<hbm>>
    %dma_wait3A_436 = tpu.memref_squeeze %dma_wait3A_435 : memref<1x1x4x8x128xf32, #tpu.memory_space<hbm>> -> memref<4x8x128xf32, #tpu.memory_space<hbm>>
    %dma_wait3A_437 = arith.constant 0 : i32
    %dma_wait3A_438 = arith.constant 0 : i32
    %dma_wait3A_439 = arith.constant 0 : i32
    %dma_wait3A_440 = tpu.memref_slice %arg8[%dma_wait3A_417, %dma_wait3A_418, %dma_wait3A_437, %dma_wait3A_438, %dma_wait3A_439] : memref<2x4x4x8x128xf32, #tpu.memory_space<vmem>> -> memref<1x1x4x8x128xf32, #tpu.memory_space<vmem>>
    %dma_wait3A_441 = tpu.memref_squeeze %dma_wait3A_440 : memref<1x1x4x8x128xf32, #tpu.memory_space<vmem>> -> memref<4x8x128xf32, #tpu.memory_space<vmem>>
    tpu.wait_dma2 semaphore(%dma_wait3A_432 : memref<!tpu.dma_semaphore, #tpu.memory_space<semaphore_mem>>) src(%dma_wait3A_441 : memref<4x8x128xf32, #tpu.memory_space<vmem>>) dst(%dma_wait3A_436 : memref<4x8x128xf32, #tpu.memory_space<hbm>>)
    %dma_wait3A_442 = arith.constant 1 : i32
    %dma_wait3A_443 = arith.constant 1 : i32
    %dma_wait3A_444 = arith.constant 199 : i32
    %dma_wait3A_445 = arith.constant 1 : i32
    %dma_wait3A_446 = arith.constant 1 : i32
    %dma_wait3A_447 = arith.constant 0 : i32
    %dma_wait3A_448 = arith.constant 0 : i32
    %dma_wait3A_449 = arith.constant 0 : i32
    %dma_wait3A_450 = tpu.memref_slice %arg8[%dma_wait3A_442, %dma_wait3A_443, %dma_wait3A_447, %dma_wait3A_448, %dma_wait3A_449] : memref<2x4x4x8x128xf32, #tpu.memory_space<vmem>> -> memref<1x1x4x8x128xf32, #tpu.memory_space<vmem>>
    %dma_wait3A_451 = tpu.memref_squeeze %dma_wait3A_450 : memref<1x1x4x8x128xf32, #tpu.memory_space<vmem>> -> memref<4x8x128xf32, #tpu.memory_space<vmem>>
    %dma_wait3A_452 = arith.constant 0 : i32
    %dma_wait3A_453 = arith.constant 0 : i32
    %dma_wait3A_454 = tpu.memref_slice %arg4[%dma_wait3A_444, %dma_wait3A_445, %mul3A_2, %dma_wait3A_452, %dma_wait3A_453] : memref<200x4x128x8x128xf32, #tpu.memory_space<hbm>> -> memref<1x1x4x8x128xf32, #tpu.memory_space<hbm>>
    %dma_wait3A_455 = tpu.memref_squeeze %dma_wait3A_454 : memref<1x1x4x8x128xf32, #tpu.memory_space<hbm>> -> memref<4x8x128xf32, #tpu.memory_space<hbm>>
    %dma_wait3A_456 = tpu.memref_slice %arg10[%dma_wait3A_446] : memref<2x!tpu.dma_semaphore, #tpu.memory_space<semaphore_mem>> -> memref<1x!tpu.dma_semaphore, #tpu.memory_space<semaphore_mem>>
    %dma_wait3A_457 = tpu.memref_squeeze %dma_wait3A_456 : memref<1x!tpu.dma_semaphore, #tpu.memory_space<semaphore_mem>> -> memref<!tpu.dma_semaphore, #tpu.memory_space<semaphore_mem>>
    %dma_wait3A_458 = arith.constant 0 : i32
    %dma_wait3A_459 = arith.constant 0 : i32
    %dma_wait3A_460 = tpu.memref_slice %arg4[%dma_wait3A_444, %dma_wait3A_445, %mul3A_2, %dma_wait3A_458, %dma_wait3A_459] : memref<200x4x128x8x128xf32, #tpu.memory_space<hbm>> -> memref<1x1x4x8x128xf32, #tpu.memory_space<hbm>>
    %dma_wait3A_461 = tpu.memref_squeeze %dma_wait3A_460 : memref<1x1x4x8x128xf32, #tpu.memory_space<hbm>> -> memref<4x8x128xf32, #tpu.memory_space<hbm>>
    %dma_wait3A_462 = arith.constant 0 : i32
    %dma_wait3A_463 = arith.constant 0 : i32
    %dma_wait3A_464 = arith.constant 0 : i32
    %dma_wait3A_465 = tpu.memref_slice %arg8[%dma_wait3A_442, %dma_wait3A_443, %dma_wait3A_462, %dma_wait3A_463, %dma_wait3A_464] : memref<2x4x4x8x128xf32, #tpu.memory_space<vmem>> -> memref<1x1x4x8x128xf32, #tpu.memory_space<vmem>>
    %dma_wait3A_466 = tpu.memref_squeeze %dma_wait3A_465 : memref<1x1x4x8x128xf32, #tpu.memory_space<vmem>> -> memref<4x8x128xf32, #tpu.memory_space<vmem>>
    tpu.wait_dma2 semaphore(%dma_wait3A_457 : memref<!tpu.dma_semaphore, #tpu.memory_space<semaphore_mem>>) src(%dma_wait3A_466 : memref<4x8x128xf32, #tpu.memory_space<vmem>>) dst(%dma_wait3A_461 : memref<4x8x128xf32, #tpu.memory_space<hbm>>)
    %dma_wait3A_467 = arith.constant 1 : i32
    %dma_wait3A_468 = arith.constant 2 : i32
    %dma_wait3A_469 = arith.constant 199 : i32
    %dma_wait3A_470 = arith.constant 2 : i32
    %dma_wait3A_471 = arith.constant 1 : i32
    %dma_wait3A_472 = arith.constant 0 : i32
    %dma_wait3A_473 = arith.constant 0 : i32
    %dma_wait3A_474 = arith.constant 0 : i32
    %dma_wait3A_475 = tpu.memref_slice %arg8[%dma_wait3A_467, %dma_wait3A_468, %dma_wait3A_472, %dma_wait3A_473, %dma_wait3A_474] : memref<2x4x4x8x128xf32, #tpu.memory_space<vmem>> -> memref<1x1x4x8x128xf32, #tpu.memory_space<vmem>>
    %dma_wait3A_476 = tpu.memref_squeeze %dma_wait3A_475 : memref<1x1x4x8x128xf32, #tpu.memory_space<vmem>> -> memref<4x8x128xf32, #tpu.memory_space<vmem>>
    %dma_wait3A_477 = arith.constant 0 : i32
    %dma_wait3A_478 = arith.constant 0 : i32
    %dma_wait3A_479 = tpu.memref_slice %arg4[%dma_wait3A_469, %dma_wait3A_470, %mul3A_2, %dma_wait3A_477, %dma_wait3A_478] : memref<200x4x128x8x128xf32, #tpu.memory_space<hbm>> -> memref<1x1x4x8x128xf32, #tpu.memory_space<hbm>>
    %dma_wait3A_480 = tpu.memref_squeeze %dma_wait3A_479 : memref<1x1x4x8x128xf32, #tpu.memory_space<hbm>> -> memref<4x8x128xf32, #tpu.memory_space<hbm>>
    %dma_wait3A_481 = tpu.memref_slice %arg10[%dma_wait3A_471] : memref<2x!tpu.dma_semaphore, #tpu.memory_space<semaphore_mem>> -> memref<1x!tpu.dma_semaphore, #tpu.memory_space<semaphore_mem>>
    %dma_wait3A_482 = tpu.memref_squeeze %dma_wait3A_481 : memref<1x!tpu.dma_semaphore, #tpu.memory_space<semaphore_mem>> -> memref<!tpu.dma_semaphore, #tpu.memory_space<semaphore_mem>>
    %dma_wait3A_483 = arith.constant 0 : i32
    %dma_wait3A_484 = arith.constant 0 : i32
    %dma_wait3A_485 = tpu.memref_slice %arg4[%dma_wait3A_469, %dma_wait3A_470, %mul3A_2, %dma_wait3A_483, %dma_wait3A_484] : memref<200x4x128x8x128xf32, #tpu.memory_space<hbm>> -> memref<1x1x4x8x128xf32, #tpu.memory_space<hbm>>
    %dma_wait3A_486 = tpu.memref_squeeze %dma_wait3A_485 : memref<1x1x4x8x128xf32, #tpu.memory_space<hbm>> -> memref<4x8x128xf32, #tpu.memory_space<hbm>>
    %dma_wait3A_487 = arith.constant 0 : i32
    %dma_wait3A_488 = arith.constant 0 : i32
    %dma_wait3A_489 = arith.constant 0 : i32
    %dma_wait3A_490 = tpu.memref_slice %arg8[%dma_wait3A_467, %dma_wait3A_468, %dma_wait3A_487, %dma_wait3A_488, %dma_wait3A_489] : memref<2x4x4x8x128xf32, #tpu.memory_space<vmem>> -> memref<1x1x4x8x128xf32, #tpu.memory_space<vmem>>
    %dma_wait3A_491 = tpu.memref_squeeze %dma_wait3A_490 : memref<1x1x4x8x128xf32, #tpu.memory_space<vmem>> -> memref<4x8x128xf32, #tpu.memory_space<vmem>>
    tpu.wait_dma2 semaphore(%dma_wait3A_482 : memref<!tpu.dma_semaphore, #tpu.memory_space<semaphore_mem>>) src(%dma_wait3A_491 : memref<4x8x128xf32, #tpu.memory_space<vmem>>) dst(%dma_wait3A_486 : memref<4x8x128xf32, #tpu.memory_space<hbm>>)
    %dma_wait3A_492 = arith.constant 1 : i32
    %dma_wait3A_493 = arith.constant 3 : i32
    %dma_wait3A_494 = arith.constant 199 : i32
    %dma_wait3A_495 = arith.constant 3 : i32
    %dma_wait3A_496 = arith.constant 1 : i32
    %dma_wait3A_497 = arith.constant 0 : i32
    %dma_wait3A_498 = arith.constant 0 : i32
    %dma_wait3A_499 = arith.constant 0 : i32
    %dma_wait3A_500 = tpu.memref_slice %arg8[%dma_wait3A_492, %dma_wait3A_493, %dma_wait3A_497, %dma_wait3A_498, %dma_wait3A_499] : memref<2x4x4x8x128xf32, #tpu.memory_space<vmem>> -> memref<1x1x4x8x128xf32, #tpu.memory_space<vmem>>
    %dma_wait3A_501 = tpu.memref_squeeze %dma_wait3A_500 : memref<1x1x4x8x128xf32, #tpu.memory_space<vmem>> -> memref<4x8x128xf32, #tpu.memory_space<vmem>>
    %dma_wait3A_502 = arith.constant 0 : i32
    %dma_wait3A_503 = arith.constant 0 : i32
    %dma_wait3A_504 = tpu.memref_slice %arg4[%dma_wait3A_494, %dma_wait3A_495, %mul3A_2, %dma_wait3A_502, %dma_wait3A_503] : memref<200x4x128x8x128xf32, #tpu.memory_space<hbm>> -> memref<1x1x4x8x128xf32, #tpu.memory_space<hbm>>
    %dma_wait3A_505 = tpu.memref_squeeze %dma_wait3A_504 : memref<1x1x4x8x128xf32, #tpu.memory_space<hbm>> -> memref<4x8x128xf32, #tpu.memory_space<hbm>>
    %dma_wait3A_506 = tpu.memref_slice %arg10[%dma_wait3A_496] : memref<2x!tpu.dma_semaphore, #tpu.memory_space<semaphore_mem>> -> memref<1x!tpu.dma_semaphore, #tpu.memory_space<semaphore_mem>>
    %dma_wait3A_507 = tpu.memref_squeeze %dma_wait3A_506 : memref<1x!tpu.dma_semaphore, #tpu.memory_space<semaphore_mem>> -> memref<!tpu.dma_semaphore, #tpu.memory_space<semaphore_mem>>
    %dma_wait3A_508 = arith.constant 0 : i32
    %dma_wait3A_509 = arith.constant 0 : i32
    %dma_wait3A_510 = tpu.memref_slice %arg4[%dma_wait3A_494, %dma_wait3A_495, %mul3A_2, %dma_wait3A_508, %dma_wait3A_509] : memref<200x4x128x8x128xf32, #tpu.memory_space<hbm>> -> memref<1x1x4x8x128xf32, #tpu.memory_space<hbm>>
    %dma_wait3A_511 = tpu.memref_squeeze %dma_wait3A_510 : memref<1x1x4x8x128xf32, #tpu.memory_space<hbm>> -> memref<4x8x128xf32, #tpu.memory_space<hbm>>
    %dma_wait3A_512 = arith.constant 0 : i32
    %dma_wait3A_513 = arith.constant 0 : i32
    %dma_wait3A_514 = arith.constant 0 : i32
    %dma_wait3A_515 = tpu.memref_slice %arg8[%dma_wait3A_492, %dma_wait3A_493, %dma_wait3A_512, %dma_wait3A_513, %dma_wait3A_514] : memref<2x4x4x8x128xf32, #tpu.memory_space<vmem>> -> memref<1x1x4x8x128xf32, #tpu.memory_space<vmem>>
    %dma_wait3A_516 = tpu.memref_squeeze %dma_wait3A_515 : memref<1x1x4x8x128xf32, #tpu.memory_space<vmem>> -> memref<4x8x128xf32, #tpu.memory_space<vmem>>
    tpu.wait_dma2 semaphore(%dma_wait3A_507 : memref<!tpu.dma_semaphore, #tpu.memory_space<semaphore_mem>>) src(%dma_wait3A_516 : memref<4x8x128xf32, #tpu.memory_space<vmem>>) dst(%dma_wait3A_511 : memref<4x8x128xf32, #tpu.memory_space<hbm>>)
    return
  }
}

</mosaic_0001>

<sc_bundles>
// kernel: _sc_gather.3.cloned.1.call-start
scs
__scs_entry_jumppad:
0x0: {  	(pc) =	sbr.rel $0x88, $3  }
0x1: {  	(tag) =	ssettag $0x0;
	lr =	simm.s32 $0x1  }
0x2: {  	[smem:$0x3F9F] =	sst lr;
	_ =	strace $0xD0000000  }
0x3: {  	_ = 	snop  }
0x4: {  	_ = 	snop  }
0x5: {  	_ = 	snop  }
0x6: {  	_ = 	snop  }
0x7: {  	_ = 	snop  }
__scs_overlays_trampoline_lowered:
0x8: {  	[smem:$0x3FAE] =	sst s0  }
0x9: {  	[smem:$0x3FAF] =	sst s1  }
0xa: {  	[smem:$0x3FB0] =	sst s2  }
0xb: {  	[smem:$0x3FB1] =	sst s3  }
0xc: {  	[smem:$0x3FB2] =	sst s4  }
0xd: {  	[smem:$0x3FB3] =	sst s5  }
0xe: {  	[smem:$0x3FB4] =	sst s6  }
0xf: {  	[smem:$0x3FB5] =	sst s7  }
0x10: {  	[smem:$0x3FB6] =	sst s8  }
0x11: {  	[smem:$0x3FB7] =	sst s9;
	s0 =	simm.s32 @!p0 $0x0  }
0x12: {  	s1 =	sld [smem:$0x3F9D];
	s0 =	simm.s32 @p0 $0x1  }
0x13: {  	[smem:$0x3FB8] =	sst s0;
	s0 =	simm.s32 @!p1 $0x0  }
0x14: {  	s2 =	sld [smem:$0x3F9C];
	s0 =	simm.s32 @p1 $0x1  }
0x15: {  	[smem:$0x3FB9] =	sst s0;
	s0 =	simm.s32 @!p2 $0x0  }
0x16: {  	s3 =	sld [smem:$0x3FDB];
	s0 =	simm.s32 @p2 $0x1  }
0x17: {  	s4 =	simm.s32 $0x1BF5;
	[smem:$0x3FBB] =	sst s0  }
0x18: {  	s0 =	sld [smem:$0x3F9E];
	_ =	swait.ge [sflag:s4], $0x0  }
0x19: {  	s7 =	sld [smem:$0x3F9F]  }
0x1a: {  	s8 =	sadd.s32 $0xFFFFE003, lr  }
0x1b: {  	s9 =	sadd.s32 $0xFFFFFEF7, lr;
	s5 =	simm.s32 $0xFFFFFFFF;
	p2 =	slt.u32 s8, $0xFFFFF086  }
0x1c: {  	p1 =	slt.u32 s9, $0xF7A;
	s5 =	simm.s32 @!p2 $0x0  }
0x1d: {  	s5 =	simm.s32 @p1 $0x1;
	p0 =	seq.s32 s7, s2  }
0x1e: {  	s7 =	smul.u32 @!p0 $0xF7A, s2;
	p2 =	seq.s32 @!p0 s5, $0x0  }
0x1f: {  	s9 =	smul.u32 $0xF7A, s1;
	s8 =	simm.s32 @!p0 $0x1BF5;
	p2 =	por !p2, p0  }
0x20: {  	[sflag:s8] =	ssyncset.s32 @!p0 $0xFFFFF086;
	s6 =	sadd.s32 @!p0 s3, s7;
	s7 =	simm.s32 @!p0 $0x108  }
0x21: {  	s3 =	sadd.s32 s3, s9;
	s6 =	sadd.s32 @!p0 $0x88, s6;
	s7 =	simm.s32 @p2 $0x1082  }
0x22: {  	[simem:s7], [sflag:s8] =	dma.local @!p0 [hbm:s6], $0xF7A  }
0x23: {  	s9 =	sor.u32 $0xD0000000, s2;
	s6 =	simm.s32 $0x108;
	_ =	swait.ge @!p0 [sflag:s8], $0x0  }
0x24: {  	s3 =	sadd.s32 $0x88, s3;
	s6 =	simm.s32 @!p1 $0x1082;
	[sflag:s4] =	ssyncset.s32 $0xFFFFF086  }
0x25: {  	[simem:s6], [sflag:s4] =	dma.local [hbm:s3], $0xF7A  }
0x26: {  	[smem:$0x3F9F] =	sst s1;
	(tag) =	ssettag s2;
	_ =	strace s9  }
0x27: {  	s1 =	sld [smem:$0x3FAF]  }
0x28: {  	s2 =	sld [smem:$0x3FB0]  }
0x29: {  	s4 =	sld [smem:$0x3FB2]  }
0x2a: {  	p0 =	seq.s32 s5, $0x0;
	s5 =	sld [smem:$0x3FB3]  }
0x2b: {  	s6 =	sld [smem:$0x3FB4]  }
0x2c: {  	s7 =	sld [smem:$0x3FB5]  }
0x2d: {  	s3 =	simm.s32 $0x108;
	s8 =	sld [smem:$0x3FB6]  }
0x2e: {  	s3 =	simm.s32 @!p0 $0x1082;
	s9 =	sld [smem:$0x3FB7]  }
0x2f: {  	lr =	sadd.s32 s0, s3;
	s0 =	sld [smem:$0x3FAE]  }
0x30: {  	s3 =	sld [smem:$0x3FB1]  }
0x31: {  	[smem:$0x3FBA] =	sst s10  }
0x32: {  	s10 =	sld [smem:$0x3FB8];
	_ =	sdelay $0x3  }
0x33: {  	p0 =	seq.s32 s10, $0x1;
	s10 =	sld [smem:$0x3FBA];
	_ =	sdelay $0x3  }
0x34: {  	[smem:$0x3FBA] =	sst s10  }
0x35: {  	s10 =	sld [smem:$0x3FB9];
	_ =	sdelay $0x3  }
0x36: {  	p1 =	seq.s32 s10, $0x1;
	s10 =	sld [smem:$0x3FBA];
	_ =	sdelay $0x3  }
0x37: {  	[smem:$0x3FBA] =	sst s10  }
0x38: {  	s10 =	sld [smem:$0x3FBB]  }
0x39: {  	_ = 	snop;
	(pc) =	sbr.ind lr, $3  }
0x3a: {  	_ = 	snop  }
0x3b: {  	_ = 	snop  }
0x3c: {  	p2 =	seq.s32 s10, $0x1;
	s10 =	sld [smem:$0x3FBA]  }
0x3d: {  	_ =	shalt  }
0x3e: {  	_ =	shalt  }
0x3f: {  	_ =	shalt  }
0x40: {  	_ =	shalt  }
0x41: {  	_ =	shalt  }
0x42: {  	_ =	shalt  }
0x43: {  	_ =	shalt  }
0x44: {  	_ =	shalt  }
0x45: {  	_ =	shalt  }
0x46: {  	_ =	shalt  }
0x47: {  	_ =	shalt  }
0x48: {  	_ =	shalt  }
0x49: {  	_ =	shalt  }
0x4a: {  	_ =	shalt  }
0x4b: {  	_ =	shalt  }
0x4c: {  	_ =	shalt  }
0x4d: {  	_ =	shalt  }
0x4e: {  	_ =	shalt  }
0x4f: {  	_ =	shalt  }
0x50: {  	_ =	shalt  }
0x51: {  	_ =	shalt  }
0x52: {  	_ =	shalt  }
0x53: {  	_ =	shalt  }
0x54: {  	_ =	shalt  }
0x55: {  	_ =	shalt  }
0x56: {  	_ =	shalt  }
0x57: {  	_ =	shalt  }
0x58: {  	_ =	shalt  }
0x59: {  	_ =	shalt  }
0x5a: {  	_ =	shalt  }
0x5b: {  	_ =	shalt  }
0x5c: {  	_ =	shalt  }
0x5d: {  	_ =	shalt  }
0x5e: {  	_ =	shalt  }
0x5f: {  	_ =	shalt  }
0x60: {  	_ =	shalt  }
0x61: {  	_ =	shalt  }
0x62: {  	_ =	shalt  }
0x63: {  	_ =	shalt  }
0x64: {  	_ =	shalt  }
0x65: {  	_ =	shalt  }
0x66: {  	_ =	shalt  }
0x67: {  	_ =	shalt  }
0x68: {  	_ =	shalt  }
0x69: {  	_ =	shalt  }
0x6a: {  	_ =	shalt  }
0x6b: {  	_ =	shalt  }
0x6c: {  	_ =	shalt  }
0x6d: {  	_ =	shalt  }
0x6e: {  	_ =	shalt  }
0x6f: {  	_ =	shalt  }
0x70: {  	_ =	shalt  }
0x71: {  	_ =	shalt  }
0x72: {  	_ =	shalt  }
0x73: {  	_ =	shalt  }
0x74: {  	_ =	shalt  }
0x75: {  	_ =	shalt  }
0x76: {  	_ =	shalt  }
0x77: {  	_ =	shalt  }
0x78: {  	_ =	shalt  }
0x79: {  	_ =	shalt  }
0x7a: {  	_ =	shalt  }
0x7b: {  	_ =	shalt  }
0x7c: {  	_ =	shalt  }
0x7d: {  	_ =	shalt  }
0x7e: {  	_ =	shalt  }
0x7f: {  	_ =	shalt  }
0x80: {  	_ =	shalt  }
0x81: {  	_ =	shalt  }
0x82: {  	_ =	shalt  }
0x83: {  	_ =	shalt  }
0x84: {  	_ =	shalt  }
0x85: {  	_ =	shalt  }
0x86: {  	_ =	shalt  }
0x87: {  	_ =	shalt  }
.Lfunc_end0:
.L_simem_size_0:
called_computation_lowered:
.L_overlay_start_0:
0x88: {  	s2 =	sld [smem:$0x3FD9]  }
0x89: {  	s3 =	sld [smem:$0x3FFE];
	_ =	sdelay $0x1  }
0x8a: {  	s1 =	srdreg.scid  }
0x8b: {  	s0 =	sand.u32 $0x1, s1  }
0x8c: {  	s17 =	sshll.u32 s0, $0xA;
	s2 =	sadd.s32 s3, s2  }
0x8d: {  	s2 =	sadd.s32 s2, s17  }
0x8e: {  	[smem:$0x3FC6] =	sst s2  }
0x8f: {  	_ = 	snop  }
0x90: {  	s2 =	sld [smem:$0x3FC8]  }
0x91: {  	s18 =	sld [smem:$0x3FD0];
	(tm) =	ssettm $0x1  }
0x92: {  	s4 =	sld [smem:$0x3FFB];
	_ =	sdelay $0x3  }
0x93: {  	_ =	strace s4  }
0x94: {  	s4 =	sld [smem:$0x3FFC];
	_ =	sdelay $0x3  }
0x95: {  	_ =	strace s4  }
0x96: {  	s4 =	sld [smem:$0x3FFD];
	_ =	sdelay $0x3  }
0x97: {  	_ =	strace s4  }
0x98: {  	_ =	strace $0x8FFFFFFF  }
0x99: {  	s19 =	sld [smem:$0x3FDB];
	_ =	sdelay $0x1  }
0x9a: {  	s5 =	simm.s32 $_scs_section_size  }
0x9b: {  	s6 =	simm.s32 $_size__tile_overlayer_lowered;
	s7 =	simm.s32 $_tile_overlayer_lowered  }
0x9c: {  	s22 =	simm.s32 $0x1BFF;
	s21 =	sshll.u32 s7, $0x1;
	s4 =	sadd.s32 s5, s19  }
0x9d: {  	s8 =	simm.s32 $0x0;
	s20 =	sshll.u32 s6, $0x1;
	s6 =	sadd.s32 s21, s4  }
0x9e: {  	[timem:s8], [sflag:s22] =	dma.local [hbm:s6], s20  }
0x9f: {  	_ =	swait.ge [sflag:s22], s20  }
0xa0: {  	s5 =	ssub.s32 $0x0, s20;
	[sflag:s22] =	ssyncset.done $0x0  }
0xa1: {  	[sflag:s22] =	ssyncadd.s32 s5;
	_ =	sdelay $0x1  }
0xa2: {  	s23 =	simm.s32 $0x1B8B  }
0xa3: {  	_ =	swait.ge [sflag:s23], $0x1  }
0xa4: {  	[sflag:s23] =	ssyncset.done $0x0  }
0xa5: {  	s25 =	simm.s32 $0x1B8E;
	s24 =	sld [smem:$0x3FFE];
	[sflag:s23] =	ssyncadd.s32 $0xFFFFFFFF  }
0xa6: {  	s26 =	simm.s32 $execute0_lowered;
	[smem:$0x3FD2] =	sst s25  }
0xa7: {  	s6 =	sshll.u32 s26, $0x1;
	_ =	strace $0x80000046;
	[dreg:$0x1] =	wrdreg $0xFFFFFFFF  }
0xa8: {  	s28 =	simm.s32 $_size_execute0_lowered;
	s4 =	sadd.s32 s4, s6;
	[dreg:$0x0] =	wrdreg $0x0  }
0xa9: {  	s6 =	sshll.u32 s28, $0x1;
	[dreg:$0x2] =	wrdreg s4  }
0xaa: {  	[dreg:$0x3] =	wrdreg s6  }
0xab: {  	[dreg:$0x4] =	wrdreg $0xC0  }
0xac: {  	_ =	task [dreg:s8], $0x5FFFF  }
0xad: {  	[dreg:$0x1] =	wrdreg $0xFFFFFFFF  }
0xae: {  	[dreg:$0x0] =	wrdreg $0x60  }
0xaf: {  	[dreg:$0x2] =	wrdreg s24  }
0xb0: {  	[dreg:$0x3] =	wrdreg s2  }
0xb1: {  	[dreg:$0x4] =	wrdreg s18  }
0xb2: {  	[dreg:$0x5] =	wrdreg $0x9  }
0xb3: {  	_ =	task.clear_ibuf [dreg:s8], $0x6FFFF;
	_ =	strace $0x90000046  }
0xb4: {  	s29 =	simm.s32 $0x9;
	_ =	strace $0x80000048  }
0xb5: {  	_ =	swait.ge [sflag:s29], $0x1  }
0xb6: {  	[sflag:s29] =	ssyncadd.s32 $0xFFFFFFFF  }
0xb7: {  	_ =	strace $0x90000048  }
0xb8: {  	_ =	sfence  }
0xb9: {  	s30 =	sld [smem:$0x0];
	_ =	sdelay $0x2  }
0xba: {  	s31 =	sshll.u32 s1, $0xD;
	s1 =	sshrl.u32 s1, $0x2  }
0xbb: {  	s3 =	sand.u32 $0x4000, s31;
	s1 =	sadd.s32 s1, s30  }
0xbc: {  	s0 =	sor.u32 s3, s0;
	s1 =	sshll.u32 s1, $0x11  }
0xbd: {  	s0 =	sor.u32 s1, s0  }
0xbe: {  	s0 =	sadd.s32 $0x8F2B, s0  }
0xbf: {  	[sflag:s0] =	ssyncadd.remote.s32 $0x1  }
0xc0: {  	_ =	sfence.sel $0xFFFF  }
0xc1: {  	[dreg:$0x0] =	wrdreg $0xFFFFFFFF;
	(pc) =	sbr.abs _section_cstart, $3  }
0xc2: {  	[dreg:$0x1] =	wrdreg $0xFFFFFFFF  }
0xc3: {  	_ =	task.clear_ibuf [dreg:s8], $0x2FFFF;
	_ =	strace $0x9FFFFFFF  }
0xc4: {  	(tm) =	ssettm $0x7FFFFFFF  }
0xc5: {  	_ =	shalt  }
tec
execute0_lowered:
.L_overlay_start_1:
0x0: {  	(tag) =	ssettag $0x1  }
0x1: {  	s0 =	rddreg [dreg:$0x0]  }
0x2: {  	s2 =	rddreg [dreg:$0x1]  }
0x3: {  	s11 =	rddreg [dreg:$0x2]  }
0x4: {  	s4 =	simm.s32 $0x0;
	s1 =	srdreg.scid;
	s5 =	stileid.u32  }
0x5: {  	s13 =	simm.s32 $0x7;
	s14 =	simm.s32 $0x80;
	s28 =	simm.s32 $0x12000  }
0x6: {  	[smem:$0x7FF] =	sst s4;
	s1 =	sand.u32 $0x1, s1;
	s5 =	sshll.u32 s5, $0xD  }
0x7: {  	s6 =	sadd.s32 $0xF42800, s0;
	s3 =	ssub.s32 $0x2, s1;
	s1 =	sshll.u32 s1, $0xC  }
.Ltmp0:
0x8: {  	s9 =	sadd.s32 $0x4000, s11;
	s5 =	sor.u32 s1, s5;
	(pc) =	sbr.rel .LBB2_1-.Ltmp0, $4  }
0x9: {  	v0 =	vlaneseq.u32;
	v1 =	vimm.s32 $0x0;
	vm0 =	vcmask $0x300;
	s10 =	sadd.s32 $0x8000, s11;
	s7 =	sshrl.u32 s3, $0x1;
	s1 =	sshrl.u32 s5, $0x3  }
0xa: {  	s11 =	sadd.s32 $0xC000, s11;
	v25 =	vmul.u32 $0x28, v0;
	v1 =	vsel vm0, $0x3, v1;
	s31 =	ssub.s32 s3, s7;
	s1 =	sadd.s32 s2, s1  }
0xb: {  	_ =	strace $0x80000047;
	[tilespmem:$0x1FFF0] =	vst v1;
	s0 =	smax.u32 s31, $0x1;
	[dreg:$0x4] =	wrdreg s1  }
0xc: {  	[tilespmem:$0x1FFE0] =	vst v25;
	s8 =	sor.u32 $0x20000, s5;
	s2 =	simm.s32 $0x0;
	[dreg:$0x5] =	wrdreg s0  }
.LBB2_11:
0xd: {  	s0 =	simm.s32 $0x5  }
0xe: {  	_ =	swait.ge [sflag:s0], $0x1000  }
0xf: {  	[sflag:s0] =	ssyncset.done $0x0  }
0x10: {  	[sflag:s0] =	ssyncadd.s32 $0xFFFFF000  }
0x11: {  	_ =	swait.ge [sflag:s0], $0x1000  }
0x12: {  	[sflag:s0] =	ssyncset.done $0x0  }
0x13: {  	[sflag:s0] =	ssyncadd.s32 $0xFFFFF000  }
0x14: {  	_ =	swait.ge [sflag:s0], $0x1000  }
0x15: {  	[sflag:s0] =	ssyncset.done $0x0  }
0x16: {  	[sflag:s0] =	ssyncadd.s32 $0xFFFFF000  }
0x17: {  	_ =	swait.ge [sflag:s0], $0x1000  }
0x18: {  	[sflag:s0] =	ssyncset.done $0x0  }
0x19: {  	s1 =	simm.s32 $0x6;
	[sflag:s0] =	ssyncadd.s32 $0xFFFFF000  }
0x1a: {  	_ =	swait.ge [sflag:s1], $0x1000  }
0x1b: {  	[sflag:s1] =	ssyncset.done $0x0  }
0x1c: {  	[sflag:s1] =	ssyncadd.s32 $0xFFFFF000  }
0x1d: {  	_ =	swait.ge [sflag:s1], $0x1000  }
0x1e: {  	[sflag:s1] =	ssyncset.done $0x0  }
0x1f: {  	[sflag:s1] =	ssyncadd.s32 $0xFFFFF000  }
0x20: {  	_ =	swait.ge [sflag:s1], $0x1000  }
0x21: {  	[sflag:s1] =	ssyncset.done $0x0  }
0x22: {  	[sflag:s1] =	ssyncadd.s32 $0xFFFFF000  }
0x23: {  	_ =	swait.ge [sflag:s1], $0x1000  }
0x24: {  	s2 =	rddreg [dreg:$0x6]  }
0x25: {  	s31 =	rddreg [dreg:$0x5];
	s2 =	sadd.s32 $0x1, s2  }
0x26: {  	p0 =	sne.s32 s2, s31  }
.Ltmp1:
0x27: {  	_ = 	snop;
	(pc) =	sbr.rel @!p0 .LBB2_12-.Ltmp1, $3  }
0x28: {  	_ =	sdelay $0x1  }
0x29: {  	[sflag:s1] =	ssyncset.done $0x0  }
0x2a: {  	[sflag:s1] =	ssyncadd.s32 $0xFFFFF000  }
.LBB2_1:
0x2b: {  	[dreg:$0x6] =	wrdreg s2  }
0x2c: {  	s0 =	rddreg [dreg:$0x4]  }
0x2d: {  	[tilespmem:s4], [sflag:$0x7] =	stream.linear.gather [hbm4b:s0+s4], $0x1000, $0x38;
	[tilespmem:$0x1F000] =	vst v63  }
0x2e: {  	_ =	swait.ge [sflag:s13], $0x1000  }
0x2f: {  	[sflag:s13] =	ssyncset.done $0x0  }
0x30: {  	s21 =	simm.s32 $0x2000;
	[sflag:s13] =	ssyncadd.s32 $0xFFFFF000  }
0x31: {  	[tilespmem:s21], [sflag:$0x1] =	stream.indirect.gather [hbm4b:s6+s14], $0x20, s4, s14, $0xb8;
	[tilespmem:$0x1F000] =	vst v63  }
0x32: {  	s22 =	simm.s32 $0x400;
	s1 =	simm.s32 $0x3000  }
0x33: {  	[tilespmem:s1], [sflag:$0x1] =	stream.indirect.gather [hbm4b:s6+s14], $0x20, s22, s14, $0xb8;
	[tilespmem:$0x1F000] =	vst v63  }
0x34: {  	s23 =	simm.s32 $0x800;
	s24 =	simm.s32 $0x4000  }
0x35: {  	[tilespmem:s24], [sflag:$0x1] =	stream.indirect.gather [hbm4b:s6+s14], $0x20, s23, s14, $0xb8;
	[tilespmem:$0x1F000] =	vst v63  }
0x36: {  	s25 =	simm.s32 $0xC00;
	s26 =	simm.s32 $0x5000  }
0x37: {  	[tilespmem:s26], [sflag:$0x1] =	stream.indirect.gather [hbm4b:s6+s14], $0x20, s25, s14, $0xb8;
	[tilespmem:$0x1F000] =	vst v63  }
0x38: {  	s29 =	simm.s32 $0x6000  }
0x39: {  	[tilespmem:s29], [sflag:$0x2] =	stream.indirect.gather [hbm4b:s6+s14], $0x20, s14, s14, $0xb8;
	[tilespmem:$0x1F000] =	vst v63  }
0x3a: {  	s30 =	simm.s32 $0x480;
	s31 =	simm.s32 $0x7000  }
0x3b: {  	[tilespmem:s31], [sflag:$0x2] =	stream.indirect.gather [hbm4b:s6+s14], $0x20, s30, s14, $0xb8;
	[tilespmem:$0x1F000] =	vst v63  }
0x3c: {  	s2 =	simm.s32 $0x8000;
	s1 =	simm.s32 $0x880  }
0x3d: {  	[tilespmem:s2], [sflag:$0x2] =	stream.indirect.gather [hbm4b:s6+s14], $0x20, s1, s14, $0xb8;
	[tilespmem:$0x1F000] =	vst v63  }
0x3e: {  	s3 =	simm.s32 $0xC80;
	s7 =	simm.s32 $0x9000  }
0x3f: {  	[tilespmem:s7], [sflag:$0x2] =	stream.indirect.gather [hbm4b:s6+s14], $0x20, s3, s14, $0xb8;
	[tilespmem:$0x1F000] =	vst v63  }
0x40: {  	s12 =	simm.s32 $0x100;
	s15 =	simm.s32 $0xA000  }
0x41: {  	[tilespmem:s15], [sflag:$0x3] =	stream.indirect.gather [hbm4b:s6+s14], $0x20, s12, s14, $0xb8;
	[tilespmem:$0x1F000] =	vst v63  }
0x42: {  	s16 =	simm.s32 $0x500;
	s17 =	simm.s32 $0xB000  }
0x43: {  	[tilespmem:s17], [sflag:$0x3] =	stream.indirect.gather [hbm4b:s6+s14], $0x20, s16, s14, $0xb8;
	[tilespmem:$0x1F000] =	vst v63  }
0x44: {  	s18 =	simm.s32 $0x900;
	s19 =	simm.s32 $0xC000  }
0x45: {  	[tilespmem:s19], [sflag:$0x3] =	stream.indirect.gather [hbm4b:s6+s14], $0x20, s18, s14, $0xb8;
	[tilespmem:$0x1F000] =	vst v63  }
0x46: {  	s20 =	simm.s32 $0xD00;
	s21 =	simm.s32 $0xD000  }
0x47: {  	[tilespmem:s21], [sflag:$0x3] =	stream.indirect.gather [hbm4b:s6+s14], $0x20, s20, s14, $0xb8;
	[tilespmem:$0x1F000] =	vst v63  }
0x48: {  	s22 =	simm.s32 $0x180;
	s23 =	simm.s32 $0xE000  }
0x49: {  	[tilespmem:s23], [sflag:$0x4] =	stream.indirect.gather [hbm4b:s6+s14], $0x20, s22, s14, $0xb8;
	[tilespmem:$0x1F000] =	vst v63  }
0x4a: {  	s24 =	simm.s32 $0x580;
	s25 =	simm.s32 $0xF000  }
0x4b: {  	[tilespmem:s25], [sflag:$0x4] =	stream.indirect.gather [hbm4b:s6+s14], $0x20, s24, s14, $0xb8;
	[tilespmem:$0x1F000] =	vst v63  }
.Ltmp2:
0x4c: {  	_ = 	snop;
	(pc) =	sbr.rel .LBB2_2-.Ltmp2, $4  }
0x4d: {  	s0 =	simm.s32 $0x0;
	s26 =	simm.s32 $0x980;
	s29 =	simm.s32 $0x10000  }
0x4e: {  	[tilespmem:s29], [sflag:$0x4] =	stream.indirect.gather [hbm4b:s6+s14], $0x20, s26, s14, $0xb8;
	[tilespmem:$0x1F000] =	vst v63  }
0x4f: {  	s30 =	simm.s32 $0xD80;
	s31 =	simm.s32 $0x11000;
	s3 =	simm.s32 $0x0  }
0x50: {  	[tilespmem:s31], [sflag:$0x4] =	stream.indirect.gather [hbm4b:s6+s14], $0x20, s30, s14, $0xb8;
	[tilespmem:$0x1F000] =	vst v63  }
.LBB2_7:
0x51: {  	_ =	swait.ge [sflag:s13], $0x1000  }
0x52: {  	[sflag:s13] =	ssyncset.done $0x0  }
0x53: {  	[sflag:s13] =	ssyncadd.s32 $0xFFFFF000  }
.LBB2_9:
0x54: {  	s1 =	sadd.s32 $0x4, s3  }
0x55: {  	s2 =	sshll.u32 s1, $0x9;
	s1 =	sshll.u32 s1, $0x7  }
0x56: {  	s2 =	sand.u32 $0x1000, s2;
	s1 =	sand.u32 $0x380, s1  }
0x57: {  	s1 =	sor.u32 s1, s2  }
0x58: {  	[tilespmem:s18], [sflag:s15] =	stream.indirect.gather [hbm4b:s6+s14], $0x20, s1, s14, $0xb8;
	[tilespmem:$0x1F000] =	vst v63  }
0x59: {  	s26 =	sadd.s32 $0x3000, s17;
	s7 =	sor.u32 $0x400, s1  }
0x5a: {  	[tilespmem:s26], [sflag:s15] =	stream.indirect.gather [hbm4b:s6+s14], $0x20, s7, s14, $0xb8;
	[tilespmem:$0x1F000] =	vst v63  }
0x5b: {  	s29 =	sadd.s32 $0x4000, s17;
	s30 =	sor.u32 $0x800, s1  }
0x5c: {  	[tilespmem:s29], [sflag:s15] =	stream.indirect.gather [hbm4b:s6+s14], $0x20, s30, s14, $0xb8;
	[tilespmem:$0x1F000] =	vst v63  }
0x5d: {  	s31 =	sadd.s32 $0x5000, s17;
	s1 =	sor.u32 $0xC00, s1  }
0x5e: {  	[tilespmem:s31], [sflag:s15] =	stream.indirect.gather [hbm4b:s6+s14], $0x20, s1, s14, $0xb8;
	[tilespmem:$0x1F000] =	vst v63  }
.LBB2_10:
0x5f: {  	s3 =	sadd.s32 $0x1, s3  }
0x60: {  	p0 =	sne.s32 s3, $0xC8  }
.Ltmp3:
0x61: {  	_ = 	snop;
	(pc) =	sbr.rel @!p0 .LBB2_11-.Ltmp3, $2  }
0x62: {  	_ =	sdelay $0x2  }
0x63: {  	s0 =	sadd.s32 $0x1, s0;
	v25 =	vld [tilespmem:$0x1FFE0]  }
.LBB2_2:
0x64: {  	s16 =	sand.u32 $0x7, s3;
	p0 =	sgt.u32 s3, $0xBF  }
0x65: {  	p1 =	sne.s32 @!p0 s16, $0x0  }
0x66: {  	p1 =	por p1, p0  }
0x67: {  	s1 =	sshll.u32 @!p1 s3, $0xE  }
0x68: {  	s12 =	sand.u32 $0x3, s3;
	s7 =	sxor.u32 @!p1 $0xFFFFFFFF, s3;
	s1 =	sadd.s32 @!p1 s8, s1  }
0x69: {  	s2 =	rddreg [dreg:$0x1];
	s7 =	sshll.u32 @!p1 s7, $0x9;
	s1 =	sshrl.u32 @!p1 s1, $0x3  }
0x6a: {  	s15 =	simm.s32 @!p1 $0x0;
	s7 =	sand.u32 @!p1 $0x1000, s7;
	s1 =	sadd.s32 @!p1 s2, s1  }
0x6b: {  	[tilespmem:s7], [sflag:$0x7] =	stream.linear.gather @!p1 [hbm4b:s1+s15], $0x1000, $0x38;
	[tilespmem:$0x1F000] =	vst v63  }
0x6c: {  	s15 =	sadd.s32 $0x1, s12  }
0x6d: {  	_ =	swait.ge [sflag:s15], $0x1000  }
0x6e: {  	[sflag:s15] =	ssyncset.done $0x0  }
0x6f: {  	[sflag:s15] =	ssyncadd.s32 $0xFFFFF000  }
0x70: {  	_ =	swait.ge [sflag:s15], $0x1000  }
0x71: {  	s31 =	sand.u32 $0x3, s0;
	[sflag:s15] =	ssyncset.done $0x0  }
0x72: {  	s1 =	sshll.u32 s31, $0xE;
	[sflag:s15] =	ssyncadd.s32 $0xFFFFF000  }
0x73: {  	s1 =	sor.u32 $0x2000, s1;
	_ =	swait.ge [sflag:s15], $0x1000  }
0x74: {  	v2 =	vmov s1;
	[sflag:s15] =	ssyncset.done $0x0  }
0x75: {  	[sflag:s15] =	ssyncadd.s32 $0xFFFFF000  }
0x76: {  	_ =	swait.ge [sflag:s15], $0x1000  }
0x77: {  	[sflag:s15] =	ssyncset.done $0x0  }
0x78: {  	s21 =	simm.s32 $0x0;
	[sflag:s15] =	ssyncadd.s32 $0xFFFFF000  }
0x79: {  	v4 =	vld.idx.msk [tilespmem:v2+s21+$0x0 ss:$0x1], $0xffff;
	_ =	sdelay $0x3  }
0x7a: {  	s7 =	simm.s32 $0x12010;
	s1 =	simm.s32 $0x20  }
0x7b: {  	v3 =	vld.idx.msk [tilespmem:v2+s1+$0x0 ss:$0x1], $0xffff;
	[tilespmem:s7+$0xFFFFFFF0] =	vst v4  }
0x7c: {  	v4 =	vld.idx.msk [tilespmem:v2+s21+$0x10 ss:$0x1], $0xffff  }
0x7d: {  	s19 =	sand.u32 $0x1, s3;
	s17 =	sshll.u32 s12, $0xE  }
0x7e: {  	s20 =	simm.s32 $0x100;
	s18 =	sor.u32 $0x2000, s17;
	s12 =	simm.s32 $0x12038  }
.LBB2_3:
0x7f: {  	s21 =	sshra.s32 s20, $0x2;
	p1 =	sne.s32 s20, $0xFF80;
	s20 =	sadd.s32 $0x80, s20  }
.Ltmp4:
0x80: {  	[tilespmem:s12+$0xFFFFFFF0] =	vst v3;
	v3 =	vld.idx.msk [tilespmem:v2+s21+$0x0 ss:$0x1], $0xffff;
	(pc) =	sbr.rel @p1 .LBB2_3-.Ltmp4, $2  }
0x81: {  	[tilespmem:s7+$0x0] =	vst v4;
	v4 =	vld.idx.msk [tilespmem:v2+s1+$0x10 ss:$0x1], $0xffff;
	s1 =	smov.u32 s21;
	s7 =	smov.u32 s12;
	_ =	sdelay $0x2  }
0x82: {  	s12 =	sadd.s32 $0x28, s12  }
0x83: {  	_ =	sdelay $0x2  }
0x84: {  	[tilespmem:s12+$0xFFFFFFF0] =	vst v3  }
0x85: {  	v2 =	vld.idx.msk [tilespmem:v2+s1+$0x10 ss:$0x1], $0xffff;
	_ =	sdelay $0x3  }
0x86: {  	p1 =	slt.u32 s3, $0x2;
	s24 =	simm.s32 $0x0;
	[tilespmem:s7+$0x0] =	vst v4  }
0x87: {  	s7 =	sadd.s32 @!p1 $0x5, s19;
	s25 =	sand.u32 $0x3, s24;
	[tilespmem:s12+$0x0] =	vst v2  }
0x88: {  	s20 =	simm.s32 $0x0;
	s1 =	sshll.u32 s25, $0x7;
	_ =	swait.ge @!p1 [sflag:s7], $0x1000  }
0x89: {  	v3 =	vmov s1;
	v2 =	vmov s20;
	[sflag:s7] =	ssyncset.done @!p1 $0x0  }
0x8a: {  	v3 =	vmul.u32 $0x28, v3;
	v2 =	vshrl.u32 v2, $0x3;
	[sflag:s7] =	ssyncadd.s32 @!p1 $0xFFFFF000  }
0x8b: {  	v2 =	vshll.u32 v2, v1;
	_ =	swait.ge @!p1 [sflag:s7], $0x1000  }
0x8c: {  	v3 =	vadd.s32 v3, v2;
	[sflag:s7] =	ssyncset.done @!p1 $0x0  }
0x8d: {  	v3 =	vbroadcast v3, $0x0;
	[sflag:s7] =	ssyncadd.s32 @!p1 $0xFFFFF000  }
0x8e: {  	s26 =	sor.u32 $0x10, s1;
	_ =	swait.ge @!p1 [sflag:s7], $0x1000  }
0x8f: {  	v46 =	vadd.s32 v25, v3;
	v3 =	vmov s26;
	[sflag:s7] =	ssyncset.done @!p1 $0x0  }
0x90: {  	v3 =	vmul.u32 $0x28, v3;
	[sflag:s7] =	ssyncadd.s32 @!p1 $0xFFFFF000  }
0x91: {  	_ =	swait.ge @!p1 [sflag:s7], $0x1000  }
0x92: {  	v3 =	vadd.s32 v2, v3;
	[sflag:s7] =	ssyncset.done @!p1 $0x0  }
0x93: {  	v3 =	vbroadcast v3, $0x0;
	[sflag:s7] =	ssyncadd.s32 @!p1 $0xFFFFF000  }
0x94: {  	s31 =	sor.u32 $0x20, s1;
	v4 =	vld.idx.msk [tilespmem:v46+s28+$0x0], $0xffff  }
0x95: {  	s22 =	simm.s32 $0x0;
	s20 =	sshll.u32 s19, $0xE;
	v48 =	vadd.s32 v25, v3;
	v3 =	vmov s31  }
0x96: {  	s2 =	sand.u32 $0x3FFFF000, s22;
	s21 =	sadd.s32 $0x17000, s20;
	v3 =	vmul.u32 $0x28, v3  }
0x97: {  	s12 =	sshll.u32 s25, $0xA;
	s7 =	sadd.s32 s2, s21  }
0x98: {  	s7 =	sadd.s32 s12, s7;
	v3 =	vadd.s32 v2, v3  }
0x99: {  	v3 =	vbroadcast v3, $0x0;
	[tilespmem:s7+$0x0] =	vst v4  }
0x9a: {  	s22 =	sor.u32 $0x30, s1;
	v4 =	vld.idx.msk [tilespmem:v48+s28+$0x0], $0xffff  }
0x9b: {  	v17 =	vadd.s32 v25, v3;
	v3 =	vmov s22  }
0x9c: {  	v3 =	vmul.u32 $0x28, v3;
	_ =	sdelay $0x1  }
0x9d: {  	v3 =	vadd.s32 v2, v3  }
0x9e: {  	v3 =	vbroadcast v3, $0x0;
	[tilespmem:s7+$0x10] =	vst v4  }
0x9f: {  	s23 =	sor.u32 $0x40, s1;
	v4 =	vld.idx.msk [tilespmem:v17+s28+$0x0], $0xffff  }
0xa0: {  	v14 =	vadd.s32 v25, v3;
	v3 =	vmov s23  }
0xa1: {  	v3 =	vmul.u32 $0x28, v3;
	_ =	sdelay $0x1  }
0xa2: {  	v3 =	vadd.s32 v2, v3  }
0xa3: {  	v3 =	vbroadcast v3, $0x0;
	[tilespmem:s7+$0x20] =	vst v4  }
0xa4: {  	s24 =	sor.u32 $0x50, s1;
	v4 =	vld.idx.msk [tilespmem:v14+s28+$0x0], $0xffff  }
0xa5: {  	v13 =	vadd.s32 v25, v3;
	v3 =	vmov s24  }
0xa6: {  	v3 =	vmul.u32 $0x28, v3;
	_ =	sdelay $0x1  }
0xa7: {  	v3 =	vadd.s32 v2, v3  }
0xa8: {  	v3 =	vbroadcast v3, $0x0;
	[tilespmem:s7+$0x30] =	vst v4  }
0xa9: {  	s25 =	sor.u32 $0x60, s1;
	v4 =	vld.idx.msk [tilespmem:v13+s28+$0x0], $0xffff  }
0xaa: {  	v7 =	vadd.s32 v25, v3;
	v3 =	vmov s25  }
0xab: {  	v3 =	vmul.u32 $0x28, v3;
	_ =	sdelay $0x1  }
0xac: {  	v3 =	vadd.s32 v2, v3  }
0xad: {  	v3 =	vbroadcast v3, $0x0;
	[tilespmem:s7+$0x40] =	vst v4  }
0xae: {  	s1 =	sor.u32 $0x70, s1;
	v4 =	vld.idx.msk [tilespmem:v7+s28+$0x0], $0xffff  }
0xaf: {  	v6 =	vmov v1;
	v1 =	vadd.s32 v25, v3;
	v3 =	vmov s1  }
0xb0: {  	v3 =	vmul.u32 $0x28, v3;
	_ =	sdelay $0x1  }
0xb1: {  	v2 =	vadd.s32 v2, v3  }
0xb2: {  	v2 =	vbroadcast v2, $0x0;
	[tilespmem:s7+$0x50] =	vst v4  }
0xb3: {  	v3 =	vld.idx.msk [tilespmem:v1+s28+$0x0], $0xffff  }
0xb4: {  	v23 =	vadd.s32 v25, v2;
	_ =	sdelay $0x3  }
0xb5: {  	s26 =	simm.s32 $0x1;
	[tilespmem:s7+$0x60] =	vst v3  }
0xb6: {  	s31 =	sand.u32 $0x3, s26;
	v2 =	vld.idx.msk [tilespmem:v23+s28+$0x0], $0xffff  }
0xb7: {  	s2 =	simm.s32 $0x2;
	s1 =	sshll.u32 s31, $0x7;
	v3 =	vor.u32 $0x1, v46  }
0xb8: {  	v5 =	vmov s1;
	v4 =	vmov s2  }
0xb9: {  	v5 =	vmul.u32 $0x28, v5;
	v4 =	vshrl.u32 v4, $0x3  }
0xba: {  	v4 =	vshll.u32 v4, v6  }
0xbb: {  	[tilespmem:s7+$0x70] =	vst v2;
	v2 =	vadd.s32 v5, v4  }
0xbc: {  	v3 =	vld.idx.msk [tilespmem:v3+s28+$0x0], $0xffff;
	v2 =	vbroadcast v2, $0x0  }
0xbd: {  	s23 =	sor.u32 $0x10, s1;
	v5 =	vor.u32 $0x1, v48  }
0xbe: {  	v20 =	vadd.s32 v25, v2;
	v2 =	vmov s23  }
0xbf: {  	v2 =	vmul.u32 $0x28, v2;
	_ =	sdelay $0x1  }
0xc0: {  	[tilespmem:s7+$0x80] =	vst v3;
	v2 =	vadd.s32 v4, v2  }
0xc1: {  	v3 =	vld.idx.msk [tilespmem:v5+s28+$0x0], $0xffff;
	v2 =	vbroadcast v2, $0x0  }
0xc2: {  	v16 =	vmov v6;
	s24 =	sor.u32 $0x20, s1;
	v6 =	vor.u32 $0x1, v17;
	v5 =	vld.idx.msk [tilespmem:v20+s28+$0x0], $0xffff  }
0xc3: {  	s23 =	simm.s32 $0x400;
	v12 =	vadd.s32 v25, v2;
	v2 =	vmov s24  }
0xc4: {  	s25 =	sand.u32 $0x3FFFF000, s23;
	v2 =	vmul.u32 $0x28, v2  }
0xc5: {  	s12 =	sshll.u32 s31, $0xA;
	s22 =	sadd.s32 s25, s21  }
0xc6: {  	s23 =	sadd.s32 s12, s22;
	[tilespmem:s7+$0x90] =	vst v3;
	v2 =	vadd.s32 v4, v2  }
0xc7: {  	[tilespmem:s23+$0x0] =	vst v5;
	v3 =	vld.idx.msk [tilespmem:v6+s28+$0x0], $0xffff;
	v2 =	vbroadcast v2, $0x0  }
0xc8: {  	s26 =	sor.u32 $0x30, s1;
	v6 =	vor.u32 $0x1, v14;
	v5 =	vld.idx.msk [tilespmem:v12+s28+$0x0], $0xffff  }
0xc9: {  	v10 =	vadd.s32 v25, v2;
	v2 =	vmov s26  }
0xca: {  	v2 =	vmul.u32 $0x28, v2;
	_ =	sdelay $0x1  }
0xcb: {  	[tilespmem:s7+$0xA0] =	vst v3;
	v2 =	vadd.s32 v4, v2  }
0xcc: {  	[tilespmem:s23+$0x10] =	vst v5;
	v3 =	vld.idx.msk [tilespmem:v6+s28+$0x0], $0xffff;
	v2 =	vbroadcast v2, $0x0  }
0xcd: {  	s31 =	sor.u32 $0x40, s1;
	v6 =	vor.u32 $0x1, v13;
	v5 =	vld.idx.msk [tilespmem:v10+s28+$0x0], $0xffff  }
0xce: {  	v15 =	vadd.s32 v25, v2;
	v2 =	vmov s31  }
0xcf: {  	v2 =	vmul.u32 $0x28, v2;
	_ =	sdelay $0x1  }
0xd0: {  	[tilespmem:s7+$0xB0] =	vst v3;
	v2 =	vadd.s32 v4, v2  }
0xd1: {  	[tilespmem:s23+$0x20] =	vst v5;
	v3 =	vld.idx.msk [tilespmem:v6+s28+$0x0], $0xffff;
	v2 =	vbroadcast v2, $0x0  }
0xd2: {  	s2 =	sor.u32 $0x50, s1;
	v6 =	vor.u32 $0x1, v7;
	v5 =	vld.idx.msk [tilespmem:v15+s28+$0x0], $0xffff  }
0xd3: {  	v11 =	vadd.s32 v25, v2;
	v2 =	vmov s2  }
0xd4: {  	v2 =	vmul.u32 $0x28, v2;
	_ =	sdelay $0x1  }
0xd5: {  	[tilespmem:s7+$0xC0] =	vst v3;
	v2 =	vadd.s32 v4, v2  }
0xd6: {  	[tilespmem:s23+$0x30] =	vst v5;
	v3 =	vld.idx.msk [tilespmem:v6+s28+$0x0], $0xffff;
	v2 =	vbroadcast v2, $0x0  }
0xd7: {  	s22 =	sor.u32 $0x60, s1;
	v6 =	vor.u32 $0x1, v1;
	v5 =	vld.idx.msk [tilespmem:v11+s28+$0x0], $0xffff  }
0xd8: {  	v9 =	vadd.s32 v25, v2;
	v2 =	vmov s22  }
0xd9: {  	v2 =	vmul.u32 $0x28, v2;
	_ =	sdelay $0x1  }
0xda: {  	[tilespmem:s7+$0xD0] =	vst v3;
	v2 =	vadd.s32 v4, v2  }
0xdb: {  	[tilespmem:s23+$0x40] =	vst v5;
	v3 =	vld.idx.msk [tilespmem:v6+s28+$0x0], $0xffff;
	v2 =	vbroadcast v2, $0x0  }
0xdc: {  	s1 =	sor.u32 $0x70, s1;
	v6 =	vor.u32 $0x1, v23;
	v5 =	vld.idx.msk [tilespmem:v9+s28+$0x0], $0xffff  }
0xdd: {  	v47 =	vadd.s32 v25, v2;
	v2 =	vmov s1  }
0xde: {  	v2 =	vmul.u32 $0x28, v2;
	_ =	sdelay $0x1  }
0xdf: {  	[tilespmem:s7+$0xE0] =	vst v3;
	v2 =	vadd.s32 v4, v2  }
0xe0: {  	[tilespmem:s23+$0x50] =	vst v5;
	v3 =	vld.idx.msk [tilespmem:v6+s28+$0x0], $0xffff;
	v2 =	vbroadcast v2, $0x0  }
0xe1: {  	v5 =	vor.u32 $0x2, v46;
	v4 =	vld.idx.msk [tilespmem:v47+s28+$0x0], $0xffff  }
0xe2: {  	v45 =	vadd.s32 v25, v2;
	_ =	sdelay $0x2  }
0xe3: {  	[tilespmem:s7+$0xF0] =	vst v3  }
0xe4: {  	s24 =	simm.s32 $0x2;
	[tilespmem:s23+$0x60] =	vst v4;
	v2 =	vld.idx.msk [tilespmem:v5+s28+$0x0], $0xffff  }
0xe5: {  	s25 =	sand.u32 $0x3, s24;
	v4 =	vor.u32 $0x2, v48;
	v3 =	vld.idx.msk [tilespmem:v45+s28+$0x0], $0xffff  }
0xe6: {  	s26 =	simm.s32 $0x4;
	s1 =	sshll.u32 s25, $0x7;
	v5 =	vor.u32 $0x1, v20  }
0xe7: {  	v0 =	vmov v7;
	v7 =	vmov s1;
	v6 =	vmov s26  }
0xe8: {  	v7 =	vmul.u32 $0x28, v7;
	v6 =	vshrl.u32 v6, $0x3  }
0xe9: {  	[tilespmem:s7+$0x100] =	vst v2;
	v2 =	vshll.u32 v6, v16  }
0xea: {  	[tilespmem:s23+$0x70] =	vst v3;
	v3 =	vld.idx.msk [tilespmem:v4+s28+$0x0], $0xffff;
	v4 =	vadd.s32 v7, v2  }
0xeb: {  	v6 =	vor.u32 $0x2, v17;
	v5 =	vld.idx.msk [tilespmem:v5+s28+$0x0], $0xffff;
	v4 =	vbroadcast v4, $0x0  }
0xec: {  	s31 =	sor.u32 $0x10, s1;
	v7 =	vor.u32 $0x1, v12  }
0xed: {  	v21 =	vadd.s32 v25, v4;
	v4 =	vmov s31  }
0xee: {  	v4 =	vmul.u32 $0x28, v4  }
0xef: {  	[tilespmem:s7+$0x110] =	vst v3  }
0xf0: {  	[tilespmem:s23+$0x80] =	vst v5;
	v3 =	vld.idx.msk [tilespmem:v6+s28+$0x0], $0xffff;
	v4 =	vadd.s32 v2, v4  }
0xf1: {  	v6 =	vor.u32 $0x2, v14;
	v5 =	vld.idx.msk [tilespmem:v7+s28+$0x0], $0xffff;
	v4 =	vbroadcast v4, $0x0  }
0xf2: {  	v26 =	vmov v14;
	s2 =	sor.u32 $0x20, s1;
	v14 =	vor.u32 $0x1, v10;
	v8 =	vld.idx.msk [tilespmem:v21+s28+$0x0], $0xffff  }
0xf3: {  	s24 =	simm.s32 $0x800;
	v50 =	vadd.s32 v25, v4;
	v4 =	vmov s2  }
0xf4: {  	s24 =	sand.u32 $0x3FFFF000, s24;
	v4 =	vmul.u32 $0x28, v4  }
0xf5: {  	s12 =	sshll.u32 s25, $0xA;
	s22 =	sadd.s32 s24, s21;
	[tilespmem:s7+$0x120] =	vst v3  }
0xf6: {  	s22 =	sadd.s32 s12, s22;
	[tilespmem:s23+$0x90] =	vst v5;
	v3 =	vld.idx.msk [tilespmem:v6+s28+$0x0], $0xffff;
	v4 =	vadd.s32 v2, v4  }
0xf7: {  	v6 =	vor.u32 $0x2, v13;
	[tilespmem:s22+$0x0] =	vst v8;
	v5 =	vld.idx.msk [tilespmem:v14+s28+$0x0], $0xffff;
	v4 =	vbroadcast v4, $0x0  }
0xf8: {  	s25 =	sor.u32 $0x30, s1;
	v7 =	vmov v15;
	v15 =	vor.u32 $0x1, v15;
	v14 =	vld.idx.msk [tilespmem:v50+s28+$0x0], $0xffff  }
0xf9: {  	v44 =	vadd.s32 v25, v4;
	v4 =	vmov s25  }
0xfa: {  	v4 =	vmul.u32 $0x28, v4  }
0xfb: {  	[tilespmem:s7+$0x130] =	vst v3  }
0xfc: {  	[tilespmem:s23+$0xA0] =	vst v5;
	v3 =	vld.idx.msk [tilespmem:v6+s28+$0x0], $0xffff;
	v4 =	vadd.s32 v2, v4  }
0xfd: {  	[tilespmem:s22+$0x10] =	vst v14;
	v5 =	vld.idx.msk [tilespmem:v15+s28+$0x0], $0xffff;
	v4 =	vbroadcast v4, $0x0;
	v14 =	vor.u32 $0x2, v0  }
0xfe: {  	v27 =	vmov v16;
	s26 =	sor.u32 $0x40, s1;
	v16 =	vor.u32 $0x1, v11;
	v15 =	vld.idx.msk [tilespmem:v44+s28+$0x0], $0xffff  }
0xff: {  	v29 =	vadd.s32 v25, v4;
	v4 =	vmov s26  }
0x100: {  	v4 =	vmul.u32 $0x28, v4  }
0x101: {  	[tilespmem:s7+$0x140] =	vst v3  }
0x102: {  	[tilespmem:s23+$0xB0] =	vst v5;
	v3 =	vld.idx.msk [tilespmem:v14+s28+$0x0], $0xffff;
	v4 =	vadd.s32 v2, v4  }
0x103: {  	[tilespmem:s22+$0x20] =	vst v15;
	v14 =	vld.idx.msk [tilespmem:v16+s28+$0x0], $0xffff;
	v4 =	vbroadcast v4, $0x0;
	v15 =	vor.u32 $0x2, v1  }
0x104: {  	v28 =	vmov v17;
	v17 =	vor.u32 $0x1, v9;
	s31 =	sor.u32 $0x50, s1;
	v16 =	vld.idx.msk [tilespmem:v29+s28+$0x0], $0xffff  }
0x105: {  	v54 =	vadd.s32 v25, v4;
	v4 =	vmov s31  }
0x106: {  	v4 =	vmul.u32 $0x28, v4  }
0x107: {  	[tilespmem:s7+$0x150] =	vst v3  }
0x108: {  	[tilespmem:s23+$0xC0] =	vst v14;
	v3 =	vld.idx.msk [tilespmem:v15+s28+$0x0], $0xffff;
	v4 =	vadd.s32 v2, v4  }
0x109: {  	v15 =	vor.u32 $0x2, v23;
	[tilespmem:s22+$0x30] =	vst v16;
	v14 =	vld.idx.msk [tilespmem:v17+s28+$0x0], $0xffff;
	v4 =	vbroadcast v4, $0x0  }
0x10a: {  	s2 =	sor.u32 $0x60, s1;
	v17 =	vor.u32 $0x1, v47;
	v16 =	vld.idx.msk [tilespmem:v54+s28+$0x0], $0xffff  }
0x10b: {  	v18 =	vmov s2;
	v4 =	vadd.s32 v25, v4  }
0x10c: {  	v18 =	vmul.u32 $0x28, v18  }
0x10d: {  	[tilespmem:s7+$0x160] =	vst v3  }
0x10e: {  	v3 =	vadd.s32 v2, v18;
	[tilespmem:s23+$0xD0] =	vst v14;
	v14 =	vld.idx.msk [tilespmem:v15+s28+$0x0], $0xffff  }
0x10f: {  	v3 =	vbroadcast v3, $0x0;
	[tilespmem:s22+$0x40] =	vst v16;
	v15 =	vld.idx.msk [tilespmem:v17+s28+$0x0], $0xffff;
	v16 =	vor.u32 $0x3, v46  }
0x110: {  	s1 =	sor.u32 $0x70, s1;
	v18 =	vor.u32 $0x1, v45;
	v17 =	vld.idx.msk [tilespmem:v4+s28+$0x0], $0xffff  }
0x111: {  	v19 =	vmov s1;
	v3 =	vadd.s32 v25, v3  }
0x112: {  	v19 =	vmul.u32 $0x28, v19  }
0x113: {  	[tilespmem:s7+$0x170] =	vst v14  }
0x114: {  	v2 =	vadd.s32 v2, v19;
	[tilespmem:s23+$0xE0] =	vst v15;
	v14 =	vld.idx.msk [tilespmem:v16+s28+$0x0], $0xffff  }
0x115: {  	v2 =	vbroadcast v2, $0x0;
	v16 =	vor.u32 $0x3, v48;
	[tilespmem:s22+$0x50] =	vst v17;
	v15 =	vld.idx.msk [tilespmem:v18+s28+$0x0], $0xffff  }
0x116: {  	v18 =	vor.u32 $0x2, v20;
	v17 =	vld.idx.msk [tilespmem:v3+s28+$0x0], $0xffff  }
0x117: {  	v6 =	vmov v11;
	v11 =	vadd.s32 v25, v2;
	_ =	sdelay $0x1  }
0x118: {  	[tilespmem:s7+$0x180] =	vst v14  }
0x119: {  	[tilespmem:s23+$0xF0] =	vst v15;
	v14 =	vld.idx.msk [tilespmem:v16+s28+$0x0], $0xffff  }
0x11a: {  	s24 =	simm.s32 $0x3;
	v16 =	vor.u32 $0x3, v28;
	[tilespmem:s22+$0x60] =	vst v17;
	v15 =	vld.idx.msk [tilespmem:v18+s28+$0x0], $0xffff  }
0x11b: {  	s12 =	sand.u32 $0x3, s24;
	v18 =	vor.u32 $0x2, v12;
	v17 =	vld.idx.msk [tilespmem:v11+s28+$0x0], $0xffff  }
0x11c: {  	s1 =	sshll.u32 s12, $0x7;
	s25 =	simm.s32 $0x6;
	v19 =	vor.u32 $0x1, v21  }
0x11d: {  	v8 =	vmov v1;
	v5 =	vmov s1;
	v1 =	vmov s25  }
0x11e: {  	[tilespmem:s7+$0x190] =	vst v14;
	v14 =	vshrl.u32 v1, $0x3;
	v1 =	vmul.u32 $0x28, v5  }
0x11f: {  	[tilespmem:s23+$0x100] =	vst v15;
	v15 =	vld.idx.msk [tilespmem:v16+s28+$0x0], $0xffff;
	v14 =	vshll.u32 v14, v27  }
0x120: {  	[tilespmem:s22+$0x70] =	vst v17;
	v16 =	vld.idx.msk [tilespmem:v18+s28+$0x0], $0xffff;
	v17 =	vadd.s32 v1, v14;
	v18 =	vor.u32 $0x3, v26  }
0x121: {  	v1 =	vor.u32 $0x2, v10;
	v5 =	vld.idx.msk [tilespmem:v19+s28+$0x0], $0xffff;
	v17 =	vbroadcast v17, $0x0  }
0x122: {  	s26 =	sor.u32 $0x10, s1;
	v2 =	vmov v26;
	v26 =	vor.u32 $0x1, v50  }
0x123: {  	v24 =	vmovc v0;
	v0 =	vmov v9;
	v9 =	vadd.s32 v25, v17;
	v17 =	vmov s26  }
0x124: {  	[tilespmem:s7+$0x1A0] =	vst v15;
	v15 =	vmul.u32 $0x28, v17  }
0x125: {  	[tilespmem:s23+$0x110] =	vst v16;
	v16 =	vld.idx.msk [tilespmem:v18+s28+$0x0], $0xffff  }
0x126: {  	[tilespmem:s22+$0x80] =	vst v5;
	v18 =	vld.idx.msk [tilespmem:v1+s28+$0x0], $0xffff;
	v15 =	vadd.s32 v14, v15;
	v5 =	vor.u32 $0x3, v13  }
0x127: {  	v1 =	vld.idx.msk [tilespmem:v26+s28+$0x0], $0xffff;
	v15 =	vbroadcast v15, $0x0;
	v26 =	vor.u32 $0x2, v7  }
0x128: {  	v35 =	vmov v27;
	v34 =	vmov v28;
	s31 =	sor.u32 $0x20, s1;
	v28 =	vor.u32 $0x1, v44;
	v27 =	vld.idx.msk [tilespmem:v9+s28+$0x0], $0xffff  }
0x129: {  	s25 =	simm.s32 $0xC00;
	v51 =	vadd.s32 v25, v15;
	v15 =	vmov s31  }
0x12a: {  	s2 =	sand.u32 $0x3FFFF000, s25;
	[tilespmem:s7+$0x1B0] =	vst v16;
	v15 =	vmul.u32 $0x28, v15  }
0x12b: {  	s12 =	sshll.u32 s12, $0xA;
	s24 =	sadd.s32 s2, s21;
	[tilespmem:s23+$0x120] =	vst v18;
	v16 =	vld.idx.msk [tilespmem:v5+s28+$0x0], $0xffff  }
0x12c: {  	s24 =	sadd.s32 s12, s24;
	v5 =	vor.u32 $0x3, v24;
	[tilespmem:s22+$0x90] =	vst v1;
	v18 =	vld.idx.msk [tilespmem:v26+s28+$0x0], $0xffff;
	v15 =	vadd.s32 v14, v15  }
0x12d: {  	[tilespmem:s24+$0x0] =	vst v27;
	v26 =	vld.idx.msk [tilespmem:v28+s28+$0x0], $0xffff;
	v15 =	vbroadcast v15, $0x0;
	v27 =	vor.u32 $0x2, v6  }
0x12e: {  	v49 =	vmov v7;
	s25 =	sor.u32 $0x30, s1;
	v7 =	vmov v29;
	v29 =	vor.u32 $0x1, v29;
	v28 =	vld.idx.msk [tilespmem:v51+s28+$0x0], $0xffff  }
0x12f: {  	v19 =	vmov v6;
	v6 =	vadd.s32 v25, v15;
	v15 =	vmov s25  }
0x130: {  	[tilespmem:s7+$0x1C0] =	vst v16;
	v15 =	vmul.u32 $0x28, v15  }
0x131: {  	[tilespmem:s23+$0x130] =	vst v18;
	v16 =	vld.idx.msk [tilespmem:v5+s28+$0x0], $0xffff  }
0x132: {  	[tilespmem:s22+$0xA0] =	vst v26;
	v18 =	vld.idx.msk [tilespmem:v27+s28+$0x0], $0xffff;
	v15 =	vadd.s32 v14, v15;
	v26 =	vor.u32 $0x3, v8  }
0x133: {  	[tilespmem:s24+$0x10] =	vst v28;
	v27 =	vld.idx.msk [tilespmem:v29+s28+$0x0], $0xffff;
	v15 =	vbroadcast v15, $0x0;
	v28 =	vor.u32 $0x2, v0  }
0x134: {  	v30 =	vor.u32 $0x1, v54;
	s26 =	sor.u32 $0x40, s1;
	v29 =	vld.idx.msk [tilespmem:v6+s28+$0x0], $0xffff  }
0x135: {  	v17 =	vadd.s32 v25, v15;
	v15 =	vmov s26  }
0x136: {  	[tilespmem:s7+$0x1D0] =	vst v16;
	v15 =	vmul.u32 $0x28, v15  }
0x137: {  	[tilespmem:s23+$0x140] =	vst v18;
	v16 =	vld.idx.msk [tilespmem:v26+s28+$0x0], $0xffff  }
0x138: {  	[tilespmem:s22+$0xB0] =	vst v27;
	v26 =	vld.idx.msk [tilespmem:v28+s28+$0x0], $0xffff;
	v15 =	vadd.s32 v14, v15;
	v27 =	vor.u32 $0x3, v23  }
0x139: {  	[tilespmem:s24+$0x20] =	vst v29;
	v28 =	vld.idx.msk [tilespmem:v30+s28+$0x0], $0xffff;
	v15 =	vbroadcast v15, $0x0;
	v29 =	vor.u32 $0x2, v47  }
0x13a: {  	v31 =	vor.u32 $0x1, v4;
	s31 =	sor.u32 $0x50, s1;
	v30 =	vld.idx.msk [tilespmem:v17+s28+$0x0], $0xffff  }
0x13b: {  	v5 =	vadd.s32 v25, v15;
	v15 =	vmov s31  }
0x13c: {  	[tilespmem:s7+$0x1E0] =	vst v16;
	v15 =	vmul.u32 $0x28, v15  }
0x13d: {  	[tilespmem:s23+$0x150] =	vst v26;
	v26 =	vld.idx.msk [tilespmem:v27+s28+$0x0], $0xffff  }
0x13e: {  	[tilespmem:s22+$0xC0] =	vst v28;
	v27 =	vld.idx.msk [tilespmem:v29+s28+$0x0], $0xffff;
	v15 =	vadd.s32 v14, v15;
	v28 =	vor.u32 $0x4, v46  }
0x13f: {  	[tilespmem:s24+$0x30] =	vst v30;
	v29 =	vld.idx.msk [tilespmem:v31+s28+$0x0], $0xffff;
	v15 =	vbroadcast v15, $0x0;
	v30 =	vor.u32 $0x2, v45  }
0x140: {  	s2 =	sor.u32 $0x60, s1;
	v32 =	vor.u32 $0x1, v3;
	v31 =	vld.idx.msk [tilespmem:v5+s28+$0x0], $0xffff  }
0x141: {  	v16 =	vadd.s32 v25, v15;
	v15 =	vmov s2  }
0x142: {  	[tilespmem:s7+$0x1F0] =	vst v26;
	v15 =	vmul.u32 $0x28, v15  }
0x143: {  	[tilespmem:s23+$0x160] =	vst v27;
	v26 =	vld.idx.msk [tilespmem:v28+s28+$0x0], $0xffff  }
0x144: {  	v28 =	vor.u32 $0x4, v48;
	[tilespmem:s22+$0xD0] =	vst v29;
	v27 =	vld.idx.msk [tilespmem:v30+s28+$0x0], $0xffff;
	v15 =	vadd.s32 v14, v15  }
0x145: {  	v30 =	vor.u32 $0x3, v20;
	[tilespmem:s24+$0x40] =	vst v31;
	v29 =	vld.idx.msk [tilespmem:v32+s28+$0x0], $0xffff;
	v15 =	vbroadcast v15, $0x0  }
0x146: {  	v61 =	vor.u32 $0x1, v11;
	s1 =	sor.u32 $0x70, s1;
	v31 =	vld.idx.msk [tilespmem:v16+s28+$0x0], $0xffff  }
0x147: {  	v33 =	vmov s1;
	v15 =	vadd.s32 v25, v15  }
0x148: {  	[tilespmem:s7+$0x200] =	vst v26;
	v26 =	vmul.u32 $0x28, v33  }
0x149: {  	[tilespmem:s23+$0x170] =	vst v27;
	v27 =	vld.idx.msk [tilespmem:v28+s28+$0x0], $0xffff  }
0x14a: {  	[tilespmem:s22+$0xE0] =	vst v29;
	v28 =	vld.idx.msk [tilespmem:v30+s28+$0x0], $0xffff;
	v14 =	vadd.s32 v14, v26;
	v26 =	vor.u32 $0x4, v34  }
0x14b: {  	v30 =	vor.u32 $0x3, v12;
	[tilespmem:s24+$0x50] =	vst v31;
	v29 =	vld.idx.msk [tilespmem:v61+s28+$0x0], $0xffff;
	v14 =	vbroadcast v14, $0x0  }
0x14c: {  	v62 =	vor.u32 $0x2, v21;
	v31 =	vld.idx.msk [tilespmem:v15+s28+$0x0], $0xffff  }
0x14d: {  	v14 =	vadd.s32 v25, v14  }
0x14e: {  	[tilespmem:s7+$0x210] =	vst v27  }
0x14f: {  	[tilespmem:s23+$0x180] =	vst v28;
	v26 =	vld.idx.msk [tilespmem:v26+s28+$0x0], $0xffff  }
0x150: {  	v28 =	vor.u32 $0x4, v2;
	[tilespmem:s22+$0xF0] =	vst v29;
	v27 =	vld.idx.msk [tilespmem:v30+s28+$0x0], $0xffff  }
0x151: {  	s25 =	simm.s32 $0x4;
	v30 =	vor.u32 $0x3, v10;
	[tilespmem:s24+$0x60] =	vst v31;
	v29 =	vld.idx.msk [tilespmem:v62+s28+$0x0], $0xffff  }
0x152: {  	v63 =	vor.u32 $0x2, v50;
	s12 =	sand.u32 $0x3, s25;
	v31 =	vld.idx.msk [tilespmem:v14+s28+$0x0], $0xffff  }
0x153: {  	v36 =	vor.u32 $0x1, v9;
	s1 =	sshll.u32 s12, $0x7;
	s26 =	simm.s32 $0x8  }
0x154: {  	v37 =	vmov s1;
	[tilespmem:s7+$0x220] =	vst v26;
	v26 =	vmov s26  }
0x155: {  	v52 =	vmov v13;
	[tilespmem:s23+$0x190] =	vst v27;
	v27 =	vld.idx.msk [tilespmem:v28+s28+$0x0], $0xffff;
	v26 =	vshrl.u32 v26, $0x3;
	v28 =	vmul.u32 $0x28, v37  }
0x156: {  	[tilespmem:s22+$0x100] =	vst v29;
	v29 =	vld.idx.msk [tilespmem:v30+s28+$0x0], $0xffff;
	v33 =	vshll.u32 v26, v35;
	v30 =	vor.u32 $0x4, v52  }
0x157: {  	[tilespmem:s24+$0x70] =	vst v31;
	v31 =	vld.idx.msk [tilespmem:v63+s28+$0x0], $0xffff;
	v26 =	vadd.s32 v28, v33;
	v28 =	vor.u32 $0x3, v49  }
0x158: {  	v39 =	vor.u32 $0x2, v44;
	v38 =	vld.idx.msk [tilespmem:v36+s28+$0x0], $0xffff  }
0x159: {  	v41 =	vor.u32 $0x1, v51;
	v26 =	vbroadcast v26, $0x0  }
0x15a: {  	s31 =	sor.u32 $0x10, s1;
	[tilespmem:s7+$0x230] =	vst v27  }
0x15b: {  	v57 =	vmov v2;
	v2 =	vadd.s32 v25, v26;
	v27 =	vmov s31;
	[tilespmem:s23+$0x1A0] =	vst v29;
	v29 =	vld.idx.msk [tilespmem:v30+s28+$0x0], $0xffff  }
0x15c: {  	v27 =	vmul.u32 $0x28, v27;
	v30 =	vor.u32 $0x4, v24;
	[tilespmem:s22+$0x110] =	vst v31;
	v28 =	vld.idx.msk [tilespmem:v28+s28+$0x0], $0xffff  }
0x15d: {  	v43 =	vor.u32 $0x3, v19;
	[tilespmem:s24+$0x80] =	vst v38;
	v31 =	vld.idx.msk [tilespmem:v39+s28+$0x0], $0xffff  }
0x15e: {  	v61 =	vor.u32 $0x2, v7;
	v27 =	vadd.s32 v33, v27;
	v60 =	vld.idx.msk [tilespmem:v41+s28+$0x0], $0xffff  }
0x15f: {  	v37 =	vor.u32 $0x1, v6;
	v27 =	vbroadcast v27, $0x0  }
0x160: {  	s2 =	sor.u32 $0x20, s1;
	v36 =	vld.idx.msk [tilespmem:v2+s28+$0x0], $0xffff;
	[tilespmem:s7+$0x240] =	vst v29  }
0x161: {  	v1 =	vmov v8;
	s26 =	simm.s32 $0x1000;
	v26 =	vadd.s32 v25, v27;
	v29 =	vmov s2;
	[tilespmem:s23+$0x1B0] =	vst v28;
	v30 =	vld.idx.msk [tilespmem:v30+s28+$0x0], $0xffff  }
0x162: {  	v13 =	vmov v0;
	s31 =	sand.u32 $0x3FFFF000, s26;
	v28 =	vmul.u32 $0x28, v29;
	[tilespmem:s22+$0x120] =	vst v31;
	v29 =	vld.idx.msk [tilespmem:v43+s28+$0x0], $0xffff;
	v31 =	vor.u32 $0x4, v1  }
0x163: {  	s12 =	sshll.u32 s12, $0xA;
	v62 =	vor.u32 $0x3, v13;
	s25 =	sadd.s32 s31, s21;
	[tilespmem:s24+$0x90] =	vst v60;
	v0 =	vld.idx.msk [tilespmem:v61+s28+$0x0], $0xffff  }
0x164: {  	s25 =	sadd.s32 s12, s25;
	v41 =	vor.u32 $0x2, v54;
	v28 =	vadd.s32 v33, v28;
	v63 =	vld.idx.msk [tilespmem:v37+s28+$0x0], $0xffff  }
0x165: {  	v38 =	vor.u32 $0x1, v17;
	[tilespmem:s25+$0x0] =	vst v36;
	v28 =	vbroadcast v28, $0x0  }
0x166: {  	s2 =	sor.u32 $0x30, s1;
	v43 =	vld.idx.msk [tilespmem:v26+s28+$0x0], $0xffff;
	[tilespmem:s7+$0x250] =	vst v30  }
0x167: {  	v58 =	vadd.s32 v25, v28;
	v30 =	vmov s2;
	[tilespmem:s23+$0x1C0] =	vst v29;
	v31 =	vld.idx.msk [tilespmem:v31+s28+$0x0], $0xffff  }
0x168: {  	v29 =	vmul.u32 $0x28, v30;
	[tilespmem:s22+$0x130] =	vst v0;
	v30 =	vld.idx.msk [tilespmem:v62+s28+$0x0], $0xffff;
	v0 =	vor.u32 $0x4, v23  }
0x169: {  	v61 =	vor.u32 $0x3, v47;
	[tilespmem:s24+$0xA0] =	vst v63;
	v60 =	vld.idx.msk [tilespmem:v41+s28+$0x0], $0xffff  }
0x16a: {  	v29 =	vadd.s32 v33, v29;
	v63 =	vor.u32 $0x2, v4;
	v62 =	vld.idx.msk [tilespmem:v38+s28+$0x0], $0xffff  }
0x16b: {  	v39 =	vor.u32 $0x1, v5;
	[tilespmem:s25+$0x10] =	vst v43;
	v29 =	vbroadcast v29, $0x0  }
0x16c: {  	s26 =	sor.u32 $0x40, s1;
	v43 =	vld.idx.msk [tilespmem:v58+s28+$0x0], $0xffff;
	[tilespmem:s7+$0x260] =	vst v31  }
0x16d: {  	v22 =	vmov v17;
	v17 =	vadd.s32 v25, v29;
	v31 =	vmov s26;
	[tilespmem:s23+$0x1D0] =	vst v30;
	v30 =	vld.idx.msk [tilespmem:v0+s28+$0x0], $0xffff  }
0x16e: {  	v59 =	vor.u32 $0x5, v46;
	v31 =	vmul.u32 $0x28, v31;
	[tilespmem:s22+$0x140] =	vst v60;
	v0 =	vld.idx.msk [tilespmem:v61+s28+$0x0], $0xffff  }
0x16f: {  	v61 =	vor.u32 $0x3, v45;
	[tilespmem:s24+$0xB0] =	vst v62;
	v60 =	vld.idx.msk [tilespmem:v63+s28+$0x0], $0xffff  }
0x170: {  	v31 =	vadd.s32 v33, v31;
	v63 =	vor.u32 $0x2, v3;
	v62 =	vld.idx.msk [tilespmem:v39+s28+$0x0], $0xffff  }
0x171: {  	[tilespmem:s25+$0x20] =	vst v43;
	v31 =	vbroadcast v31, $0x0  }
0x172: {  	v8 =	vmov v6;
	v6 =	vor.u32 $0x1, v16;
	v43 =	vld.idx.msk [tilespmem:v17+s28+$0x0], $0xffff;
	[tilespmem:s7+$0x270] =	vst v30  }
0x173: {  	v42 =	vmov v34;
	s31 =	sor.u32 $0x50, s1;
	v18 =	vadd.s32 v25, v31;
	[tilespmem:s23+$0x1E0] =	vst v0;
	v34 =	vld.idx.msk [tilespmem:v59+s28+$0x0], $0xffff  }
0x174: {  	v30 =	vmov s31;
	[tilespmem:s22+$0x150] =	vst v60;
	v59 =	vld.idx.msk [tilespmem:v61+s28+$0x0], $0xffff;
	v60 =	vor.u32 $0x5, v48  }
0x175: {  	v30 =	vmul.u32 $0x28, v30;
	[tilespmem:s24+$0xC0] =	vst v62;
	v61 =	vld.idx.msk [tilespmem:v63+s28+$0x0], $0xffff;
	v62 =	vor.u32 $0x4, v20  }
0x176: {  	v0 =	vor.u32 $0x2, v11  }
0x177: {  	v30 =	vadd.s32 v33, v30;
	[tilespmem:s25+$0x30] =	vst v43;
	v63 =	vld.idx.msk [tilespmem:v6+s28+$0x0], $0xffff  }
0x178: {  	v30 =	vbroadcast v30, $0x0;
	v41 =	vld.idx.msk [tilespmem:v18+s28+$0x0], $0xffff;
	[tilespmem:s7+$0x280] =	vst v34  }
0x179: {  	v43 =	vor.u32 $0x1, v15;
	[tilespmem:s23+$0x1F0] =	vst v59;
	v34 =	vld.idx.msk [tilespmem:v60+s28+$0x0], $0xffff  }
0x17a: {  	v40 =	vmov v35;
	s2 =	sor.u32 $0x60, s1;
	v27 =	vadd.s32 v25, v30;
	[tilespmem:s22+$0x160] =	vst v61;
	v35 =	vld.idx.msk [tilespmem:v62+s28+$0x0], $0xffff  }
0x17b: {  	v30 =	vmov s2;
	v60 =	vor.u32 $0x5, v42;
	v37 =	vld.idx.msk [tilespmem:v0+s28+$0x0], $0xffff  }
0x17c: {  	v30 =	vmul.u32 $0x28, v30;
	v61 =	vor.u32 $0x4, v12;
	[tilespmem:s24+$0xD0] =	vst v63  }
0x17d: {  	v0 =	vor.u32 $0x3, v21;
	[tilespmem:s25+$0x40] =	vst v41  }
0x17e: {  	v30 =	vadd.s32 v33, v30;
	v39 =	vld.idx.msk [tilespmem:v43+s28+$0x0], $0xffff;
	[tilespmem:s7+$0x290] =	vst v34  }
0x17f: {  	v30 =	vbroadcast v30, $0x0;
	v43 =	vor.u32 $0x1, v14;
	v41 =	vld.idx.msk [tilespmem:v27+s28+$0x0], $0xffff;
	[tilespmem:s23+$0x200] =	vst v35  }
0x180: {  	v35 =	vld.idx.msk [tilespmem:v60+s28+$0x0], $0xffff;
	[tilespmem:s22+$0x170] =	vst v37  }
0x181: {  	v53 =	vmov v24;
	v24 =	vadd.s32 v25, v30;
	v36 =	vld.idx.msk [tilespmem:v61+s28+$0x0], $0xffff;
	[tilespmem:$0x1FF10] =	vst v57  }
0x182: {  	s1 =	sor.u32 $0x70, s1;
	v37 =	vor.u32 $0x5, v57;
	v63 =	vld.idx.msk [tilespmem:v0+s28+$0x0], $0xffff  }
0x183: {  	v62 =	vmov s1;
	v60 =	vmov v57;
	v57 =	vor.u32 $0x4, v10;
	[tilespmem:s24+$0xE0] =	vst v39  }
0x184: {  	v34 =	vmul.u32 $0x28, v62;
	[tilespmem:s25+$0x50] =	vst v41;
	v39 =	vld.idx.msk [tilespmem:v43+s28+$0x0], $0xffff  }
0x185: {  	v0 =	vor.u32 $0x3, v50;
	[tilespmem:s7+$0x2A0] =	vst v35  }
0x186: {  	v33 =	vadd.s32 v33, v34;
	v41 =	vld.idx.msk [tilespmem:v24+s28+$0x0], $0xffff;
	[tilespmem:s23+$0x210] =	vst v36  }
0x187: {  	v61 =	vor.u32 $0x2, v9;
	v33 =	vbroadcast v33, $0x0;
	v35 =	vld.idx.msk [tilespmem:v37+s28+$0x0], $0xffff;
	[tilespmem:s22+$0x180] =	vst v63  }
0x188: {  	v34 =	vld.idx.msk [tilespmem:v57+s28+$0x0], $0xffff;
	[tilespmem:$0x1FF30] =	vst v52  }
0x189: {  	v30 =	vadd.s32 v25, v33;
	[tilespmem:s24+$0xF0] =	vst v39  }
0x18a: {  	v62 =	vor.u32 $0x5, v52;
	v37 =	vld.idx.msk [tilespmem:v0+s28+$0x0], $0xffff;
	[tilespmem:$0x1FF40] =	vst v49  }
0x18b: {  	v63 =	vor.u32 $0x4, v49;
	[tilespmem:s25+$0x60] =	vst v41  }
0x18c: {  	v39 =	vld.idx.msk [tilespmem:v61+s28+$0x0], $0xffff;
	[tilespmem:$0x1FF50] =	vst v44  }
0x18d: {  	v0 =	vor.u32 $0x3, v44;
	[tilespmem:s7+$0x2B0] =	vst v35  }
0x18e: {  	s26 =	simm.s32 $0x5;
	v41 =	vld.idx.msk [tilespmem:v30+s28+$0x0], $0xffff;
	[tilespmem:s23+$0x220] =	vst v34  }
0x18f: {  	v32 =	vmov v52;
	s12 =	sand.u32 $0x3, s26;
	v52 =	vor.u32 $0x2, v51;
	v34 =	vld.idx.msk [tilespmem:v62+s28+$0x0], $0xffff;
	[tilespmem:s22+$0x190] =	vst v37  }
0x190: {  	s31 =	simm.s32 $0xA;
	s1 =	sshll.u32 s12, $0x7;
	v37 =	vld.idx.msk [tilespmem:v63+s28+$0x0], $0xffff;
	[tilespmem:$0x1FF60] =	vst v53  }
0x191: {  	v57 =	vor.u32 $0x1, v2;
	v61 =	vmov s31;
	v62 =	vmov s1;
	[tilespmem:s24+$0x100] =	vst v39  }
0x192: {  	v38 =	vor.u32 $0x5, v53;
	v35 =	vshrl.u32 v61, $0x3;
	v36 =	vmul.u32 $0x28, v62;
	v39 =	vld.idx.msk [tilespmem:v0+s28+$0x0], $0xffff;
	[tilespmem:$0x1FF70] =	vst v19  }
0x193: {  	v56 =	vmov v7;
	v63 =	vor.u32 $0x4, v19;
	v0 =	vshll.u32 v35, v40;
	[tilespmem:s25+$0x70] =	vst v41  }
0x194: {  	v36 =	vadd.s32 v36, v0;
	v41 =	vld.idx.msk [tilespmem:v52+s28+$0x0], $0xffff;
	[tilespmem:$0x1FF80] =	vst v56  }
0x195: {  	v43 =	vor.u32 $0x3, v56;
	v36 =	vbroadcast v36, $0x0;
	[tilespmem:s7+$0x2C0] =	vst v34  }
0x196: {  	v55 =	vmov v1;
	v1 =	vmov v56;
	v31 =	vmov v44;
	v44 =	vld.idx.msk [tilespmem:v57+s28+$0x0], $0xffff;
	[tilespmem:s23+$0x230] =	vst v37  }
0x197: {  	v59 =	vmovc v42;
	v42 =	vmov v8;
	v56 =	vor.u32 $0x2, v8;
	v8 =	vadd.s32 v25, v36;
	v36 =	vld.idx.msk [tilespmem:v38+s28+$0x0], $0xffff;
	[tilespmem:s22+$0x1A0] =	vst v39  }
0x198: {  	v57 =	vor.u32 $0x1, v26;
	v38 =	vld.idx.msk [tilespmem:v63+s28+$0x0], $0xffff;
	[tilespmem:$0x1FF90] =	vst v55  }
0x199: {  	v7 =	vmov v13;
	s2 =	sor.u32 $0x10, s1;
	[tilespmem:s24+$0x110] =	vst v41  }
0x19a: {  	v62 =	vmov s2;
	v39 =	vld.idx.msk [tilespmem:v43+s28+$0x0], $0xffff;
	[tilespmem:$0x1FFA0] =	vst v7  }
0x19b: {  	v37 =	vor.u32 $0x5, v55;
	v63 =	vmul.u32 $0x28, v62;
	[tilespmem:s25+$0x80] =	vst v44  }
0x19c: {  	v41 =	vor.u32 $0x4, v7;
	v43 =	vld.idx.msk [tilespmem:v56+s28+$0x0], $0xffff;
	[tilespmem:$0x1FFB0] =	vst v54  }
0x19d: {  	v35 =	vadd.s32 v0, v63;
	v44 =	vor.u32 $0x3, v54;
	v52 =	vld.idx.msk [tilespmem:v57+s28+$0x0], $0xffff;
	[tilespmem:$0x1FFC0] =	vst v22  }
0x19e: {  	v33 =	vor.u32 $0x2, v22;
	v40 =	vmovc v7;
	v7 =	vmov v54;
	v35 =	vbroadcast v35, $0x0;
	v54 =	vld.idx.msk [tilespmem:v8+s28+$0x0], $0xffff;
	[tilespmem:$0x1FFD0] =	vst v58  }
0x19f: {  	s31 =	sor.u32 $0x20, s1;
	v57 =	vor.u32 $0x1, v58;
	[tilespmem:s7+$0x2D0] =	vst v36  }
0x1a0: {  	s29 =	simm.s32 $0x1400;
	v63 =	vmov v58;
	v6 =	vadd.s32 v25, v35;
	v58 =	vmov s31;
	[tilespmem:s23+$0x240] =	vst v38;
	v36 =	vld.idx.msk [tilespmem:v37+s28+$0x0], $0xffff  }
0x1a1: {  	s2 =	sand.u32 $0x3FFFF000, s29;
	[tilespmem:s22+$0x1B0] =	vst v39;
	v39 =	vor.u32 $0x5, v23;
	v38 =	vld.idx.msk [tilespmem:v41+s28+$0x0], $0xffff;
	v37 =	vmul.u32 $0x28, v58  }
0x1a2: {  	s12 =	sshll.u32 s12, $0xA;
	s26 =	sadd.s32 s2, s21;
	[tilespmem:s24+$0x120] =	vst v43;
	v41 =	vld.idx.msk [tilespmem:v44+s28+$0x0], $0xffff;
	v43 =	vor.u32 $0x4, v47  }
0x1a3: {  	s26 =	sadd.s32 s12, s26;
	v44 =	vld.idx.msk [tilespmem:v33+s28+$0x0], $0xffff;
	v33 =	vor.u32 $0x3, v4;
	[tilespmem:s25+$0x90] =	vst v52;
	v37 =	vadd.s32 v0, v37  }
0x1a4: {  	v61 =	vmov v53;
	[tilespmem:s26+$0x0] =	vst v54;
	v53 =	vld.idx.msk [tilespmem:v57+s28+$0x0], $0xffff;
	v37 =	vbroadcast v37, $0x0;
	v54 =	vor.u32 $0x2, v5  }
0x1a5: {  	v34 =	vmov v55;
	v35 =	vor.u32 $0x1, v17;
	s31 =	sor.u32 $0x30, s1;
	v55 =	vld.idx.msk [tilespmem:v6+s28+$0x0], $0xffff;
	[tilespmem:s7+$0x2E0] =	vst v36  }
0x1a6: {  	v28 =	vmovc v12;
	v12 =	vmov v19;
	v58 =	vmov s31;
	v19 =	vadd.s32 v25, v37;
	[tilespmem:s23+$0x250] =	vst v38;
	v37 =	vld.idx.msk [tilespmem:v39+s28+$0x0], $0xffff  }
0x1a7: {  	[tilespmem:s22+$0x1C0] =	vst v41;
	v38 =	vmul.u32 $0x28, v58;
	v41 =	vor.u32 $0x6, v46;
	v39 =	vld.idx.msk [tilespmem:v43+s28+$0x0], $0xffff  }
0x1a8: {  	[tilespmem:s24+$0x130] =	vst v44;
	v43 =	vld.idx.msk [tilespmem:v33+s28+$0x0], $0xffff;
	v33 =	vor.u32 $0x4, v45  }
0x1a9: {  	v38 =	vadd.s32 v0, v38;
	[tilespmem:s25+$0xA0] =	vst v53;
	v52 =	vld.idx.msk [tilespmem:v54+s28+$0x0], $0xffff;
	v53 =	vor.u32 $0x3, v3  }
0x1aa: {  	v38 =	vbroadcast v38, $0x0;
	[tilespmem:s26+$0x10] =	vst v55;
	v54 =	vld.idx.msk [tilespmem:v35+s28+$0x0], $0xffff;
	v35 =	vor.u32 $0x2, v16  }
0x1ab: {  	s2 =	sor.u32 $0x40, s1;
	v57 =	vor.u32 $0x1, v18;
	v56 =	vld.idx.msk [tilespmem:v19+s28+$0x0], $0xffff;
	[tilespmem:s7+$0x2F0] =	vst v37  }
0x1ac: {  	v13 =	vmov v20;
	v58 =	vmov s2;
	v20 =	vadd.s32 v25, v38;
	[tilespmem:s23+$0x260] =	vst v39;
	v38 =	vld.idx.msk [tilespmem:v41+s28+$0x0], $0xffff  }
0x1ad: {  	[tilespmem:s22+$0x1D0] =	vst v43;
	v39 =	vmul.u32 $0x28, v58;
	v41 =	vld.idx.msk [tilespmem:v33+s28+$0x0], $0xffff;
	v33 =	vor.u32 $0x6, v48  }
0x1ae: {  	[tilespmem:s24+$0x140] =	vst v52;
	v44 =	vld.idx.msk [tilespmem:v53+s28+$0x0], $0xffff;
	v52 =	vor.u32 $0x5, v13  }
0x1af: {  	v39 =	vadd.s32 v0, v39;
	[tilespmem:s25+$0xB0] =	vst v54;
	v53 =	vld.idx.msk [tilespmem:v35+s28+$0x0], $0xffff;
	v35 =	vor.u32 $0x3, v11  }
0x1b0: {  	v39 =	vbroadcast v39, $0x0;
	[tilespmem:s26+$0x20] =	vst v56;
	v55 =	vld.idx.msk [tilespmem:v57+s28+$0x0], $0xffff;
	v56 =	vor.u32 $0x2, v15  }
0x1b1: {  	s31 =	sor.u32 $0x50, s1;
	v58 =	vor.u32 $0x1, v27;
	v57 =	vld.idx.msk [tilespmem:v20+s28+$0x0], $0xffff;
	[tilespmem:s7+$0x300] =	vst v38  }
0x1b2: {  	v29 =	vadd.s32 v25, v39;
	[tilespmem:s23+$0x270] =	vst v41;
	v39 =	vld.idx.msk [tilespmem:v33+s28+$0x0], $0xffff;
	v33 =	vmov s31  }
0x1b3: {  	[tilespmem:s22+$0x1E0] =	vst v44;
	v43 =	vld.idx.msk [tilespmem:v52+s28+$0x0], $0xffff;
	v44 =	vor.u32 $0x6, v59;
	v41 =	vmul.u32 $0x28, v33  }
0x1b4: {  	[tilespmem:s24+$0x150] =	vst v53;
	v52 =	vld.idx.msk [tilespmem:v35+s28+$0x0], $0xffff;
	v35 =	vor.u32 $0x5, v28  }
0x1b5: {  	[tilespmem:s25+$0xC0] =	vst v55;
	v54 =	vld.idx.msk [tilespmem:v56+s28+$0x0], $0xffff;
	v55 =	vor.u32 $0x4, v21;
	v41 =	vadd.s32 v0, v41  }
0x1b6: {  	[tilespmem:s26+$0x30] =	vst v57;
	v56 =	vld.idx.msk [tilespmem:v58+s28+$0x0], $0xffff;
	v57 =	vor.u32 $0x2, v14;
	v41 =	vbroadcast v41, $0x0  }
0x1b7: {  	s2 =	sor.u32 $0x60, s1;
	v33 =	vor.u32 $0x1, v24;
	v58 =	vld.idx.msk [tilespmem:v29+s28+$0x0], $0xffff;
	[tilespmem:s7+$0x310] =	vst v39  }
0x1b8: {  	v37 =	vmov s2;
	[tilespmem:s23+$0x280] =	vst v43;
	v39 =	vadd.s32 v25, v41;
	v41 =	vld.idx.msk [tilespmem:v44+s28+$0x0], $0xffff  }
0x1b9: {  	v43 =	vmul.u32 $0x28, v37;
	[tilespmem:s22+$0x1F0] =	vst v52;
	v38 =	vld.idx.msk [tilespmem:v35+s28+$0x0], $0xffff;
	v35 =	vor.u32 $0x6, v60  }
0x1ba: {  	[tilespmem:s24+$0x160] =	vst v54;
	v53 =	vld.idx.msk [tilespmem:v55+s28+$0x0], $0xffff;
	v54 =	vor.u32 $0x5, v10  }
0x1bb: {  	v37 =	vor.u32 $0x4, v50;
	v43 =	vadd.s32 v0, v43;
	[tilespmem:s25+$0xD0] =	vst v56;
	v55 =	vld.idx.msk [tilespmem:v57+s28+$0x0], $0xffff  }
0x1bc: {  	v43 =	vbroadcast v43, $0x0;
	[tilespmem:s26+$0x40] =	vst v58;
	v57 =	vld.idx.msk [tilespmem:v33+s28+$0x0], $0xffff;
	v58 =	vor.u32 $0x3, v9  }
0x1bd: {  	v36 =	vmov v59;
	v33 =	vor.u32 $0x1, v30;
	v59 =	vld.idx.msk [tilespmem:v39+s28+$0x0], $0xffff;
	[tilespmem:s7+$0x320] =	vst v41  }
0x1be: {  	v62 =	vmov v22;
	s1 =	sor.u32 $0x70, s1;
	v22 =	vadd.s32 v25, v43;
	[tilespmem:s23+$0x290] =	vst v38;
	v35 =	vld.idx.msk [tilespmem:v35+s28+$0x0], $0xffff  }
0x1bf: {  	v38 =	vmov s1;
	v41 =	vor.u32 $0x6, v32;
	[tilespmem:s22+$0x200] =	vst v53;
	v52 =	vld.idx.msk [tilespmem:v54+s28+$0x0], $0xffff  }
0x1c0: {  	v44 =	vmul.u32 $0x28, v38;
	[tilespmem:s24+$0x170] =	vst v55;
	v54 =	vld.idx.msk [tilespmem:v37+s28+$0x0], $0xffff;
	v37 =	vor.u32 $0x5, v49  }
0x1c1: {  	v38 =	vor.u32 $0x4, v31;
	[tilespmem:s25+$0xE0] =	vst v57;
	v56 =	vld.idx.msk [tilespmem:v58+s28+$0x0], $0xffff  }
0x1c2: {  	v0 =	vadd.s32 v0, v44;
	v58 =	vor.u32 $0x3, v51;
	v57 =	vld.idx.msk [tilespmem:v33+s28+$0x0], $0xffff;
	[tilespmem:s26+$0x50] =	vst v59  }
0x1c3: {  	v49 =	vor.u32 $0x2, v2;
	v0 =	vbroadcast v0, $0x0;
	v59 =	vld.idx.msk [tilespmem:v22+s28+$0x0], $0xffff;
	[tilespmem:s7+$0x330] =	vst v35  }
0x1c4: {  	[tilespmem:s23+$0x2A0] =	vst v52;
	v43 =	vld.idx.msk [tilespmem:v41+s28+$0x0], $0xffff  }
0x1c5: {  	v33 =	vadd.s32 v25, v0;
	[tilespmem:s22+$0x210] =	vst v54;
	v52 =	vld.idx.msk [tilespmem:v37+s28+$0x0], $0xffff  }
0x1c6: {  	v37 =	vor.u32 $0x6, v61;
	[tilespmem:s24+$0x180] =	vst v56;
	v44 =	vld.idx.msk [tilespmem:v38+s28+$0x0], $0xffff  }
0x1c7: {  	v38 =	vor.u32 $0x5, v12;
	[tilespmem:s25+$0xF0] =	vst v57;
	v55 =	vld.idx.msk [tilespmem:v58+s28+$0x0], $0xffff  }
0x1c8: {  	v56 =	vor.u32 $0x4, v1;
	v57 =	vld.idx.msk [tilespmem:v49+s28+$0x0], $0xffff;
	[tilespmem:s26+$0x60] =	vst v59  }
0x1c9: {  	[tilespmem:s7+$0x340] =	vst v43  }
0x1ca: {  	v49 =	vor.u32 $0x3, v42;
	v59 =	vld.idx.msk [tilespmem:v33+s28+$0x0], $0xffff;
	[tilespmem:s23+$0x2B0] =	vst v52  }
0x1cb: {  	v60 =	vor.u32 $0x2, v26;
	v53 =	vld.idx.msk [tilespmem:v37+s28+$0x0], $0xffff;
	[tilespmem:s22+$0x220] =	vst v44  }
0x1cc: {  	v32 =	vor.u32 $0x1, v8;
	v44 =	vld.idx.msk [tilespmem:v38+s28+$0x0], $0xffff;
	[tilespmem:s24+$0x190] =	vst v55  }
0x1cd: {  	v38 =	vor.u32 $0x6, v34;
	v55 =	vld.idx.msk [tilespmem:v56+s28+$0x0], $0xffff;
	[tilespmem:s25+$0x100] =	vst v57  }
0x1ce: {  	s31 =	simm.s32 $0x6;
	v0 =	vmov v6;
	v56 =	vor.u32 $0x5, v40;
	v6 =	vld [tilespmem:$0x1FFF0]  }
0x1cf: {  	s1 =	sand.u32 $0x3, s31;
	v57 =	vld.idx.msk [tilespmem:v49+s28+$0x0], $0xffff;
	v49 =	vor.u32 $0x4, v7  }
0x1d0: {  	s2 =	simm.s32 $0xC;
	s29 =	sshll.u32 s1, $0x7;
	[tilespmem:s26+$0x70] =	vst v59;
	v59 =	vld.idx.msk [tilespmem:v60+s28+$0x0], $0xffff;
	v60 =	vor.u32 $0x3, v62  }
0x1d1: {  	v35 =	vmov s2;
	v37 =	vmov s29;
	v32 =	vld.idx.msk [tilespmem:v32+s28+$0x0], $0xffff;
	[tilespmem:s7+$0x350] =	vst v53  }
0x1d2: {  	v52 =	vshrl.u32 v35, $0x3;
	v35 =	vor.u32 $0x2, v63;
	v54 =	vmul.u32 $0x28, v37;
	[tilespmem:s23+$0x2C0] =	vst v44;
	v38 =	vld.idx.msk [tilespmem:v38+s28+$0x0], $0xffff  }
0x1d3: {  	s31 =	sor.u32 $0x10, s29;
	v37 =	vor.u32 $0x1, v0;
	[tilespmem:s22+$0x230] =	vst v55;
	v41 =	vld.idx.msk [tilespmem:v56+s28+$0x0], $0xffff;
	v52 =	vshll.u32 v52, v6  }
0x1d4: {  	v58 =	vor.u32 $0x6, v23;
	v43 =	vmov s31;
	[tilespmem:s24+$0x1A0] =	vst v57;
	v57 =	vld.idx.msk [tilespmem:v49+s28+$0x0], $0xffff;
	v54 =	vadd.s32 v54, v52  }
0x1d5: {  	v56 =	vmul.u32 $0x28, v43;
	[tilespmem:s25+$0x110] =	vst v59;
	v59 =	vld.idx.msk [tilespmem:v60+s28+$0x0], $0xffff;
	v60 =	vor.u32 $0x5, v47;
	v34 =	vbroadcast v54, $0x0  }
0x1d6: {  	v12 =	vmov v47;
	v47 =	vor.u32 $0x4, v4  }
0x1d7: {  	v1 =	vmov v42;
	v56 =	vadd.s32 v52, v56;
	[tilespmem:s26+$0x80] =	vst v32;
	v54 =	vld.idx.msk [tilespmem:v35+s28+$0x0], $0xffff;
	v42 =	vadd.s32 v25, v34  }
0x1d8: {  	v62 =	vor.u32 $0x3, v5;
	v56 =	vbroadcast v56, $0x0;
	v53 =	vld.idx.msk [tilespmem:v37+s28+$0x0], $0xffff;
	[tilespmem:s7+$0x360] =	vst v38  }
0x1d9: {  	v7 =	vmov v4;
	v4 =	vor.u32 $0x2, v17;
	[tilespmem:s23+$0x2D0] =	vst v41;
	v58 =	vld.idx.msk [tilespmem:v58+s28+$0x0], $0xffff  }
0x1da: {  	v35 =	vmov v17;
	v38 =	vor.u32 $0x1, v19;
	v17 =	vadd.s32 v25, v56;
	[tilespmem:s22+$0x240] =	vst v57;
	v56 =	vld.idx.msk [tilespmem:v60+s28+$0x0], $0xffff  }
0x1db: {  	v46 =	vor.u32 $0x7, v46;
	[tilespmem:s24+$0x1B0] =	vst v59;
	v59 =	vld.idx.msk [tilespmem:v47+s28+$0x0], $0xffff  }
0x1dc: {  	s30 =	sor.u32 $0x20, s29;
	v41 =	vor.u32 $0x5, v45;
	[tilespmem:s25+$0x120] =	vst v54;
	v37 =	vld.idx.msk [tilespmem:v42+s28+$0x0], $0xffff  }
0x1dd: {  	s2 =	simm.s32 $0x1800;
	v40 =	vmov s30;
	v54 =	vld.idx.msk [tilespmem:v62+s28+$0x0], $0xffff;
	[tilespmem:s26+$0x90] =	vst v53  }
0x1de: {  	s12 =	sand.u32 $0x3FFFF000, s2;
	v61 =	vor.u32 $0x4, v3;
	v57 =	vmul.u32 $0x28, v40;
	v53 =	vld.idx.msk [tilespmem:v4+s28+$0x0], $0xffff;
	[tilespmem:s7+$0x370] =	vst v58  }
0x1df: {  	s1 =	sshll.u32 s1, $0xA;
	s12 =	sadd.s32 s12, s21;
	v32 =	vor.u32 $0x3, v16;
	v55 =	vld.idx.msk [tilespmem:v38+s28+$0x0], $0xffff;
	[tilespmem:s23+$0x2E0] =	vst v56  }
0x1e0: {  	s12 =	sadd.s32 s1, s12;
	v6 =	vmov v3;
	v3 =	vadd.s32 v52, v57;
	v38 =	vor.u32 $0x2, v18;
	v46 =	vld.idx.msk [tilespmem:v46+s28+$0x0], $0xffff;
	[tilespmem:s22+$0x250] =	vst v59  }
0x1e1: {  	v3 =	vbroadcast v3, $0x0;
	v41 =	vld.idx.msk [tilespmem:v41+s28+$0x0], $0xffff;
	[tilespmem:s12+$0x0] =	vst v37  }
0x1e2: {  	v40 =	vor.u32 $0x1, v20;
	[tilespmem:s24+$0x1C0] =	vst v54;
	v34 =	vld.idx.msk [tilespmem:v17+s28+$0x0], $0xffff  }
0x1e3: {  	v4 =	vadd.s32 v25, v3;
	v3 =	vor.u32 $0x7, v48;
	v54 =	vld.idx.msk [tilespmem:v61+s28+$0x0], $0xffff;
	[tilespmem:s25+$0x130] =	vst v53  }
0x1e4: {  	s31 =	sor.u32 $0x30, s29;
	v48 =	vor.u32 $0x4, v11;
	v53 =	vld.idx.msk [tilespmem:v32+s28+$0x0], $0xffff;
	[tilespmem:s26+$0xA0] =	vst v55  }
0x1e5: {  	v47 =	vmov s31;
	v55 =	vld.idx.msk [tilespmem:v38+s28+$0x0], $0xffff;
	[tilespmem:$0x1FF00] =	vst v11  }
0x1e6: {  	v57 =	vor.u32 $0x6, v13;
	v60 =	vmul.u32 $0x28, v47;
	[tilespmem:s7+$0x380] =	vst v46  }
0x1e7: {  	v56 =	vld.idx.msk [tilespmem:v40+s28+$0x0], $0xffff;
	[tilespmem:s12+$0x10] =	vst v34;
	v34 =	vor.u32 $0x3, v15  }
0x1e8: {  	v63 =	vor.u32 $0x2, v27;
	v60 =	vadd.s32 v52, v60;
	v3 =	vld.idx.msk [tilespmem:v3+s28+$0x0], $0xffff;
	[tilespmem:s22+$0x260] =	vst v54  }
0x1e9: {  	v47 =	vor.u32 $0x1, v29;
	v60 =	vbroadcast v60, $0x0;
	[tilespmem:s24+$0x1D0] =	vst v53;
	v53 =	vld.idx.msk [tilespmem:v48+s28+$0x0], $0xffff  }
0x1ea: {  	[tilespmem:s23+$0x2F0] =	vst v41;
	v48 =	vor.u32 $0x7, v36;
	v62 =	vld.idx.msk [tilespmem:v4+s28+$0x0], $0xffff  }
0x1eb: {  	v31 =	vmov v4;
	v54 =	vld.idx.msk [tilespmem:v57+s28+$0x0], $0xffff;
	v4 =	vadd.s32 v25, v60  }
0x1ec: {  	[tilespmem:s25+$0x140] =	vst v55;
	v55 =	vld.idx.msk [tilespmem:v34+s28+$0x0], $0xffff;
	v34 =	vor.u32 $0x6, v28  }
0x1ed: {  	[tilespmem:s26+$0xB0] =	vst v56;
	v56 =	vld.idx.msk [tilespmem:v63+s28+$0x0], $0xffff;
	v60 =	vor.u32 $0x5, v21  }
0x1ee: {  	v59 =	vld.idx.msk [tilespmem:v47+s28+$0x0], $0xffff;
	[tilespmem:s7+$0x390] =	vst v3  }
0x1ef: {  	s2 =	sor.u32 $0x40, s29;
	v61 =	vor.u32 $0x3, v14;
	v48 =	vld.idx.msk [tilespmem:v48+s28+$0x0], $0xffff;
	[tilespmem:s12+$0x20] =	vst v62  }
0x1f0: {  	v32 =	vmov s2;
	v63 =	vor.u32 $0x2, v24;
	[tilespmem:s23+$0x300] =	vst v54;
	v62 =	vld.idx.msk [tilespmem:v4+s28+$0x0], $0xffff  }
0x1f1: {  	v57 =	vmul.u32 $0x28, v32;
	v32 =	vor.u32 $0x1, v39;
	[tilespmem:s22+$0x270] =	vst v53;
	v53 =	vld.idx.msk [tilespmem:v34+s28+$0x0], $0xffff  }
0x1f2: {  	[tilespmem:s24+$0x1E0] =	vst v55;
	v55 =	vld.idx.msk [tilespmem:v60+s28+$0x0], $0xffff  }
0x1f3: {  	v3 =	vld [tilespmem:$0x1FF10];
	[tilespmem:s25+$0x150] =	vst v56  }
0x1f4: {  	v56 =	vld.idx.msk [tilespmem:v61+s28+$0x0], $0xffff;
	[tilespmem:s26+$0xC0] =	vst v59  }
0x1f5: {  	v59 =	vld.idx.msk [tilespmem:v63+s28+$0x0], $0xffff;
	[tilespmem:s12+$0x30] =	vst v62  }
0x1f6: {  	v57 =	vadd.s32 v52, v57;
	v54 =	vld.idx.msk [tilespmem:v32+s28+$0x0], $0xffff;
	[tilespmem:$0x1FF20] =	vst v9  }
0x1f7: {  	v57 =	vbroadcast v57, $0x0;
	[tilespmem:s7+$0x3A0] =	vst v48  }
0x1f8: {  	[tilespmem:s23+$0x310] =	vst v53  }
0x1f9: {  	v47 =	vmov v4;
	v4 =	vadd.s32 v25, v57;
	[tilespmem:s22+$0x280] =	vst v55  }
0x1fa: {  	v11 =	vmov v50;
	v50 =	vor.u32 $0x5, v50;
	[tilespmem:s24+$0x1F0] =	vst v56  }
0x1fb: {  	v61 =	vor.u32 $0x4, v9;
	v9 =	vld [tilespmem:$0x1FF30]  }
0x1fc: {  	v3 =	vor.u32 $0x7, v3  }
0x1fd: {  	v58 =	vor.u32 $0x6, v10  }
0x1fe: {  	v62 =	vld.idx.msk [tilespmem:v4+s28+$0x0], $0xffff  }
0x1ff: {  	v56 =	vld.idx.msk [tilespmem:v50+s28+$0x0], $0xffff;
	[tilespmem:s25+$0x160] =	vst v59  }
0x200: {  	v50 =	vor.u32 $0x7, v9;
	v9 =	vld [tilespmem:$0x1FF40]  }
0x201: {  	v3 =	vld.idx.msk [tilespmem:v3+s28+$0x0], $0xffff  }
0x202: {  	s31 =	sor.u32 $0x50, s29;
	v55 =	vld.idx.msk [tilespmem:v58+s28+$0x0], $0xffff  }
0x203: {  	v34 =	vmov s31  }
0x204: {  	v57 =	vmul.u32 $0x28, v34;
	v63 =	vor.u32 $0x2, v30;
	v58 =	vld.idx.msk [tilespmem:v61+s28+$0x0], $0xffff;
	[tilespmem:s26+$0xD0] =	vst v54  }
0x205: {  	v59 =	vor.u32 $0x6, v9;
	v9 =	vld [tilespmem:$0x1FF50];
	[tilespmem:s12+$0x40] =	vst v62  }
0x206: {  	v57 =	vadd.s32 v52, v57;
	[tilespmem:s7+$0x3B0] =	vst v3  }
0x207: {  	v57 =	vbroadcast v57, $0x0;
	[tilespmem:s23+$0x320] =	vst v55  }
0x208: {  	v53 =	vor.u32 $0x1, v22;
	[tilespmem:s22+$0x290] =	vst v56  }
0x209: {  	v43 =	vmovc v19;
	v19 =	vmov v15;
	v15 =	vmov v4;
	v4 =	vadd.s32 v25, v57;
	v54 =	vld.idx.msk [tilespmem:v63+s28+$0x0], $0xffff;
	[tilespmem:s24+$0x200] =	vst v58  }
0x20a: {  	v3 =	vld [tilespmem:$0x1FF60];
	_ =	sdelay $0x2  }
0x20b: {  	v61 =	vor.u32 $0x4, v51;
	v53 =	vld.idx.msk [tilespmem:v53+s28+$0x0], $0xffff  }
0x20c: {  	v49 =	vmov v23;
	v62 =	vld.idx.msk [tilespmem:v4+s28+$0x0], $0xffff;
	[tilespmem:s25+$0x170] =	vst v54;
	v60 =	vor.u32 $0x5, v9  }
0x20d: {  	v23 =	vmovc v5;
	v5 =	vmovc v16;
	v16 =	vmov v17;
	v17 =	vmov v51;
	v51 =	vor.u32 $0x7, v3;
	v3 =	vld [tilespmem:$0x1FF70]  }
0x20e: {  	s2 =	sor.u32 $0x60, s29;
	v50 =	vld.idx.msk [tilespmem:v50+s28+$0x0], $0xffff  }
0x20f: {  	v32 =	vmov s2;
	v56 =	vld.idx.msk [tilespmem:v59+s28+$0x0], $0xffff  }
0x210: {  	v57 =	vmul.u32 $0x28, v32;
	v54 =	vld.idx.msk [tilespmem:v61+s28+$0x0], $0xffff  }
0x211: {  	v63 =	vor.u32 $0x3, v2;
	[tilespmem:s26+$0xE0] =	vst v53;
	v58 =	vld.idx.msk [tilespmem:v60+s28+$0x0], $0xffff  }
0x212: {  	v57 =	vadd.s32 v52, v57;
	v59 =	vor.u32 $0x6, v3;
	v3 =	vld [tilespmem:$0x1FF80];
	[tilespmem:s12+$0x50] =	vst v62  }
0x213: {  	s31 =	sor.u32 $0x70, s29;
	v57 =	vbroadcast v57, $0x0;
	[tilespmem:s7+$0x3C0] =	vst v50  }
0x214: {  	v46 =	vmovc v22;
	v22 =	vmov v33;
	v32 =	vor.u32 $0x1, v33;
	v33 =	vmov s31;
	[tilespmem:s23+$0x330] =	vst v56  }
0x215: {  	v41 =	vmovc v21;
	v21 =	vmov v2;
	v2 =	vadd.s32 v25, v57;
	v57 =	vmul.u32 $0x28, v33;
	[tilespmem:s24+$0x210] =	vst v54  }
0x216: {  	v53 =	vld.idx.msk [tilespmem:v63+s28+$0x0], $0xffff;
	[tilespmem:s22+$0x2A0] =	vst v58  }
0x217: {  	v38 =	vmovc v27;
	v27 =	vmov v1;
	v52 =	vadd.s32 v52, v57;
	v57 =	vor.u32 $0x4, v1;
	v1 =	vld [tilespmem:$0x1FF90];
	_ =	sdelay $0x1  }
0x218: {  	v55 =	vld.idx.msk [tilespmem:v32+s28+$0x0], $0xffff  }
0x219: {  	v61 =	vld.idx.msk [tilespmem:v2+s28+$0x0], $0xffff  }
0x21a: {  	v63 =	vld.idx.msk [tilespmem:v51+s28+$0x0], $0xffff;
	[tilespmem:s25+$0x180] =	vst v53  }
0x21b: {  	v58 =	vor.u32 $0x7, v1;
	v1 =	vld [tilespmem:$0x1FFA0];
	_ =	sdelay $0x1  }
0x21c: {  	[tilespmem:s26+$0xF0] =	vst v55  }
0x21d: {  	[tilespmem:s12+$0x60] =	vst v61  }
0x21e: {  	[tilespmem:s7+$0x3D0] =	vst v63  }
0x21f: {  	v54 =	vor.u32 $0x6, v1;
	v1 =	vld [tilespmem:$0x1FFB0];
	_ =	sdelay $0x1  }
0x220: {  	v52 =	vbroadcast v52, $0x0;
	_ =	sdelay $0x1  }
0x221: {  	v51 =	vadd.s32 v25, v52;
	v60 =	vor.u32 $0x5, v3;
	v52 =	vld.idx.msk [tilespmem:v59+s28+$0x0], $0xffff  }
0x222: {  	v61 =	vor.u32 $0x5, v1;
	v1 =	vld [tilespmem:$0x1FFC0]  }
0x223: {  	v50 =	vor.u32 $0x3, v26  }
0x224: {  	v62 =	vor.u32 $0x2, v8  }
0x225: {  	v59 =	vld.idx.msk [tilespmem:v57+s28+$0x0], $0xffff  }
0x226: {  	v9 =	vmov v2;
	v2 =	vld.idx.msk [tilespmem:v60+s28+$0x0], $0xffff;
	[tilespmem:s23+$0x340] =	vst v52  }
0x227: {  	v32 =	vmov v8;
	v8 =	vmov v1;
	v60 =	vor.u32 $0x4, v1;
	v1 =	vld [tilespmem:$0x1FFD0]  }
0x228: {  	v56 =	vld.idx.msk [tilespmem:v50+s28+$0x0], $0xffff  }
0x229: {  	v50 =	vld.idx.msk [tilespmem:v62+s28+$0x0], $0xffff  }
0x22a: {  	v44 =	vmovc v20;
	v37 =	vmovc v18;
	v18 =	vmov v14;
	v40 =	vmov v29;
	v29 =	vmov v28;
	v53 =	vld.idx.msk [tilespmem:v51+s28+$0x0], $0xffff  }
0x22b: {  	v36 =	vmovc v24;
	v28 =	vmovc v10;
	s29 =	simm.s32 $0x7;
	v34 =	vmov v30;
	v20 =	vmov v4;
	v33 =	vmov v26;
	v52 =	vld.idx.msk [tilespmem:v58+s28+$0x0], $0xffff  }
0x22c: {  	s30 =	simm.s32 $0x8;
	s1 =	sand.u32 $0x3, s29;
	v10 =	vmovc v3;
	v57 =	vor.u32 $0x1, v42;
	v55 =	vor.u32 $0x2, v0;
	v54 =	vld.idx.msk [tilespmem:v54+s28+$0x0], $0xffff;
	[tilespmem:s22+$0x2B0] =	vst v2;
	v26 =	vmovc v1;
	v58 =	vor.u32 $0x3, v1  }
.LBB2_5:
0x22d: {  	v1 =	vld [tilespmem:$0x1FF00];
	_ =	sdelay $0x3  }
0x22e: {  	v24 =	vld [tilespmem:$0x1FFE0]  }
0x22f: {  	[tilespmem:s24+$0x220] =	vst v59;
	v14 =	vmov v1;
	v1 =	vld [tilespmem:$0x1FFF0]  }
0x230: {  	v59 =	vld.idx.msk [tilespmem:v61+s28+$0x0], $0xffff;
	[tilespmem:s25+$0x190] =	vst v56  }
0x231: {  	s2 =	sshll.u32 s29, $0x1;
	s31 =	sshll.u32 s1, $0x7;
	v61 =	vor.u32 $0x7, v49;
	v56 =	vld.idx.msk [tilespmem:v60+s28+$0x0], $0xffff;
	[tilespmem:s26+$0x100] =	vst v50  }
0x232: {  	v30 =	vmovc v45;
	v62 =	vmov s2;
	v63 =	vmov s31;
	v60 =	vor.u32 $0x6, v12;
	v58 =	vld.idx.msk [tilespmem:v58+s28+$0x0], $0xffff;
	[tilespmem:s12+$0x70] =	vst v53  }
0x233: {  	v4 =	vmovc v34;
	v45 =	vmovc v51;
	v51 =	vshrl.u32 v62, $0x3;
	v34 =	vmul.u32 $0x28, v63;
	v63 =	vor.u32 $0x5, v7;
	v57 =	vld.idx.msk [tilespmem:v57+s28+$0x0], $0xffff  }
0x234: {  	v53 =	vor.u32 $0x4, v23;
	v50 =	vshll.u32 v51, v1;
	v51 =	vld.idx.msk [tilespmem:v55+s28+$0x0], $0xffff;
	[tilespmem:s7+$0x3E0] =	vst v52  }
0x235: {  	v62 =	vor.u32 $0x3, v35;
	[tilespmem:s23+$0x350] =	vst v54;
	v34 =	vadd.s32 v34, v50  }
0x236: {  	v55 =	vor.u32 $0x2, v43;
	v54 =	vld.idx.msk [tilespmem:v61+s28+$0x0], $0xffff;
	[tilespmem:s22+$0x2C0] =	vst v59;
	v49 =	vbroadcast v34, $0x0  }
0x237: {  	v61 =	vor.u32 $0x1, v16;
	v59 =	vld.idx.msk [tilespmem:v60+s28+$0x0], $0xffff;
	[tilespmem:s24+$0x230] =	vst v56  }
0x238: {  	v56 =	vld.idx.msk [tilespmem:v63+s28+$0x0], $0xffff;
	[tilespmem:s25+$0x1A0] =	vst v58;
	v52 =	vadd.s32 v24, v49  }
0x239: {  	s2 =	sor.u32 $0x10, s31;
	v53 =	vld.idx.msk [tilespmem:v53+s28+$0x0], $0xffff;
	[tilespmem:s26+$0x110] =	vst v51  }
0x23a: {  	v34 =	vmov s2;
	v58 =	vor.u32 $0x6, v30;
	v51 =	vld.idx.msk [tilespmem:v62+s28+$0x0], $0xffff;
	[tilespmem:s12+$0x80] =	vst v57  }
0x23b: {  	v60 =	vmul.u32 $0x28, v34;
	v34 =	vor.u32 $0x5, v6;
	v55 =	vld.idx.msk [tilespmem:v55+s28+$0x0], $0xffff  }
0x23c: {  	v57 =	vor.u32 $0x4, v5;
	v61 =	vld.idx.msk [tilespmem:v61+s28+$0x0], $0xffff;
	[tilespmem:s7+$0x3F0] =	vst v54;
	s7 =	smov.u32 s23  }
0x23d: {  	v63 =	vor.u32 $0x3, v37;
	v60 =	vadd.s32 v50, v60;
	s23 =	smov.u32 s22;
	v54 =	vld.idx.msk [tilespmem:v52+s28+$0x0], $0xffff;
	[tilespmem:s7+$0x360] =	vst v59  }
0x23e: {  	v1 =	vor.u32 $0x2, v44;
	s2 =	sshll.u32 s29, $0xA;
	v60 =	vbroadcast v60, $0x0;
	s22 =	smov.u32 s24;
	[tilespmem:s23+$0x2D0] =	vst v56  }
0x23f: {  	s2 =	sand.u32 $0x3FFFF000, s2;
	s24 =	smov.u32 s25;
	v59 =	vor.u32 $0x1, v31;
	v56 =	vld.idx.msk [tilespmem:v58+s28+$0x0], $0xffff;
	[tilespmem:s22+$0x240] =	vst v53  }
0x240: {  	s25 =	smov.u32 s26;
	s26 =	smov.u32 s12;
	s12 =	sor.u32 $0x20, s31;
	v58 =	vadd.s32 v24, v60;
	v53 =	vld.idx.msk [tilespmem:v34+s28+$0x0], $0xffff;
	[tilespmem:s24+$0x1B0] =	vst v51  }
0x241: {  	s2 =	sadd.s32 s2, s21;
	v34 =	vmov s12;
	s12 =	sshll.u32 s1, $0xA;
	v51 =	vld.idx.msk [tilespmem:v57+s28+$0x0], $0xffff;
	[tilespmem:s25+$0x120] =	vst v55  }
0x242: {  	v57 =	vor.u32 $0x7, v13;
	s12 =	sadd.s32 s12, s2;
	v55 =	vld.idx.msk [tilespmem:v63+s28+$0x0], $0xffff;
	[tilespmem:s26+$0x90] =	vst v61  }
0x243: {  	v1 =	vld.idx.msk [tilespmem:v1+s28+$0x0], $0xffff;
	[tilespmem:s12+$0x0] =	vst v54  }
0x244: {  	v3 =	vmovc v12;
	v48 =	vmovc v46;
	v46 =	vmov v39;
	v62 =	vor.u32 $0x5, v14;
	v60 =	vmul.u32 $0x28, v34;
	s2 =	sor.u32 $0x30, s31;
	v59 =	vld.idx.msk [tilespmem:v59+s28+$0x0], $0xffff  }
0x245: {  	v39 =	vmovc v22;
	v22 =	vmovc v32;
	v25 =	vmov v52;
	v52 =	vor.u32 $0x4, v19;
	v32 =	vmov s2;
	v61 =	vld.idx.msk [tilespmem:v58+s28+$0x0], $0xffff;
	[tilespmem:s7+$0x370] =	vst v56  }
0x246: {  	v12 =	vld [tilespmem:$0x1FF20];
	v49 =	vmovc v30;
	v30 =	vmovc v41;
	v41 =	vmov v42;
	v42 =	vor.u32 $0x3, v38;
	v34 =	vadd.s32 v50, v60;
	[tilespmem:s23+$0x2E0] =	vst v53  }
0x247: {  	v63 =	vor.u32 $0x2, v40;
	v54 =	vbroadcast v34, $0x0;
	v53 =	vld.idx.msk [tilespmem:v57+s28+$0x0], $0xffff  }
0x248: {  	v56 =	vor.u32 $0x1, v47;
	[tilespmem:s22+$0x250] =	vst v51;
	v57 =	vmul.u32 $0x28, v32;
	v32 =	vmov v0;
	v0 =	vld [tilespmem:$0x1FF50]  }
0x249: {  	v54 =	vadd.s32 v24, v54;
	v51 =	vld.idx.msk [tilespmem:v62+s28+$0x0], $0xffff;
	[tilespmem:s24+$0x1C0] =	vst v55  }
0x24a: {  	v52 =	vld.idx.msk [tilespmem:v52+s28+$0x0], $0xffff;
	[tilespmem:s25+$0x130] =	vst v1  }
0x24b: {  	v55 =	vor.u32 $0x7, v29;
	v1 =	vld.idx.msk [tilespmem:v42+s28+$0x0], $0xffff;
	[tilespmem:s26+$0xA0] =	vst v59  }
0x24c: {  	v2 =	vmovc v18;
	v60 =	vor.u32 $0x6, v30;
	v42 =	vmov v16;
	v16 =	vmov v58;
	v58 =	vld.idx.msk [tilespmem:v63+s28+$0x0], $0xffff;
	[tilespmem:s12+$0x10] =	vst v61  }
0x24d: {  	v59 =	vor.u32 $0x4, v2;
	v56 =	vld.idx.msk [tilespmem:v56+s28+$0x0], $0xffff  }
0x24e: {  	v57 =	vadd.s32 v50, v57;
	v61 =	vor.u32 $0x3, v36;
	v62 =	vld.idx.msk [tilespmem:v54+s28+$0x0], $0xffff;
	[tilespmem:s7+$0x380] =	vst v53  }
0x24f: {  	v13 =	vmovc v12;
	v12 =	vmovc v21;
	v21 =	vmov v33;
	v33 =	vor.u32 $0x2, v46;
	v57 =	vbroadcast v57, $0x0;
	[tilespmem:s23+$0x2F0] =	vst v51  }
0x250: {  	v34 =	vor.u32 $0x1, v15;
	v51 =	vld.idx.msk [tilespmem:v55+s28+$0x0], $0xffff;
	[tilespmem:s22+$0x260] =	vst v52  }
0x251: {  	v55 =	vadd.s32 v24, v57;
	v52 =	vld.idx.msk [tilespmem:v60+s28+$0x0], $0xffff;
	[tilespmem:s24+$0x1D0] =	vst v1  }
0x252: {  	s2 =	sor.u32 $0x40, s31;
	v1 =	vld.idx.msk [tilespmem:v59+s28+$0x0], $0xffff;
	[tilespmem:s25+$0x140] =	vst v58  }
0x253: {  	v29 =	vmovc v11;
	v60 =	vmov s2;
	v59 =	vor.u32 $0x7, v28;
	v28 =	vmov v0;
	v58 =	vld.idx.msk [tilespmem:v61+s28+$0x0], $0xffff;
	[tilespmem:s26+$0xB0] =	vst v56  }
0x254: {  	v57 =	vmul.u32 $0x28, v60;
	v60 =	vor.u32 $0x6, v29;
	v0 =	vmovc v43;
	v43 =	vmovc v31;
	v31 =	vmov v54;
	v54 =	vld.idx.msk [tilespmem:v33+s28+$0x0], $0xffff;
	[tilespmem:s12+$0x20] =	vst v62  }
0x255: {  	v33 =	vor.u32 $0x5, v13;
	v53 =	vld.idx.msk [tilespmem:v34+s28+$0x0], $0xffff  }
0x256: {  	v34 =	vor.u32 $0x3, v4;
	v62 =	vld.idx.msk [tilespmem:v55+s28+$0x0], $0xffff;
	[tilespmem:s7+$0x390] =	vst v51  }
0x257: {  	v18 =	vmov v4;
	v57 =	vadd.s32 v50, v57;
	v4 =	vld [tilespmem:$0x1FF40];
	[tilespmem:s23+$0x300] =	vst v52  }
0x258: {  	v63 =	vor.u32 $0x2, v48;
	v57 =	vbroadcast v57, $0x0;
	v52 =	vld.idx.msk [tilespmem:v59+s28+$0x0], $0xffff;
	[tilespmem:s22+$0x270] =	vst v1  }
0x259: {  	v51 =	vor.u32 $0x1, v20;
	v1 =	vld.idx.msk [tilespmem:v60+s28+$0x0], $0xffff;
	[tilespmem:s24+$0x1E0] =	vst v58  }
0x25a: {  	v57 =	vadd.s32 v24, v57;
	v56 =	vld.idx.msk [tilespmem:v33+s28+$0x0], $0xffff;
	[tilespmem:s25+$0x150] =	vst v54  }
0x25b: {  	[tilespmem:$0x1FF00] =	vst v2;
	s2 =	sor.u32 $0x50, s31;
	v54 =	vld.idx.msk [tilespmem:v34+s28+$0x0], $0xffff  }
0x25c: {  	v60 =	vmov s2;
	v58 =	vor.u32 $0x7, v4;
	v4 =	vmovc v10;
	v10 =	vmov v8;
	[tilespmem:s26+$0xC0] =	vst v53;
	v8 =	vld [tilespmem:$0x1FF70]  }
0x25d: {  	v11 =	vmovc v17;
	v2 =	vmovc v27;
	v27 =	vmov v26;
	v59 =	vmul.u32 $0x28, v60;
	v60 =	vor.u32 $0x6, v28;
	v53 =	vld.idx.msk [tilespmem:v63+s28+$0x0], $0xffff;
	[tilespmem:s12+$0x30] =	vst v62  }
0x25e: {  	v26 =	vmovc v35;
	v35 =	vmovc v44;
	v44 =	vmov v47;
	v47 =	vmov v55;
	v55 =	vor.u32 $0x5, v11;
	v51 =	vld.idx.msk [tilespmem:v51+s28+$0x0], $0xffff  }
0x25f: {  	v62 =	vld.idx.msk [tilespmem:v57+s28+$0x0], $0xffff;
	[tilespmem:s7+$0x3A0] =	vst v52  }
0x260: {  	[tilespmem:s23+$0x310] =	vst v1  }
0x261: {  	v1 =	vld.idx.msk [tilespmem:v58+s28+$0x0], $0xffff;
	[tilespmem:s22+$0x280] =	vst v56  }
0x262: {  	v61 =	vor.u32 $0x4, v12;
	v59 =	vadd.s32 v50, v59;
	v56 =	vld.idx.msk [tilespmem:v60+s28+$0x0], $0xffff;
	[tilespmem:s24+$0x1F0] =	vst v54  }
0x263: {  	v63 =	vor.u32 $0x2, v39;
	v59 =	vbroadcast v59, $0x0;
	v54 =	vld.idx.msk [tilespmem:v55+s28+$0x0], $0xffff  }
0x264: {  	[tilespmem:$0x1FF20] =	vst v12;
	v33 =	vor.u32 $0x1, v9;
	v55 =	vor.u32 $0x7, v8;
	v8 =	vld [tilespmem:$0x1FFB0]  }
0x265: {  	[tilespmem:$0x1FF50] =	vst v2;
	v58 =	vadd.s32 v24, v59  }
0x266: {  	[tilespmem:s25+$0x160] =	vst v53  }
0x267: {  	s2 =	sor.u32 $0x60, s31;
	v53 =	vld.idx.msk [tilespmem:v61+s28+$0x0], $0xffff;
	[tilespmem:s26+$0xD0] =	vst v51  }
0x268: {  	v60 =	vmov s2;
	v51 =	vld.idx.msk [tilespmem:v63+s28+$0x0], $0xffff;
	[tilespmem:s12+$0x40] =	vst v62  }
0x269: {  	[tilespmem:$0x1FF40] =	vst v4;
	v59 =	vmul.u32 $0x28, v60;
	v60 =	vor.u32 $0x6, v4;
	v52 =	vld.idx.msk [tilespmem:v33+s28+$0x0], $0xffff;
	v12 =	vmovc v8;
	v8 =	vmov v23  }
0x26a: {  	v62 =	vld.idx.msk [tilespmem:v58+s28+$0x0], $0xffff;
	[tilespmem:s7+$0x3B0] =	vst v1;
	v23 =	vmovc v37;
	v37 =	vmovc v40;
	v40 =	vmov v15;
	v15 =	vmov v57;
	v57 =	vor.u32 $0x5, v2  }
0x26b: {  	v61 =	vor.u32 $0x4, v21;
	v59 =	vadd.s32 v50, v59;
	[tilespmem:s23+$0x320] =	vst v56;
	v2 =	vld [tilespmem:$0x1FFA0]  }
0x26c: {  	v4 =	vmov v7;
	v59 =	vbroadcast v59, $0x0;
	v33 =	vor.u32 $0x3, v22;
	v55 =	vld.idx.msk [tilespmem:v55+s28+$0x0], $0xffff;
	[tilespmem:s22+$0x290] =	vst v54  }
0x26d: {  	v1 =	vor.u32 $0x1, v45;
	[tilespmem:$0x1FFA0] =	vst v4  }
0x26e: {  	v56 =	vadd.s32 v24, v59;
	v54 =	vld.idx.msk [tilespmem:v60+s28+$0x0], $0xffff;
	[tilespmem:s24+$0x200] =	vst v53  }
0x26f: {  	s31 =	sor.u32 $0x70, s31;
	v53 =	vld.idx.msk [tilespmem:v57+s28+$0x0], $0xffff;
	[tilespmem:s25+$0x170] =	vst v51  }
0x270: {  	v34 =	vmov v39;
	v39 =	vmov s31;
	v57 =	vor.u32 $0x7, v2;
	v60 =	vld.idx.msk [tilespmem:v61+s28+$0x0], $0xffff;
	[tilespmem:s26+$0xE0] =	vst v52  }
0x271: {  	v59 =	vmul.u32 $0x28, v39;
	v61 =	vor.u32 $0x6, v12;
	v52 =	vld.idx.msk [tilespmem:v33+s28+$0x0], $0xffff;
	[tilespmem:s12+$0x50] =	vst v62  }
0x272: {  	v17 =	vmovc v21;
	v7 =	vmovc v5;
	v21 =	vmov v22;
	v22 =	vmov v45;
	v45 =	vor.u32 $0x5, v10;
	[tilespmem:$0x1FF70] =	vst v12;
	v1 =	vld.idx.msk [tilespmem:v1+s28+$0x0], $0xffff  }
0x273: {  	v5 =	vmovc v38;
	v38 =	vmov v46;
	v46 =	vor.u32 $0x4, v27;
	v50 =	vadd.s32 v50, v59;
	v62 =	vld.idx.msk [tilespmem:v56+s28+$0x0], $0xffff;
	[tilespmem:s7+$0x3C0] =	vst v55  }
0x274: {  	v63 =	vor.u32 $0x3, v32;
	v50 =	vbroadcast v50, $0x0;
	[tilespmem:s23+$0x330] =	vst v54  }
0x275: {  	v55 =	vor.u32 $0x2, v41;
	v54 =	vld.idx.msk [tilespmem:v57+s28+$0x0], $0xffff;
	[tilespmem:s22+$0x2A0] =	vst v53  }
0x276: {  	v51 =	vadd.s32 v24, v50;
	v57 =	vld.idx.msk [tilespmem:v61+s28+$0x0], $0xffff;
	[tilespmem:s24+$0x210] =	vst v60  }
0x277: {  	v2 =	vld.idx.msk [tilespmem:v45+s28+$0x0], $0xffff;
	[tilespmem:s25+$0x180] =	vst v52  }
0x278: {  	v3 =	vor.u32 $0x7, v3;
	v59 =	vld.idx.msk [tilespmem:v46+s28+$0x0], $0xffff;
	[tilespmem:s26+$0xF0] =	vst v1  }
0x279: {  	p1 =	sne.s32 s30, $0xF;
	v4 =	vor.u32 $0x6, v4;
	v46 =	vmov v9;
	v9 =	vmov v56;
	v56 =	vld.idx.msk [tilespmem:v63+s28+$0x0], $0xffff;
	[tilespmem:s12+$0x60] =	vst v62  }
.Ltmp5:
0x27a: {  	[tilespmem:$0x1FFB0] =	vst v8;
	v50 =	vld.idx.msk [tilespmem:v55+s28+$0x0], $0xffff;
	(pc) =	sbr.rel @p1 .LBB2_5-.Ltmp5, $4  }
0x27b: {  	v39 =	vmovc v20;
	v20 =	vmovc v58;
	v58 =	vor.u32 $0x3, v0;
	v12 =	vmov v6;
	v6 =	vmov v19;
	v53 =	vld.idx.msk [tilespmem:v51+s28+$0x0], $0xffff;
	[tilespmem:s7+$0x3D0] =	vst v54  }
0x27c: {  	v19 =	vmovc v36;
	v36 =	vmovc v48;
	v33 =	vmov v32;
	v32 =	vmov v41;
	v41 =	vmov v13;
	[tilespmem:s23+$0x340] =	vst v57  }
0x27d: {  	s29 =	smov.u32 s30;
	v61 =	vor.u32 $0x5, v8;
	v8 =	vmovc v26;
	v60 =	vor.u32 $0x4, v26;
	v26 =	vmovc v0;
	v0 =	vmov v42;
	v52 =	vld.idx.msk [tilespmem:v3+s28+$0x0], $0xffff;
	[tilespmem:s22+$0x2B0] =	vst v2  }
0x27e: {  	s30 =	sadd.s32 $0x1, s30;
	s1 =	sand.u32 $0x3, s29;
	v13 =	vmovc v30;
	v42 =	vmovc v25;
	v45 =	vmov v14;
	v55 =	vor.u32 $0x2, v0;
	v57 =	vor.u32 $0x1, v25;
	v54 =	vld.idx.msk [tilespmem:v4+s28+$0x0], $0xffff  }
0x27f: {  	_ =	sdelay $0x2  }
0x280: {  	[tilespmem:s24+$0x220] =	vst v59  }
0x281: {  	v3 =	vld.idx.msk [tilespmem:v61+s28+$0x0], $0xffff;
	[tilespmem:s25+$0x190] =	vst v56  }
0x282: {  	v4 =	vor.u32 $0x7, v49;
	v49 =	vmov v42;
	v42 =	vld.idx.msk [tilespmem:v60+s28+$0x0], $0xffff;
	[tilespmem:$0x1FED0] =	vst v12  }
0x283: {  	v59 =	vld [tilespmem:$0x1FFF0];
	[tilespmem:s26+$0x100] =	vst v50  }
0x284: {  	v60 =	vld.idx.msk [tilespmem:v58+s28+$0x0], $0xffff;
	[tilespmem:$0x1FEE0] =	vst v7  }
0x285: {  	[tilespmem:s12+$0x70] =	vst v53  }
0x286: {  	s2 =	sshll.u32 s29, $0x1;
	s30 =	sshll.u32 s1, $0x7;
	[tilespmem:s7+$0x3E0] =	vst v52  }
0x287: {  	v1 =	vmov s2;
	v2 =	vmov s30;
	[tilespmem:s23+$0x350] =	vst v54  }
0x288: {  	v61 =	vor.u32 $0x5, v7;
	v1 =	vshrl.u32 v1, $0x3;
	v2 =	vmul.u32 $0x28, v2;
	v7 =	vld [tilespmem:$0x1FFE0]  }
0x289: {  	v56 =	vor.u32 $0x6, v12;
	v1 =	vshll.u32 v1, v59  }
0x28a: {  	v2 =	vadd.s32 v2, v1  }
0x28b: {  	v63 =	vor.u32 $0x4, v23;
	v62 =	vld.idx.msk [tilespmem:v55+s28+$0x0], $0xffff;
	v2 =	vbroadcast v2, $0x0  }
0x28c: {  	v24 =	vor.u32 $0x3, v35;
	s31 =	sor.u32 $0x10, s30;
	v57 =	vld.idx.msk [tilespmem:v57+s28+$0x0], $0xffff  }
0x28d: {  	v4 =	vld.idx.msk [tilespmem:v4+s28+$0x0], $0xffff;
	[tilespmem:s22+$0x2C0] =	vst v3;
	v54 =	vadd.s32 v7, v2;
	v2 =	vmov s31  }
0x28e: {  	v3 =	vld.idx.msk [tilespmem:v56+s28+$0x0], $0xffff;
	[tilespmem:s24+$0x230] =	vst v42;
	v2 =	vmul.u32 $0x28, v2  }
0x28f: {  	v42 =	vld.idx.msk [tilespmem:v61+s28+$0x0], $0xffff;
	[tilespmem:s25+$0x1A0] =	vst v60  }
0x290: {  	v25 =	vor.u32 $0x2, v43;
	v50 =	vld.idx.msk [tilespmem:v63+s28+$0x0], $0xffff;
	[tilespmem:s26+$0x110] =	vst v62;
	v2 =	vadd.s32 v1, v2  }
0x291: {  	v12 =	vmovc v23;
	v23 =	vmov v35;
	v35 =	vor.u32 $0x1, v16;
	v53 =	vld.idx.msk [tilespmem:v24+s28+$0x0], $0xffff;
	[tilespmem:$0x1FEF0] =	vst v6;
	v2 =	vbroadcast v2, $0x0  }
0x292: {  	s2 =	sor.u32 $0x20, s30;
	v58 =	vor.u32 $0x6, v45;
	v60 =	vld.idx.msk [tilespmem:v54+s28+$0x0], $0xffff  }
0x293: {  	s31 =	sshll.u32 s29, $0xA;
	[tilespmem:s12+$0x80] =	vst v57;
	v55 =	vadd.s32 v7, v2;
	v2 =	vmov s2  }
0x294: {  	v57 =	vor.u32 $0x4, v5;
	[tilespmem:s7+$0x3F0] =	vst v4;
	s7 =	sand.u32 $0x3FFFF000, s31;
	v2 =	vmul.u32 $0x28, v2  }
0x295: {  	s29 =	sshll.u32 s1, $0xA;
	v52 =	vld.idx.msk [tilespmem:v25+s28+$0x0], $0xffff;
	s2 =	sadd.s32 s7, s21  }
0x296: {  	[tilespmem:s23+$0x360] =	vst v3;
	v24 =	vld.idx.msk [tilespmem:v35+s28+$0x0], $0xffff;
	s7 =	sadd.s32 s29, s2;
	v2 =	vadd.s32 v1, v2  }
0x297: {  	v25 =	vor.u32 $0x3, v37;
	v35 =	vmov v37;
	v37 =	vld.idx.msk [tilespmem:v58+s28+$0x0], $0xffff;
	[tilespmem:s7+$0x0] =	vst v60;
	v2 =	vbroadcast v2, $0x0  }
0x298: {  	s31 =	sor.u32 $0x30, s30;
	[tilespmem:s24+$0x240] =	vst v50;
	v63 =	vld.idx.msk [tilespmem:v55+s28+$0x0], $0xffff  }
0x299: {  	v58 =	vld.idx.msk [tilespmem:v57+s28+$0x0], $0xffff;
	v57 =	vadd.s32 v7, v2;
	v2 =	vmov s31  }
0x29a: {  	v2 =	vmul.u32 $0x28, v2;
	_ =	sdelay $0x1  }
0x29b: {  	v2 =	vadd.s32 v1, v2  }
0x29c: {  	[tilespmem:s7+$0x10] =	vst v63;
	v2 =	vbroadcast v2, $0x0  }
0x29d: {  	v48 =	vor.u32 $0x5, v6;
	s2 =	sor.u32 $0x40, s30;
	v6 =	vld.idx.msk [tilespmem:v57+s28+$0x0], $0xffff  }
0x29e: {  	v56 =	vadd.s32 v7, v2;
	v2 =	vmov s2  }
0x29f: {  	v2 =	vmul.u32 $0x28, v2;
	_ =	sdelay $0x1  }
0x2a0: {  	v2 =	vadd.s32 v1, v2  }
0x2a1: {  	[tilespmem:s7+$0x20] =	vst v6;
	v2 =	vbroadcast v2, $0x0  }
0x2a2: {  	[tilespmem:s22+$0x2D0] =	vst v42;
	s29 =	sor.u32 $0x50, s30;
	v42 =	vld.idx.msk [tilespmem:v56+s28+$0x0], $0xffff  }
0x2a3: {  	[tilespmem:s25+$0x1B0] =	vst v53;
	v53 =	vadd.s32 v7, v2;
	v2 =	vmov s29  }
0x2a4: {  	v2 =	vmul.u32 $0x28, v2;
	_ =	sdelay $0x1  }
0x2a5: {  	v2 =	vadd.s32 v1, v2  }
0x2a6: {  	[tilespmem:s7+$0x30] =	vst v42;
	v2 =	vbroadcast v2, $0x0  }
0x2a7: {  	s31 =	sor.u32 $0x60, s30;
	v42 =	vld.idx.msk [tilespmem:v53+s28+$0x0], $0xffff  }
0x2a8: {  	[tilespmem:s26+$0x120] =	vst v52;
	v52 =	vadd.s32 v7, v2;
	v2 =	vmov s31  }
0x2a9: {  	v2 =	vmul.u32 $0x28, v2;
	_ =	sdelay $0x1  }
0x2aa: {  	v2 =	vadd.s32 v1, v2  }
0x2ab: {  	[tilespmem:s7+$0x40] =	vst v42;
	v2 =	vbroadcast v2, $0x0  }
0x2ac: {  	s2 =	sor.u32 $0x70, s30;
	v42 =	vld.idx.msk [tilespmem:v52+s28+$0x0], $0xffff  }
0x2ad: {  	v50 =	vadd.s32 v7, v2;
	v2 =	vmov s2  }
0x2ae: {  	v2 =	vmul.u32 $0x28, v2;
	_ =	sdelay $0x1  }
0x2af: {  	v1 =	vadd.s32 v1, v2  }
0x2b0: {  	v3 =	vor.u32 $0x2, v44;
	v62 =	vld.idx.msk [tilespmem:v48+s28+$0x0], $0xffff;
	[tilespmem:s7+$0x50] =	vst v42;
	v1 =	vbroadcast v1, $0x0  }
0x2b1: {  	v30 =	vmov v43;
	v43 =	vmov v44;
	v44 =	vor.u32 $0x1, v31;
	v2 =	vld.idx.msk [tilespmem:v50+s28+$0x0], $0xffff  }
0x2b2: {  	v42 =	vadd.s32 v7, v1  }
0x2b3: {  	[tilespmem:s12+$0x90] =	vst v24  }
0x2b4: {  	v59 =	vld.idx.msk [tilespmem:v25+s28+$0x0], $0xffff;
	[tilespmem:s23+$0x370] =	vst v37  }
0x2b5: {  	v3 =	vld.idx.msk [tilespmem:v3+s28+$0x0], $0xffff;
	[tilespmem:s22+$0x2E0] =	vst v62  }
0x2b6: {  	v4 =	vld.idx.msk [tilespmem:v44+s28+$0x0], $0xffff;
	[tilespmem:s7+$0x60] =	vst v2  }
0x2b7: {  	v1 =	vld.idx.msk [tilespmem:v42+s28+$0x0], $0xffff  }
0x2b8: {  	v2 =	vor.u32 $0x1, v54;
	_ =	sdelay $0x3  }
0x2b9: {  	[tilespmem:s7+$0x70] =	vst v1  }
0x2ba: {  	v1 =	vld.idx.msk [tilespmem:v2+s28+$0x0], $0xffff  }
0x2bb: {  	v2 =	vor.u32 $0x1, v55;
	_ =	sdelay $0x3  }
0x2bc: {  	[tilespmem:s7+$0x80] =	vst v1  }
0x2bd: {  	v1 =	vld.idx.msk [tilespmem:v2+s28+$0x0], $0xffff  }
0x2be: {  	v2 =	vor.u32 $0x1, v57;
	_ =	sdelay $0x3  }
0x2bf: {  	[tilespmem:s7+$0x90] =	vst v1;
	v1 =	vor.u32 $0x1, v47  }
0x2c0: {  	v2 =	vld.idx.msk [tilespmem:v2+s28+$0x0], $0xffff  }
0x2c1: {  	v24 =	vor.u32 $0x1, v56;
	_ =	sdelay $0x1  }
0x2c2: {  	[tilespmem:s12+$0xA0] =	vst v4  }
0x2c3: {  	v1 =	vld.idx.msk [tilespmem:v1+s28+$0x0], $0xffff  }
0x2c4: {  	[tilespmem:s7+$0xA0] =	vst v2;
	v2 =	vor.u32 $0x1, v15  }
0x2c5: {  	v25 =	vld.idx.msk [tilespmem:v24+s28+$0x0], $0xffff  }
0x2c6: {  	v44 =	vor.u32 $0x1, v53;
	_ =	sdelay $0x1  }
0x2c7: {  	[tilespmem:s12+$0xB0] =	vst v1  }
0x2c8: {  	v1 =	vld.idx.msk [tilespmem:v2+s28+$0x0], $0xffff  }
0x2c9: {  	v2 =	vor.u32 $0x1, v20;
	[tilespmem:s7+$0xB0] =	vst v25  }
0x2ca: {  	v4 =	vld.idx.msk [tilespmem:v44+s28+$0x0], $0xffff  }
0x2cb: {  	v48 =	vor.u32 $0x1, v52;
	_ =	sdelay $0x1  }
0x2cc: {  	[tilespmem:s12+$0xC0] =	vst v1  }
0x2cd: {  	v1 =	vld.idx.msk [tilespmem:v2+s28+$0x0], $0xffff  }
0x2ce: {  	v2 =	vor.u32 $0x1, v9;
	[tilespmem:s7+$0xC0] =	vst v4  }
0x2cf: {  	v4 =	vld.idx.msk [tilespmem:v48+s28+$0x0], $0xffff  }
0x2d0: {  	v14 =	vmov v5;
	v5 =	vor.u32 $0x1, v50;
	_ =	sdelay $0x1  }
0x2d1: {  	[tilespmem:s12+$0xD0] =	vst v1  }
0x2d2: {  	v1 =	vld.idx.msk [tilespmem:v2+s28+$0x0], $0xffff  }
0x2d3: {  	v2 =	vor.u32 $0x1, v51;
	[tilespmem:s7+$0xD0] =	vst v4  }
0x2d4: {  	v4 =	vld.idx.msk [tilespmem:v5+s28+$0x0], $0xffff  }
0x2d5: {  	v6 =	vor.u32 $0x1, v42;
	_ =	sdelay $0x1  }
0x2d6: {  	[tilespmem:s12+$0xE0] =	vst v1  }
0x2d7: {  	v1 =	vld.idx.msk [tilespmem:v2+s28+$0x0], $0xffff  }
0x2d8: {  	v2 =	vor.u32 $0x2, v49;
	[tilespmem:s7+$0xE0] =	vst v4  }
0x2d9: {  	v4 =	vld.idx.msk [tilespmem:v6+s28+$0x0], $0xffff  }
0x2da: {  	v7 =	vor.u32 $0x2, v54;
	_ =	sdelay $0x1  }
0x2db: {  	[tilespmem:s12+$0xF0] =	vst v1  }
0x2dc: {  	v1 =	vld.idx.msk [tilespmem:v2+s28+$0x0], $0xffff  }
0x2dd: {  	v2 =	vor.u32 $0x2, v16;
	[tilespmem:s7+$0xF0] =	vst v4  }
0x2de: {  	v4 =	vld.idx.msk [tilespmem:v7+s28+$0x0], $0xffff  }
0x2df: {  	v24 =	vor.u32 $0x2, v55;
	_ =	sdelay $0x1  }
0x2e0: {  	[tilespmem:s12+$0x100] =	vst v1  }
0x2e1: {  	v1 =	vld.idx.msk [tilespmem:v2+s28+$0x0], $0xffff  }
0x2e2: {  	v2 =	vor.u32 $0x2, v31;
	[tilespmem:s7+$0x100] =	vst v4  }
0x2e3: {  	v4 =	vld.idx.msk [tilespmem:v24+s28+$0x0], $0xffff  }
0x2e4: {  	v25 =	vor.u32 $0x2, v57;
	_ =	sdelay $0x1  }
0x2e5: {  	[tilespmem:s12+$0x110] =	vst v1  }
0x2e6: {  	v1 =	vld.idx.msk [tilespmem:v2+s28+$0x0], $0xffff  }
0x2e7: {  	v2 =	vor.u32 $0x2, v47;
	[tilespmem:s7+$0x110] =	vst v4  }
0x2e8: {  	v4 =	vld.idx.msk [tilespmem:v25+s28+$0x0], $0xffff  }
0x2e9: {  	v44 =	vor.u32 $0x2, v56;
	_ =	sdelay $0x1  }
0x2ea: {  	[tilespmem:s12+$0x120] =	vst v1  }
0x2eb: {  	v37 =	vmov v15;
	v1 =	vor.u32 $0x2, v40;
	v2 =	vld.idx.msk [tilespmem:v2+s28+$0x0], $0xffff  }
0x2ec: {  	v48 =	vor.u32 $0x2, v37;
	[tilespmem:s7+$0x120] =	vst v4  }
0x2ed: {  	v60 =	vld.idx.msk [tilespmem:v44+s28+$0x0], $0xffff  }
0x2ee: {  	v24 =	vor.u32 $0x2, v53  }
0x2ef: {  	[tilespmem:s26+$0x130] =	vst v3  }
0x2f0: {  	v1 =	vld.idx.msk [tilespmem:v1+s28+$0x0], $0xffff;
	[tilespmem:s12+$0x130] =	vst v2  }
0x2f1: {  	v2 =	vor.u32 $0x2, v39;
	v3 =	vld.idx.msk [tilespmem:v48+s28+$0x0], $0xffff  }
0x2f2: {  	v25 =	vor.u32 $0x2, v20;
	[tilespmem:s7+$0x130] =	vst v60  }
0x2f3: {  	v60 =	vld.idx.msk [tilespmem:v24+s28+$0x0], $0xffff  }
0x2f4: {  	v44 =	vor.u32 $0x2, v52  }
0x2f5: {  	[tilespmem:s26+$0x140] =	vst v1  }
0x2f6: {  	v1 =	vld.idx.msk [tilespmem:v2+s28+$0x0], $0xffff;
	[tilespmem:s12+$0x140] =	vst v3  }
0x2f7: {  	v2 =	vor.u32 $0x2, v46;
	v3 =	vld.idx.msk [tilespmem:v25+s28+$0x0], $0xffff  }
0x2f8: {  	v48 =	vor.u32 $0x2, v9;
	[tilespmem:s7+$0x140] =	vst v60  }
0x2f9: {  	v60 =	vld.idx.msk [tilespmem:v44+s28+$0x0], $0xffff  }
0x2fa: {  	v24 =	vor.u32 $0x2, v50  }
0x2fb: {  	[tilespmem:s26+$0x150] =	vst v1  }
0x2fc: {  	v1 =	vld.idx.msk [tilespmem:v2+s28+$0x0], $0xffff;
	[tilespmem:s12+$0x150] =	vst v3  }
0x2fd: {  	v2 =	vor.u32 $0x2, v22;
	v3 =	vld.idx.msk [tilespmem:v48+s28+$0x0], $0xffff  }
0x2fe: {  	v25 =	vor.u32 $0x2, v51;
	[tilespmem:s7+$0x150] =	vst v60  }
0x2ff: {  	v60 =	vld.idx.msk [tilespmem:v24+s28+$0x0], $0xffff  }
0x300: {  	v48 =	vor.u32 $0x2, v42  }
0x301: {  	[tilespmem:s26+$0x160] =	vst v1  }
0x302: {  	v1 =	vld.idx.msk [tilespmem:v2+s28+$0x0], $0xffff;
	[tilespmem:s12+$0x160] =	vst v3  }
0x303: {  	v2 =	vor.u32 $0x3, v32;
	v3 =	vld.idx.msk [tilespmem:v25+s28+$0x0], $0xffff  }
0x304: {  	v24 =	vor.u32 $0x3, v49;
	[tilespmem:s7+$0x160] =	vst v60  }
0x305: {  	v60 =	vld.idx.msk [tilespmem:v48+s28+$0x0], $0xffff  }
0x306: {  	v25 =	vor.u32 $0x3, v54  }
0x307: {  	[tilespmem:s26+$0x170] =	vst v1  }
0x308: {  	v1 =	vld.idx.msk [tilespmem:v2+s28+$0x0], $0xffff;
	[tilespmem:s12+$0x170] =	vst v3  }
0x309: {  	v2 =	vor.u32 $0x3, v0;
	v3 =	vld.idx.msk [tilespmem:v24+s28+$0x0], $0xffff  }
0x30a: {  	v48 =	vor.u32 $0x3, v16;
	[tilespmem:s7+$0x170] =	vst v60  }
0x30b: {  	v60 =	vld.idx.msk [tilespmem:v25+s28+$0x0], $0xffff  }
0x30c: {  	v24 =	vor.u32 $0x3, v55  }
0x30d: {  	[tilespmem:s26+$0x180] =	vst v1  }
0x30e: {  	v1 =	vld.idx.msk [tilespmem:v2+s28+$0x0], $0xffff;
	[tilespmem:s12+$0x180] =	vst v3  }
0x30f: {  	v2 =	vor.u32 $0x3, v30;
	v3 =	vld.idx.msk [tilespmem:v48+s28+$0x0], $0xffff  }
0x310: {  	v25 =	vor.u32 $0x3, v31;
	[tilespmem:s7+$0x180] =	vst v60  }
0x311: {  	v60 =	vld.idx.msk [tilespmem:v24+s28+$0x0], $0xffff  }
0x312: {  	v48 =	vor.u32 $0x3, v57  }
0x313: {  	[tilespmem:s26+$0x190] =	vst v1  }
0x314: {  	v1 =	vld.idx.msk [tilespmem:v2+s28+$0x0], $0xffff;
	[tilespmem:s12+$0x190] =	vst v3  }
0x315: {  	v2 =	vor.u32 $0x3, v43;
	v3 =	vld.idx.msk [tilespmem:v25+s28+$0x0], $0xffff  }
0x316: {  	v24 =	vor.u32 $0x3, v47;
	[tilespmem:s7+$0x190] =	vst v60  }
0x317: {  	v60 =	vld.idx.msk [tilespmem:v48+s28+$0x0], $0xffff  }
0x318: {  	v25 =	vor.u32 $0x3, v56  }
0x319: {  	[tilespmem:s26+$0x1A0] =	vst v1  }
0x31a: {  	v1 =	vld.idx.msk [tilespmem:v2+s28+$0x0], $0xffff;
	[tilespmem:s12+$0x1A0] =	vst v3  }
0x31b: {  	v2 =	vor.u32 $0x3, v40;
	v3 =	vld.idx.msk [tilespmem:v24+s28+$0x0], $0xffff  }
0x31c: {  	v48 =	vor.u32 $0x3, v37;
	[tilespmem:s7+$0x1A0] =	vst v60  }
0x31d: {  	v60 =	vld.idx.msk [tilespmem:v25+s28+$0x0], $0xffff  }
0x31e: {  	v24 =	vor.u32 $0x3, v53  }
0x31f: {  	[tilespmem:s26+$0x1B0] =	vst v1;
	v1 =	vor.u32 $0x3, v38  }
0x320: {  	v44 =	vmov v39;
	v2 =	vld.idx.msk [tilespmem:v2+s28+$0x0], $0xffff;
	[tilespmem:s12+$0x1B0] =	vst v3  }
0x321: {  	v3 =	vor.u32 $0x3, v44;
	v4 =	vld.idx.msk [tilespmem:v48+s28+$0x0], $0xffff  }
0x322: {  	v25 =	vor.u32 $0x3, v20;
	[tilespmem:s7+$0x1B0] =	vst v60  }
0x323: {  	[tilespmem:s25+$0x1C0] =	vst v59;
	v61 =	vld.idx.msk [tilespmem:v24+s28+$0x0], $0xffff  }
0x324: {  	v62 =	vor.u32 $0x3, v52;
	v1 =	vld.idx.msk [tilespmem:v1+s28+$0x0], $0xffff  }
0x325: {  	[tilespmem:s26+$0x1C0] =	vst v2;
	v2 =	vor.u32 $0x3, v36  }
0x326: {  	v3 =	vld.idx.msk [tilespmem:v3+s28+$0x0], $0xffff;
	[tilespmem:s12+$0x1C0] =	vst v4  }
0x327: {  	v48 =	vor.u32 $0x3, v46;
	v7 =	vld.idx.msk [tilespmem:v25+s28+$0x0], $0xffff  }
0x328: {  	v24 =	vor.u32 $0x3, v9;
	[tilespmem:s7+$0x1C0] =	vst v61  }
0x329: {  	[tilespmem:s25+$0x1D0] =	vst v1;
	v61 =	vld.idx.msk [tilespmem:v62+s28+$0x0], $0xffff  }
0x32a: {  	v25 =	vor.u32 $0x3, v50;
	v1 =	vld.idx.msk [tilespmem:v2+s28+$0x0], $0xffff  }
0x32b: {  	v2 =	vor.u32 $0x3, v34;
	[tilespmem:s26+$0x1D0] =	vst v3  }
0x32c: {  	v3 =	vld.idx.msk [tilespmem:v48+s28+$0x0], $0xffff;
	[tilespmem:s12+$0x1D0] =	vst v7  }
0x32d: {  	v48 =	vor.u32 $0x3, v22;
	v59 =	vld.idx.msk [tilespmem:v24+s28+$0x0], $0xffff  }
0x32e: {  	v24 =	vor.u32 $0x3, v51;
	[tilespmem:s7+$0x1D0] =	vst v61  }
0x32f: {  	[tilespmem:s25+$0x1E0] =	vst v1;
	v61 =	vld.idx.msk [tilespmem:v25+s28+$0x0], $0xffff  }
0x330: {  	v25 =	vor.u32 $0x3, v42;
	v1 =	vld.idx.msk [tilespmem:v2+s28+$0x0], $0xffff  }
0x331: {  	v2 =	vor.u32 $0x4, v21;
	[tilespmem:s26+$0x1E0] =	vst v3  }
0x332: {  	v3 =	vld.idx.msk [tilespmem:v48+s28+$0x0], $0xffff;
	[tilespmem:s12+$0x1E0] =	vst v59  }
0x333: {  	v48 =	vor.u32 $0x4, v32;
	v59 =	vld.idx.msk [tilespmem:v24+s28+$0x0], $0xffff  }
0x334: {  	v24 =	vor.u32 $0x4, v49;
	[tilespmem:s7+$0x1E0] =	vst v61  }
0x335: {  	[tilespmem:s25+$0x1F0] =	vst v1;
	v61 =	vld.idx.msk [tilespmem:v25+s28+$0x0], $0xffff  }
0x336: {  	v25 =	vor.u32 $0x4, v54;
	v1 =	vld.idx.msk [tilespmem:v2+s28+$0x0], $0xffff  }
0x337: {  	v2 =	vor.u32 $0x4, v33;
	[tilespmem:s26+$0x1F0] =	vst v3  }
0x338: {  	v3 =	vld.idx.msk [tilespmem:v48+s28+$0x0], $0xffff;
	[tilespmem:s12+$0x1F0] =	vst v59  }
0x339: {  	v39 =	vmov v32;
	v32 =	vor.u32 $0x4, v0;
	v59 =	vld.idx.msk [tilespmem:v24+s28+$0x0], $0xffff  }
0x33a: {  	v48 =	vor.u32 $0x4, v16;
	[tilespmem:s7+$0x1F0] =	vst v61  }
0x33b: {  	[tilespmem:s25+$0x200] =	vst v1;
	v61 =	vld.idx.msk [tilespmem:v25+s28+$0x0], $0xffff  }
0x33c: {  	v24 =	vor.u32 $0x4, v55;
	v1 =	vld.idx.msk [tilespmem:v2+s28+$0x0], $0xffff  }
0x33d: {  	v2 =	vor.u32 $0x4, v26;
	[tilespmem:s26+$0x200] =	vst v3  }
0x33e: {  	v3 =	vld.idx.msk [tilespmem:v32+s28+$0x0], $0xffff;
	[tilespmem:s12+$0x200] =	vst v59  }
0x33f: {  	v25 =	vor.u32 $0x4, v30;
	v59 =	vld.idx.msk [tilespmem:v48+s28+$0x0], $0xffff  }
0x340: {  	v32 =	vor.u32 $0x4, v31;
	[tilespmem:s7+$0x200] =	vst v61  }
0x341: {  	[tilespmem:s25+$0x210] =	vst v1;
	v61 =	vld.idx.msk [tilespmem:v24+s28+$0x0], $0xffff  }
0x342: {  	v48 =	vor.u32 $0x4, v57;
	v1 =	vld.idx.msk [tilespmem:v2+s28+$0x0], $0xffff  }
0x343: {  	v2 =	vor.u32 $0x4, v23;
	[tilespmem:s26+$0x210] =	vst v3  }
0x344: {  	v3 =	vld.idx.msk [tilespmem:v25+s28+$0x0], $0xffff;
	[tilespmem:s12+$0x210] =	vst v59  }
0x345: {  	v24 =	vor.u32 $0x4, v43;
	v59 =	vld.idx.msk [tilespmem:v32+s28+$0x0], $0xffff  }
0x346: {  	v25 =	vor.u32 $0x4, v47;
	[tilespmem:s7+$0x210] =	vst v61  }
0x347: {  	[tilespmem:s25+$0x220] =	vst v1;
	v61 =	vld.idx.msk [tilespmem:v48+s28+$0x0], $0xffff  }
0x348: {  	v32 =	vor.u32 $0x4, v56;
	v1 =	vld.idx.msk [tilespmem:v2+s28+$0x0], $0xffff  }
0x349: {  	v2 =	vor.u32 $0x4, v35;
	[tilespmem:s26+$0x220] =	vst v3  }
0x34a: {  	v3 =	vld.idx.msk [tilespmem:v24+s28+$0x0], $0xffff;
	[tilespmem:s12+$0x220] =	vst v59  }
0x34b: {  	v48 =	vor.u32 $0x4, v40;
	v59 =	vld.idx.msk [tilespmem:v25+s28+$0x0], $0xffff  }
0x34c: {  	v6 =	vmov v23;
	v23 =	vor.u32 $0x4, v37;
	[tilespmem:s7+$0x220] =	vst v61  }
0x34d: {  	[tilespmem:s25+$0x230] =	vst v1;
	v61 =	vld.idx.msk [tilespmem:v32+s28+$0x0], $0xffff  }
0x34e: {  	v24 =	vor.u32 $0x4, v53;
	v1 =	vld.idx.msk [tilespmem:v2+s28+$0x0], $0xffff  }
0x34f: {  	v2 =	vor.u32 $0x4, v38;
	[tilespmem:s26+$0x230] =	vst v3  }
0x350: {  	v3 =	vld.idx.msk [tilespmem:v48+s28+$0x0], $0xffff;
	[tilespmem:s12+$0x230] =	vst v59  }
0x351: {  	v25 =	vor.u32 $0x4, v44;
	v59 =	vld.idx.msk [tilespmem:v23+s28+$0x0], $0xffff  }
0x352: {  	v48 =	vor.u32 $0x4, v20;
	[tilespmem:s7+$0x230] =	vst v61  }
0x353: {  	[tilespmem:s25+$0x240] =	vst v1;
	v1 =	vor.u32 $0x4, v19;
	v61 =	vld.idx.msk [tilespmem:v24+s28+$0x0], $0xffff  }
0x354: {  	v15 =	vmov v20;
	v20 =	vor.u32 $0x4, v52;
	v2 =	vld.idx.msk [tilespmem:v2+s28+$0x0], $0xffff  }
0x355: {  	[tilespmem:s26+$0x240] =	vst v3;
	v3 =	vor.u32 $0x4, v36  }
0x356: {  	v4 =	vld.idx.msk [tilespmem:v25+s28+$0x0], $0xffff;
	[tilespmem:s12+$0x240] =	vst v59  }
0x357: {  	[tilespmem:s24+$0x250] =	vst v58;
	v60 =	vld.idx.msk [tilespmem:v48+s28+$0x0], $0xffff  }
0x358: {  	v23 =	vor.u32 $0x4, v46;
	v1 =	vld.idx.msk [tilespmem:v1+s28+$0x0], $0xffff;
	[tilespmem:s7+$0x240] =	vst v61  }
0x359: {  	v24 =	vor.u32 $0x4, v9;
	[tilespmem:s25+$0x250] =	vst v2;
	v61 =	vld.idx.msk [tilespmem:v20+s28+$0x0], $0xffff  }
0x35a: {  	v48 =	vor.u32 $0x4, v18;
	v3 =	vld.idx.msk [tilespmem:v3+s28+$0x0], $0xffff  }
0x35b: {  	v25 =	vor.u32 $0x4, v50;
	[tilespmem:s26+$0x250] =	vst v4  }
0x35c: {  	[tilespmem:s12+$0x250] =	vst v60  }
0x35d: {  	v2 =	vor.u32 $0x7, v13;
	v59 =	vld.idx.msk [tilespmem:v23+s28+$0x0], $0xffff;
	[tilespmem:s24+$0x260] =	vst v1  }
0x35e: {  	v23 =	vld.idx.msk [tilespmem:v24+s28+$0x0], $0xffff;
	[tilespmem:s7+$0x250] =	vst v61  }
0x35f: {  	v63 =	vmov v9;
	v9 =	vor.u32 $0x4, v34;
	[tilespmem:s25+$0x260] =	vst v3;
	v3 =	vld.idx.msk [tilespmem:v48+s28+$0x0], $0xffff  }
0x360: {  	v13 =	vor.u32 $0x4, v22;
	v58 =	vld.idx.msk [tilespmem:v25+s28+$0x0], $0xffff  }
0x361: {  	v24 =	vor.u32 $0x4, v51;
	v48 =	vld [tilespmem:$0x1FF00]  }
0x362: {  	v1 =	vld.idx.msk [tilespmem:v2+s28+$0x0], $0xffff;
	v2 =	vor.u32 $0x4, v42;
	[tilespmem:s26+$0x260] =	vst v59  }
0x363: {  	v32 =	vmov v19;
	v19 =	vld [tilespmem:$0x1FF20]  }
0x364: {  	v5 =	vld.idx.msk [tilespmem:v9+s28+$0x0], $0xffff  }
0x365: {  	v60 =	vld.idx.msk [tilespmem:v13+s28+$0x0], $0xffff;
	v13 =	vor.u32 $0x5, v21;
	[tilespmem:s12+$0x260] =	vst v23  }
0x366: {  	v20 =	vld.idx.msk [tilespmem:v24+s28+$0x0], $0xffff;
	v25 =	vor.u32 $0x5, v48;
	[tilespmem:s7+$0x260] =	vst v58  }
0x367: {  	[tilespmem:s23+$0x380] =	vst v1;
	v1 =	vld.idx.msk [tilespmem:v2+s28+$0x0], $0xffff;
	v2 =	vor.u32 $0x5, v49  }
0x368: {  	v9 =	vor.u32 $0x5, v19  }
0x369: {  	[tilespmem:s25+$0x270] =	vst v5  }
0x36a: {  	v23 =	vor.u32 $0x5, v39;
	[tilespmem:s24+$0x270] =	vst v3;
	v13 =	vld.idx.msk [tilespmem:v13+s28+$0x0], $0xffff  }
0x36b: {  	v24 =	vor.u32 $0x7, v29;
	[tilespmem:s12+$0x270] =	vst v20;
	v3 =	vld.idx.msk [tilespmem:v25+s28+$0x0], $0xffff  }
0x36c: {  	v20 =	vor.u32 $0x5, v33;
	v2 =	vld.idx.msk [tilespmem:v2+s28+$0x0], $0xffff  }
0x36d: {  	v4 =	vor.u32 $0x5, v54;
	[tilespmem:s26+$0x270] =	vst v60;
	v29 =	vld.idx.msk [tilespmem:v9+s28+$0x0], $0xffff  }
0x36e: {  	[tilespmem:s7+$0x270] =	vst v1;
	v9 =	vor.u32 $0x5, v17  }
0x36f: {  	v23 =	vld.idx.msk [tilespmem:v23+s28+$0x0], $0xffff;
	[tilespmem:s25+$0x280] =	vst v13  }
0x370: {  	v24 =	vld.idx.msk [tilespmem:v24+s28+$0x0], $0xffff;
	v1 =	vor.u32 $0x5, v0;
	[tilespmem:s22+$0x2F0] =	vst v3  }
0x371: {  	v58 =	vld.idx.msk [tilespmem:v20+s28+$0x0], $0xffff;
	v3 =	vor.u32 $0x5, v16;
	[tilespmem:s12+$0x280] =	vst v2  }
0x372: {  	v4 =	vld.idx.msk [tilespmem:v4+s28+$0x0], $0xffff;
	v2 =	vor.u32 $0x5, v26;
	[tilespmem:s24+$0x280] =	vst v29  }
0x373: {  	v29 =	vor.u32 $0x5, v55;
	v59 =	vld.idx.msk [tilespmem:v9+s28+$0x0], $0xffff  }
0x374: {  	[tilespmem:s26+$0x280] =	vst v23;
	v9 =	vor.u32 $0x5, v27  }
0x375: {  	v7 =	vmov v41;
	v41 =	vor.u32 $0x6, v41;
	[tilespmem:s23+$0x390] =	vst v24;
	v1 =	vld.idx.msk [tilespmem:v1+s28+$0x0], $0xffff  }
0x376: {  	v13 =	vor.u32 $0x5, v30;
	[tilespmem:s25+$0x290] =	vst v58;
	v3 =	vld.idx.msk [tilespmem:v3+s28+$0x0], $0xffff  }
0x377: {  	v24 =	vor.u32 $0x5, v31;
	[tilespmem:s7+$0x280] =	vst v4;
	v2 =	vld.idx.msk [tilespmem:v2+s28+$0x0], $0xffff  }
0x378: {  	v5 =	vld.idx.msk [tilespmem:v29+s28+$0x0], $0xffff;
	v29 =	vor.u32 $0x7, v28;
	[tilespmem:s24+$0x290] =	vst v59  }
0x379: {  	v59 =	vor.u32 $0x5, v57;
	v9 =	vld.idx.msk [tilespmem:v9+s28+$0x0], $0xffff  }
0x37a: {  	v60 =	vld.idx.msk [tilespmem:v41+s28+$0x0], $0xffff;
	[tilespmem:s26+$0x290] =	vst v1;
	v1 =	vor.u32 $0x5, v8  }
0x37b: {  	v4 =	vld.idx.msk [tilespmem:v13+s28+$0x0], $0xffff;
	[tilespmem:s12+$0x290] =	vst v3;
	v3 =	vor.u32 $0x5, v6  }
0x37c: {  	v24 =	vld.idx.msk [tilespmem:v24+s28+$0x0], $0xffff;
	[tilespmem:s25+$0x2A0] =	vst v2  }
0x37d: {  	v13 =	vor.u32 $0x5, v43;
	[tilespmem:s7+$0x290] =	vst v5;
	v23 =	vld.idx.msk [tilespmem:v29+s28+$0x0], $0xffff  }
0x37e: {  	v2 =	vor.u32 $0x6, v11;
	v59 =	vld.idx.msk [tilespmem:v59+s28+$0x0], $0xffff;
	[tilespmem:s24+$0x2A0] =	vst v9  }
0x37f: {  	[tilespmem:s22+$0x300] =	vst v60;
	v28 =	vor.u32 $0x5, v47;
	v1 =	vld.idx.msk [tilespmem:v1+s28+$0x0], $0xffff  }
0x380: {  	v29 =	vor.u32 $0x5, v56;
	[tilespmem:s26+$0x2A0] =	vst v4;
	v3 =	vld.idx.msk [tilespmem:v3+s28+$0x0], $0xffff  }
0x381: {  	[tilespmem:s12+$0x2A0] =	vst v24  }
0x382: {  	v41 =	vmov v6;
	v6 =	vmov v11;
	v11 =	vor.u32 $0x5, v12;
	v5 =	vld.idx.msk [tilespmem:v13+s28+$0x0], $0xffff;
	[tilespmem:s23+$0x3A0] =	vst v23  }
0x383: {  	v9 =	vmov v12;
	v12 =	vor.u32 $0x5, v35;
	v2 =	vld.idx.msk [tilespmem:v2+s28+$0x0], $0xffff;
	[tilespmem:s7+$0x2A0] =	vst v59  }
0x384: {  	v60 =	vld.idx.msk [tilespmem:v28+s28+$0x0], $0xffff;
	[tilespmem:s24+$0x2B0] =	vst v1  }
0x385: {  	v58 =	vld.idx.msk [tilespmem:v29+s28+$0x0], $0xffff;
	[tilespmem:s25+$0x2B0] =	vst v3  }
0x386: {  	v13 =	vor.u32 $0x5, v40;
	v3 =	vld [tilespmem:$0x1FF40]  }
0x387: {  	v61 =	vmov v8;
	v8 =	vor.u32 $0x5, v37;
	v4 =	vld.idx.msk [tilespmem:v11+s28+$0x0], $0xffff  }
0x388: {  	v1 =	vor.u32 $0x5, v53;
	[tilespmem:s26+$0x2B0] =	vst v5;
	v24 =	vld.idx.msk [tilespmem:v12+s28+$0x0], $0xffff  }
0x389: {  	[tilespmem:s22+$0x310] =	vst v2  }
0x38a: {  	v11 =	vor.u32 $0x5, v14;
	[tilespmem:s12+$0x2B0] =	vst v60  }
0x38b: {  	v25 =	vor.u32 $0x5, v38;
	v59 =	vld.idx.msk [tilespmem:v13+s28+$0x0], $0xffff;
	[tilespmem:s7+$0x2B0] =	vst v58  }
0x38c: {  	v23 =	vld.idx.msk [tilespmem:v8+s28+$0x0], $0xffff;
	v3 =	vor.u32 $0x7, v3;
	[tilespmem:s24+$0x2C0] =	vst v4  }
0x38d: {  	v1 =	vld.idx.msk [tilespmem:v1+s28+$0x0], $0xffff;
	[tilespmem:s25+$0x2C0] =	vst v24  }
0x38e: {  	v12 =	vor.u32 $0x5, v44;
	v60 =	vld [tilespmem:$0x1FF50]  }
0x38f: {  	v2 =	vor.u32 $0x5, v15;
	v20 =	vld.idx.msk [tilespmem:v11+s28+$0x0], $0xffff  }
0x390: {  	v13 =	vor.u32 $0x5, v52;
	v25 =	vld.idx.msk [tilespmem:v25+s28+$0x0], $0xffff  }
0x391: {  	[tilespmem:s26+$0x2C0] =	vst v59;
	v11 =	vor.u32 $0x5, v32;
	v3 =	vld.idx.msk [tilespmem:v3+s28+$0x0], $0xffff  }
0x392: {  	[tilespmem:s12+$0x2C0] =	vst v23  }
0x393: {  	v28 =	vor.u32 $0x5, v36;
	v58 =	vld.idx.msk [tilespmem:v12+s28+$0x0], $0xffff;
	[tilespmem:s7+$0x2C0] =	vst v1  }
0x394: {  	v2 =	vld.idx.msk [tilespmem:v2+s28+$0x0], $0xffff;
	v8 =	vor.u32 $0x6, v60;
	[tilespmem:s24+$0x2D0] =	vst v20  }
0x395: {  	v1 =	vor.u32 $0x5, v46;
	v4 =	vld.idx.msk [tilespmem:v13+s28+$0x0], $0xffff;
	[tilespmem:s25+$0x2D0] =	vst v25  }
0x396: {  	v11 =	vld.idx.msk [tilespmem:v11+s28+$0x0], $0xffff;
	[tilespmem:s23+$0x3B0] =	vst v3;
	v3 =	vor.u32 $0x5, v63  }
0x397: {  	v62 =	vor.u32 $0x5, v50;
	v5 =	vld [tilespmem:$0x1FF70]  }
0x398: {  	v23 =	vld.idx.msk [tilespmem:v28+s28+$0x0], $0xffff  }
0x399: {  	v24 =	vld.idx.msk [tilespmem:v8+s28+$0x0], $0xffff;
	[tilespmem:s26+$0x2D0] =	vst v58;
	v58 =	vor.u32 $0x5, v18  }
0x39a: {  	[tilespmem:s12+$0x2D0] =	vst v2;
	v2 =	vor.u32 $0x5, v34;
	v1 =	vld.idx.msk [tilespmem:v1+s28+$0x0], $0xffff  }
0x39b: {  	[tilespmem:s7+$0x2D0] =	vst v4;
	v4 =	vor.u32 $0x5, v22;
	v3 =	vld.idx.msk [tilespmem:v3+s28+$0x0], $0xffff  }
0x39c: {  	v20 =	vld.idx.msk [tilespmem:v62+s28+$0x0], $0xffff;
	v8 =	vor.u32 $0x7, v5  }
0x39d: {  	[tilespmem:s24+$0x2E0] =	vst v11;
	v62 =	vor.u32 $0x5, v42  }
0x39e: {  	v28 =	vor.u32 $0x5, v51;
	[tilespmem:s25+$0x2E0] =	vst v23;
	v58 =	vld.idx.msk [tilespmem:v58+s28+$0x0], $0xffff  }
0x39f: {  	v2 =	vld.idx.msk [tilespmem:v2+s28+$0x0], $0xffff;
	[tilespmem:s26+$0x2E0] =	vst v1;
	v1 =	vor.u32 $0x6, v19  }
0x3a0: {  	v4 =	vld.idx.msk [tilespmem:v4+s28+$0x0], $0xffff;
	[tilespmem:s12+$0x2E0] =	vst v3;
	v3 =	vor.u32 $0x6, v21  }
0x3a1: {  	[tilespmem:s7+$0x2E0] =	vst v20;
	v13 =	vld.idx.msk [tilespmem:v8+s28+$0x0], $0xffff;
	v8 =	vmov v10;
	v10 =	vor.u32 $0x6, v10  }
0x3a2: {  	[tilespmem:s22+$0x320] =	vst v24;
	v25 =	vld.idx.msk [tilespmem:v62+s28+$0x0], $0xffff  }
0x3a3: {  	v24 =	vld.idx.msk [tilespmem:v28+s28+$0x0], $0xffff;
	[tilespmem:s24+$0x2F0] =	vst v58  }
0x3a4: {  	[tilespmem:s25+$0x2F0] =	vst v2;
	v1 =	vld.idx.msk [tilespmem:v1+s28+$0x0], $0xffff  }
0x3a5: {  	v3 =	vld.idx.msk [tilespmem:v3+s28+$0x0], $0xffff  }
0x3a6: {  	v11 =	vor.u32 $0x6, v39;
	[tilespmem:s23+$0x3C0] =	vst v13;
	v23 =	vld.idx.msk [tilespmem:v10+s28+$0x0], $0xffff  }
0x3a7: {  	v28 =	vor.u32 $0x6, v49;
	v2 =	vld [tilespmem:$0x1FFA0];
	[tilespmem:s26+$0x2F0] =	vst v4  }
0x3a8: {  	[tilespmem:s12+$0x2F0] =	vst v24  }
0x3a9: {  	v58 =	vor.u32 $0x6, v54;
	[tilespmem:s7+$0x2F0] =	vst v25  }
0x3aa: {  	v62 =	vor.u32 $0x6, v17;
	[tilespmem:s24+$0x300] =	vst v1  }
0x3ab: {  	v10 =	vor.u32 $0x6, v33;
	v20 =	vld.idx.msk [tilespmem:v11+s28+$0x0], $0xffff;
	[tilespmem:s25+$0x300] =	vst v3  }
0x3ac: {  	v11 =	vor.u32 $0x6, v0;
	v13 =	vld.idx.msk [tilespmem:v28+s28+$0x0], $0xffff;
	[tilespmem:s22+$0x330] =	vst v23  }
0x3ad: {  	v2 =	vor.u32 $0x7, v2;
	v5 =	vld [tilespmem:$0x1FFB0]  }
0x3ae: {  	v28 =	vor.u32 $0x6, v16;
	v25 =	vld.idx.msk [tilespmem:v58+s28+$0x0], $0xffff  }
0x3af: {  	v1 =	vor.u32 $0x6, v55;
	v4 =	vld.idx.msk [tilespmem:v62+s28+$0x0], $0xffff  }
0x3b0: {  	v58 =	vor.u32 $0x6, v27;
	v12 =	vld.idx.msk [tilespmem:v10+s28+$0x0], $0xffff;
	[tilespmem:s26+$0x300] =	vst v20  }
0x3b1: {  	[tilespmem:s12+$0x300] =	vst v13;
	v13 =	vor.u32 $0x6, v26;
	v24 =	vld.idx.msk [tilespmem:v11+s28+$0x0], $0xffff  }
0x3b2: {  	v2 =	vld.idx.msk [tilespmem:v2+s28+$0x0], $0xffff;
	v3 =	vor.u32 $0x6, v5  }
0x3b3: {  	[tilespmem:s7+$0x300] =	vst v25;
	v23 =	vld.idx.msk [tilespmem:v28+s28+$0x0], $0xffff  }
0x3b4: {  	[tilespmem:s24+$0x310] =	vst v4;
	v1 =	vld.idx.msk [tilespmem:v1+s28+$0x0], $0xffff  }
0x3b5: {  	v28 =	vld.idx.msk [tilespmem:v58+s28+$0x0], $0xffff;
	[tilespmem:s25+$0x310] =	vst v12  }
0x3b6: {  	v13 =	vld.idx.msk [tilespmem:v13+s28+$0x0], $0xffff  }
0x3b7: {  	v25 =	vor.u32 $0x6, v30;
	[tilespmem:s23+$0x3D0] =	vst v2;
	v3 =	vld.idx.msk [tilespmem:v3+s28+$0x0], $0xffff  }
0x3b8: {  	v59 =	vld [tilespmem:$0x1FED0];
	[tilespmem:s26+$0x310] =	vst v24  }
0x3b9: {  	[tilespmem:s12+$0x310] =	vst v23  }
0x3ba: {  	v4 =	vor.u32 $0x6, v57;
	[tilespmem:s7+$0x310] =	vst v1  }
0x3bb: {  	v2 =	vor.u32 $0x6, v31;
	[tilespmem:s24+$0x320] =	vst v28  }
0x3bc: {  	v58 =	vor.u32 $0x6, v61;
	[tilespmem:s25+$0x320] =	vst v13;
	v24 =	vld.idx.msk [tilespmem:v25+s28+$0x0], $0xffff  }
0x3bd: {  	v1 =	vor.u32 $0x6, v43;
	[tilespmem:s22+$0x340] =	vst v3  }
0x3be: {  	v62 =	vor.u32 $0x7, v59;
	v25 =	vld [tilespmem:$0x1FEE0]  }
0x3bf: {  	v4 =	vld.idx.msk [tilespmem:v4+s28+$0x0], $0xffff;
	v59 =	vor.u32 $0x6, v41  }
0x3c0: {  	v12 =	vor.u32 $0x6, v56;
	v2 =	vld.idx.msk [tilespmem:v2+s28+$0x0], $0xffff  }
0x3c1: {  	v20 =	vld.idx.msk [tilespmem:v58+s28+$0x0], $0xffff;
	[tilespmem:s26+$0x320] =	vst v24  }
0x3c2: {  	v3 =	vor.u32 $0x6, v47;
	v1 =	vld.idx.msk [tilespmem:v1+s28+$0x0], $0xffff  }
0x3c3: {  	v11 =	vld.idx.msk [tilespmem:v62+s28+$0x0], $0xffff;
	v62 =	vor.u32 $0x6, v25  }
0x3c4: {  	v24 =	vor.u32 $0x6, v9;
	[tilespmem:s7+$0x320] =	vst v4;
	v23 =	vld.idx.msk [tilespmem:v59+s28+$0x0], $0xffff  }
0x3c5: {  	v12 =	vld.idx.msk [tilespmem:v12+s28+$0x0], $0xffff;
	[tilespmem:s12+$0x320] =	vst v2;
	v2 =	vor.u32 $0x6, v35;
	_ =	sdelay $0x1  }
0x3c6: {  	[tilespmem:s24+$0x330] =	vst v20;
	v3 =	vld.idx.msk [tilespmem:v3+s28+$0x0], $0xffff  }
0x3c7: {  	[tilespmem:s26+$0x330] =	vst v1;
	v13 =	vld.idx.msk [tilespmem:v62+s28+$0x0], $0xffff  }
0x3c8: {  	[tilespmem:s25+$0x330] =	vst v23;
	v62 =	vor.u32 $0x7, v45;
	v45 =	vld.idx.msk [tilespmem:v24+s28+$0x0], $0xffff  }
0x3c9: {  	[tilespmem:s7+$0x330] =	vst v12;
	v2 =	vld.idx.msk [tilespmem:v2+s28+$0x0], $0xffff  }
0x3ca: {  	[tilespmem:s23+$0x3E0] =	vst v11  }
0x3cb: {  	v58 =	vor.u32 $0x6, v40;
	[tilespmem:s12+$0x330] =	vst v3  }
0x3cc: {  	v59 =	vor.u32 $0x6, v37;
	[tilespmem:s22+$0x350] =	vst v13  }
0x3cd: {  	v20 =	vor.u32 $0x6, v53;
	[tilespmem:s24+$0x340] =	vst v45  }
0x3ce: {  	[tilespmem:s25+$0x340] =	vst v2  }
0x3cf: {  	v29 =	vmov v14;
	v1 =	vor.u32 $0x6, v14;
	v14 =	vld [tilespmem:$0x1FEF0]  }
0x3d0: {  	v4 =	vld.idx.msk [tilespmem:v58+s28+$0x0], $0xffff;
	v3 =	vor.u32 $0x6, v38  }
0x3d1: {  	v58 =	vor.u32 $0x6, v44;
	v11 =	vld.idx.msk [tilespmem:v59+s28+$0x0], $0xffff  }
0x3d2: {  	v20 =	vld.idx.msk [tilespmem:v20+s28+$0x0], $0xffff;
	v59 =	vor.u32 $0x6, v15  }
0x3d3: {  	v10 =	vld.idx.msk [tilespmem:v62+s28+$0x0], $0xffff;
	v62 =	vor.u32 $0x6, v52  }
0x3d4: {  	v1 =	vld.idx.msk [tilespmem:v1+s28+$0x0], $0xffff;
	v2 =	vor.u32 $0x6, v14  }
0x3d5: {  	v24 =	vor.u32 $0x6, v32;
	[tilespmem:s26+$0x340] =	vst v4;
	v3 =	vld.idx.msk [tilespmem:v3+s28+$0x0], $0xffff  }
0x3d6: {  	v45 =	vor.u32 $0x6, v36;
	[tilespmem:s12+$0x340] =	vst v11;
	v12 =	vld.idx.msk [tilespmem:v58+s28+$0x0], $0xffff  }
0x3d7: {  	[tilespmem:s7+$0x340] =	vst v20;
	v58 =	vor.u32 $0x6, v46;
	v13 =	vld.idx.msk [tilespmem:v59+s28+$0x0], $0xffff  }
0x3d8: {  	v59 =	vor.u32 $0x6, v63;
	[tilespmem:s23+$0x3F0] =	vst v10;
	v23 =	vld.idx.msk [tilespmem:v62+s28+$0x0], $0xffff  }
0x3d9: {  	[tilespmem:s24+$0x350] =	vst v1;
	v1 =	vor.u32 $0x6, v50;
	v2 =	vld.idx.msk [tilespmem:v2+s28+$0x0], $0xffff  }
0x3da: {  	[tilespmem:s25+$0x350] =	vst v3;
	v3 =	vor.u32 $0x6, v48;
	v4 =	vld.idx.msk [tilespmem:v24+s28+$0x0], $0xffff  }
0x3db: {  	v62 =	vor.u32 $0x6, v18;
	[tilespmem:s26+$0x350] =	vst v12;
	v11 =	vld.idx.msk [tilespmem:v45+s28+$0x0], $0xffff  }
0x3dc: {  	[tilespmem:s12+$0x350] =	vst v13;
	v13 =	vor.u32 $0x6, v34;
	v20 =	vld.idx.msk [tilespmem:v58+s28+$0x0], $0xffff  }
0x3dd: {  	v24 =	vor.u32 $0x6, v22;
	v10 =	vld.idx.msk [tilespmem:v59+s28+$0x0], $0xffff;
	[tilespmem:s7+$0x350] =	vst v23  }
0x3de: {  	v1 =	vld.idx.msk [tilespmem:v1+s28+$0x0], $0xffff;
	[tilespmem:s22+$0x360] =	vst v2;
	v2 =	vor.u32 $0x6, v51  }
0x3df: {  	v45 =	vor.u32 $0x6, v42;
	[tilespmem:s24+$0x360] =	vst v4;
	v3 =	vld.idx.msk [tilespmem:v3+s28+$0x0], $0xffff  }
0x3e0: {  	v58 =	vor.u32 $0x7, v7;
	[tilespmem:s25+$0x360] =	vst v11;
	v59 =	vld.idx.msk [tilespmem:v62+s28+$0x0], $0xffff  }
0x3e1: {  	v62 =	vor.u32 $0x7, v19;
	[tilespmem:s26+$0x360] =	vst v20;
	v13 =	vld.idx.msk [tilespmem:v13+s28+$0x0], $0xffff  }
0x3e2: {  	v21 =	vor.u32 $0x7, v21;
	[tilespmem:s12+$0x360] =	vst v10;
	v24 =	vld.idx.msk [tilespmem:v24+s28+$0x0], $0xffff  }
0x3e3: {  	[tilespmem:s7+$0x360] =	vst v1;
	v1 =	vor.u32 $0x7, v39;
	v2 =	vld.idx.msk [tilespmem:v2+s28+$0x0], $0xffff  }
0x3e4: {  	v4 =	vld.idx.msk [tilespmem:v45+s28+$0x0], $0xffff;
	[tilespmem:s22+$0x370] =	vst v3;
	v3 =	vor.u32 $0x7, v49  }
0x3e5: {  	v28 =	vmov v9;
	v45 =	vor.u32 $0x7, v54;
	[tilespmem:s24+$0x370] =	vst v59;
	v9 =	vld.idx.msk [tilespmem:v58+s28+$0x0], $0xffff  }
0x3e6: {  	[tilespmem:s25+$0x370] =	vst v13;
	v12 =	vld.idx.msk [tilespmem:v62+s28+$0x0], $0xffff;
	v49 =	vor.u32 $0x7, v6  }
0x3e7: {  	v54 =	vor.u32 $0x7, v17;
	[tilespmem:s26+$0x370] =	vst v24;
	v10 =	vld.idx.msk [tilespmem:v21+s28+$0x0], $0xffff  }
0x3e8: {  	v1 =	vld.idx.msk [tilespmem:v1+s28+$0x0], $0xffff;
	[tilespmem:s12+$0x370] =	vst v2;
	v2 =	vor.u32 $0x7, v33  }
0x3e9: {  	[tilespmem:s7+$0x370] =	vst v4;
	v58 =	vor.u32 $0x7, v0;
	v3 =	vld.idx.msk [tilespmem:v3+s28+$0x0], $0xffff  }
0x3ea: {  	v59 =	vor.u32 $0x7, v16;
	v11 =	vld.idx.msk [tilespmem:v45+s28+$0x0], $0xffff;
	[tilespmem:s22+$0x380] =	vst v9  }
0x3eb: {  	v62 =	vor.u32 $0x7, v55;
	[tilespmem:s24+$0x380] =	vst v12;
	v7 =	vld.idx.msk [tilespmem:v49+s28+$0x0], $0xffff  }
0x3ec: {  	v17 =	vor.u32 $0x7, v60;
	[tilespmem:s25+$0x380] =	vst v10;
	v19 =	vld.idx.msk [tilespmem:v54+s28+$0x0], $0xffff  }
0x3ed: {  	[tilespmem:s26+$0x380] =	vst v1;
	v1 =	vor.u32 $0x7, v27;
	v2 =	vld.idx.msk [tilespmem:v2+s28+$0x0], $0xffff  }
0x3ee: {  	v4 =	vld.idx.msk [tilespmem:v58+s28+$0x0], $0xffff;
	[tilespmem:s12+$0x380] =	vst v3;
	v3 =	vor.u32 $0x7, v26  }
0x3ef: {  	v20 =	vor.u32 $0x7, v30;
	[tilespmem:s7+$0x380] =	vst v11;
	v9 =	vld.idx.msk [tilespmem:v59+s28+$0x0], $0xffff  }
0x3f0: {  	v21 =	vor.u32 $0x7, v31;
	v12 =	vld.idx.msk [tilespmem:v62+s28+$0x0], $0xffff;
	[tilespmem:s22+$0x390] =	vst v7  }
0x3f1: {  	v23 =	vor.u32 $0x7, v57;
	v16 =	vmov v8;
	[tilespmem:s24+$0x390] =	vst v19;
	v8 =	vld.idx.msk [tilespmem:v17+s28+$0x0], $0xffff  }
0x3f2: {  	v1 =	vld.idx.msk [tilespmem:v1+s28+$0x0], $0xffff;
	[tilespmem:s25+$0x390] =	vst v2;
	v2 =	vor.u32 $0x7, v16  }
0x3f3: {  	v24 =	vor.u32 $0x7, v61;
	[tilespmem:s26+$0x390] =	vst v4;
	v3 =	vld.idx.msk [tilespmem:v3+s28+$0x0], $0xffff  }
0x3f4: {  	v26 =	vor.u32 $0x7, v41;
	v27 =	vld.idx.msk [tilespmem:v20+s28+$0x0], $0xffff;
	[tilespmem:s12+$0x390] =	vst v9  }
0x3f5: {  	v30 =	vor.u32 $0x7, v43;
	[tilespmem:s7+$0x390] =	vst v12;
	v7 =	vld.idx.msk [tilespmem:v21+s28+$0x0], $0xffff  }
0x3f6: {  	v31 =	vor.u32 $0x7, v47;
	v10 =	vld.idx.msk [tilespmem:v23+s28+$0x0], $0xffff;
	[tilespmem:s22+$0x3A0] =	vst v8  }
0x3f7: {  	[tilespmem:s24+$0x3A0] =	vst v1;
	v1 =	vld.idx.msk [tilespmem:v2+s28+$0x0], $0xffff;
	v2 =	vor.u32 $0x7, v56  }
0x3f8: {  	v4 =	vld.idx.msk [tilespmem:v24+s28+$0x0], $0xffff;
	[tilespmem:s25+$0x3A0] =	vst v3;
	v3 =	vor.u32 $0x7, v5  }
0x3f9: {  	v33 =	vor.u32 $0x7, v28;
	[tilespmem:s26+$0x3A0] =	vst v27;
	v6 =	vld.idx.msk [tilespmem:v26+s28+$0x0], $0xffff  }
0x3fa: {  	v39 =	vor.u32 $0x7, v35;
	v9 =	vld.idx.msk [tilespmem:v30+s28+$0x0], $0xffff;
	[tilespmem:s12+$0x3A0] =	vst v7  }
0x3fb: {  	v40 =	vor.u32 $0x7, v40;
	[tilespmem:s7+$0x3A0] =	vst v10;
	v8 =	vld.idx.msk [tilespmem:v31+s28+$0x0], $0xffff  }
0x3fc: {  	[tilespmem:s22+$0x3B0] =	vst v1;
	v1 =	vor.u32 $0x7, v37;
	v2 =	vld.idx.msk [tilespmem:v2+s28+$0x0], $0xffff  }
0x3fd: {  	v41 =	vor.u32 $0x7, v53;
	[tilespmem:s24+$0x3B0] =	vst v4;
	v3 =	vld.idx.msk [tilespmem:v3+s28+$0x0], $0xffff  }
0x3fe: {  	v43 =	vor.u32 $0x7, v25;
	v5 =	vld.idx.msk [tilespmem:v33+s28+$0x0], $0xffff;
	[tilespmem:s25+$0x3B0] =	vst v6  }
0x3ff: {  	v45 =	vor.u32 $0x7, v29;
	[tilespmem:s26+$0x3B0] =	vst v9;
	v7 =	vld.idx.msk [tilespmem:v39+s28+$0x0], $0xffff  }
0x400: {  	v47 =	vor.u32 $0x7, v38;
	v10 =	vld.idx.msk [tilespmem:v40+s28+$0x0], $0xffff;
	[tilespmem:s12+$0x3B0] =	vst v8  }
0x401: {  	[tilespmem:s7+$0x3B0] =	vst v2;
	v2 =	vor.u32 $0x7, v44;
	v1 =	vld.idx.msk [tilespmem:v1+s28+$0x0], $0xffff  }
0x402: {  	[tilespmem:s22+$0x3C0] =	vst v3;
	v3 =	vor.u32 $0x7, v15;
	v4 =	vld.idx.msk [tilespmem:v41+s28+$0x0], $0xffff  }
0x403: {  	v52 =	vor.u32 $0x7, v52;
	[tilespmem:s24+$0x3C0] =	vst v5;
	v49 =	vld.idx.msk [tilespmem:v43+s28+$0x0], $0xffff  }
0x404: {  	v53 =	vor.u32 $0x7, v14;
	v9 =	vld.idx.msk [tilespmem:v45+s28+$0x0], $0xffff;
	[tilespmem:s25+$0x3C0] =	vst v7  }
0x405: {  	v54 =	vor.u32 $0x7, v32;
	[tilespmem:s26+$0x3C0] =	vst v10;
	v8 =	vld.idx.msk [tilespmem:v47+s28+$0x0], $0xffff  }
0x406: {  	[tilespmem:s12+$0x3C0] =	vst v1;
	v1 =	vor.u32 $0x7, v36;
	v2 =	vld.idx.msk [tilespmem:v2+s28+$0x0], $0xffff  }
0x407: {  	v55 =	vor.u32 $0x7, v46;
	[tilespmem:s7+$0x3C0] =	vst v4;
	v3 =	vld.idx.msk [tilespmem:v3+s28+$0x0], $0xffff  }
0x408: {  	v56 =	vor.u32 $0x7, v63;
	[tilespmem:s22+$0x3D0] =	vst v49;
	v6 =	vld.idx.msk [tilespmem:v52+s28+$0x0], $0xffff  }
0x409: {  	v57 =	vor.u32 $0x7, v50;
	[tilespmem:s24+$0x3D0] =	vst v9;
	v7 =	vld.idx.msk [tilespmem:v53+s28+$0x0], $0xffff  }
0x40a: {  	v58 =	vor.u32 $0x7, v48;
	v10 =	vld.idx.msk [tilespmem:v54+s28+$0x0], $0xffff;
	[tilespmem:s25+$0x3D0] =	vst v8  }
0x40b: {  	[tilespmem:s26+$0x3D0] =	vst v2;
	v2 =	vor.u32 $0x7, v18;
	v1 =	vld.idx.msk [tilespmem:v1+s28+$0x0], $0xffff  }
0x40c: {  	[tilespmem:s12+$0x3D0] =	vst v3;
	v3 =	vor.u32 $0x7, v34;
	v4 =	vld.idx.msk [tilespmem:v55+s28+$0x0], $0xffff  }
0x40d: {  	v59 =	vor.u32 $0x7, v22;
	[tilespmem:s7+$0x3D0] =	vst v6;
	v5 =	vld.idx.msk [tilespmem:v56+s28+$0x0], $0xffff  }
0x40e: {  	v60 =	vor.u32 $0x7, v51;
	[tilespmem:s22+$0x3E0] =	vst v7;
	v9 =	vld.idx.msk [tilespmem:v57+s28+$0x0], $0xffff  }
0x40f: {  	v61 =	vor.u32 $0x7, v42;
	[tilespmem:s24+$0x3E0] =	vst v10;
	v8 =	vld.idx.msk [tilespmem:v58+s28+$0x0], $0xffff  }
0x410: {  	[tilespmem:s25+$0x3E0] =	vst v1;
	v1 =	vld.idx.msk [tilespmem:v2+s28+$0x0], $0xffff  }
0x411: {  	[tilespmem:s26+$0x3E0] =	vst v4;
	v2 =	vld.idx.msk [tilespmem:v3+s28+$0x0], $0xffff  }
0x412: {  	[tilespmem:s12+$0x3E0] =	vst v5;
	v3 =	vld.idx.msk [tilespmem:v59+s28+$0x0], $0xffff  }
0x413: {  	[tilespmem:s7+$0x3E0] =	vst v9;
	v62 =	vld.idx.msk [tilespmem:v60+s28+$0x0], $0xffff  }
0x414: {  	[tilespmem:s22+$0x3F0] =	vst v8;
	v63 =	vld.idx.msk [tilespmem:v61+s28+$0x0], $0xffff  }
0x415: {  	[tilespmem:s24+$0x3F0] =	vst v1  }
0x416: {  	s22 =	sshll.u32 s3, $0x13;
	[tilespmem:s25+$0x3F0] =	vst v2  }
0x417: {  	s1 =	sor.u32 s5, s22;
	[tilespmem:s26+$0x3F0] =	vst v3  }
0x418: {  	s24 =	rddreg [dreg:$0x2];
	s1 =	sshrl.u32 s1, $0x3;
	[tilespmem:s12+$0x3F0] =	vst v62  }
0x419: {  	p1 =	sne.s32 @!p0 s16, $0x4;
	s23 =	sadd.s32 $0x5, s19;
	[tilespmem:s7+$0x3F0] =	vst v63;
	s7 =	sadd.s32 s24, s1  }
0x41a: {  	[hbm4b:s7+s4] =	stream.linear.scatter [tilespmem:s21], [sflag:s23], $0x1000, $0x38;
	[tilespmem:$0x1F000] =	vst v63  }
0x41b: {  	p0 =	por p0, p1;
	s25 =	sadd.s32 s1, s9;
	s26 =	sor.u32 $0x18000, s20  }
0x41c: {  	[hbm4b:s25+s4] =	stream.linear.scatter [tilespmem:s26], [sflag:s23], $0x1000, $0x38;
	[tilespmem:$0x1F000] =	vst v63  }
.Ltmp6:
0x41d: {  	_ = 	snop;
	(pc) =	sbr.rel @!p0 .LBB2_7-.Ltmp6, $4  }
0x41e: {  	s30 =	sadd.s32 $0x19000, s20;
	s29 =	sadd.s32 s1, s10  }
0x41f: {  	[hbm4b:s29+s4] =	stream.linear.scatter [tilespmem:s30], [sflag:s23], $0x1000, $0x38;
	[tilespmem:$0x1F000] =	vst v63  }
0x420: {  	s31 =	sadd.s32 $0x1A000, s20;
	s1 =	sadd.s32 s1, s11  }
0x421: {  	v1 =	vld [tilespmem:$0x1FFF0];
	[hbm4b:s1+s4] =	stream.linear.scatter [tilespmem:s31], [sflag:s23], $0x1000, $0x38  }
0x422: {  	p0 =	sgt.u32 s3, $0xC3  }
.Ltmp7:
0x423: {  	_ = 	snop;
	(pc) =	sbr.rel @p0 .LBB2_10-.Ltmp7, $4  }
.Ltmp8:
0x424: {  	_ = 	snop;
	(pc) =	sbr.rel @!p0 .LBB2_9-.Ltmp8, $4  }
0x425: {  	_ = 	snop  }
0x426: {  	_ = 	snop  }
0x427: {  	_ = 	snop  }
0x428: {  	_ = 	snop  }
.LBB2_12:
0x429: {  	_ =	sfence.sel $0x180000  }
0x42a: {  	[bflag:$0x0] =	sbarrier.arrive $0xFFFF  }
0x42b: {  	_ =	strace $0x90000047  }
0x42c: {  	s0 =	stileid.u32;
	[bflag:$0x2] =	sbarrier.arrive $0xFFFF  }
0x42d: {  	p0 =	sne.s32 s0, $0x0;
	s0 =	rddreg [dreg:$0x3]  }
0x42e: {  	s0 =	sadd.s32 @!p0 $0x100000, s0  }
0x42f: {  	[sflag:s0] =	ssyncadd.tile.s32 @!p0 $0x1;
	_ =	shalt  }
.Lfunc_end2:
_tile_overlayer_lowered:
.L_overlay_start_2:
0x430: {  	(tag) =	ssettag $0x2  }
0x431: {  	s0 =	rddreg [dreg:$0x0];
	s2 =	stileid.u32  }
0x432: {  	s1 =	rddreg [dreg:$0x1];
	p0 =	sne.s32 s2, $0x0  }
0x433: {  	s3 =	rddreg [dreg:$0x2];
	[bflag:$0x3] =	sbarrier.arrive $0xFFFF;
	s2 =	simm.s32 @!p0 $0x1C08  }
0x434: {  	[timem:s3], [sflag:s2] =	dma.local @!p0 [hbm:s0], s1  }
0x435: {  	s0 =	simm.s32 @!p0 $0x8  }
0x436: {  	_ =	swait.ge @!p0 [sflag:s0], s1  }
0x437: {  	s1 =	ssub.s32 @!p0 $0x0, s1;
	[sflag:s0] =	ssyncset.done @!p0 $0x0  }
0x438: {  	[sflag:s0] =	ssyncadd.s32 @!p0 s1  }
0x439: {  	[bflag:$0x3] =	sbarrier.arrive $0xFFFF  }
0x43a: {  	_ =	shalt  }

</sc_bundles>
